<compile_context>
chip_gen: v7x
topology: tpu7x:2x2x1
jax: 0.10.2.dev20260603
libtpu: 0.0.44.dev20260713+nightly
codegen_flags: <defaults>
</compile_context>

<pallas_src>
import functools

import jax
import jax.numpy as jnp
from jax import lax
from jax.experimental import pallas as pl
from jax.experimental.pallas import tpu as pltpu
from jax.experimental.pallas import tpu_sc as plsc

_B, _T, _D, _E = 4, 8192, 1024, 64
_T_SC = 2048
_T_TC = _T - _T_SC
_NC, _NS = 2, 16
_NW = _NC * _NS
_RPW = _T_SC // _NW
_CH = 32
_SC_NBUF = 2
_CPB = _RPW // _CH
_NCHUNK = _B * _CPB
_LANES = 16

_CHR = 512
_TCPB = _T_TC // _CHR
_TC_NCH = _B * _TCPB
_TC_NBUF = 8
_AW = 32


def _pool_body(x_hbm, out_hbm, *scratch):
    bufs = scratch[:_SC_NBUF]
    acc = scratch[_SC_NBUF]
    sems = scratch[_SC_NBUF + 1:]
    wid = lax.axis_index("s") * _NC + lax.axis_index("c")

    def chunk_src(c):
        b = c // _CPB
        sub = lax.rem(c, _CPB)
        row0 = b * _T + wid * _RPW + sub * _CH
        return x_hbm.at[pl.ds(row0, _CH)]

    def zero_body(z, _):
        acc[0, pl.ds(z * _LANES, _LANES)] = jnp.zeros((_LANES,), jnp.float32)
        acc[1, pl.ds(z * _LANES, _LANES)] = jnp.zeros((_LANES,), jnp.float32)
        acc[2, pl.ds(z * _LANES, _LANES)] = jnp.zeros((_LANES,), jnp.float32)
        acc[3, pl.ds(z * _LANES, _LANES)] = jnp.zeros((_LANES,), jnp.float32)
        return 0
    lax.fori_loop(0, _D // _LANES, zero_body, 0)

    for k in range(_SC_NBUF):
        pltpu.make_async_copy(chunk_src(k), bufs[k], sems[k]).start()

    def accumulate(c, buf):
        b = c // _CPB

        def d_body(d, _):
            a = acc[b, pl.ds(d * _LANES, _LANES)]
            vs = [buf[j, pl.ds(d * _LANES, _LANES)] for j in range(_CH)]
            while len(vs) > 1:
                vs = [vs[i] + vs[i + 1] for i in range(0, len(vs) - 1, 2)] + (
                    [vs[-1]] if len(vs) % 2 else [])
            acc[b, pl.ds(d * _LANES, _LANES)] = a + vs[0]
            return 0
        lax.fori_loop(0, _D // _LANES, d_body, 0)

    def ring_body(i, _):
        for k in range(_SC_NBUF):
            c = i * _SC_NBUF + k
            pltpu.make_async_copy(chunk_src(c), bufs[k], sems[k]).wait()
            accumulate(c, bufs[k])

            @pl.when(c + _SC_NBUF < _NCHUNK)
            def _():
                pltpu.make_async_copy(chunk_src(c + _SC_NBUF), bufs[k],
                                      sems[k]).start()
        return 0
    lax.fori_loop(0, _NCHUNK // _SC_NBUF, ring_body, 0)

    pltpu.sync_copy(acc, out_hbm.at[wid])


@functools.cache
def _pool():
    return pl.kernel(
        _pool_body,
        out_type=jax.ShapeDtypeStruct((_NW, _B, _D), jnp.float32),
        mesh=plsc.VectorSubcoreMesh(core_axis_name="c", subcore_axis_name="s",
                                    num_cores=_NC, num_subcores=_NS),
        scratch_types=(
            [pltpu.VMEM((_CH, _D), jnp.float32) for _ in range(_SC_NBUF)]
            + [pltpu.VMEM((_B, _D), jnp.float32)]
            + [pltpu.SemaphoreType.DMA for _ in range(_SC_NBUF)]
        ),
    )


def _tc_body(x_hbm, out_ref,
             b0, b1, b2, b3, b4, b5, b6, b7, acc_ref,
             s0, s1, s2, s3, s4, s5, s6, s7):
    bufs = (b0, b1, b2, b3, b4, b5, b6, b7)
    sems = (s0, s1, s2, s3, s4, s5, s6, s7)

    def dma(c, k):
        b, sub = c // _TCPB, c % _TCPB
        row0 = b * _T + _T_SC + sub * _CHR
        return pltpu.make_async_copy(
            x_hbm.at[pl.ds(row0, _CHR)], bufs[k], sems[k])

    for k in range(_TC_NBUF):
        dma(k, k).start()

    for c in range(_TC_NCH):
        k = c % _TC_NBUF
        dma(c, k).wait()
        buf = bufs[k]
        b = c // _TCPB
        s = buf[0:_AW]
        for i in range(1, _CHR // _AW):
            s = s + buf[i * _AW:(i + 1) * _AW]
        if c % _TCPB == 0:
            acc_ref[b] = s
        else:
            acc_ref[b] += s
        if c + _TC_NBUF < _TC_NCH:
            dma(c + _TC_NBUF, k).start()

    out_ref[...] = jnp.sum(acc_ref[...], axis=1)


def _tc_reduce(xf):
    return pl.pallas_call(
        _tc_body,
        in_specs=[pl.BlockSpec(memory_space=pl.ANY)],
        out_shape=jax.ShapeDtypeStruct((_B, _D), jnp.float32),
        scratch_shapes=(
            [pltpu.VMEM((_CHR, _D), jnp.float32) for _ in range(_TC_NBUF)]
            + [pltpu.VMEM((_B, _AW, _D), jnp.float32)]
            + [pltpu.SemaphoreType.DMA for _ in range(_TC_NBUF)]
        ),
    )(xf)


def _finale_body(p_ref, ptc_ref, w_ref, b_ref, idx_ref, probs_ref):
    pooled = (jnp.sum(p_ref[...], axis=0) + ptc_ref[...]) * (1.0 / _T)
    logits = lax.dot_general(
        pooled, w_ref[...], (((1,), (1,)), ((), ())),
        preferred_element_type=jnp.float32) + b_ref[...][None, :]
    m = jnp.max(logits, axis=-1, keepdims=True)
    e = jnp.exp(logits - m)
    probs = e / jnp.sum(e, axis=-1, keepdims=True)
    probs_ref[...] = probs
    idx_ref[...] = jnp.argmax(probs, axis=-1).astype(jnp.int32)


def _finale(partials, partial_tc, W, expert_bias):
    return pl.pallas_call(
        _finale_body,
        out_shape=(jax.ShapeDtypeStruct((_B,), jnp.int32),
                   jax.ShapeDtypeStruct((_B, _E), jnp.float32)),
    )(partials, partial_tc, W, expert_bias)


def kernel(x, W, expert_bias):
    xf = x.reshape(_B * _T, _D)
    partials = _pool()(xf)
    partial_tc = _tc_reduce(xf)
    return _finale(partials, partial_tc, W, expert_bias)

# --- scband reference (transcript-rebuilt; emitter-appended) ---
"""Pipeline reference for scband-mo-dr-expert-router-64819646431725 (READ-ONLY COPY).

The authoritative reference and input builder live on the scoring server;
editing this copy changes nothing except your own understanding.
"""

import jax, jax.numpy as jnp
import numpy as np

B, T, D, E = 4, 8192, 1024, 64

def setup_inputs(seed: int = 0) -> dict:
    key = jax.random.key(seed)
    k1, k2 = jax.random.split(key)
    x = jax.random.normal(k1, (B, T, D), dtype=jnp.float32)
    # nn.Linear(d_model, num_experts, bias=False) weight: [E, D], kaiming-uniform-ish init
    W = jax.random.uniform(k2, (E, D), dtype=jnp.float32, minval=-1.0, maxval=1.0) / np.sqrt(D)
    expert_bias = jnp.zeros((E,), dtype=jnp.float32)
    return {"x": x, "W": W, "expert_bias": expert_bias}

def reference(x, W, expert_bias):
    # pooled = x.mean(dim=1)
    pooled = jnp.mean(x, axis=1)                      # (B, D)
    # logits = self.router(pooled) + self.expert_bias
    logits = pooled @ W.T + expert_bias               # (B, E)
    probs = jax.nn.softmax(logits, axis=-1)           # (B, E)
    expert_idx = jnp.argmax(probs, axis=-1)           # (B,)
    # return_probs=True path: return both
    return (expert_idx, probs)

if __name__ == "__main__":
    import jax
    _d = setup_inputs()
    print(jax.jit(kernel)(*tuple(_d.values())))

</pallas_src>

<mosaic_0001>
#map = affine_map<(d0, d1) -> (0, 0)>
#map1 = affine_map<(d0, d1) -> (0, 0, 0)>
module attributes {stable_mosaic.version = 14 : i64} {
  func.func @_pool_body(%arg0: i32, %arg1: i32, %arg2: memref<32768x1024xf32, #tpu.memory_space<hbm>>, %arg3: memref<32x4x1024xf32, #tpu.memory_space<hbm>>, %arg4: memref<32x1024xf32, #tpu.memory_space<vmem>>, %arg5: memref<32x1024xf32, #tpu.memory_space<vmem>>, %arg6: memref<4x1024xf32, #tpu.memory_space<vmem>>, %arg7: memref<!tpu.dma_semaphore, #tpu.memory_space<semaphore_mem>>, %arg8: memref<!tpu.dma_semaphore, #tpu.memory_space<semaphore_mem>>) attributes {dimension_semantics = [#tpu.dimension_semantics<core_parallel>, #tpu.dimension_semantics<subcore_parallel>], iteration_bounds = array<i64: 2, 16>, scalar_prefetch = 0 : i64, scratch_operands = 5 : i64, tpu.core_type = #tpu.core_type<sc_vector_subcore>, window_params = [{transform_indices = #map}, {transform_indices = #map1}]} {
    %mul3A = arith.constant 2 : i32
    %mul3A_0 = arith.muli %arg1, %mul3A : i32
    %add3A = arith.addi %mul3A_0, %arg0 : i32
    %scan3A = arith.constant 0 : i32
    %scan3A_1 = arith.constant 0 : i32
    %scan3A_2 = arith.constant 64 : i32
    %scan3A_3 = arith.addi %scan3A_1, %scan3A_2 : i32
    %scan3A_4 = arith.constant 1 : i32
    %scan3A_5 = scf.for %scan3A_40 = %scan3A_1 to %scan3A_3 step %scan3A_4 iter_args(%scan3A_41 = %scan3A) -> (i32)  : i32 {
      %broadcast_in_dim3A = arith.constant 0.000000e+00 : f32
      %broadcast_in_dim3A_42 = vector.broadcast %broadcast_in_dim3A : f32 to vector<16xf32>
      %mul3A_43 = arith.constant 16 : i32
      %mul3A_44 = arith.muli %scan3A_40, %mul3A_43 : i32
      %swap3A = arith.constant 0 : i32
      %swap3A_45 = arith.index_cast %swap3A : i32 to index
      %swap3A_46 = arith.index_cast %mul3A_44 : i32 to index
      %swap3A_47 = tpu.vector_load %arg6[%swap3A_45, %swap3A_46] {strides = array<i32>} : memref<4x1024xf32, #tpu.memory_space<vmem>>, vector<1x16xf32>,
      %swap3A_48 = vector.shape_cast %swap3A_47 : vector<1x16xf32> to vector<16xf32>
      %swap3A_49 = vector.shape_cast %broadcast_in_dim3A_42 : vector<16xf32> to vector<1x16xf32>
      tpu.vector_store %arg6[%swap3A_45, %swap3A_46], %swap3A_49 {strides = array<i32>} : memref<4x1024xf32, #tpu.memory_space<vmem>>, vector<1x16xf32>,
      %broadcast_in_dim3A_50 = arith.constant 0.000000e+00 : f32
      %broadcast_in_dim3A_51 = vector.broadcast %broadcast_in_dim3A_50 : f32 to vector<16xf32>
      %mul3A_52 = arith.constant 16 : i32
      %mul3A_53 = arith.muli %scan3A_40, %mul3A_52 : i32
      %swap3A_54 = arith.constant 1 : i32
      %swap3A_55 = arith.index_cast %swap3A_54 : i32 to index
      %swap3A_56 = arith.index_cast %mul3A_53 : i32 to index
      %swap3A_57 = tpu.vector_load %arg6[%swap3A_55, %swap3A_56] {strides = array<i32>} : memref<4x1024xf32, #tpu.memory_space<vmem>>, vector<1x16xf32>,
      %swap3A_58 = vector.shape_cast %swap3A_57 : vector<1x16xf32> to vector<16xf32>
      %swap3A_59 = vector.shape_cast %broadcast_in_dim3A_51 : vector<16xf32> to vector<1x16xf32>
      tpu.vector_store %arg6[%swap3A_55, %swap3A_56], %swap3A_59 {strides = array<i32>} : memref<4x1024xf32, #tpu.memory_space<vmem>>, vector<1x16xf32>,
      %broadcast_in_dim3A_60 = arith.constant 0.000000e+00 : f32
      %broadcast_in_dim3A_61 = vector.broadcast %broadcast_in_dim3A_60 : f32 to vector<16xf32>
      %mul3A_62 = arith.constant 16 : i32
      %mul3A_63 = arith.muli %scan3A_40, %mul3A_62 : i32
      %swap3A_64 = arith.constant 2 : i32
      %swap3A_65 = arith.index_cast %swap3A_64 : i32 to index
      %swap3A_66 = arith.index_cast %mul3A_63 : i32 to index
      %swap3A_67 = tpu.vector_load %arg6[%swap3A_65, %swap3A_66] {strides = array<i32>} : memref<4x1024xf32, #tpu.memory_space<vmem>>, vector<1x16xf32>,
      %swap3A_68 = vector.shape_cast %swap3A_67 : vector<1x16xf32> to vector<16xf32>
      %swap3A_69 = vector.shape_cast %broadcast_in_dim3A_61 : vector<16xf32> to vector<1x16xf32>
      tpu.vector_store %arg6[%swap3A_65, %swap3A_66], %swap3A_69 {strides = array<i32>} : memref<4x1024xf32, #tpu.memory_space<vmem>>, vector<1x16xf32>,
      %broadcast_in_dim3A_70 = arith.constant 0.000000e+00 : f32
      %broadcast_in_dim3A_71 = vector.broadcast %broadcast_in_dim3A_70 : f32 to vector<16xf32>
      %mul3A_72 = arith.constant 16 : i32
      %mul3A_73 = arith.muli %scan3A_40, %mul3A_72 : i32
      %swap3A_74 = arith.constant 3 : i32
      %swap3A_75 = arith.index_cast %swap3A_74 : i32 to index
      %swap3A_76 = arith.index_cast %mul3A_73 : i32 to index
      %swap3A_77 = tpu.vector_load %arg6[%swap3A_75, %swap3A_76] {strides = array<i32>} : memref<4x1024xf32, #tpu.memory_space<vmem>>, vector<1x16xf32>,
      %swap3A_78 = vector.shape_cast %swap3A_77 : vector<1x16xf32> to vector<16xf32>
      %swap3A_79 = vector.shape_cast %broadcast_in_dim3A_71 : vector<16xf32> to vector<1x16xf32>
      tpu.vector_store %arg6[%swap3A_75, %swap3A_76], %swap3A_79 {strides = array<i32>} : memref<4x1024xf32, #tpu.memory_space<vmem>>, vector<1x16xf32>,
      %scan3A_80 = arith.constant 0 : i32
      scf.yield %scan3A_80 : i32
    }
    %scan3A_6 = arith.constant 64 : i32
    %rem3A = arith.constant 0 : i32
    %rem3A_7 = arith.constant 2 : i32
    %rem3A_8 = arith.remsi %rem3A, %rem3A_7 : i32
    %mul3A_9 = arith.constant 64 : i32
    %mul3A_10 = arith.muli %add3A, %mul3A_9 : i32
    %add3A_11 = arith.constant 0 : i32
    %add3A_12 = arith.addi %add3A_11, %mul3A_10 : i32
    %mul3A_13 = arith.constant 32 : i32
    %mul3A_14 = arith.muli %rem3A_8, %mul3A_13 : i32
    %add3A_15 = arith.addi %add3A_12, %mul3A_14 : i32
    %dma_start3A = arith.constant 0 : i32
    %dma_start3A_16 = tpu.memref_slice %arg2[%add3A_15, %dma_start3A] : memref<32768x1024xf32, #tpu.memory_space<hbm>> -> memref<32x1024xf32, #tpu.memory_space<hbm>>
    %dma_start3A_17 = arith.constant 0 : i32
    %dma_start3A_18 = tpu.memref_slice %arg2[%add3A_15, %dma_start3A_17] : memref<32768x1024xf32, #tpu.memory_space<hbm>> -> memref<32x1024xf32, #tpu.memory_space<hbm>>
    tpu.enqueue_dma source(%dma_start3A_18 : memref<32x1024xf32, #tpu.memory_space<hbm>>) target(%arg4 : memref<32x1024xf32, #tpu.memory_space<vmem>>) target_semaphore(%arg7 : memref<!tpu.dma_semaphore, #tpu.memory_space<semaphore_mem>>)
    %rem3A_19 = arith.constant 1 : i32
    %rem3A_20 = arith.constant 2 : i32
    %rem3A_21 = arith.remsi %rem3A_19, %rem3A_20 : i32
    %mul3A_22 = arith.constant 64 : i32
    %mul3A_23 = arith.muli %add3A, %mul3A_22 : i32
    %add3A_24 = arith.constant 0 : i32
    %add3A_25 = arith.addi %add3A_24, %mul3A_23 : i32
    %mul3A_26 = arith.constant 32 : i32
    %mul3A_27 = arith.muli %rem3A_21, %mul3A_26 : i32
    %add3A_28 = arith.addi %add3A_25, %mul3A_27 : i32
    %dma_start3A_29 = arith.constant 0 : i32
    %dma_start3A_30 = tpu.memref_slice %arg2[%add3A_28, %dma_start3A_29] : memref<32768x1024xf32, #tpu.memory_space<hbm>> -> memref<32x1024xf32, #tpu.memory_space<hbm>>
    %dma_start3A_31 = arith.constant 0 : i32
    %dma_start3A_32 = tpu.memref_slice %arg2[%add3A_28, %dma_start3A_31] : memref<32768x1024xf32, #tpu.memory_space<hbm>> -> memref<32x1024xf32, #tpu.memory_space<hbm>>
    tpu.enqueue_dma source(%dma_start3A_32 : memref<32x1024xf32, #tpu.memory_space<hbm>>) target(%arg5 : memref<32x1024xf32, #tpu.memory_space<vmem>>) target_semaphore(%arg8 : memref<!tpu.dma_semaphore, #tpu.memory_space<semaphore_mem>>)
    %scan3A_33 = arith.constant 0 : i32
    %scan3A_34 = arith.constant 0 : i32
    %scan3A_35 = arith.constant 4 : i32
    %scan3A_36 = arith.addi %scan3A_34, %scan3A_35 : i32
    %scan3A_37 = arith.constant 1 : i32
    %scan3A_38 = scf.for %scan3A_40 = %scan3A_34 to %scan3A_36 step %scan3A_37 iter_args(%scan3A_41 = %scan3A_33) -> (i32)  : i32 {
      %mul3A_42 = arith.constant 2 : i32
      %mul3A_43 = arith.muli %scan3A_40, %mul3A_42 : i32
      %add3A_44 = arith.constant 0 : i32
      %add3A_45 = arith.addi %mul3A_43, %add3A_44 : i32
      %jit3A = arith.constant 2 : i32
      %div3A = arith.divsi %add3A_45, %jit3A : i32
      %sign3A = arith.constant 0 : i32
      %sign3A_46 = arith.cmpi sgt, %add3A_45, %sign3A : i32
      %sign3A_47 = arith.extui %sign3A_46 : i1 to i32
      %sign3A_48 = arith.constant 0 : i32
      %sign3A_49 = arith.cmpi slt, %add3A_45, %sign3A_48 : i32
      %sign3A_50 = arith.extui %sign3A_49 : i1 to i32
      %sign3A_51 = arith.subi %sign3A_47, %sign3A_50 : i32
      %sign3A_52 = arith.constant 0 : i32
      %sign3A_53 = arith.cmpi sgt, %jit3A, %sign3A_52 : i32
      %sign3A_54 = arith.extui %sign3A_53 : i1 to i32
      %sign3A_55 = arith.constant 0 : i32
      %sign3A_56 = arith.cmpi slt, %jit3A, %sign3A_55 : i32
      %sign3A_57 = arith.extui %sign3A_56 : i1 to i32
      %sign3A_58 = arith.subi %sign3A_54, %sign3A_57 : i32
      %ne3A = arith.cmpi ne, %sign3A_51, %sign3A_58 : i32
      %rem3A_59 = arith.remsi %add3A_45, %jit3A : i32
      %ne3A_60 = arith.constant 0 : i32
      %ne3A_61 = arith.cmpi ne, %rem3A_59, %ne3A_60 : i32
      %and3A = arith.andi %ne3A, %ne3A_61 : i1
      %sub3A = arith.constant 1 : i32
      %sub3A_62 = arith.subi %div3A, %sub3A : i32
      %select_n3A = arith.select %and3A, %sub3A_62, %div3A : i32
      %rem3A_63 = arith.constant 2 : i32
      %rem3A_64 = arith.remsi %add3A_45, %rem3A_63 : i32
      %mul3A_65 = arith.constant 8192 : i32
      %mul3A_66 = arith.muli %select_n3A, %mul3A_65 : i32
      %mul3A_67 = arith.constant 64 : i32
      %mul3A_68 = arith.muli %add3A, %mul3A_67 : i32
      %add3A_69 = arith.addi %mul3A_66, %mul3A_68 : i32
      %mul3A_70 = arith.constant 32 : i32
      %mul3A_71 = arith.muli %rem3A_64, %mul3A_70 : i32
      %add3A_72 = arith.addi %add3A_69, %mul3A_71 : i32
      %dma_wait3A = arith.constant 0 : i32
      %dma_wait3A_73 = tpu.memref_slice %arg2[%add3A_72, %dma_wait3A] : memref<32768x1024xf32, #tpu.memory_space<hbm>> -> memref<32x1024xf32, #tpu.memory_space<hbm>>
      %dma_wait3A_74 = arith.constant 0 : i32
      %dma_wait3A_75 = tpu.memref_slice %arg2[%add3A_72, %dma_wait3A_74] : memref<32768x1024xf32, #tpu.memory_space<hbm>> -> memref<32x1024xf32, #tpu.memory_space<hbm>>
      tpu.wait_dma2 semaphore(%arg7 : memref<!tpu.dma_semaphore, #tpu.memory_space<semaphore_mem>>) src(%dma_wait3A_75 : memref<32x1024xf32, #tpu.memory_space<hbm>>) dst(%arg4 : memref<32x1024xf32, #tpu.memory_space<vmem>>)
      %jit3A_76 = arith.constant 2 : i32
      %div3A_77 = arith.divsi %add3A_45, %jit3A_76 : i32
      %sign3A_78 = arith.constant 0 : i32
      %sign3A_79 = arith.cmpi sgt, %add3A_45, %sign3A_78 : i32
      %sign3A_80 = arith.extui %sign3A_79 : i1 to i32
      %sign3A_81 = arith.constant 0 : i32
      %sign3A_82 = arith.cmpi slt, %add3A_45, %sign3A_81 : i32
      %sign3A_83 = arith.extui %sign3A_82 : i1 to i32
      %sign3A_84 = arith.subi %sign3A_80, %sign3A_83 : i32
      %sign3A_85 = arith.constant 0 : i32
      %sign3A_86 = arith.cmpi sgt, %jit3A_76, %sign3A_85 : i32
      %sign3A_87 = arith.extui %sign3A_86 : i1 to i32
      %sign3A_88 = arith.constant 0 : i32
      %sign3A_89 = arith.cmpi slt, %jit3A_76, %sign3A_88 : i32
      %sign3A_90 = arith.extui %sign3A_89 : i1 to i32
      %sign3A_91 = arith.subi %sign3A_87, %sign3A_90 : i32
      %ne3A_92 = arith.cmpi ne, %sign3A_84, %sign3A_91 : i32
      %rem3A_93 = arith.remsi %add3A_45, %jit3A_76 : i32
      %ne3A_94 = arith.constant 0 : i32
      %ne3A_95 = arith.cmpi ne, %rem3A_93, %ne3A_94 : i32
      %and3A_96 = arith.andi %ne3A_92, %ne3A_95 : i1
      %sub3A_97 = arith.constant 1 : i32
      %sub3A_98 = arith.subi %div3A_77, %sub3A_97 : i32
      %select_n3A_99 = arith.select %and3A_96, %sub3A_98, %div3A_77 : i32
      %scan3A_100 = arith.constant 0 : i32
      %scan3A_101 = arith.constant 0 : i32
      %scan3A_102 = arith.constant 64 : i32
      %scan3A_103 = arith.addi %scan3A_101, %scan3A_102 : i32
      %scan3A_104 = arith.constant 1 : i32
      %scan3A_105 = scf.for %scan3A_192 = %scan3A_101 to %scan3A_103 step %scan3A_104 iter_args(%scan3A_193 = %scan3A_100) -> (i32)  : i32 {
        %mul3A_194 = arith.constant 16 : i32
        %mul3A_195 = arith.muli %scan3A_192, %mul3A_194 : i32
        %get3A = arith.index_cast %select_n3A_99 : i32 to index
        %get3A_196 = arith.index_cast %mul3A_195 : i32 to index
        %get3A_197 = tpu.vector_load %arg6[%get3A, %get3A_196] {strides = array<i32>} : memref<4x1024xf32, #tpu.memory_space<vmem>>, vector<1x16xf32>,
        %get3A_198 = vector.shape_cast %get3A_197 : vector<1x16xf32> to vector<16xf32>
        %mul3A_199 = arith.constant 16 : i32
        %mul3A_200 = arith.muli %scan3A_192, %mul3A_199 : i32
        %get3A_201 = arith.constant 0 : i32
        %get3A_202 = arith.index_cast %get3A_201 : i32 to index
        %get3A_203 = arith.index_cast %mul3A_200 : i32 to index
        %get3A_204 = tpu.vector_load %arg4[%get3A_202, %get3A_203] {strides = array<i32>} : memref<32x1024xf32, #tpu.memory_space<vmem>>, vector<1x16xf32>,
        %get3A_205 = vector.shape_cast %get3A_204 : vector<1x16xf32> to vector<16xf32>
        %mul3A_206 = arith.constant 16 : i32
        %mul3A_207 = arith.muli %scan3A_192, %mul3A_206 : i32
        %get3A_208 = arith.constant 1 : i32
        %get3A_209 = arith.index_cast %get3A_208 : i32 to index
        %get3A_210 = arith.index_cast %mul3A_207 : i32 to index
        %get3A_211 = tpu.vector_load %arg4[%get3A_209, %get3A_210] {strides = array<i32>} : memref<32x1024xf32, #tpu.memory_space<vmem>>, vector<1x16xf32>,
        %get3A_212 = vector.shape_cast %get3A_211 : vector<1x16xf32> to vector<16xf32>
        %mul3A_213 = arith.constant 16 : i32
        %mul3A_214 = arith.muli %scan3A_192, %mul3A_213 : i32
        %get3A_215 = arith.constant 2 : i32
        %get3A_216 = arith.index_cast %get3A_215 : i32 to index
        %get3A_217 = arith.index_cast %mul3A_214 : i32 to index
        %get3A_218 = tpu.vector_load %arg4[%get3A_216, %get3A_217] {strides = array<i32>} : memref<32x1024xf32, #tpu.memory_space<vmem>>, vector<1x16xf32>,
        %get3A_219 = vector.shape_cast %get3A_218 : vector<1x16xf32> to vector<16xf32>
        %mul3A_220 = arith.constant 16 : i32
        %mul3A_221 = arith.muli %scan3A_192, %mul3A_220 : i32
        %get3A_222 = arith.constant 3 : i32
        %get3A_223 = arith.index_cast %get3A_222 : i32 to index
        %get3A_224 = arith.index_cast %mul3A_221 : i32 to index
        %get3A_225 = tpu.vector_load %arg4[%get3A_223, %get3A_224] {strides = array<i32>} : memref<32x1024xf32, #tpu.memory_space<vmem>>, vector<1x16xf32>,
        %get3A_226 = vector.shape_cast %get3A_225 : vector<1x16xf32> to vector<16xf32>
        %mul3A_227 = arith.constant 16 : i32
        %mul3A_228 = arith.muli %scan3A_192, %mul3A_227 : i32
        %get3A_229 = arith.constant 4 : i32
        %get3A_230 = arith.index_cast %get3A_229 : i32 to index
        %get3A_231 = arith.index_cast %mul3A_228 : i32 to index
        %get3A_232 = tpu.vector_load %arg4[%get3A_230, %get3A_231] {strides = array<i32>} : memref<32x1024xf32, #tpu.memory_space<vmem>>, vector<1x16xf32>,
        %get3A_233 = vector.shape_cast %get3A_232 : vector<1x16xf32> to vector<16xf32>
        %mul3A_234 = arith.constant 16 : i32
        %mul3A_235 = arith.muli %scan3A_192, %mul3A_234 : i32
        %get3A_236 = arith.constant 5 : i32
        %get3A_237 = arith.index_cast %get3A_236 : i32 to index
        %get3A_238 = arith.index_cast %mul3A_235 : i32 to index
        %get3A_239 = tpu.vector_load %arg4[%get3A_237, %get3A_238] {strides = array<i32>} : memref<32x1024xf32, #tpu.memory_space<vmem>>, vector<1x16xf32>,
        %get3A_240 = vector.shape_cast %get3A_239 : vector<1x16xf32> to vector<16xf32>
        %mul3A_241 = arith.constant 16 : i32
        %mul3A_242 = arith.muli %scan3A_192, %mul3A_241 : i32
        %get3A_243 = arith.constant 6 : i32
        %get3A_244 = arith.index_cast %get3A_243 : i32 to index
        %get3A_245 = arith.index_cast %mul3A_242 : i32 to index
        %get3A_246 = tpu.vector_load %arg4[%get3A_244, %get3A_245] {strides = array<i32>} : memref<32x1024xf32, #tpu.memory_space<vmem>>, vector<1x16xf32>,
        %get3A_247 = vector.shape_cast %get3A_246 : vector<1x16xf32> to vector<16xf32>
        %mul3A_248 = arith.constant 16 : i32
        %mul3A_249 = arith.muli %scan3A_192, %mul3A_248 : i32
        %get3A_250 = arith.constant 7 : i32
        %get3A_251 = arith.index_cast %get3A_250 : i32 to index
        %get3A_252 = arith.index_cast %mul3A_249 : i32 to index
        %get3A_253 = tpu.vector_load %arg4[%get3A_251, %get3A_252] {strides = array<i32>} : memref<32x1024xf32, #tpu.memory_space<vmem>>, vector<1x16xf32>,
        %get3A_254 = vector.shape_cast %get3A_253 : vector<1x16xf32> to vector<16xf32>
        %mul3A_255 = arith.constant 16 : i32
        %mul3A_256 = arith.muli %scan3A_192, %mul3A_255 : i32
        %get3A_257 = arith.constant 8 : i32
        %get3A_258 = arith.index_cast %get3A_257 : i32 to index
        %get3A_259 = arith.index_cast %mul3A_256 : i32 to index
        %get3A_260 = tpu.vector_load %arg4[%get3A_258, %get3A_259] {strides = array<i32>} : memref<32x1024xf32, #tpu.memory_space<vmem>>, vector<1x16xf32>,
        %get3A_261 = vector.shape_cast %get3A_260 : vector<1x16xf32> to vector<16xf32>
        %mul3A_262 = arith.constant 16 : i32
        %mul3A_263 = arith.muli %scan3A_192, %mul3A_262 : i32
        %get3A_264 = arith.constant 9 : i32
        %get3A_265 = arith.index_cast %get3A_264 : i32 to index
        %get3A_266 = arith.index_cast %mul3A_263 : i32 to index
        %get3A_267 = tpu.vector_load %arg4[%get3A_265, %get3A_266] {strides = array<i32>} : memref<32x1024xf32, #tpu.memory_space<vmem>>, vector<1x16xf32>,
        %get3A_268 = vector.shape_cast %get3A_267 : vector<1x16xf32> to vector<16xf32>
        %mul3A_269 = arith.constant 16 : i32
        %mul3A_270 = arith.muli %scan3A_192, %mul3A_269 : i32
        %get3A_271 = arith.constant 10 : i32
        %get3A_272 = arith.index_cast %get3A_271 : i32 to index
        %get3A_273 = arith.index_cast %mul3A_270 : i32 to index
        %get3A_274 = tpu.vector_load %arg4[%get3A_272, %get3A_273] {strides = array<i32>} : memref<32x1024xf32, #tpu.memory_space<vmem>>, vector<1x16xf32>,
        %get3A_275 = vector.shape_cast %get3A_274 : vector<1x16xf32> to vector<16xf32>
        %mul3A_276 = arith.constant 16 : i32
        %mul3A_277 = arith.muli %scan3A_192, %mul3A_276 : i32
        %get3A_278 = arith.constant 11 : i32
        %get3A_279 = arith.index_cast %get3A_278 : i32 to index
        %get3A_280 = arith.index_cast %mul3A_277 : i32 to index
        %get3A_281 = tpu.vector_load %arg4[%get3A_279, %get3A_280] {strides = array<i32>} : memref<32x1024xf32, #tpu.memory_space<vmem>>, vector<1x16xf32>,
        %get3A_282 = vector.shape_cast %get3A_281 : vector<1x16xf32> to vector<16xf32>
        %mul3A_283 = arith.constant 16 : i32
        %mul3A_284 = arith.muli %scan3A_192, %mul3A_283 : i32
        %get3A_285 = arith.constant 12 : i32
        %get3A_286 = arith.index_cast %get3A_285 : i32 to index
        %get3A_287 = arith.index_cast %mul3A_284 : i32 to index
        %get3A_288 = tpu.vector_load %arg4[%get3A_286, %get3A_287] {strides = array<i32>} : memref<32x1024xf32, #tpu.memory_space<vmem>>, vector<1x16xf32>,
        %get3A_289 = vector.shape_cast %get3A_288 : vector<1x16xf32> to vector<16xf32>
        %mul3A_290 = arith.constant 16 : i32
        %mul3A_291 = arith.muli %scan3A_192, %mul3A_290 : i32
        %get3A_292 = arith.constant 13 : i32
        %get3A_293 = arith.index_cast %get3A_292 : i32 to index
        %get3A_294 = arith.index_cast %mul3A_291 : i32 to index
        %get3A_295 = tpu.vector_load %arg4[%get3A_293, %get3A_294] {strides = array<i32>} : memref<32x1024xf32, #tpu.memory_space<vmem>>, vector<1x16xf32>,
        %get3A_296 = vector.shape_cast %get3A_295 : vector<1x16xf32> to vector<16xf32>
        %mul3A_297 = arith.constant 16 : i32
        %mul3A_298 = arith.muli %scan3A_192, %mul3A_297 : i32
        %get3A_299 = arith.constant 14 : i32
        %get3A_300 = arith.index_cast %get3A_299 : i32 to index
        %get3A_301 = arith.index_cast %mul3A_298 : i32 to index
        %get3A_302 = tpu.vector_load %arg4[%get3A_300, %get3A_301] {strides = array<i32>} : memref<32x1024xf32, #tpu.memory_space<vmem>>, vector<1x16xf32>,
        %get3A_303 = vector.shape_cast %get3A_302 : vector<1x16xf32> to vector<16xf32>
        %mul3A_304 = arith.constant 16 : i32
        %mul3A_305 = arith.muli %scan3A_192, %mul3A_304 : i32
        %get3A_306 = arith.constant 15 : i32
        %get3A_307 = arith.index_cast %get3A_306 : i32 to index
        %get3A_308 = arith.index_cast %mul3A_305 : i32 to index
        %get3A_309 = tpu.vector_load %arg4[%get3A_307, %get3A_308] {strides = array<i32>} : memref<32x1024xf32, #tpu.memory_space<vmem>>, vector<1x16xf32>,
        %get3A_310 = vector.shape_cast %get3A_309 : vector<1x16xf32> to vector<16xf32>
        %mul3A_311 = arith.constant 16 : i32
        %mul3A_312 = arith.muli %scan3A_192, %mul3A_311 : i32
        %get3A_313 = arith.constant 16 : i32
        %get3A_314 = arith.index_cast %get3A_313 : i32 to index
        %get3A_315 = arith.index_cast %mul3A_312 : i32 to index
        %get3A_316 = tpu.vector_load %arg4[%get3A_314, %get3A_315] {strides = array<i32>} : memref<32x1024xf32, #tpu.memory_space<vmem>>, vector<1x16xf32>,
        %get3A_317 = vector.shape_cast %get3A_316 : vector<1x16xf32> to vector<16xf32>
        %mul3A_318 = arith.constant 16 : i32
        %mul3A_319 = arith.muli %scan3A_192, %mul3A_318 : i32
        %get3A_320 = arith.constant 17 : i32
        %get3A_321 = arith.index_cast %get3A_320 : i32 to index
        %get3A_322 = arith.index_cast %mul3A_319 : i32 to index
        %get3A_323 = tpu.vector_load %arg4[%get3A_321, %get3A_322] {strides = array<i32>} : memref<32x1024xf32, #tpu.memory_space<vmem>>, vector<1x16xf32>,
        %get3A_324 = vector.shape_cast %get3A_323 : vector<1x16xf32> to vector<16xf32>
        %mul3A_325 = arith.constant 16 : i32
        %mul3A_326 = arith.muli %scan3A_192, %mul3A_325 : i32
        %get3A_327 = arith.constant 18 : i32
        %get3A_328 = arith.index_cast %get3A_327 : i32 to index
        %get3A_329 = arith.index_cast %mul3A_326 : i32 to index
        %get3A_330 = tpu.vector_load %arg4[%get3A_328, %get3A_329] {strides = array<i32>} : memref<32x1024xf32, #tpu.memory_space<vmem>>, vector<1x16xf32>,
        %get3A_331 = vector.shape_cast %get3A_330 : vector<1x16xf32> to vector<16xf32>
        %mul3A_332 = arith.constant 16 : i32
        %mul3A_333 = arith.muli %scan3A_192, %mul3A_332 : i32
        %get3A_334 = arith.constant 19 : i32
        %get3A_335 = arith.index_cast %get3A_334 : i32 to index
        %get3A_336 = arith.index_cast %mul3A_333 : i32 to index
        %get3A_337 = tpu.vector_load %arg4[%get3A_335, %get3A_336] {strides = array<i32>} : memref<32x1024xf32, #tpu.memory_space<vmem>>, vector<1x16xf32>,
        %get3A_338 = vector.shape_cast %get3A_337 : vector<1x16xf32> to vector<16xf32>
        %mul3A_339 = arith.constant 16 : i32
        %mul3A_340 = arith.muli %scan3A_192, %mul3A_339 : i32
        %get3A_341 = arith.constant 20 : i32
        %get3A_342 = arith.index_cast %get3A_341 : i32 to index
        %get3A_343 = arith.index_cast %mul3A_340 : i32 to index
        %get3A_344 = tpu.vector_load %arg4[%get3A_342, %get3A_343] {strides = array<i32>} : memref<32x1024xf32, #tpu.memory_space<vmem>>, vector<1x16xf32>,
        %get3A_345 = vector.shape_cast %get3A_344 : vector<1x16xf32> to vector<16xf32>
        %mul3A_346 = arith.constant 16 : i32
        %mul3A_347 = arith.muli %scan3A_192, %mul3A_346 : i32
        %get3A_348 = arith.constant 21 : i32
        %get3A_349 = arith.index_cast %get3A_348 : i32 to index
        %get3A_350 = arith.index_cast %mul3A_347 : i32 to index
        %get3A_351 = tpu.vector_load %arg4[%get3A_349, %get3A_350] {strides = array<i32>} : memref<32x1024xf32, #tpu.memory_space<vmem>>, vector<1x16xf32>,
        %get3A_352 = vector.shape_cast %get3A_351 : vector<1x16xf32> to vector<16xf32>
        %mul3A_353 = arith.constant 16 : i32
        %mul3A_354 = arith.muli %scan3A_192, %mul3A_353 : i32
        %get3A_355 = arith.constant 22 : i32
        %get3A_356 = arith.index_cast %get3A_355 : i32 to index
        %get3A_357 = arith.index_cast %mul3A_354 : i32 to index
        %get3A_358 = tpu.vector_load %arg4[%get3A_356, %get3A_357] {strides = array<i32>} : memref<32x1024xf32, #tpu.memory_space<vmem>>, vector<1x16xf32>,
        %get3A_359 = vector.shape_cast %get3A_358 : vector<1x16xf32> to vector<16xf32>
        %mul3A_360 = arith.constant 16 : i32
        %mul3A_361 = arith.muli %scan3A_192, %mul3A_360 : i32
        %get3A_362 = arith.constant 23 : i32
        %get3A_363 = arith.index_cast %get3A_362 : i32 to index
        %get3A_364 = arith.index_cast %mul3A_361 : i32 to index
        %get3A_365 = tpu.vector_load %arg4[%get3A_363, %get3A_364] {strides = array<i32>} : memref<32x1024xf32, #tpu.memory_space<vmem>>, vector<1x16xf32>,
        %get3A_366 = vector.shape_cast %get3A_365 : vector<1x16xf32> to vector<16xf32>
        %mul3A_367 = arith.constant 16 : i32
        %mul3A_368 = arith.muli %scan3A_192, %mul3A_367 : i32
        %get3A_369 = arith.constant 24 : i32
        %get3A_370 = arith.index_cast %get3A_369 : i32 to index
        %get3A_371 = arith.index_cast %mul3A_368 : i32 to index
        %get3A_372 = tpu.vector_load %arg4[%get3A_370, %get3A_371] {strides = array<i32>} : memref<32x1024xf32, #tpu.memory_space<vmem>>, vector<1x16xf32>,
        %get3A_373 = vector.shape_cast %get3A_372 : vector<1x16xf32> to vector<16xf32>
        %mul3A_374 = arith.constant 16 : i32
        %mul3A_375 = arith.muli %scan3A_192, %mul3A_374 : i32
        %get3A_376 = arith.constant 25 : i32
        %get3A_377 = arith.index_cast %get3A_376 : i32 to index
        %get3A_378 = arith.index_cast %mul3A_375 : i32 to index
        %get3A_379 = tpu.vector_load %arg4[%get3A_377, %get3A_378] {strides = array<i32>} : memref<32x1024xf32, #tpu.memory_space<vmem>>, vector<1x16xf32>,
        %get3A_380 = vector.shape_cast %get3A_379 : vector<1x16xf32> to vector<16xf32>
        %mul3A_381 = arith.constant 16 : i32
        %mul3A_382 = arith.muli %scan3A_192, %mul3A_381 : i32
        %get3A_383 = arith.constant 26 : i32
        %get3A_384 = arith.index_cast %get3A_383 : i32 to index
        %get3A_385 = arith.index_cast %mul3A_382 : i32 to index
        %get3A_386 = tpu.vector_load %arg4[%get3A_384, %get3A_385] {strides = array<i32>} : memref<32x1024xf32, #tpu.memory_space<vmem>>, vector<1x16xf32>,
        %get3A_387 = vector.shape_cast %get3A_386 : vector<1x16xf32> to vector<16xf32>
        %mul3A_388 = arith.constant 16 : i32
        %mul3A_389 = arith.muli %scan3A_192, %mul3A_388 : i32
        %get3A_390 = arith.constant 27 : i32
        %get3A_391 = arith.index_cast %get3A_390 : i32 to index
        %get3A_392 = arith.index_cast %mul3A_389 : i32 to index
        %get3A_393 = tpu.vector_load %arg4[%get3A_391, %get3A_392] {strides = array<i32>} : memref<32x1024xf32, #tpu.memory_space<vmem>>, vector<1x16xf32>,
        %get3A_394 = vector.shape_cast %get3A_393 : vector<1x16xf32> to vector<16xf32>
        %mul3A_395 = arith.constant 16 : i32
        %mul3A_396 = arith.muli %scan3A_192, %mul3A_395 : i32
        %get3A_397 = arith.constant 28 : i32
        %get3A_398 = arith.index_cast %get3A_397 : i32 to index
        %get3A_399 = arith.index_cast %mul3A_396 : i32 to index
        %get3A_400 = tpu.vector_load %arg4[%get3A_398, %get3A_399] {strides = array<i32>} : memref<32x1024xf32, #tpu.memory_space<vmem>>, vector<1x16xf32>,
        %get3A_401 = vector.shape_cast %get3A_400 : vector<1x16xf32> to vector<16xf32>
        %mul3A_402 = arith.constant 16 : i32
        %mul3A_403 = arith.muli %scan3A_192, %mul3A_402 : i32
        %get3A_404 = arith.constant 29 : i32
        %get3A_405 = arith.index_cast %get3A_404 : i32 to index
        %get3A_406 = arith.index_cast %mul3A_403 : i32 to index
        %get3A_407 = tpu.vector_load %arg4[%get3A_405, %get3A_406] {strides = array<i32>} : memref<32x1024xf32, #tpu.memory_space<vmem>>, vector<1x16xf32>,
        %get3A_408 = vector.shape_cast %get3A_407 : vector<1x16xf32> to vector<16xf32>
        %mul3A_409 = arith.constant 16 : i32
        %mul3A_410 = arith.muli %scan3A_192, %mul3A_409 : i32
        %get3A_411 = arith.constant 30 : i32
        %get3A_412 = arith.index_cast %get3A_411 : i32 to index
        %get3A_413 = arith.index_cast %mul3A_410 : i32 to index
        %get3A_414 = tpu.vector_load %arg4[%get3A_412, %get3A_413] {strides = array<i32>} : memref<32x1024xf32, #tpu.memory_space<vmem>>, vector<1x16xf32>,
        %get3A_415 = vector.shape_cast %get3A_414 : vector<1x16xf32> to vector<16xf32>
        %mul3A_416 = arith.constant 16 : i32
        %mul3A_417 = arith.muli %scan3A_192, %mul3A_416 : i32
        %get3A_418 = arith.constant 31 : i32
        %get3A_419 = arith.index_cast %get3A_418 : i32 to index
        %get3A_420 = arith.index_cast %mul3A_417 : i32 to index
        %get3A_421 = tpu.vector_load %arg4[%get3A_419, %get3A_420] {strides = array<i32>} : memref<32x1024xf32, #tpu.memory_space<vmem>>, vector<1x16xf32>,
        %get3A_422 = vector.shape_cast %get3A_421 : vector<1x16xf32> to vector<16xf32>
        %add3A_423 = arith.addf %get3A_205, %get3A_212 : vector<16xf32>
        %add3A_424 = arith.addf %get3A_219, %get3A_226 : vector<16xf32>
        %add3A_425 = arith.addf %get3A_233, %get3A_240 : vector<16xf32>
        %add3A_426 = arith.addf %get3A_247, %get3A_254 : vector<16xf32>
        %add3A_427 = arith.addf %get3A_261, %get3A_268 : vector<16xf32>
        %add3A_428 = arith.addf %get3A_275, %get3A_282 : vector<16xf32>
        %add3A_429 = arith.addf %get3A_289, %get3A_296 : vector<16xf32>
        %add3A_430 = arith.addf %get3A_303, %get3A_310 : vector<16xf32>
        %add3A_431 = arith.addf %get3A_317, %get3A_324 : vector<16xf32>
        %add3A_432 = arith.addf %get3A_331, %get3A_338 : vector<16xf32>
        %add3A_433 = arith.addf %get3A_345, %get3A_352 : vector<16xf32>
        %add3A_434 = arith.addf %get3A_359, %get3A_366 : vector<16xf32>
        %add3A_435 = arith.addf %get3A_373, %get3A_380 : vector<16xf32>
        %add3A_436 = arith.addf %get3A_387, %get3A_394 : vector<16xf32>
        %add3A_437 = arith.addf %get3A_401, %get3A_408 : vector<16xf32>
        %add3A_438 = arith.addf %get3A_415, %get3A_422 : vector<16xf32>
        %add3A_439 = arith.addf %add3A_423, %add3A_424 : vector<16xf32>
        %add3A_440 = arith.addf %add3A_425, %add3A_426 : vector<16xf32>
        %add3A_441 = arith.addf %add3A_427, %add3A_428 : vector<16xf32>
        %add3A_442 = arith.addf %add3A_429, %add3A_430 : vector<16xf32>
        %add3A_443 = arith.addf %add3A_431, %add3A_432 : vector<16xf32>
        %add3A_444 = arith.addf %add3A_433, %add3A_434 : vector<16xf32>
        %add3A_445 = arith.addf %add3A_435, %add3A_436 : vector<16xf32>
        %add3A_446 = arith.addf %add3A_437, %add3A_438 : vector<16xf32>
        %add3A_447 = arith.addf %add3A_439, %add3A_440 : vector<16xf32>
        %add3A_448 = arith.addf %add3A_441, %add3A_442 : vector<16xf32>
        %add3A_449 = arith.addf %add3A_443, %add3A_444 : vector<16xf32>
        %add3A_450 = arith.addf %add3A_445, %add3A_446 : vector<16xf32>
        %add3A_451 = arith.addf %add3A_447, %add3A_448 : vector<16xf32>
        %add3A_452 = arith.addf %add3A_449, %add3A_450 : vector<16xf32>
        %add3A_453 = arith.addf %add3A_451, %add3A_452 : vector<16xf32>
        %add3A_454 = arith.addf %get3A_198, %add3A_453 : vector<16xf32>
        %mul3A_455 = arith.constant 16 : i32
        %mul3A_456 = arith.muli %scan3A_192, %mul3A_455 : i32
        %swap3A = arith.index_cast %select_n3A_99 : i32 to index
        %swap3A_457 = arith.index_cast %mul3A_456 : i32 to index
        %swap3A_458 = tpu.vector_load %arg6[%swap3A, %swap3A_457] {strides = array<i32>} : memref<4x1024xf32, #tpu.memory_space<vmem>>, vector<1x16xf32>,
        %swap3A_459 = vector.shape_cast %swap3A_458 : vector<1x16xf32> to vector<16xf32>
        %swap3A_460 = vector.shape_cast %add3A_454 : vector<16xf32> to vector<1x16xf32>
        tpu.vector_store %arg6[%swap3A, %swap3A_457], %swap3A_460 {strides = array<i32>} : memref<4x1024xf32, #tpu.memory_space<vmem>>, vector<1x16xf32>,
        %scan3A_461 = arith.constant 0 : i32
        scf.yield %scan3A_461 : i32
      }
      %scan3A_106 = arith.constant 64 : i32
      %add3A_107 = arith.constant 2 : i32
      %add3A_108 = arith.addi %add3A_45, %add3A_107 : i32
      %lt3A = arith.constant 8 : i32
      %lt3A_109 = arith.cmpi slt, %add3A_108, %lt3A : i32
      %convert_element_type3A = arith.extui %lt3A_109 : i1 to i32
      %cond3A = arith.constant 0 : i32
      %cond3A_110 = arith.cmpi ne, %convert_element_type3A, %cond3A : i32
      scf.if %cond3A_110 {
        %add3A_192 = arith.constant 2 : i32
        %add3A_193 = arith.addi %add3A_45, %add3A_192 : i32
        %jit3A_194 = arith.constant 2 : i32
        %div3A_195 = arith.divsi %add3A_193, %jit3A_194 : i32
        %sign3A_196 = arith.constant 0 : i32
        %sign3A_197 = arith.cmpi sgt, %add3A_193, %sign3A_196 : i32
        %sign3A_198 = arith.extui %sign3A_197 : i1 to i32
        %sign3A_199 = arith.constant 0 : i32
        %sign3A_200 = arith.cmpi slt, %add3A_193, %sign3A_199 : i32
        %sign3A_201 = arith.extui %sign3A_200 : i1 to i32
        %sign3A_202 = arith.subi %sign3A_198, %sign3A_201 : i32
        %sign3A_203 = arith.constant 0 : i32
        %sign3A_204 = arith.cmpi sgt, %jit3A_194, %sign3A_203 : i32
        %sign3A_205 = arith.extui %sign3A_204 : i1 to i32
        %sign3A_206 = arith.constant 0 : i32
        %sign3A_207 = arith.cmpi slt, %jit3A_194, %sign3A_206 : i32
        %sign3A_208 = arith.extui %sign3A_207 : i1 to i32
        %sign3A_209 = arith.subi %sign3A_205, %sign3A_208 : i32
        %ne3A_210 = arith.cmpi ne, %sign3A_202, %sign3A_209 : i32
        %rem3A_211 = arith.remsi %add3A_193, %jit3A_194 : i32
        %ne3A_212 = arith.constant 0 : i32
        %ne3A_213 = arith.cmpi ne, %rem3A_211, %ne3A_212 : i32
        %and3A_214 = arith.andi %ne3A_210, %ne3A_213 : i1
        %sub3A_215 = arith.constant 1 : i32
        %sub3A_216 = arith.subi %div3A_195, %sub3A_215 : i32
        %select_n3A_217 = arith.select %and3A_214, %sub3A_216, %div3A_195 : i32
        %rem3A_218 = arith.constant 2 : i32
        %rem3A_219 = arith.remsi %add3A_193, %rem3A_218 : i32
        %mul3A_220 = arith.constant 8192 : i32
        %mul3A_221 = arith.muli %select_n3A_217, %mul3A_220 : i32
        %mul3A_222 = arith.constant 64 : i32
        %mul3A_223 = arith.muli %add3A, %mul3A_222 : i32
        %add3A_224 = arith.addi %mul3A_221, %mul3A_223 : i32
        %mul3A_225 = arith.constant 32 : i32
        %mul3A_226 = arith.muli %rem3A_219, %mul3A_225 : i32
        %add3A_227 = arith.addi %add3A_224, %mul3A_226 : i32
        %dma_start3A_228 = arith.constant 0 : i32
        %dma_start3A_229 = tpu.memref_slice %arg2[%add3A_227, %dma_start3A_228] : memref<32768x1024xf32, #tpu.memory_space<hbm>> -> memref<32x1024xf32, #tpu.memory_space<hbm>>
        %dma_start3A_230 = arith.constant 0 : i32
        %dma_start3A_231 = tpu.memref_slice %arg2[%add3A_227, %dma_start3A_230] : memref<32768x1024xf32, #tpu.memory_space<hbm>> -> memref<32x1024xf32, #tpu.memory_space<hbm>>
        tpu.enqueue_dma source(%dma_start3A_231 : memref<32x1024xf32, #tpu.memory_space<hbm>>) target(%arg4 : memref<32x1024xf32, #tpu.memory_space<vmem>>) target_semaphore(%arg7 : memref<!tpu.dma_semaphore, #tpu.memory_space<semaphore_mem>>)
      } else {
      }
      %mul3A_111 = arith.constant 2 : i32
      %mul3A_112 = arith.muli %scan3A_40, %mul3A_111 : i32
      %add3A_113 = arith.constant 1 : i32
      %add3A_114 = arith.addi %mul3A_112, %add3A_113 : i32
      %jit3A_115 = arith.constant 2 : i32
      %div3A_116 = arith.divsi %add3A_114, %jit3A_115 : i32
      %sign3A_117 = arith.constant 0 : i32
      %sign3A_118 = arith.cmpi sgt, %add3A_114, %sign3A_117 : i32
      %sign3A_119 = arith.extui %sign3A_118 : i1 to i32
      %sign3A_120 = arith.constant 0 : i32
      %sign3A_121 = arith.cmpi slt, %add3A_114, %sign3A_120 : i32
      %sign3A_122 = arith.extui %sign3A_121 : i1 to i32
      %sign3A_123 = arith.subi %sign3A_119, %sign3A_122 : i32
      %sign3A_124 = arith.constant 0 : i32
      %sign3A_125 = arith.cmpi sgt, %jit3A_115, %sign3A_124 : i32
      %sign3A_126 = arith.extui %sign3A_125 : i1 to i32
      %sign3A_127 = arith.constant 0 : i32
      %sign3A_128 = arith.cmpi slt, %jit3A_115, %sign3A_127 : i32
      %sign3A_129 = arith.extui %sign3A_128 : i1 to i32
      %sign3A_130 = arith.subi %sign3A_126, %sign3A_129 : i32
      %ne3A_131 = arith.cmpi ne, %sign3A_123, %sign3A_130 : i32
      %rem3A_132 = arith.remsi %add3A_114, %jit3A_115 : i32
      %ne3A_133 = arith.constant 0 : i32
      %ne3A_134 = arith.cmpi ne, %rem3A_132, %ne3A_133 : i32
      %and3A_135 = arith.andi %ne3A_131, %ne3A_134 : i1
      %sub3A_136 = arith.constant 1 : i32
      %sub3A_137 = arith.subi %div3A_116, %sub3A_136 : i32
      %select_n3A_138 = arith.select %and3A_135, %sub3A_137, %div3A_116 : i32
      %rem3A_139 = arith.constant 2 : i32
      %rem3A_140 = arith.remsi %add3A_114, %rem3A_139 : i32
      %mul3A_141 = arith.constant 8192 : i32
      %mul3A_142 = arith.muli %select_n3A_138, %mul3A_141 : i32
      %mul3A_143 = arith.constant 64 : i32
      %mul3A_144 = arith.muli %add3A, %mul3A_143 : i32
      %add3A_145 = arith.addi %mul3A_142, %mul3A_144 : i32
      %mul3A_146 = arith.constant 32 : i32
      %mul3A_147 = arith.muli %rem3A_140, %mul3A_146 : i32
      %add3A_148 = arith.addi %add3A_145, %mul3A_147 : i32
      %dma_wait3A_149 = arith.constant 0 : i32
      %dma_wait3A_150 = tpu.memref_slice %arg2[%add3A_148, %dma_wait3A_149] : memref<32768x1024xf32, #tpu.memory_space<hbm>> -> memref<32x1024xf32, #tpu.memory_space<hbm>>
      %dma_wait3A_151 = arith.constant 0 : i32
      %dma_wait3A_152 = tpu.memref_slice %arg2[%add3A_148, %dma_wait3A_151] : memref<32768x1024xf32, #tpu.memory_space<hbm>> -> memref<32x1024xf32, #tpu.memory_space<hbm>>
      tpu.wait_dma2 semaphore(%arg8 : memref<!tpu.dma_semaphore, #tpu.memory_space<semaphore_mem>>) src(%dma_wait3A_152 : memref<32x1024xf32, #tpu.memory_space<hbm>>) dst(%arg5 : memref<32x1024xf32, #tpu.memory_space<vmem>>)
      %jit3A_153 = arith.constant 2 : i32
      %div3A_154 = arith.divsi %add3A_114, %jit3A_153 : i32
      %sign3A_155 = arith.constant 0 : i32
      %sign3A_156 = arith.cmpi sgt, %add3A_114, %sign3A_155 : i32
      %sign3A_157 = arith.extui %sign3A_156 : i1 to i32
      %sign3A_158 = arith.constant 0 : i32
      %sign3A_159 = arith.cmpi slt, %add3A_114, %sign3A_158 : i32
      %sign3A_160 = arith.extui %sign3A_159 : i1 to i32
      %sign3A_161 = arith.subi %sign3A_157, %sign3A_160 : i32
      %sign3A_162 = arith.constant 0 : i32
      %sign3A_163 = arith.cmpi sgt, %jit3A_153, %sign3A_162 : i32
      %sign3A_164 = arith.extui %sign3A_163 : i1 to i32
      %sign3A_165 = arith.constant 0 : i32
      %sign3A_166 = arith.cmpi slt, %jit3A_153, %sign3A_165 : i32
      %sign3A_167 = arith.extui %sign3A_166 : i1 to i32
      %sign3A_168 = arith.subi %sign3A_164, %sign3A_167 : i32
      %ne3A_169 = arith.cmpi ne, %sign3A_161, %sign3A_168 : i32
      %rem3A_170 = arith.remsi %add3A_114, %jit3A_153 : i32
      %ne3A_171 = arith.constant 0 : i32
      %ne3A_172 = arith.cmpi ne, %rem3A_170, %ne3A_171 : i32
      %and3A_173 = arith.andi %ne3A_169, %ne3A_172 : i1
      %sub3A_174 = arith.constant 1 : i32
      %sub3A_175 = arith.subi %div3A_154, %sub3A_174 : i32
      %select_n3A_176 = arith.select %and3A_173, %sub3A_175, %div3A_154 : i32
      %scan3A_177 = arith.constant 0 : i32
      %scan3A_178 = arith.constant 0 : i32
      %scan3A_179 = arith.constant 64 : i32
      %scan3A_180 = arith.addi %scan3A_178, %scan3A_179 : i32
      %scan3A_181 = arith.constant 1 : i32
      %scan3A_182 = scf.for %scan3A_192 = %scan3A_178 to %scan3A_180 step %scan3A_181 iter_args(%scan3A_193 = %scan3A_177) -> (i32)  : i32 {
        %mul3A_194 = arith.constant 16 : i32
        %mul3A_195 = arith.muli %scan3A_192, %mul3A_194 : i32
        %get3A = arith.index_cast %select_n3A_176 : i32 to index
        %get3A_196 = arith.index_cast %mul3A_195 : i32 to index
        %get3A_197 = tpu.vector_load %arg6[%get3A, %get3A_196] {strides = array<i32>} : memref<4x1024xf32, #tpu.memory_space<vmem>>, vector<1x16xf32>,
        %get3A_198 = vector.shape_cast %get3A_197 : vector<1x16xf32> to vector<16xf32>
        %mul3A_199 = arith.constant 16 : i32
        %mul3A_200 = arith.muli %scan3A_192, %mul3A_199 : i32
        %get3A_201 = arith.constant 0 : i32
        %get3A_202 = arith.index_cast %get3A_201 : i32 to index
        %get3A_203 = arith.index_cast %mul3A_200 : i32 to index
        %get3A_204 = tpu.vector_load %arg5[%get3A_202, %get3A_203] {strides = array<i32>} : memref<32x1024xf32, #tpu.memory_space<vmem>>, vector<1x16xf32>,
        %get3A_205 = vector.shape_cast %get3A_204 : vector<1x16xf32> to vector<16xf32>
        %mul3A_206 = arith.constant 16 : i32
        %mul3A_207 = arith.muli %scan3A_192, %mul3A_206 : i32
        %get3A_208 = arith.constant 1 : i32
        %get3A_209 = arith.index_cast %get3A_208 : i32 to index
        %get3A_210 = arith.index_cast %mul3A_207 : i32 to index
        %get3A_211 = tpu.vector_load %arg5[%get3A_209, %get3A_210] {strides = array<i32>} : memref<32x1024xf32, #tpu.memory_space<vmem>>, vector<1x16xf32>,
        %get3A_212 = vector.shape_cast %get3A_211 : vector<1x16xf32> to vector<16xf32>
        %mul3A_213 = arith.constant 16 : i32
        %mul3A_214 = arith.muli %scan3A_192, %mul3A_213 : i32
        %get3A_215 = arith.constant 2 : i32
        %get3A_216 = arith.index_cast %get3A_215 : i32 to index
        %get3A_217 = arith.index_cast %mul3A_214 : i32 to index
        %get3A_218 = tpu.vector_load %arg5[%get3A_216, %get3A_217] {strides = array<i32>} : memref<32x1024xf32, #tpu.memory_space<vmem>>, vector<1x16xf32>,
        %get3A_219 = vector.shape_cast %get3A_218 : vector<1x16xf32> to vector<16xf32>
        %mul3A_220 = arith.constant 16 : i32
        %mul3A_221 = arith.muli %scan3A_192, %mul3A_220 : i32
        %get3A_222 = arith.constant 3 : i32
        %get3A_223 = arith.index_cast %get3A_222 : i32 to index
        %get3A_224 = arith.index_cast %mul3A_221 : i32 to index
        %get3A_225 = tpu.vector_load %arg5[%get3A_223, %get3A_224] {strides = array<i32>} : memref<32x1024xf32, #tpu.memory_space<vmem>>, vector<1x16xf32>,
        %get3A_226 = vector.shape_cast %get3A_225 : vector<1x16xf32> to vector<16xf32>
        %mul3A_227 = arith.constant 16 : i32
        %mul3A_228 = arith.muli %scan3A_192, %mul3A_227 : i32
        %get3A_229 = arith.constant 4 : i32
        %get3A_230 = arith.index_cast %get3A_229 : i32 to index
        %get3A_231 = arith.index_cast %mul3A_228 : i32 to index
        %get3A_232 = tpu.vector_load %arg5[%get3A_230, %get3A_231] {strides = array<i32>} : memref<32x1024xf32, #tpu.memory_space<vmem>>, vector<1x16xf32>,
        %get3A_233 = vector.shape_cast %get3A_232 : vector<1x16xf32> to vector<16xf32>
        %mul3A_234 = arith.constant 16 : i32
        %mul3A_235 = arith.muli %scan3A_192, %mul3A_234 : i32
        %get3A_236 = arith.constant 5 : i32
        %get3A_237 = arith.index_cast %get3A_236 : i32 to index
        %get3A_238 = arith.index_cast %mul3A_235 : i32 to index
        %get3A_239 = tpu.vector_load %arg5[%get3A_237, %get3A_238] {strides = array<i32>} : memref<32x1024xf32, #tpu.memory_space<vmem>>, vector<1x16xf32>,
        %get3A_240 = vector.shape_cast %get3A_239 : vector<1x16xf32> to vector<16xf32>
        %mul3A_241 = arith.constant 16 : i32
        %mul3A_242 = arith.muli %scan3A_192, %mul3A_241 : i32
        %get3A_243 = arith.constant 6 : i32
        %get3A_244 = arith.index_cast %get3A_243 : i32 to index
        %get3A_245 = arith.index_cast %mul3A_242 : i32 to index
        %get3A_246 = tpu.vector_load %arg5[%get3A_244, %get3A_245] {strides = array<i32>} : memref<32x1024xf32, #tpu.memory_space<vmem>>, vector<1x16xf32>,
        %get3A_247 = vector.shape_cast %get3A_246 : vector<1x16xf32> to vector<16xf32>
        %mul3A_248 = arith.constant 16 : i32
        %mul3A_249 = arith.muli %scan3A_192, %mul3A_248 : i32
        %get3A_250 = arith.constant 7 : i32
        %get3A_251 = arith.index_cast %get3A_250 : i32 to index
        %get3A_252 = arith.index_cast %mul3A_249 : i32 to index
        %get3A_253 = tpu.vector_load %arg5[%get3A_251, %get3A_252] {strides = array<i32>} : memref<32x1024xf32, #tpu.memory_space<vmem>>, vector<1x16xf32>,
        %get3A_254 = vector.shape_cast %get3A_253 : vector<1x16xf32> to vector<16xf32>
        %mul3A_255 = arith.constant 16 : i32
        %mul3A_256 = arith.muli %scan3A_192, %mul3A_255 : i32
        %get3A_257 = arith.constant 8 : i32
        %get3A_258 = arith.index_cast %get3A_257 : i32 to index
        %get3A_259 = arith.index_cast %mul3A_256 : i32 to index
        %get3A_260 = tpu.vector_load %arg5[%get3A_258, %get3A_259] {strides = array<i32>} : memref<32x1024xf32, #tpu.memory_space<vmem>>, vector<1x16xf32>,
        %get3A_261 = vector.shape_cast %get3A_260 : vector<1x16xf32> to vector<16xf32>
        %mul3A_262 = arith.constant 16 : i32
        %mul3A_263 = arith.muli %scan3A_192, %mul3A_262 : i32
        %get3A_264 = arith.constant 9 : i32
        %get3A_265 = arith.index_cast %get3A_264 : i32 to index
        %get3A_266 = arith.index_cast %mul3A_263 : i32 to index
        %get3A_267 = tpu.vector_load %arg5[%get3A_265, %get3A_266] {strides = array<i32>} : memref<32x1024xf32, #tpu.memory_space<vmem>>, vector<1x16xf32>,
        %get3A_268 = vector.shape_cast %get3A_267 : vector<1x16xf32> to vector<16xf32>
        %mul3A_269 = arith.constant 16 : i32
        %mul3A_270 = arith.muli %scan3A_192, %mul3A_269 : i32
        %get3A_271 = arith.constant 10 : i32
        %get3A_272 = arith.index_cast %get3A_271 : i32 to index
        %get3A_273 = arith.index_cast %mul3A_270 : i32 to index
        %get3A_274 = tpu.vector_load %arg5[%get3A_272, %get3A_273] {strides = array<i32>} : memref<32x1024xf32, #tpu.memory_space<vmem>>, vector<1x16xf32>,
        %get3A_275 = vector.shape_cast %get3A_274 : vector<1x16xf32> to vector<16xf32>
        %mul3A_276 = arith.constant 16 : i32
        %mul3A_277 = arith.muli %scan3A_192, %mul3A_276 : i32
        %get3A_278 = arith.constant 11 : i32
        %get3A_279 = arith.index_cast %get3A_278 : i32 to index
        %get3A_280 = arith.index_cast %mul3A_277 : i32 to index
        %get3A_281 = tpu.vector_load %arg5[%get3A_279, %get3A_280] {strides = array<i32>} : memref<32x1024xf32, #tpu.memory_space<vmem>>, vector<1x16xf32>,
        %get3A_282 = vector.shape_cast %get3A_281 : vector<1x16xf32> to vector<16xf32>
        %mul3A_283 = arith.constant 16 : i32
        %mul3A_284 = arith.muli %scan3A_192, %mul3A_283 : i32
        %get3A_285 = arith.constant 12 : i32
        %get3A_286 = arith.index_cast %get3A_285 : i32 to index
        %get3A_287 = arith.index_cast %mul3A_284 : i32 to index
        %get3A_288 = tpu.vector_load %arg5[%get3A_286, %get3A_287] {strides = array<i32>} : memref<32x1024xf32, #tpu.memory_space<vmem>>, vector<1x16xf32>,
        %get3A_289 = vector.shape_cast %get3A_288 : vector<1x16xf32> to vector<16xf32>
        %mul3A_290 = arith.constant 16 : i32
        %mul3A_291 = arith.muli %scan3A_192, %mul3A_290 : i32
        %get3A_292 = arith.constant 13 : i32
        %get3A_293 = arith.index_cast %get3A_292 : i32 to index
        %get3A_294 = arith.index_cast %mul3A_291 : i32 to index
        %get3A_295 = tpu.vector_load %arg5[%get3A_293, %get3A_294] {strides = array<i32>} : memref<32x1024xf32, #tpu.memory_space<vmem>>, vector<1x16xf32>,
        %get3A_296 = vector.shape_cast %get3A_295 : vector<1x16xf32> to vector<16xf32>
        %mul3A_297 = arith.constant 16 : i32
        %mul3A_298 = arith.muli %scan3A_192, %mul3A_297 : i32
        %get3A_299 = arith.constant 14 : i32
        %get3A_300 = arith.index_cast %get3A_299 : i32 to index
        %get3A_301 = arith.index_cast %mul3A_298 : i32 to index
        %get3A_302 = tpu.vector_load %arg5[%get3A_300, %get3A_301] {strides = array<i32>} : memref<32x1024xf32, #tpu.memory_space<vmem>>, vector<1x16xf32>,
        %get3A_303 = vector.shape_cast %get3A_302 : vector<1x16xf32> to vector<16xf32>
        %mul3A_304 = arith.constant 16 : i32
        %mul3A_305 = arith.muli %scan3A_192, %mul3A_304 : i32
        %get3A_306 = arith.constant 15 : i32
        %get3A_307 = arith.index_cast %get3A_306 : i32 to index
        %get3A_308 = arith.index_cast %mul3A_305 : i32 to index
        %get3A_309 = tpu.vector_load %arg5[%get3A_307, %get3A_308] {strides = array<i32>} : memref<32x1024xf32, #tpu.memory_space<vmem>>, vector<1x16xf32>,
        %get3A_310 = vector.shape_cast %get3A_309 : vector<1x16xf32> to vector<16xf32>
        %mul3A_311 = arith.constant 16 : i32
        %mul3A_312 = arith.muli %scan3A_192, %mul3A_311 : i32
        %get3A_313 = arith.constant 16 : i32
        %get3A_314 = arith.index_cast %get3A_313 : i32 to index
        %get3A_315 = arith.index_cast %mul3A_312 : i32 to index
        %get3A_316 = tpu.vector_load %arg5[%get3A_314, %get3A_315] {strides = array<i32>} : memref<32x1024xf32, #tpu.memory_space<vmem>>, vector<1x16xf32>,
        %get3A_317 = vector.shape_cast %get3A_316 : vector<1x16xf32> to vector<16xf32>
        %mul3A_318 = arith.constant 16 : i32
        %mul3A_319 = arith.muli %scan3A_192, %mul3A_318 : i32
        %get3A_320 = arith.constant 17 : i32
        %get3A_321 = arith.index_cast %get3A_320 : i32 to index
        %get3A_322 = arith.index_cast %mul3A_319 : i32 to index
        %get3A_323 = tpu.vector_load %arg5[%get3A_321, %get3A_322] {strides = array<i32>} : memref<32x1024xf32, #tpu.memory_space<vmem>>, vector<1x16xf32>,
        %get3A_324 = vector.shape_cast %get3A_323 : vector<1x16xf32> to vector<16xf32>
        %mul3A_325 = arith.constant 16 : i32
        %mul3A_326 = arith.muli %scan3A_192, %mul3A_325 : i32
        %get3A_327 = arith.constant 18 : i32
        %get3A_328 = arith.index_cast %get3A_327 : i32 to index
        %get3A_329 = arith.index_cast %mul3A_326 : i32 to index
        %get3A_330 = tpu.vector_load %arg5[%get3A_328, %get3A_329] {strides = array<i32>} : memref<32x1024xf32, #tpu.memory_space<vmem>>, vector<1x16xf32>,
        %get3A_331 = vector.shape_cast %get3A_330 : vector<1x16xf32> to vector<16xf32>
        %mul3A_332 = arith.constant 16 : i32
        %mul3A_333 = arith.muli %scan3A_192, %mul3A_332 : i32
        %get3A_334 = arith.constant 19 : i32
        %get3A_335 = arith.index_cast %get3A_334 : i32 to index
        %get3A_336 = arith.index_cast %mul3A_333 : i32 to index
        %get3A_337 = tpu.vector_load %arg5[%get3A_335, %get3A_336] {strides = array<i32>} : memref<32x1024xf32, #tpu.memory_space<vmem>>, vector<1x16xf32>,
        %get3A_338 = vector.shape_cast %get3A_337 : vector<1x16xf32> to vector<16xf32>
        %mul3A_339 = arith.constant 16 : i32
        %mul3A_340 = arith.muli %scan3A_192, %mul3A_339 : i32
        %get3A_341 = arith.constant 20 : i32
        %get3A_342 = arith.index_cast %get3A_341 : i32 to index
        %get3A_343 = arith.index_cast %mul3A_340 : i32 to index
        %get3A_344 = tpu.vector_load %arg5[%get3A_342, %get3A_343] {strides = array<i32>} : memref<32x1024xf32, #tpu.memory_space<vmem>>, vector<1x16xf32>,
        %get3A_345 = vector.shape_cast %get3A_344 : vector<1x16xf32> to vector<16xf32>
        %mul3A_346 = arith.constant 16 : i32
        %mul3A_347 = arith.muli %scan3A_192, %mul3A_346 : i32
        %get3A_348 = arith.constant 21 : i32
        %get3A_349 = arith.index_cast %get3A_348 : i32 to index
        %get3A_350 = arith.index_cast %mul3A_347 : i32 to index
        %get3A_351 = tpu.vector_load %arg5[%get3A_349, %get3A_350] {strides = array<i32>} : memref<32x1024xf32, #tpu.memory_space<vmem>>, vector<1x16xf32>,
        %get3A_352 = vector.shape_cast %get3A_351 : vector<1x16xf32> to vector<16xf32>
        %mul3A_353 = arith.constant 16 : i32
        %mul3A_354 = arith.muli %scan3A_192, %mul3A_353 : i32
        %get3A_355 = arith.constant 22 : i32
        %get3A_356 = arith.index_cast %get3A_355 : i32 to index
        %get3A_357 = arith.index_cast %mul3A_354 : i32 to index
        %get3A_358 = tpu.vector_load %arg5[%get3A_356, %get3A_357] {strides = array<i32>} : memref<32x1024xf32, #tpu.memory_space<vmem>>, vector<1x16xf32>,
        %get3A_359 = vector.shape_cast %get3A_358 : vector<1x16xf32> to vector<16xf32>
        %mul3A_360 = arith.constant 16 : i32
        %mul3A_361 = arith.muli %scan3A_192, %mul3A_360 : i32
        %get3A_362 = arith.constant 23 : i32
        %get3A_363 = arith.index_cast %get3A_362 : i32 to index
        %get3A_364 = arith.index_cast %mul3A_361 : i32 to index
        %get3A_365 = tpu.vector_load %arg5[%get3A_363, %get3A_364] {strides = array<i32>} : memref<32x1024xf32, #tpu.memory_space<vmem>>, vector<1x16xf32>,
        %get3A_366 = vector.shape_cast %get3A_365 : vector<1x16xf32> to vector<16xf32>
        %mul3A_367 = arith.constant 16 : i32
        %mul3A_368 = arith.muli %scan3A_192, %mul3A_367 : i32
        %get3A_369 = arith.constant 24 : i32
        %get3A_370 = arith.index_cast %get3A_369 : i32 to index
        %get3A_371 = arith.index_cast %mul3A_368 : i32 to index
        %get3A_372 = tpu.vector_load %arg5[%get3A_370, %get3A_371] {strides = array<i32>} : memref<32x1024xf32, #tpu.memory_space<vmem>>, vector<1x16xf32>,
        %get3A_373 = vector.shape_cast %get3A_372 : vector<1x16xf32> to vector<16xf32>
        %mul3A_374 = arith.constant 16 : i32
        %mul3A_375 = arith.muli %scan3A_192, %mul3A_374 : i32
        %get3A_376 = arith.constant 25 : i32
        %get3A_377 = arith.index_cast %get3A_376 : i32 to index
        %get3A_378 = arith.index_cast %mul3A_375 : i32 to index
        %get3A_379 = tpu.vector_load %arg5[%get3A_377, %get3A_378] {strides = array<i32>} : memref<32x1024xf32, #tpu.memory_space<vmem>>, vector<1x16xf32>,
        %get3A_380 = vector.shape_cast %get3A_379 : vector<1x16xf32> to vector<16xf32>
        %mul3A_381 = arith.constant 16 : i32
        %mul3A_382 = arith.muli %scan3A_192, %mul3A_381 : i32
        %get3A_383 = arith.constant 26 : i32
        %get3A_384 = arith.index_cast %get3A_383 : i32 to index
        %get3A_385 = arith.index_cast %mul3A_382 : i32 to index
        %get3A_386 = tpu.vector_load %arg5[%get3A_384, %get3A_385] {strides = array<i32>} : memref<32x1024xf32, #tpu.memory_space<vmem>>, vector<1x16xf32>,
        %get3A_387 = vector.shape_cast %get3A_386 : vector<1x16xf32> to vector<16xf32>
        %mul3A_388 = arith.constant 16 : i32
        %mul3A_389 = arith.muli %scan3A_192, %mul3A_388 : i32
        %get3A_390 = arith.constant 27 : i32
        %get3A_391 = arith.index_cast %get3A_390 : i32 to index
        %get3A_392 = arith.index_cast %mul3A_389 : i32 to index
        %get3A_393 = tpu.vector_load %arg5[%get3A_391, %get3A_392] {strides = array<i32>} : memref<32x1024xf32, #tpu.memory_space<vmem>>, vector<1x16xf32>,
        %get3A_394 = vector.shape_cast %get3A_393 : vector<1x16xf32> to vector<16xf32>
        %mul3A_395 = arith.constant 16 : i32
        %mul3A_396 = arith.muli %scan3A_192, %mul3A_395 : i32
        %get3A_397 = arith.constant 28 : i32
        %get3A_398 = arith.index_cast %get3A_397 : i32 to index
        %get3A_399 = arith.index_cast %mul3A_396 : i32 to index
        %get3A_400 = tpu.vector_load %arg5[%get3A_398, %get3A_399] {strides = array<i32>} : memref<32x1024xf32, #tpu.memory_space<vmem>>, vector<1x16xf32>,
        %get3A_401 = vector.shape_cast %get3A_400 : vector<1x16xf32> to vector<16xf32>
        %mul3A_402 = arith.constant 16 : i32
        %mul3A_403 = arith.muli %scan3A_192, %mul3A_402 : i32
        %get3A_404 = arith.constant 29 : i32
        %get3A_405 = arith.index_cast %get3A_404 : i32 to index
        %get3A_406 = arith.index_cast %mul3A_403 : i32 to index
        %get3A_407 = tpu.vector_load %arg5[%get3A_405, %get3A_406] {strides = array<i32>} : memref<32x1024xf32, #tpu.memory_space<vmem>>, vector<1x16xf32>,
        %get3A_408 = vector.shape_cast %get3A_407 : vector<1x16xf32> to vector<16xf32>
        %mul3A_409 = arith.constant 16 : i32
        %mul3A_410 = arith.muli %scan3A_192, %mul3A_409 : i32
        %get3A_411 = arith.constant 30 : i32
        %get3A_412 = arith.index_cast %get3A_411 : i32 to index
        %get3A_413 = arith.index_cast %mul3A_410 : i32 to index
        %get3A_414 = tpu.vector_load %arg5[%get3A_412, %get3A_413] {strides = array<i32>} : memref<32x1024xf32, #tpu.memory_space<vmem>>, vector<1x16xf32>,
        %get3A_415 = vector.shape_cast %get3A_414 : vector<1x16xf32> to vector<16xf32>
        %mul3A_416 = arith.constant 16 : i32
        %mul3A_417 = arith.muli %scan3A_192, %mul3A_416 : i32
        %get3A_418 = arith.constant 31 : i32
        %get3A_419 = arith.index_cast %get3A_418 : i32 to index
        %get3A_420 = arith.index_cast %mul3A_417 : i32 to index
        %get3A_421 = tpu.vector_load %arg5[%get3A_419, %get3A_420] {strides = array<i32>} : memref<32x1024xf32, #tpu.memory_space<vmem>>, vector<1x16xf32>,
        %get3A_422 = vector.shape_cast %get3A_421 : vector<1x16xf32> to vector<16xf32>
        %add3A_423 = arith.addf %get3A_205, %get3A_212 : vector<16xf32>
        %add3A_424 = arith.addf %get3A_219, %get3A_226 : vector<16xf32>
        %add3A_425 = arith.addf %get3A_233, %get3A_240 : vector<16xf32>
        %add3A_426 = arith.addf %get3A_247, %get3A_254 : vector<16xf32>
        %add3A_427 = arith.addf %get3A_261, %get3A_268 : vector<16xf32>
        %add3A_428 = arith.addf %get3A_275, %get3A_282 : vector<16xf32>
        %add3A_429 = arith.addf %get3A_289, %get3A_296 : vector<16xf32>
        %add3A_430 = arith.addf %get3A_303, %get3A_310 : vector<16xf32>
        %add3A_431 = arith.addf %get3A_317, %get3A_324 : vector<16xf32>
        %add3A_432 = arith.addf %get3A_331, %get3A_338 : vector<16xf32>
        %add3A_433 = arith.addf %get3A_345, %get3A_352 : vector<16xf32>
        %add3A_434 = arith.addf %get3A_359, %get3A_366 : vector<16xf32>
        %add3A_435 = arith.addf %get3A_373, %get3A_380 : vector<16xf32>
        %add3A_436 = arith.addf %get3A_387, %get3A_394 : vector<16xf32>
        %add3A_437 = arith.addf %get3A_401, %get3A_408 : vector<16xf32>
        %add3A_438 = arith.addf %get3A_415, %get3A_422 : vector<16xf32>
        %add3A_439 = arith.addf %add3A_423, %add3A_424 : vector<16xf32>
        %add3A_440 = arith.addf %add3A_425, %add3A_426 : vector<16xf32>
        %add3A_441 = arith.addf %add3A_427, %add3A_428 : vector<16xf32>
        %add3A_442 = arith.addf %add3A_429, %add3A_430 : vector<16xf32>
        %add3A_443 = arith.addf %add3A_431, %add3A_432 : vector<16xf32>
        %add3A_444 = arith.addf %add3A_433, %add3A_434 : vector<16xf32>
        %add3A_445 = arith.addf %add3A_435, %add3A_436 : vector<16xf32>
        %add3A_446 = arith.addf %add3A_437, %add3A_438 : vector<16xf32>
        %add3A_447 = arith.addf %add3A_439, %add3A_440 : vector<16xf32>
        %add3A_448 = arith.addf %add3A_441, %add3A_442 : vector<16xf32>
        %add3A_449 = arith.addf %add3A_443, %add3A_444 : vector<16xf32>
        %add3A_450 = arith.addf %add3A_445, %add3A_446 : vector<16xf32>
        %add3A_451 = arith.addf %add3A_447, %add3A_448 : vector<16xf32>
        %add3A_452 = arith.addf %add3A_449, %add3A_450 : vector<16xf32>
        %add3A_453 = arith.addf %add3A_451, %add3A_452 : vector<16xf32>
        %add3A_454 = arith.addf %get3A_198, %add3A_453 : vector<16xf32>
        %mul3A_455 = arith.constant 16 : i32
        %mul3A_456 = arith.muli %scan3A_192, %mul3A_455 : i32
        %swap3A = arith.index_cast %select_n3A_176 : i32 to index
        %swap3A_457 = arith.index_cast %mul3A_456 : i32 to index
        %swap3A_458 = tpu.vector_load %arg6[%swap3A, %swap3A_457] {strides = array<i32>} : memref<4x1024xf32, #tpu.memory_space<vmem>>, vector<1x16xf32>,
        %swap3A_459 = vector.shape_cast %swap3A_458 : vector<1x16xf32> to vector<16xf32>
        %swap3A_460 = vector.shape_cast %add3A_454 : vector<16xf32> to vector<1x16xf32>
        tpu.vector_store %arg6[%swap3A, %swap3A_457], %swap3A_460 {strides = array<i32>} : memref<4x1024xf32, #tpu.memory_space<vmem>>, vector<1x16xf32>,
        %scan3A_461 = arith.constant 0 : i32
        scf.yield %scan3A_461 : i32
      }
      %scan3A_183 = arith.constant 64 : i32
      %add3A_184 = arith.constant 2 : i32
      %add3A_185 = arith.addi %add3A_114, %add3A_184 : i32
      %lt3A_186 = arith.constant 8 : i32
      %lt3A_187 = arith.cmpi slt, %add3A_185, %lt3A_186 : i32
      %convert_element_type3A_188 = arith.extui %lt3A_187 : i1 to i32
      %cond3A_189 = arith.constant 0 : i32
      %cond3A_190 = arith.cmpi ne, %convert_element_type3A_188, %cond3A_189 : i32
      scf.if %cond3A_190 {
        %add3A_192 = arith.constant 2 : i32
        %add3A_193 = arith.addi %add3A_114, %add3A_192 : i32
        %jit3A_194 = arith.constant 2 : i32
        %div3A_195 = arith.divsi %add3A_193, %jit3A_194 : i32
        %sign3A_196 = arith.constant 0 : i32
        %sign3A_197 = arith.cmpi sgt, %add3A_193, %sign3A_196 : i32
        %sign3A_198 = arith.extui %sign3A_197 : i1 to i32
        %sign3A_199 = arith.constant 0 : i32
        %sign3A_200 = arith.cmpi slt, %add3A_193, %sign3A_199 : i32
        %sign3A_201 = arith.extui %sign3A_200 : i1 to i32
        %sign3A_202 = arith.subi %sign3A_198, %sign3A_201 : i32
        %sign3A_203 = arith.constant 0 : i32
        %sign3A_204 = arith.cmpi sgt, %jit3A_194, %sign3A_203 : i32
        %sign3A_205 = arith.extui %sign3A_204 : i1 to i32
        %sign3A_206 = arith.constant 0 : i32
        %sign3A_207 = arith.cmpi slt, %jit3A_194, %sign3A_206 : i32
        %sign3A_208 = arith.extui %sign3A_207 : i1 to i32
        %sign3A_209 = arith.subi %sign3A_205, %sign3A_208 : i32
        %ne3A_210 = arith.cmpi ne, %sign3A_202, %sign3A_209 : i32
        %rem3A_211 = arith.remsi %add3A_193, %jit3A_194 : i32
        %ne3A_212 = arith.constant 0 : i32
        %ne3A_213 = arith.cmpi ne, %rem3A_211, %ne3A_212 : i32
        %and3A_214 = arith.andi %ne3A_210, %ne3A_213 : i1
        %sub3A_215 = arith.constant 1 : i32
        %sub3A_216 = arith.subi %div3A_195, %sub3A_215 : i32
        %select_n3A_217 = arith.select %and3A_214, %sub3A_216, %div3A_195 : i32
        %rem3A_218 = arith.constant 2 : i32
        %rem3A_219 = arith.remsi %add3A_193, %rem3A_218 : i32
        %mul3A_220 = arith.constant 8192 : i32
        %mul3A_221 = arith.muli %select_n3A_217, %mul3A_220 : i32
        %mul3A_222 = arith.constant 64 : i32
        %mul3A_223 = arith.muli %add3A, %mul3A_222 : i32
        %add3A_224 = arith.addi %mul3A_221, %mul3A_223 : i32
        %mul3A_225 = arith.constant 32 : i32
        %mul3A_226 = arith.muli %rem3A_219, %mul3A_225 : i32
        %add3A_227 = arith.addi %add3A_224, %mul3A_226 : i32
        %dma_start3A_228 = arith.constant 0 : i32
        %dma_start3A_229 = tpu.memref_slice %arg2[%add3A_227, %dma_start3A_228] : memref<32768x1024xf32, #tpu.memory_space<hbm>> -> memref<32x1024xf32, #tpu.memory_space<hbm>>
        %dma_start3A_230 = arith.constant 0 : i32
        %dma_start3A_231 = tpu.memref_slice %arg2[%add3A_227, %dma_start3A_230] : memref<32768x1024xf32, #tpu.memory_space<hbm>> -> memref<32x1024xf32, #tpu.memory_space<hbm>>
        tpu.enqueue_dma source(%dma_start3A_231 : memref<32x1024xf32, #tpu.memory_space<hbm>>) target(%arg5 : memref<32x1024xf32, #tpu.memory_space<vmem>>) target_semaphore(%arg8 : memref<!tpu.dma_semaphore, #tpu.memory_space<semaphore_mem>>)
      } else {
      }
      %scan3A_191 = arith.constant 0 : i32
      scf.yield %scan3A_191 : i32
    }
    %scan3A_39 = arith.constant 4 : i32
    "tpu.region"() ({
      %run_scoped3A = tpu.sem_alloc : memref<!tpu.dma_semaphore, #tpu.memory_space<semaphore_mem>>
      %dma_start3A_40 = arith.constant 0 : i32
      %dma_start3A_41 = arith.constant 0 : i32
      %dma_start3A_42 = tpu.memref_slice %arg3[%add3A, %dma_start3A_40, %dma_start3A_41] : memref<32x4x1024xf32, #tpu.memory_space<hbm>> -> memref<1x4x1024xf32, #tpu.memory_space<hbm>>
      %dma_start3A_43 = tpu.memref_squeeze %dma_start3A_42 : memref<1x4x1024xf32, #tpu.memory_space<hbm>> -> memref<4x1024xf32, #tpu.memory_space<hbm>>
      %dma_start3A_44 = arith.constant 0 : i32
      %dma_start3A_45 = arith.constant 0 : i32
      %dma_start3A_46 = tpu.memref_slice %arg3[%add3A, %dma_start3A_44, %dma_start3A_45] : memref<32x4x1024xf32, #tpu.memory_space<hbm>> -> memref<1x4x1024xf32, #tpu.memory_space<hbm>>
      %dma_start3A_47 = tpu.memref_squeeze %dma_start3A_46 : memref<1x4x1024xf32, #tpu.memory_space<hbm>> -> memref<4x1024xf32, #tpu.memory_space<hbm>>
      tpu.enqueue_dma source(%arg6 : memref<4x1024xf32, #tpu.memory_space<vmem>>) target(%dma_start3A_47 : memref<4x1024xf32, #tpu.memory_space<hbm>>) target_semaphore(%run_scoped3A : memref<!tpu.dma_semaphore, #tpu.memory_space<semaphore_mem>>)
      %dma_wait3A = arith.constant 0 : i32
      %dma_wait3A_48 = arith.constant 0 : i32
      %dma_wait3A_49 = tpu.memref_slice %arg3[%add3A, %dma_wait3A, %dma_wait3A_48] : memref<32x4x1024xf32, #tpu.memory_space<hbm>> -> memref<1x4x1024xf32, #tpu.memory_space<hbm>>
      %dma_wait3A_50 = tpu.memref_squeeze %dma_wait3A_49 : memref<1x4x1024xf32, #tpu.memory_space<hbm>> -> memref<4x1024xf32, #tpu.memory_space<hbm>>
      %dma_wait3A_51 = arith.constant 0 : i32
      %dma_wait3A_52 = arith.constant 0 : i32
      %dma_wait3A_53 = tpu.memref_slice %arg3[%add3A, %dma_wait3A_51, %dma_wait3A_52] : memref<32x4x1024xf32, #tpu.memory_space<hbm>> -> memref<1x4x1024xf32, #tpu.memory_space<hbm>>
      %dma_wait3A_54 = tpu.memref_squeeze %dma_wait3A_53 : memref<1x4x1024xf32, #tpu.memory_space<hbm>> -> memref<4x1024xf32, #tpu.memory_space<hbm>>
      tpu.wait_dma2 semaphore(%run_scoped3A : memref<!tpu.dma_semaphore, #tpu.memory_space<semaphore_mem>>) src(%arg6 : memref<4x1024xf32, #tpu.memory_space<vmem>>) dst(%dma_wait3A_54 : memref<4x1024xf32, #tpu.memory_space<hbm>>)
      tpu.yield
    }) : () -> ()
    return
  }
}

module attributes {stable_mosaic.version = 14 : i64} {
  func.func @_finale_body(%arg0: memref<32x4x1024xf32, #tpu.memory_space<vmem>>, %arg1: memref<4x1024xf32, #tpu.memory_space<vmem>>, %arg2: memref<64x1024xf32, #tpu.memory_space<vmem>>, %arg3: memref<64xf32, #tpu.memory_space<vmem>>, %arg4: memref<4xi32, #tpu.memory_space<vmem>>, %arg5: memref<4x64xf32, #tpu.memory_space<vmem>>) attributes {dimension_semantics = [], scalar_prefetch = 0 : i64, scratch_operands = 0 : i64, tpu.core_type = #tpu.core_type<tc>} {
    %get3A = arith.constant 0 : index
    %get3A_0 = arith.constant 0 : index
    %get3A_1 = arith.constant 0 : index
    %get3A_2 = vector.load %arg0[%get3A, %get3A_0, %get3A_1] : memref<32x4x1024xf32, #tpu.memory_space<vmem>>, vector<32x4x1024xf32>
    %reduce_sum3A = arith.constant dense<0.000000e+00> : vector<4x1024xf32>
    %reduce_sum3A_3 = vector.multi_reduction <add>, %get3A_2, %reduce_sum3A [0] : vector<32x4x1024xf32> to vector<4x1024xf32>
    %get3A_4 = arith.constant 0 : index
    %get3A_5 = arith.constant 0 : index
    %get3A_6 = vector.load %arg1[%get3A_4, %get3A_5] : memref<4x1024xf32, #tpu.memory_space<vmem>>, vector<4x1024xf32>
    %add3A = arith.addf %reduce_sum3A_3, %get3A_6 : vector<4x1024xf32>
    %mul3A = arith.constant 1.22070313E-4 : f32
    %mul3A_7 = vector.broadcast %mul3A : f32 to vector<4x1024xf32>
    %mul3A_8 = arith.mulf %add3A, %mul3A_7 : vector<4x1024xf32>
    %get3A_9 = arith.constant 0 : index
    %get3A_10 = arith.constant 0 : index
    %get3A_11 = vector.load %arg2[%get3A_9, %get3A_10] : memref<64x1024xf32, #tpu.memory_space<vmem>>, vector<64x1024xf32>
    %dot_general3A = arith.constant dense<0.000000e+00> : vector<4x64xf32>
    %dot_general3A_12 = tpu.matmul %mul3A_8, %get3A_11, %dot_general3A {dimension_numbers = #tpu.dot_dimension_numbers<[1], [1], [0], [0], [0, 0, 1, 0], [], []>, transpose_lhs_hint = false} : vector<4x1024xf32>, vector<64x1024xf32>, vector<4x64xf32> -> vector<4x64xf32>
    %get3A_13 = arith.constant 0 : index
    %get3A_14 = vector.load %arg3[%get3A_13] : memref<64xf32, #tpu.memory_space<vmem>>, vector<64xf32>
    %broadcast_in_dim3A = vector.shape_cast %get3A_14 : vector<64xf32> to vector<1x64xf32>
    %add3A_15 = vector.broadcast %broadcast_in_dim3A : vector<1x64xf32> to vector<4x64xf32>
    %add3A_16 = arith.addf %dot_general3A_12, %add3A_15 : vector<4x64xf32>
    %reduce_max3A = arith.constant dense<0xFF800000> : vector<4xf32>
    %reduce_max3A_17 = vector.multi_reduction <maximumf>, %add3A_16, %reduce_max3A [1] : vector<4x64xf32> to vector<4xf32>
    %broadcast_in_dim3A_18 = vector.shape_cast %reduce_max3A_17 : vector<4xf32> to vector<4x1xf32>
    %sub3A = vector.broadcast %broadcast_in_dim3A_18 : vector<4x1xf32> to vector<4x64xf32>
    %sub3A_19 = arith.subf %add3A_16, %sub3A : vector<4x64xf32>
    %exp3A = math.exp %sub3A_19 : vector<4x64xf32>
    %reduce_sum3A_20 = arith.constant dense<0.000000e+00> : vector<4xf32>
    %reduce_sum3A_21 = vector.multi_reduction <add>, %exp3A, %reduce_sum3A_20 [1] : vector<4x64xf32> to vector<4xf32>
    %broadcast_in_dim3A_22 = vector.shape_cast %reduce_sum3A_21 : vector<4xf32> to vector<4x1xf32>
    %div3A = vector.broadcast %broadcast_in_dim3A_22 : vector<4x1xf32> to vector<4x64xf32>
    %div3A_23 = arith.divf %exp3A, %div3A : vector<4x64xf32>
    %swap3A = arith.constant 0 : index
    %swap3A_24 = arith.constant 0 : index
    %swap3A_25 = vector.load %arg5[%swap3A, %swap3A_24] : memref<4x64xf32, #tpu.memory_space<vmem>>, vector<4x64xf32>
    tpu.vector_store %arg5[%swap3A, %swap3A_24], %div3A_23 {strides = array<i32>} : memref<4x64xf32, #tpu.memory_space<vmem>>, vector<4x64xf32>,
    %argmax3A = tpu.reduce_index %div3A_23 {axis = 1 : i32, kind = #tpu.reduction_kind<arg_max>} : vector<4x64xf32> -> vector<4xi32>
    %swap3A_26 = arith.constant 0 : index
    %swap3A_27 = vector.load %arg4[%swap3A_26] : memref<4xi32, #tpu.memory_space<vmem>>, vector<4xi32>
    tpu.vector_store %arg4[%swap3A_26], %argmax3A {strides = array<i32>} : memref<4xi32, #tpu.memory_space<vmem>>, vector<4xi32>,
    return
  }
}

module attributes {stable_mosaic.version = 14 : i64} {
  func.func @_tc_body(%arg0: memref<32768x1024xf32, #tpu.memory_space<any>>, %arg1: memref<4x1024xf32, #tpu.memory_space<vmem>>, %arg2: memref<512x1024xf32, #tpu.memory_space<vmem>>, %arg3: memref<512x1024xf32, #tpu.memory_space<vmem>>, %arg4: memref<512x1024xf32, #tpu.memory_space<vmem>>, %arg5: memref<512x1024xf32, #tpu.memory_space<vmem>>, %arg6: memref<512x1024xf32, #tpu.memory_space<vmem>>, %arg7: memref<512x1024xf32, #tpu.memory_space<vmem>>, %arg8: memref<512x1024xf32, #tpu.memory_space<vmem>>, %arg9: memref<512x1024xf32, #tpu.memory_space<vmem>>, %arg10: memref<4x32x1024xf32, #tpu.memory_space<vmem>>, %arg11: memref<!tpu.dma_semaphore, #tpu.memory_space<semaphore_mem>>, %arg12: memref<!tpu.dma_semaphore, #tpu.memory_space<semaphore_mem>>, %arg13: memref<!tpu.dma_semaphore, #tpu.memory_space<semaphore_mem>>, %arg14: memref<!tpu.dma_semaphore, #tpu.memory_space<semaphore_mem>>, %arg15: memref<!tpu.dma_semaphore, #tpu.memory_space<semaphore_mem>>, %arg16: memref<!tpu.dma_semaphore, #tpu.memory_space<semaphore_mem>>, %arg17: memref<!tpu.dma_semaphore, #tpu.memory_space<semaphore_mem>>, %arg18: memref<!tpu.dma_semaphore, #tpu.memory_space<semaphore_mem>>) attributes {dimension_semantics = [], scalar_prefetch = 0 : i64, scratch_operands = 17 : i64, tpu.core_type = #tpu.core_type<tc>} {
    %dma_start3A = arith.constant 2048 : i32
    %dma_start3A_0 = arith.constant 0 : i32
    %dma_start3A_1 = tpu.memref_slice %arg0[%dma_start3A, %dma_start3A_0] : memref<32768x1024xf32, #tpu.memory_space<any>> -> memref<512x1024xf32, #tpu.memory_space<any>>
    tpu.enqueue_dma source(%dma_start3A_1 : memref<512x1024xf32, #tpu.memory_space<any>>) target(%arg2 : memref<512x1024xf32, #tpu.memory_space<vmem>>) target_semaphore(%arg11 : memref<!tpu.dma_semaphore, #tpu.memory_space<semaphore_mem>>)
    %dma_start3A_2 = arith.constant 2560 : i32
    %dma_start3A_3 = arith.constant 0 : i32
    %dma_start3A_4 = tpu.memref_slice %arg0[%dma_start3A_2, %dma_start3A_3] : memref<32768x1024xf32, #tpu.memory_space<any>> -> memref<512x1024xf32, #tpu.memory_space<any>>
    tpu.enqueue_dma source(%dma_start3A_4 : memref<512x1024xf32, #tpu.memory_space<any>>) target(%arg3 : memref<512x1024xf32, #tpu.memory_space<vmem>>) target_semaphore(%arg12 : memref<!tpu.dma_semaphore, #tpu.memory_space<semaphore_mem>>)
    %dma_start3A_5 = arith.constant 3072 : i32
    %dma_start3A_6 = arith.constant 0 : i32
    %dma_start3A_7 = tpu.memref_slice %arg0[%dma_start3A_5, %dma_start3A_6] : memref<32768x1024xf32, #tpu.memory_space<any>> -> memref<512x1024xf32, #tpu.memory_space<any>>
    tpu.enqueue_dma source(%dma_start3A_7 : memref<512x1024xf32, #tpu.memory_space<any>>) target(%arg4 : memref<512x1024xf32, #tpu.memory_space<vmem>>) target_semaphore(%arg13 : memref<!tpu.dma_semaphore, #tpu.memory_space<semaphore_mem>>)
    %dma_start3A_8 = arith.constant 3584 : i32
    %dma_start3A_9 = arith.constant 0 : i32
    %dma_start3A_10 = tpu.memref_slice %arg0[%dma_start3A_8, %dma_start3A_9] : memref<32768x1024xf32, #tpu.memory_space<any>> -> memref<512x1024xf32, #tpu.memory_space<any>>
    tpu.enqueue_dma source(%dma_start3A_10 : memref<512x1024xf32, #tpu.memory_space<any>>) target(%arg5 : memref<512x1024xf32, #tpu.memory_space<vmem>>) target_semaphore(%arg14 : memref<!tpu.dma_semaphore, #tpu.memory_space<semaphore_mem>>)
    %dma_start3A_11 = arith.constant 4096 : i32
    %dma_start3A_12 = arith.constant 0 : i32
    %dma_start3A_13 = tpu.memref_slice %arg0[%dma_start3A_11, %dma_start3A_12] : memref<32768x1024xf32, #tpu.memory_space<any>> -> memref<512x1024xf32, #tpu.memory_space<any>>
    tpu.enqueue_dma source(%dma_start3A_13 : memref<512x1024xf32, #tpu.memory_space<any>>) target(%arg6 : memref<512x1024xf32, #tpu.memory_space<vmem>>) target_semaphore(%arg15 : memref<!tpu.dma_semaphore, #tpu.memory_space<semaphore_mem>>)
    %dma_start3A_14 = arith.constant 4608 : i32
    %dma_start3A_15 = arith.constant 0 : i32
    %dma_start3A_16 = tpu.memref_slice %arg0[%dma_start3A_14, %dma_start3A_15] : memref<32768x1024xf32, #tpu.memory_space<any>> -> memref<512x1024xf32, #tpu.memory_space<any>>
    tpu.enqueue_dma source(%dma_start3A_16 : memref<512x1024xf32, #tpu.memory_space<any>>) target(%arg7 : memref<512x1024xf32, #tpu.memory_space<vmem>>) target_semaphore(%arg16 : memref<!tpu.dma_semaphore, #tpu.memory_space<semaphore_mem>>)
    %dma_start3A_17 = arith.constant 5120 : i32
    %dma_start3A_18 = arith.constant 0 : i32
    %dma_start3A_19 = tpu.memref_slice %arg0[%dma_start3A_17, %dma_start3A_18] : memref<32768x1024xf32, #tpu.memory_space<any>> -> memref<512x1024xf32, #tpu.memory_space<any>>
    tpu.enqueue_dma source(%dma_start3A_19 : memref<512x1024xf32, #tpu.memory_space<any>>) target(%arg8 : memref<512x1024xf32, #tpu.memory_space<vmem>>) target_semaphore(%arg17 : memref<!tpu.dma_semaphore, #tpu.memory_space<semaphore_mem>>)
    %dma_start3A_20 = arith.constant 5632 : i32
    %dma_start3A_21 = arith.constant 0 : i32
    %dma_start3A_22 = tpu.memref_slice %arg0[%dma_start3A_20, %dma_start3A_21] : memref<32768x1024xf32, #tpu.memory_space<any>> -> memref<512x1024xf32, #tpu.memory_space<any>>
    tpu.enqueue_dma source(%dma_start3A_22 : memref<512x1024xf32, #tpu.memory_space<any>>) target(%arg9 : memref<512x1024xf32, #tpu.memory_space<vmem>>) target_semaphore(%arg18 : memref<!tpu.dma_semaphore, #tpu.memory_space<semaphore_mem>>)
    %dma_wait3A = arith.constant 2048 : i32
    %dma_wait3A_23 = arith.constant 0 : i32
    %dma_wait3A_24 = tpu.memref_slice %arg0[%dma_wait3A, %dma_wait3A_23] : memref<32768x1024xf32, #tpu.memory_space<any>> -> memref<512x1024xf32, #tpu.memory_space<any>>
    tpu.wait_dma2 semaphore(%arg11 : memref<!tpu.dma_semaphore, #tpu.memory_space<semaphore_mem>>) src(%dma_wait3A_24 : memref<512x1024xf32, #tpu.memory_space<any>>) dst(%arg2 : memref<512x1024xf32, #tpu.memory_space<vmem>>)
    %get3A = arith.constant 0 : index
    %get3A_25 = arith.constant 0 : index
    %get3A_26 = vector.load %arg2[%get3A, %get3A_25] : memref<512x1024xf32, #tpu.memory_space<vmem>>, vector<32x1024xf32>
    %get3A_27 = arith.constant 32 : index
    %get3A_28 = arith.constant 0 : index
    %get3A_29 = vector.load %arg2[%get3A_27, %get3A_28] : memref<512x1024xf32, #tpu.memory_space<vmem>>, vector<32x1024xf32>
    %add3A = arith.addf %get3A_26, %get3A_29 : vector<32x1024xf32>
    %get3A_30 = arith.constant 64 : index
    %get3A_31 = arith.constant 0 : index
    %get3A_32 = vector.load %arg2[%get3A_30, %get3A_31] : memref<512x1024xf32, #tpu.memory_space<vmem>>, vector<32x1024xf32>
    %add3A_33 = arith.addf %add3A, %get3A_32 : vector<32x1024xf32>
    %get3A_34 = arith.constant 96 : index
    %get3A_35 = arith.constant 0 : index
    %get3A_36 = vector.load %arg2[%get3A_34, %get3A_35] : memref<512x1024xf32, #tpu.memory_space<vmem>>, vector<32x1024xf32>
    %add3A_37 = arith.addf %add3A_33, %get3A_36 : vector<32x1024xf32>
    %get3A_38 = arith.constant 128 : index
    %get3A_39 = arith.constant 0 : index
    %get3A_40 = vector.load %arg2[%get3A_38, %get3A_39] : memref<512x1024xf32, #tpu.memory_space<vmem>>, vector<32x1024xf32>
    %add3A_41 = arith.addf %add3A_37, %get3A_40 : vector<32x1024xf32>
    %get3A_42 = arith.constant 160 : index
    %get3A_43 = arith.constant 0 : index
    %get3A_44 = vector.load %arg2[%get3A_42, %get3A_43] : memref<512x1024xf32, #tpu.memory_space<vmem>>, vector<32x1024xf32>
    %add3A_45 = arith.addf %add3A_41, %get3A_44 : vector<32x1024xf32>
    %get3A_46 = arith.constant 192 : index
    %get3A_47 = arith.constant 0 : index
    %get3A_48 = vector.load %arg2[%get3A_46, %get3A_47] : memref<512x1024xf32, #tpu.memory_space<vmem>>, vector<32x1024xf32>
    %add3A_49 = arith.addf %add3A_45, %get3A_48 : vector<32x1024xf32>
    %get3A_50 = arith.constant 224 : index
    %get3A_51 = arith.constant 0 : index
    %get3A_52 = vector.load %arg2[%get3A_50, %get3A_51] : memref<512x1024xf32, #tpu.memory_space<vmem>>, vector<32x1024xf32>
    %add3A_53 = arith.addf %add3A_49, %get3A_52 : vector<32x1024xf32>
    %get3A_54 = arith.constant 256 : index
    %get3A_55 = arith.constant 0 : index
    %get3A_56 = vector.load %arg2[%get3A_54, %get3A_55] : memref<512x1024xf32, #tpu.memory_space<vmem>>, vector<32x1024xf32>
    %add3A_57 = arith.addf %add3A_53, %get3A_56 : vector<32x1024xf32>
    %get3A_58 = arith.constant 288 : index
    %get3A_59 = arith.constant 0 : index
    %get3A_60 = vector.load %arg2[%get3A_58, %get3A_59] : memref<512x1024xf32, #tpu.memory_space<vmem>>, vector<32x1024xf32>
    %add3A_61 = arith.addf %add3A_57, %get3A_60 : vector<32x1024xf32>
    %get3A_62 = arith.constant 320 : index
    %get3A_63 = arith.constant 0 : index
    %get3A_64 = vector.load %arg2[%get3A_62, %get3A_63] : memref<512x1024xf32, #tpu.memory_space<vmem>>, vector<32x1024xf32>
    %add3A_65 = arith.addf %add3A_61, %get3A_64 : vector<32x1024xf32>
    %get3A_66 = arith.constant 352 : index
    %get3A_67 = arith.constant 0 : index
    %get3A_68 = vector.load %arg2[%get3A_66, %get3A_67] : memref<512x1024xf32, #tpu.memory_space<vmem>>, vector<32x1024xf32>
    %add3A_69 = arith.addf %add3A_65, %get3A_68 : vector<32x1024xf32>
    %get3A_70 = arith.constant 384 : index
    %get3A_71 = arith.constant 0 : index
    %get3A_72 = vector.load %arg2[%get3A_70, %get3A_71] : memref<512x1024xf32, #tpu.memory_space<vmem>>, vector<32x1024xf32>
    %add3A_73 = arith.addf %add3A_69, %get3A_72 : vector<32x1024xf32>
    %get3A_74 = arith.constant 416 : index
    %get3A_75 = arith.constant 0 : index
    %get3A_76 = vector.load %arg2[%get3A_74, %get3A_75] : memref<512x1024xf32, #tpu.memory_space<vmem>>, vector<32x1024xf32>
    %add3A_77 = arith.addf %add3A_73, %get3A_76 : vector<32x1024xf32>
    %get3A_78 = arith.constant 448 : index
    %get3A_79 = arith.constant 0 : index
    %get3A_80 = vector.load %arg2[%get3A_78, %get3A_79] : memref<512x1024xf32, #tpu.memory_space<vmem>>, vector<32x1024xf32>
    %add3A_81 = arith.addf %add3A_77, %get3A_80 : vector<32x1024xf32>
    %get3A_82 = arith.constant 480 : index
    %get3A_83 = arith.constant 0 : index
    %get3A_84 = vector.load %arg2[%get3A_82, %get3A_83] : memref<512x1024xf32, #tpu.memory_space<vmem>>, vector<32x1024xf32>
    %add3A_85 = arith.addf %add3A_81, %get3A_84 : vector<32x1024xf32>
    %swap3A = arith.constant 0 : index
    %swap3A_86 = arith.constant 0 : index
    %swap3A_87 = arith.constant 0 : index
    %swap3A_88 = vector.load %arg10[%swap3A, %swap3A_86, %swap3A_87] : memref<4x32x1024xf32, #tpu.memory_space<vmem>>, vector<1x32x1024xf32>
    %swap3A_89 = vector.shape_cast %swap3A_88 : vector<1x32x1024xf32> to vector<32x1024xf32>
    %swap3A_90 = vector.shape_cast %add3A_85 : vector<32x1024xf32> to vector<1x32x1024xf32>
    tpu.vector_store %arg10[%swap3A, %swap3A_86, %swap3A_87], %swap3A_90 {strides = array<i32>} : memref<4x32x1024xf32, #tpu.memory_space<vmem>>, vector<1x32x1024xf32>,
    %dma_start3A_91 = arith.constant 6144 : i32
    %dma_start3A_92 = arith.constant 0 : i32
    %dma_start3A_93 = tpu.memref_slice %arg0[%dma_start3A_91, %dma_start3A_92] : memref<32768x1024xf32, #tpu.memory_space<any>> -> memref<512x1024xf32, #tpu.memory_space<any>>
    tpu.enqueue_dma source(%dma_start3A_93 : memref<512x1024xf32, #tpu.memory_space<any>>) target(%arg2 : memref<512x1024xf32, #tpu.memory_space<vmem>>) target_semaphore(%arg11 : memref<!tpu.dma_semaphore, #tpu.memory_space<semaphore_mem>>)
    %dma_wait3A_94 = arith.constant 2560 : i32
    %dma_wait3A_95 = arith.constant 0 : i32
    %dma_wait3A_96 = tpu.memref_slice %arg0[%dma_wait3A_94, %dma_wait3A_95] : memref<32768x1024xf32, #tpu.memory_space<any>> -> memref<512x1024xf32, #tpu.memory_space<any>>
    tpu.wait_dma2 semaphore(%arg12 : memref<!tpu.dma_semaphore, #tpu.memory_space<semaphore_mem>>) src(%dma_wait3A_96 : memref<512x1024xf32, #tpu.memory_space<any>>) dst(%arg3 : memref<512x1024xf32, #tpu.memory_space<vmem>>)
    %get3A_97 = arith.constant 0 : index
    %get3A_98 = arith.constant 0 : index
    %get3A_99 = vector.load %arg3[%get3A_97, %get3A_98] : memref<512x1024xf32, #tpu.memory_space<vmem>>, vector<32x1024xf32>
    %get3A_100 = arith.constant 32 : index
    %get3A_101 = arith.constant 0 : index
    %get3A_102 = vector.load %arg3[%get3A_100, %get3A_101] : memref<512x1024xf32, #tpu.memory_space<vmem>>, vector<32x1024xf32>
    %add3A_103 = arith.addf %get3A_99, %get3A_102 : vector<32x1024xf32>
    %get3A_104 = arith.constant 64 : index
    %get3A_105 = arith.constant 0 : index
    %get3A_106 = vector.load %arg3[%get3A_104, %get3A_105] : memref<512x1024xf32, #tpu.memory_space<vmem>>, vector<32x1024xf32>
    %add3A_107 = arith.addf %add3A_103, %get3A_106 : vector<32x1024xf32>
    %get3A_108 = arith.constant 96 : index
    %get3A_109 = arith.constant 0 : index
    %get3A_110 = vector.load %arg3[%get3A_108, %get3A_109] : memref<512x1024xf32, #tpu.memory_space<vmem>>, vector<32x1024xf32>
    %add3A_111 = arith.addf %add3A_107, %get3A_110 : vector<32x1024xf32>
    %get3A_112 = arith.constant 128 : index
    %get3A_113 = arith.constant 0 : index
    %get3A_114 = vector.load %arg3[%get3A_112, %get3A_113] : memref<512x1024xf32, #tpu.memory_space<vmem>>, vector<32x1024xf32>
    %add3A_115 = arith.addf %add3A_111, %get3A_114 : vector<32x1024xf32>
    %get3A_116 = arith.constant 160 : index
    %get3A_117 = arith.constant 0 : index
    %get3A_118 = vector.load %arg3[%get3A_116, %get3A_117] : memref<512x1024xf32, #tpu.memory_space<vmem>>, vector<32x1024xf32>
    %add3A_119 = arith.addf %add3A_115, %get3A_118 : vector<32x1024xf32>
    %get3A_120 = arith.constant 192 : index
    %get3A_121 = arith.constant 0 : index
    %get3A_122 = vector.load %arg3[%get3A_120, %get3A_121] : memref<512x1024xf32, #tpu.memory_space<vmem>>, vector<32x1024xf32>
    %add3A_123 = arith.addf %add3A_119, %get3A_122 : vector<32x1024xf32>
    %get3A_124 = arith.constant 224 : index
    %get3A_125 = arith.constant 0 : index
    %get3A_126 = vector.load %arg3[%get3A_124, %get3A_125] : memref<512x1024xf32, #tpu.memory_space<vmem>>, vector<32x1024xf32>
    %add3A_127 = arith.addf %add3A_123, %get3A_126 : vector<32x1024xf32>
    %get3A_128 = arith.constant 256 : index
    %get3A_129 = arith.constant 0 : index
    %get3A_130 = vector.load %arg3[%get3A_128, %get3A_129] : memref<512x1024xf32, #tpu.memory_space<vmem>>, vector<32x1024xf32>
    %add3A_131 = arith.addf %add3A_127, %get3A_130 : vector<32x1024xf32>
    %get3A_132 = arith.constant 288 : index
    %get3A_133 = arith.constant 0 : index
    %get3A_134 = vector.load %arg3[%get3A_132, %get3A_133] : memref<512x1024xf32, #tpu.memory_space<vmem>>, vector<32x1024xf32>
    %add3A_135 = arith.addf %add3A_131, %get3A_134 : vector<32x1024xf32>
    %get3A_136 = arith.constant 320 : index
    %get3A_137 = arith.constant 0 : index
    %get3A_138 = vector.load %arg3[%get3A_136, %get3A_137] : memref<512x1024xf32, #tpu.memory_space<vmem>>, vector<32x1024xf32>
    %add3A_139 = arith.addf %add3A_135, %get3A_138 : vector<32x1024xf32>
    %get3A_140 = arith.constant 352 : index
    %get3A_141 = arith.constant 0 : index
    %get3A_142 = vector.load %arg3[%get3A_140, %get3A_141] : memref<512x1024xf32, #tpu.memory_space<vmem>>, vector<32x1024xf32>
    %add3A_143 = arith.addf %add3A_139, %get3A_142 : vector<32x1024xf32>
    %get3A_144 = arith.constant 384 : index
    %get3A_145 = arith.constant 0 : index
    %get3A_146 = vector.load %arg3[%get3A_144, %get3A_145] : memref<512x1024xf32, #tpu.memory_space<vmem>>, vector<32x1024xf32>
    %add3A_147 = arith.addf %add3A_143, %get3A_146 : vector<32x1024xf32>
    %get3A_148 = arith.constant 416 : index
    %get3A_149 = arith.constant 0 : index
    %get3A_150 = vector.load %arg3[%get3A_148, %get3A_149] : memref<512x1024xf32, #tpu.memory_space<vmem>>, vector<32x1024xf32>
    %add3A_151 = arith.addf %add3A_147, %get3A_150 : vector<32x1024xf32>
    %get3A_152 = arith.constant 448 : index
    %get3A_153 = arith.constant 0 : index
    %get3A_154 = vector.load %arg3[%get3A_152, %get3A_153] : memref<512x1024xf32, #tpu.memory_space<vmem>>, vector<32x1024xf32>
    %add3A_155 = arith.addf %add3A_151, %get3A_154 : vector<32x1024xf32>
    %get3A_156 = arith.constant 480 : index
    %get3A_157 = arith.constant 0 : index
    %get3A_158 = vector.load %arg3[%get3A_156, %get3A_157] : memref<512x1024xf32, #tpu.memory_space<vmem>>, vector<32x1024xf32>
    %add3A_159 = arith.addf %add3A_155, %get3A_158 : vector<32x1024xf32>
    %get3A_160 = arith.constant 0 : index
    %get3A_161 = arith.constant 0 : index
    %get3A_162 = arith.constant 0 : index
    %get3A_163 = vector.load %arg10[%get3A_160, %get3A_161, %get3A_162] : memref<4x32x1024xf32, #tpu.memory_space<vmem>>, vector<1x32x1024xf32>
    %get3A_164 = vector.shape_cast %get3A_163 : vector<1x32x1024xf32> to vector<32x1024xf32>
    %add3A_165 = arith.addf %get3A_164, %add3A_159 : vector<32x1024xf32>
    %swap3A_166 = arith.constant 0 : index
    %swap3A_167 = arith.constant 0 : index
    %swap3A_168 = arith.constant 0 : index
    %swap3A_169 = vector.load %arg10[%swap3A_166, %swap3A_167, %swap3A_168] : memref<4x32x1024xf32, #tpu.memory_space<vmem>>, vector<1x32x1024xf32>
    %swap3A_170 = vector.shape_cast %swap3A_169 : vector<1x32x1024xf32> to vector<32x1024xf32>
    %swap3A_171 = vector.shape_cast %add3A_165 : vector<32x1024xf32> to vector<1x32x1024xf32>
    tpu.vector_store %arg10[%swap3A_166, %swap3A_167, %swap3A_168], %swap3A_171 {strides = array<i32>} : memref<4x32x1024xf32, #tpu.memory_space<vmem>>, vector<1x32x1024xf32>,
    %dma_start3A_172 = arith.constant 6656 : i32
    %dma_start3A_173 = arith.constant 0 : i32
    %dma_start3A_174 = tpu.memref_slice %arg0[%dma_start3A_172, %dma_start3A_173] : memref<32768x1024xf32, #tpu.memory_space<any>> -> memref<512x1024xf32, #tpu.memory_space<any>>
    tpu.enqueue_dma source(%dma_start3A_174 : memref<512x1024xf32, #tpu.memory_space<any>>) target(%arg3 : memref<512x1024xf32, #tpu.memory_space<vmem>>) target_semaphore(%arg12 : memref<!tpu.dma_semaphore, #tpu.memory_space<semaphore_mem>>)
    %dma_wait3A_175 = arith.constant 3072 : i32
    %dma_wait3A_176 = arith.constant 0 : i32
    %dma_wait3A_177 = tpu.memref_slice %arg0[%dma_wait3A_175, %dma_wait3A_176] : memref<32768x1024xf32, #tpu.memory_space<any>> -> memref<512x1024xf32, #tpu.memory_space<any>>
    tpu.wait_dma2 semaphore(%arg13 : memref<!tpu.dma_semaphore, #tpu.memory_space<semaphore_mem>>) src(%dma_wait3A_177 : memref<512x1024xf32, #tpu.memory_space<any>>) dst(%arg4 : memref<512x1024xf32, #tpu.memory_space<vmem>>)
    %get3A_178 = arith.constant 0 : index
    %get3A_179 = arith.constant 0 : index
    %get3A_180 = vector.load %arg4[%get3A_178, %get3A_179] : memref<512x1024xf32, #tpu.memory_space<vmem>>, vector<32x1024xf32>
    %get3A_181 = arith.constant 32 : index
    %get3A_182 = arith.constant 0 : index
    %get3A_183 = vector.load %arg4[%get3A_181, %get3A_182] : memref<512x1024xf32, #tpu.memory_space<vmem>>, vector<32x1024xf32>
    %add3A_184 = arith.addf %get3A_180, %get3A_183 : vector<32x1024xf32>
    %get3A_185 = arith.constant 64 : index
    %get3A_186 = arith.constant 0 : index
    %get3A_187 = vector.load %arg4[%get3A_185, %get3A_186] : memref<512x1024xf32, #tpu.memory_space<vmem>>, vector<32x1024xf32>
    %add3A_188 = arith.addf %add3A_184, %get3A_187 : vector<32x1024xf32>
    %get3A_189 = arith.constant 96 : index
    %get3A_190 = arith.constant 0 : index
    %get3A_191 = vector.load %arg4[%get3A_189, %get3A_190] : memref<512x1024xf32, #tpu.memory_space<vmem>>, vector<32x1024xf32>
    %add3A_192 = arith.addf %add3A_188, %get3A_191 : vector<32x1024xf32>
    %get3A_193 = arith.constant 128 : index
    %get3A_194 = arith.constant 0 : index
    %get3A_195 = vector.load %arg4[%get3A_193, %get3A_194] : memref<512x1024xf32, #tpu.memory_space<vmem>>, vector<32x1024xf32>
    %add3A_196 = arith.addf %add3A_192, %get3A_195 : vector<32x1024xf32>
    %get3A_197 = arith.constant 160 : index
    %get3A_198 = arith.constant 0 : index
    %get3A_199 = vector.load %arg4[%get3A_197, %get3A_198] : memref<512x1024xf32, #tpu.memory_space<vmem>>, vector<32x1024xf32>
    %add3A_200 = arith.addf %add3A_196, %get3A_199 : vector<32x1024xf32>
    %get3A_201 = arith.constant 192 : index
    %get3A_202 = arith.constant 0 : index
    %get3A_203 = vector.load %arg4[%get3A_201, %get3A_202] : memref<512x1024xf32, #tpu.memory_space<vmem>>, vector<32x1024xf32>
    %add3A_204 = arith.addf %add3A_200, %get3A_203 : vector<32x1024xf32>
    %get3A_205 = arith.constant 224 : index
    %get3A_206 = arith.constant 0 : index
    %get3A_207 = vector.load %arg4[%get3A_205, %get3A_206] : memref<512x1024xf32, #tpu.memory_space<vmem>>, vector<32x1024xf32>
    %add3A_208 = arith.addf %add3A_204, %get3A_207 : vector<32x1024xf32>
    %get3A_209 = arith.constant 256 : index
    %get3A_210 = arith.constant 0 : index
    %get3A_211 = vector.load %arg4[%get3A_209, %get3A_210] : memref<512x1024xf32, #tpu.memory_space<vmem>>, vector<32x1024xf32>
    %add3A_212 = arith.addf %add3A_208, %get3A_211 : vector<32x1024xf32>
    %get3A_213 = arith.constant 288 : index
    %get3A_214 = arith.constant 0 : index
    %get3A_215 = vector.load %arg4[%get3A_213, %get3A_214] : memref<512x1024xf32, #tpu.memory_space<vmem>>, vector<32x1024xf32>
    %add3A_216 = arith.addf %add3A_212, %get3A_215 : vector<32x1024xf32>
    %get3A_217 = arith.constant 320 : index
    %get3A_218 = arith.constant 0 : index
    %get3A_219 = vector.load %arg4[%get3A_217, %get3A_218] : memref<512x1024xf32, #tpu.memory_space<vmem>>, vector<32x1024xf32>
    %add3A_220 = arith.addf %add3A_216, %get3A_219 : vector<32x1024xf32>
    %get3A_221 = arith.constant 352 : index
    %get3A_222 = arith.constant 0 : index
    %get3A_223 = vector.load %arg4[%get3A_221, %get3A_222] : memref<512x1024xf32, #tpu.memory_space<vmem>>, vector<32x1024xf32>
    %add3A_224 = arith.addf %add3A_220, %get3A_223 : vector<32x1024xf32>
    %get3A_225 = arith.constant 384 : index
    %get3A_226 = arith.constant 0 : index
    %get3A_227 = vector.load %arg4[%get3A_225, %get3A_226] : memref<512x1024xf32, #tpu.memory_space<vmem>>, vector<32x1024xf32>
    %add3A_228 = arith.addf %add3A_224, %get3A_227 : vector<32x1024xf32>
    %get3A_229 = arith.constant 416 : index
    %get3A_230 = arith.constant 0 : index
    %get3A_231 = vector.load %arg4[%get3A_229, %get3A_230] : memref<512x1024xf32, #tpu.memory_space<vmem>>, vector<32x1024xf32>
    %add3A_232 = arith.addf %add3A_228, %get3A_231 : vector<32x1024xf32>
    %get3A_233 = arith.constant 448 : index
    %get3A_234 = arith.constant 0 : index
    %get3A_235 = vector.load %arg4[%get3A_233, %get3A_234] : memref<512x1024xf32, #tpu.memory_space<vmem>>, vector<32x1024xf32>
    %add3A_236 = arith.addf %add3A_232, %get3A_235 : vector<32x1024xf32>
    %get3A_237 = arith.constant 480 : index
    %get3A_238 = arith.constant 0 : index
    %get3A_239 = vector.load %arg4[%get3A_237, %get3A_238] : memref<512x1024xf32, #tpu.memory_space<vmem>>, vector<32x1024xf32>
    %add3A_240 = arith.addf %add3A_236, %get3A_239 : vector<32x1024xf32>
    %get3A_241 = arith.constant 0 : index
    %get3A_242 = arith.constant 0 : index
    %get3A_243 = arith.constant 0 : index
    %get3A_244 = vector.load %arg10[%get3A_241, %get3A_242, %get3A_243] : memref<4x32x1024xf32, #tpu.memory_space<vmem>>, vector<1x32x1024xf32>
    %get3A_245 = vector.shape_cast %get3A_244 : vector<1x32x1024xf32> to vector<32x1024xf32>
    %add3A_246 = arith.addf %get3A_245, %add3A_240 : vector<32x1024xf32>
    %swap3A_247 = arith.constant 0 : index
    %swap3A_248 = arith.constant 0 : index
    %swap3A_249 = arith.constant 0 : index
    %swap3A_250 = vector.load %arg10[%swap3A_247, %swap3A_248, %swap3A_249] : memref<4x32x1024xf32, #tpu.memory_space<vmem>>, vector<1x32x1024xf32>
    %swap3A_251 = vector.shape_cast %swap3A_250 : vector<1x32x1024xf32> to vector<32x1024xf32>
    %swap3A_252 = vector.shape_cast %add3A_246 : vector<32x1024xf32> to vector<1x32x1024xf32>
    tpu.vector_store %arg10[%swap3A_247, %swap3A_248, %swap3A_249], %swap3A_252 {strides = array<i32>} : memref<4x32x1024xf32, #tpu.memory_space<vmem>>, vector<1x32x1024xf32>,
    %dma_start3A_253 = arith.constant 7168 : i32
    %dma_start3A_254 = arith.constant 0 : i32
    %dma_start3A_255 = tpu.memref_slice %arg0[%dma_start3A_253, %dma_start3A_254] : memref<32768x1024xf32, #tpu.memory_space<any>> -> memref<512x1024xf32, #tpu.memory_space<any>>
    tpu.enqueue_dma source(%dma_start3A_255 : memref<512x1024xf32, #tpu.memory_space<any>>) target(%arg4 : memref<512x1024xf32, #tpu.memory_space<vmem>>) target_semaphore(%arg13 : memref<!tpu.dma_semaphore, #tpu.memory_space<semaphore_mem>>)
    %dma_wait3A_256 = arith.constant 3584 : i32
    %dma_wait3A_257 = arith.constant 0 : i32
    %dma_wait3A_258 = tpu.memref_slice %arg0[%dma_wait3A_256, %dma_wait3A_257] : memref<32768x1024xf32, #tpu.memory_space<any>> -> memref<512x1024xf32, #tpu.memory_space<any>>
    tpu.wait_dma2 semaphore(%arg14 : memref<!tpu.dma_semaphore, #tpu.memory_space<semaphore_mem>>) src(%dma_wait3A_258 : memref<512x1024xf32, #tpu.memory_space<any>>) dst(%arg5 : memref<512x1024xf32, #tpu.memory_space<vmem>>)
    %get3A_259 = arith.constant 0 : index
    %get3A_260 = arith.constant 0 : index
    %get3A_261 = vector.load %arg5[%get3A_259, %get3A_260] : memref<512x1024xf32, #tpu.memory_space<vmem>>, vector<32x1024xf32>
    %get3A_262 = arith.constant 32 : index
    %get3A_263 = arith.constant 0 : index
    %get3A_264 = vector.load %arg5[%get3A_262, %get3A_263] : memref<512x1024xf32, #tpu.memory_space<vmem>>, vector<32x1024xf32>
    %add3A_265 = arith.addf %get3A_261, %get3A_264 : vector<32x1024xf32>
    %get3A_266 = arith.constant 64 : index
    %get3A_267 = arith.constant 0 : index
    %get3A_268 = vector.load %arg5[%get3A_266, %get3A_267] : memref<512x1024xf32, #tpu.memory_space<vmem>>, vector<32x1024xf32>
    %add3A_269 = arith.addf %add3A_265, %get3A_268 : vector<32x1024xf32>
    %get3A_270 = arith.constant 96 : index
    %get3A_271 = arith.constant 0 : index
    %get3A_272 = vector.load %arg5[%get3A_270, %get3A_271] : memref<512x1024xf32, #tpu.memory_space<vmem>>, vector<32x1024xf32>
    %add3A_273 = arith.addf %add3A_269, %get3A_272 : vector<32x1024xf32>
    %get3A_274 = arith.constant 128 : index
    %get3A_275 = arith.constant 0 : index
    %get3A_276 = vector.load %arg5[%get3A_274, %get3A_275] : memref<512x1024xf32, #tpu.memory_space<vmem>>, vector<32x1024xf32>
    %add3A_277 = arith.addf %add3A_273, %get3A_276 : vector<32x1024xf32>
    %get3A_278 = arith.constant 160 : index
    %get3A_279 = arith.constant 0 : index
    %get3A_280 = vector.load %arg5[%get3A_278, %get3A_279] : memref<512x1024xf32, #tpu.memory_space<vmem>>, vector<32x1024xf32>
    %add3A_281 = arith.addf %add3A_277, %get3A_280 : vector<32x1024xf32>
    %get3A_282 = arith.constant 192 : index
    %get3A_283 = arith.constant 0 : index
    %get3A_284 = vector.load %arg5[%get3A_282, %get3A_283] : memref<512x1024xf32, #tpu.memory_space<vmem>>, vector<32x1024xf32>
    %add3A_285 = arith.addf %add3A_281, %get3A_284 : vector<32x1024xf32>
    %get3A_286 = arith.constant 224 : index
    %get3A_287 = arith.constant 0 : index
    %get3A_288 = vector.load %arg5[%get3A_286, %get3A_287] : memref<512x1024xf32, #tpu.memory_space<vmem>>, vector<32x1024xf32>
    %add3A_289 = arith.addf %add3A_285, %get3A_288 : vector<32x1024xf32>
    %get3A_290 = arith.constant 256 : index
    %get3A_291 = arith.constant 0 : index
    %get3A_292 = vector.load %arg5[%get3A_290, %get3A_291] : memref<512x1024xf32, #tpu.memory_space<vmem>>, vector<32x1024xf32>
    %add3A_293 = arith.addf %add3A_289, %get3A_292 : vector<32x1024xf32>
    %get3A_294 = arith.constant 288 : index
    %get3A_295 = arith.constant 0 : index
    %get3A_296 = vector.load %arg5[%get3A_294, %get3A_295] : memref<512x1024xf32, #tpu.memory_space<vmem>>, vector<32x1024xf32>
    %add3A_297 = arith.addf %add3A_293, %get3A_296 : vector<32x1024xf32>
    %get3A_298 = arith.constant 320 : index
    %get3A_299 = arith.constant 0 : index
    %get3A_300 = vector.load %arg5[%get3A_298, %get3A_299] : memref<512x1024xf32, #tpu.memory_space<vmem>>, vector<32x1024xf32>
    %add3A_301 = arith.addf %add3A_297, %get3A_300 : vector<32x1024xf32>
    %get3A_302 = arith.constant 352 : index
    %get3A_303 = arith.constant 0 : index
    %get3A_304 = vector.load %arg5[%get3A_302, %get3A_303] : memref<512x1024xf32, #tpu.memory_space<vmem>>, vector<32x1024xf32>
    %add3A_305 = arith.addf %add3A_301, %get3A_304 : vector<32x1024xf32>
    %get3A_306 = arith.constant 384 : index
    %get3A_307 = arith.constant 0 : index
    %get3A_308 = vector.load %arg5[%get3A_306, %get3A_307] : memref<512x1024xf32, #tpu.memory_space<vmem>>, vector<32x1024xf32>
    %add3A_309 = arith.addf %add3A_305, %get3A_308 : vector<32x1024xf32>
    %get3A_310 = arith.constant 416 : index
    %get3A_311 = arith.constant 0 : index
    %get3A_312 = vector.load %arg5[%get3A_310, %get3A_311] : memref<512x1024xf32, #tpu.memory_space<vmem>>, vector<32x1024xf32>
    %add3A_313 = arith.addf %add3A_309, %get3A_312 : vector<32x1024xf32>
    %get3A_314 = arith.constant 448 : index
    %get3A_315 = arith.constant 0 : index
    %get3A_316 = vector.load %arg5[%get3A_314, %get3A_315] : memref<512x1024xf32, #tpu.memory_space<vmem>>, vector<32x1024xf32>
    %add3A_317 = arith.addf %add3A_313, %get3A_316 : vector<32x1024xf32>
    %get3A_318 = arith.constant 480 : index
    %get3A_319 = arith.constant 0 : index
    %get3A_320 = vector.load %arg5[%get3A_318, %get3A_319] : memref<512x1024xf32, #tpu.memory_space<vmem>>, vector<32x1024xf32>
    %add3A_321 = arith.addf %add3A_317, %get3A_320 : vector<32x1024xf32>
    %get3A_322 = arith.constant 0 : index
    %get3A_323 = arith.constant 0 : index
    %get3A_324 = arith.constant 0 : index
    %get3A_325 = vector.load %arg10[%get3A_322, %get3A_323, %get3A_324] : memref<4x32x1024xf32, #tpu.memory_space<vmem>>, vector<1x32x1024xf32>
    %get3A_326 = vector.shape_cast %get3A_325 : vector<1x32x1024xf32> to vector<32x1024xf32>
    %add3A_327 = arith.addf %get3A_326, %add3A_321 : vector<32x1024xf32>
    %swap3A_328 = arith.constant 0 : index
    %swap3A_329 = arith.constant 0 : index
    %swap3A_330 = arith.constant 0 : index
    %swap3A_331 = vector.load %arg10[%swap3A_328, %swap3A_329, %swap3A_330] : memref<4x32x1024xf32, #tpu.memory_space<vmem>>, vector<1x32x1024xf32>
    %swap3A_332 = vector.shape_cast %swap3A_331 : vector<1x32x1024xf32> to vector<32x1024xf32>
    %swap3A_333 = vector.shape_cast %add3A_327 : vector<32x1024xf32> to vector<1x32x1024xf32>
    tpu.vector_store %arg10[%swap3A_328, %swap3A_329, %swap3A_330], %swap3A_333 {strides = array<i32>} : memref<4x32x1024xf32, #tpu.memory_space<vmem>>, vector<1x32x1024xf32>,
    %dma_start3A_334 = arith.constant 7680 : i32
    %dma_start3A_335 = arith.constant 0 : i32
    %dma_start3A_336 = tpu.memref_slice %arg0[%dma_start3A_334, %dma_start3A_335] : memref<32768x1024xf32, #tpu.memory_space<any>> -> memref<512x1024xf32, #tpu.memory_space<any>>
    tpu.enqueue_dma source(%dma_start3A_336 : memref<512x1024xf32, #tpu.memory_space<any>>) target(%arg5 : memref<512x1024xf32, #tpu.memory_space<vmem>>) target_semaphore(%arg14 : memref<!tpu.dma_semaphore, #tpu.memory_space<semaphore_mem>>)
    %dma_wait3A_337 = arith.constant 4096 : i32
    %dma_wait3A_338 = arith.constant 0 : i32
    %dma_wait3A_339 = tpu.memref_slice %arg0[%dma_wait3A_337, %dma_wait3A_338] : memref<32768x1024xf32, #tpu.memory_space<any>> -> memref<512x1024xf32, #tpu.memory_space<any>>
    tpu.wait_dma2 semaphore(%arg15 : memref<!tpu.dma_semaphore, #tpu.memory_space<semaphore_mem>>) src(%dma_wait3A_339 : memref<512x1024xf32, #tpu.memory_space<any>>) dst(%arg6 : memref<512x1024xf32, #tpu.memory_space<vmem>>)
    %get3A_340 = arith.constant 0 : index
    %get3A_341 = arith.constant 0 : index
    %get3A_342 = vector.load %arg6[%get3A_340, %get3A_341] : memref<512x1024xf32, #tpu.memory_space<vmem>>, vector<32x1024xf32>
    %get3A_343 = arith.constant 32 : index
    %get3A_344 = arith.constant 0 : index
    %get3A_345 = vector.load %arg6[%get3A_343, %get3A_344] : memref<512x1024xf32, #tpu.memory_space<vmem>>, vector<32x1024xf32>
    %add3A_346 = arith.addf %get3A_342, %get3A_345 : vector<32x1024xf32>
    %get3A_347 = arith.constant 64 : index
    %get3A_348 = arith.constant 0 : index
    %get3A_349 = vector.load %arg6[%get3A_347, %get3A_348] : memref<512x1024xf32, #tpu.memory_space<vmem>>, vector<32x1024xf32>
    %add3A_350 = arith.addf %add3A_346, %get3A_349 : vector<32x1024xf32>
    %get3A_351 = arith.constant 96 : index
    %get3A_352 = arith.constant 0 : index
    %get3A_353 = vector.load %arg6[%get3A_351, %get3A_352] : memref<512x1024xf32, #tpu.memory_space<vmem>>, vector<32x1024xf32>
    %add3A_354 = arith.addf %add3A_350, %get3A_353 : vector<32x1024xf32>
    %get3A_355 = arith.constant 128 : index
    %get3A_356 = arith.constant 0 : index
    %get3A_357 = vector.load %arg6[%get3A_355, %get3A_356] : memref<512x1024xf32, #tpu.memory_space<vmem>>, vector<32x1024xf32>
    %add3A_358 = arith.addf %add3A_354, %get3A_357 : vector<32x1024xf32>
    %get3A_359 = arith.constant 160 : index
    %get3A_360 = arith.constant 0 : index
    %get3A_361 = vector.load %arg6[%get3A_359, %get3A_360] : memref<512x1024xf32, #tpu.memory_space<vmem>>, vector<32x1024xf32>
    %add3A_362 = arith.addf %add3A_358, %get3A_361 : vector<32x1024xf32>
    %get3A_363 = arith.constant 192 : index
    %get3A_364 = arith.constant 0 : index
    %get3A_365 = vector.load %arg6[%get3A_363, %get3A_364] : memref<512x1024xf32, #tpu.memory_space<vmem>>, vector<32x1024xf32>
    %add3A_366 = arith.addf %add3A_362, %get3A_365 : vector<32x1024xf32>
    %get3A_367 = arith.constant 224 : index
    %get3A_368 = arith.constant 0 : index
    %get3A_369 = vector.load %arg6[%get3A_367, %get3A_368] : memref<512x1024xf32, #tpu.memory_space<vmem>>, vector<32x1024xf32>
    %add3A_370 = arith.addf %add3A_366, %get3A_369 : vector<32x1024xf32>
    %get3A_371 = arith.constant 256 : index
    %get3A_372 = arith.constant 0 : index
    %get3A_373 = vector.load %arg6[%get3A_371, %get3A_372] : memref<512x1024xf32, #tpu.memory_space<vmem>>, vector<32x1024xf32>
    %add3A_374 = arith.addf %add3A_370, %get3A_373 : vector<32x1024xf32>
    %get3A_375 = arith.constant 288 : index
    %get3A_376 = arith.constant 0 : index
    %get3A_377 = vector.load %arg6[%get3A_375, %get3A_376] : memref<512x1024xf32, #tpu.memory_space<vmem>>, vector<32x1024xf32>
    %add3A_378 = arith.addf %add3A_374, %get3A_377 : vector<32x1024xf32>
    %get3A_379 = arith.constant 320 : index
    %get3A_380 = arith.constant 0 : index
    %get3A_381 = vector.load %arg6[%get3A_379, %get3A_380] : memref<512x1024xf32, #tpu.memory_space<vmem>>, vector<32x1024xf32>
    %add3A_382 = arith.addf %add3A_378, %get3A_381 : vector<32x1024xf32>
    %get3A_383 = arith.constant 352 : index
    %get3A_384 = arith.constant 0 : index
    %get3A_385 = vector.load %arg6[%get3A_383, %get3A_384] : memref<512x1024xf32, #tpu.memory_space<vmem>>, vector<32x1024xf32>
    %add3A_386 = arith.addf %add3A_382, %get3A_385 : vector<32x1024xf32>
    %get3A_387 = arith.constant 384 : index
    %get3A_388 = arith.constant 0 : index
    %get3A_389 = vector.load %arg6[%get3A_387, %get3A_388] : memref<512x1024xf32, #tpu.memory_space<vmem>>, vector<32x1024xf32>
    %add3A_390 = arith.addf %add3A_386, %get3A_389 : vector<32x1024xf32>
    %get3A_391 = arith.constant 416 : index
    %get3A_392 = arith.constant 0 : index
    %get3A_393 = vector.load %arg6[%get3A_391, %get3A_392] : memref<512x1024xf32, #tpu.memory_space<vmem>>, vector<32x1024xf32>
    %add3A_394 = arith.addf %add3A_390, %get3A_393 : vector<32x1024xf32>
    %get3A_395 = arith.constant 448 : index
    %get3A_396 = arith.constant 0 : index
    %get3A_397 = vector.load %arg6[%get3A_395, %get3A_396] : memref<512x1024xf32, #tpu.memory_space<vmem>>, vector<32x1024xf32>
    %add3A_398 = arith.addf %add3A_394, %get3A_397 : vector<32x1024xf32>
    %get3A_399 = arith.constant 480 : index
    %get3A_400 = arith.constant 0 : index
    %get3A_401 = vector.load %arg6[%get3A_399, %get3A_400] : memref<512x1024xf32, #tpu.memory_space<vmem>>, vector<32x1024xf32>
    %add3A_402 = arith.addf %add3A_398, %get3A_401 : vector<32x1024xf32>
    %get3A_403 = arith.constant 0 : index
    %get3A_404 = arith.constant 0 : index
    %get3A_405 = arith.constant 0 : index
    %get3A_406 = vector.load %arg10[%get3A_403, %get3A_404, %get3A_405] : memref<4x32x1024xf32, #tpu.memory_space<vmem>>, vector<1x32x1024xf32>
    %get3A_407 = vector.shape_cast %get3A_406 : vector<1x32x1024xf32> to vector<32x1024xf32>
    %add3A_408 = arith.addf %get3A_407, %add3A_402 : vector<32x1024xf32>
    %swap3A_409 = arith.constant 0 : index
    %swap3A_410 = arith.constant 0 : index
    %swap3A_411 = arith.constant 0 : index
    %swap3A_412 = vector.load %arg10[%swap3A_409, %swap3A_410, %swap3A_411] : memref<4x32x1024xf32, #tpu.memory_space<vmem>>, vector<1x32x1024xf32>
    %swap3A_413 = vector.shape_cast %swap3A_412 : vector<1x32x1024xf32> to vector<32x1024xf32>
    %swap3A_414 = vector.shape_cast %add3A_408 : vector<32x1024xf32> to vector<1x32x1024xf32>
    tpu.vector_store %arg10[%swap3A_409, %swap3A_410, %swap3A_411], %swap3A_414 {strides = array<i32>} : memref<4x32x1024xf32, #tpu.memory_space<vmem>>, vector<1x32x1024xf32>,
    %dma_start3A_415 = arith.constant 10240 : i32
    %dma_start3A_416 = arith.constant 0 : i32
    %dma_start3A_417 = tpu.memref_slice %arg0[%dma_start3A_415, %dma_start3A_416] : memref<32768x1024xf32, #tpu.memory_space<any>> -> memref<512x1024xf32, #tpu.memory_space<any>>
    tpu.enqueue_dma source(%dma_start3A_417 : memref<512x1024xf32, #tpu.memory_space<any>>) target(%arg6 : memref<512x1024xf32, #tpu.memory_space<vmem>>) target_semaphore(%arg15 : memref<!tpu.dma_semaphore, #tpu.memory_space<semaphore_mem>>)
    %dma_wait3A_418 = arith.constant 4608 : i32
    %dma_wait3A_419 = arith.constant 0 : i32
    %dma_wait3A_420 = tpu.memref_slice %arg0[%dma_wait3A_418, %dma_wait3A_419] : memref<32768x1024xf32, #tpu.memory_space<any>> -> memref<512x1024xf32, #tpu.memory_space<any>>
    tpu.wait_dma2 semaphore(%arg16 : memref<!tpu.dma_semaphore, #tpu.memory_space<semaphore_mem>>) src(%dma_wait3A_420 : memref<512x1024xf32, #tpu.memory_space<any>>) dst(%arg7 : memref<512x1024xf32, #tpu.memory_space<vmem>>)
    %get3A_421 = arith.constant 0 : index
    %get3A_422 = arith.constant 0 : index
    %get3A_423 = vector.load %arg7[%get3A_421, %get3A_422] : memref<512x1024xf32, #tpu.memory_space<vmem>>, vector<32x1024xf32>
    %get3A_424 = arith.constant 32 : index
    %get3A_425 = arith.constant 0 : index
    %get3A_426 = vector.load %arg7[%get3A_424, %get3A_425] : memref<512x1024xf32, #tpu.memory_space<vmem>>, vector<32x1024xf32>
    %add3A_427 = arith.addf %get3A_423, %get3A_426 : vector<32x1024xf32>
    %get3A_428 = arith.constant 64 : index
    %get3A_429 = arith.constant 0 : index
    %get3A_430 = vector.load %arg7[%get3A_428, %get3A_429] : memref<512x1024xf32, #tpu.memory_space<vmem>>, vector<32x1024xf32>
    %add3A_431 = arith.addf %add3A_427, %get3A_430 : vector<32x1024xf32>
    %get3A_432 = arith.constant 96 : index
    %get3A_433 = arith.constant 0 : index
    %get3A_434 = vector.load %arg7[%get3A_432, %get3A_433] : memref<512x1024xf32, #tpu.memory_space<vmem>>, vector<32x1024xf32>
    %add3A_435 = arith.addf %add3A_431, %get3A_434 : vector<32x1024xf32>
    %get3A_436 = arith.constant 128 : index
    %get3A_437 = arith.constant 0 : index
    %get3A_438 = vector.load %arg7[%get3A_436, %get3A_437] : memref<512x1024xf32, #tpu.memory_space<vmem>>, vector<32x1024xf32>
    %add3A_439 = arith.addf %add3A_435, %get3A_438 : vector<32x1024xf32>
    %get3A_440 = arith.constant 160 : index
    %get3A_441 = arith.constant 0 : index
    %get3A_442 = vector.load %arg7[%get3A_440, %get3A_441] : memref<512x1024xf32, #tpu.memory_space<vmem>>, vector<32x1024xf32>
    %add3A_443 = arith.addf %add3A_439, %get3A_442 : vector<32x1024xf32>
    %get3A_444 = arith.constant 192 : index
    %get3A_445 = arith.constant 0 : index
    %get3A_446 = vector.load %arg7[%get3A_444, %get3A_445] : memref<512x1024xf32, #tpu.memory_space<vmem>>, vector<32x1024xf32>
    %add3A_447 = arith.addf %add3A_443, %get3A_446 : vector<32x1024xf32>
    %get3A_448 = arith.constant 224 : index
    %get3A_449 = arith.constant 0 : index
    %get3A_450 = vector.load %arg7[%get3A_448, %get3A_449] : memref<512x1024xf32, #tpu.memory_space<vmem>>, vector<32x1024xf32>
    %add3A_451 = arith.addf %add3A_447, %get3A_450 : vector<32x1024xf32>
    %get3A_452 = arith.constant 256 : index
    %get3A_453 = arith.constant 0 : index
    %get3A_454 = vector.load %arg7[%get3A_452, %get3A_453] : memref<512x1024xf32, #tpu.memory_space<vmem>>, vector<32x1024xf32>
    %add3A_455 = arith.addf %add3A_451, %get3A_454 : vector<32x1024xf32>
    %get3A_456 = arith.constant 288 : index
    %get3A_457 = arith.constant 0 : index
    %get3A_458 = vector.load %arg7[%get3A_456, %get3A_457] : memref<512x1024xf32, #tpu.memory_space<vmem>>, vector<32x1024xf32>
    %add3A_459 = arith.addf %add3A_455, %get3A_458 : vector<32x1024xf32>
    %get3A_460 = arith.constant 320 : index
    %get3A_461 = arith.constant 0 : index
    %get3A_462 = vector.load %arg7[%get3A_460, %get3A_461] : memref<512x1024xf32, #tpu.memory_space<vmem>>, vector<32x1024xf32>
    %add3A_463 = arith.addf %add3A_459, %get3A_462 : vector<32x1024xf32>
    %get3A_464 = arith.constant 352 : index
    %get3A_465 = arith.constant 0 : index
    %get3A_466 = vector.load %arg7[%get3A_464, %get3A_465] : memref<512x1024xf32, #tpu.memory_space<vmem>>, vector<32x1024xf32>
    %add3A_467 = arith.addf %add3A_463, %get3A_466 : vector<32x1024xf32>
    %get3A_468 = arith.constant 384 : index
    %get3A_469 = arith.constant 0 : index
    %get3A_470 = vector.load %arg7[%get3A_468, %get3A_469] : memref<512x1024xf32, #tpu.memory_space<vmem>>, vector<32x1024xf32>
    %add3A_471 = arith.addf %add3A_467, %get3A_470 : vector<32x1024xf32>
    %get3A_472 = arith.constant 416 : index
    %get3A_473 = arith.constant 0 : index
    %get3A_474 = vector.load %arg7[%get3A_472, %get3A_473] : memref<512x1024xf32, #tpu.memory_space<vmem>>, vector<32x1024xf32>
    %add3A_475 = arith.addf %add3A_471, %get3A_474 : vector<32x1024xf32>
    %get3A_476 = arith.constant 448 : index
    %get3A_477 = arith.constant 0 : index
    %get3A_478 = vector.load %arg7[%get3A_476, %get3A_477] : memref<512x1024xf32, #tpu.memory_space<vmem>>, vector<32x1024xf32>
    %add3A_479 = arith.addf %add3A_475, %get3A_478 : vector<32x1024xf32>
    %get3A_480 = arith.constant 480 : index
    %get3A_481 = arith.constant 0 : index
    %get3A_482 = vector.load %arg7[%get3A_480, %get3A_481] : memref<512x1024xf32, #tpu.memory_space<vmem>>, vector<32x1024xf32>
    %add3A_483 = arith.addf %add3A_479, %get3A_482 : vector<32x1024xf32>
    %get3A_484 = arith.constant 0 : index
    %get3A_485 = arith.constant 0 : index
    %get3A_486 = arith.constant 0 : index
    %get3A_487 = vector.load %arg10[%get3A_484, %get3A_485, %get3A_486] : memref<4x32x1024xf32, #tpu.memory_space<vmem>>, vector<1x32x1024xf32>
    %get3A_488 = vector.shape_cast %get3A_487 : vector<1x32x1024xf32> to vector<32x1024xf32>
    %add3A_489 = arith.addf %get3A_488, %add3A_483 : vector<32x1024xf32>
    %swap3A_490 = arith.constant 0 : index
    %swap3A_491 = arith.constant 0 : index
    %swap3A_492 = arith.constant 0 : index
    %swap3A_493 = vector.load %arg10[%swap3A_490, %swap3A_491, %swap3A_492] : memref<4x32x1024xf32, #tpu.memory_space<vmem>>, vector<1x32x1024xf32>
    %swap3A_494 = vector.shape_cast %swap3A_493 : vector<1x32x1024xf32> to vector<32x1024xf32>
    %swap3A_495 = vector.shape_cast %add3A_489 : vector<32x1024xf32> to vector<1x32x1024xf32>
    tpu.vector_store %arg10[%swap3A_490, %swap3A_491, %swap3A_492], %swap3A_495 {strides = array<i32>} : memref<4x32x1024xf32, #tpu.memory_space<vmem>>, vector<1x32x1024xf32>,
    %dma_start3A_496 = arith.constant 10752 : i32
    %dma_start3A_497 = arith.constant 0 : i32
    %dma_start3A_498 = tpu.memref_slice %arg0[%dma_start3A_496, %dma_start3A_497] : memref<32768x1024xf32, #tpu.memory_space<any>> -> memref<512x1024xf32, #tpu.memory_space<any>>
    tpu.enqueue_dma source(%dma_start3A_498 : memref<512x1024xf32, #tpu.memory_space<any>>) target(%arg7 : memref<512x1024xf32, #tpu.memory_space<vmem>>) target_semaphore(%arg16 : memref<!tpu.dma_semaphore, #tpu.memory_space<semaphore_mem>>)
    %dma_wait3A_499 = arith.constant 5120 : i32
    %dma_wait3A_500 = arith.constant 0 : i32
    %dma_wait3A_501 = tpu.memref_slice %arg0[%dma_wait3A_499, %dma_wait3A_500] : memref<32768x1024xf32, #tpu.memory_space<any>> -> memref<512x1024xf32, #tpu.memory_space<any>>
    tpu.wait_dma2 semaphore(%arg17 : memref<!tpu.dma_semaphore, #tpu.memory_space<semaphore_mem>>) src(%dma_wait3A_501 : memref<512x1024xf32, #tpu.memory_space<any>>) dst(%arg8 : memref<512x1024xf32, #tpu.memory_space<vmem>>)
    %get3A_502 = arith.constant 0 : index
    %get3A_503 = arith.constant 0 : index
    %get3A_504 = vector.load %arg8[%get3A_502, %get3A_503] : memref<512x1024xf32, #tpu.memory_space<vmem>>, vector<32x1024xf32>
    %get3A_505 = arith.constant 32 : index
    %get3A_506 = arith.constant 0 : index
    %get3A_507 = vector.load %arg8[%get3A_505, %get3A_506] : memref<512x1024xf32, #tpu.memory_space<vmem>>, vector<32x1024xf32>
    %add3A_508 = arith.addf %get3A_504, %get3A_507 : vector<32x1024xf32>
    %get3A_509 = arith.constant 64 : index
    %get3A_510 = arith.constant 0 : index
    %get3A_511 = vector.load %arg8[%get3A_509, %get3A_510] : memref<512x1024xf32, #tpu.memory_space<vmem>>, vector<32x1024xf32>
    %add3A_512 = arith.addf %add3A_508, %get3A_511 : vector<32x1024xf32>
    %get3A_513 = arith.constant 96 : index
    %get3A_514 = arith.constant 0 : index
    %get3A_515 = vector.load %arg8[%get3A_513, %get3A_514] : memref<512x1024xf32, #tpu.memory_space<vmem>>, vector<32x1024xf32>
    %add3A_516 = arith.addf %add3A_512, %get3A_515 : vector<32x1024xf32>
    %get3A_517 = arith.constant 128 : index
    %get3A_518 = arith.constant 0 : index
    %get3A_519 = vector.load %arg8[%get3A_517, %get3A_518] : memref<512x1024xf32, #tpu.memory_space<vmem>>, vector<32x1024xf32>
    %add3A_520 = arith.addf %add3A_516, %get3A_519 : vector<32x1024xf32>
    %get3A_521 = arith.constant 160 : index
    %get3A_522 = arith.constant 0 : index
    %get3A_523 = vector.load %arg8[%get3A_521, %get3A_522] : memref<512x1024xf32, #tpu.memory_space<vmem>>, vector<32x1024xf32>
    %add3A_524 = arith.addf %add3A_520, %get3A_523 : vector<32x1024xf32>
    %get3A_525 = arith.constant 192 : index
    %get3A_526 = arith.constant 0 : index
    %get3A_527 = vector.load %arg8[%get3A_525, %get3A_526] : memref<512x1024xf32, #tpu.memory_space<vmem>>, vector<32x1024xf32>
    %add3A_528 = arith.addf %add3A_524, %get3A_527 : vector<32x1024xf32>
    %get3A_529 = arith.constant 224 : index
    %get3A_530 = arith.constant 0 : index
    %get3A_531 = vector.load %arg8[%get3A_529, %get3A_530] : memref<512x1024xf32, #tpu.memory_space<vmem>>, vector<32x1024xf32>
    %add3A_532 = arith.addf %add3A_528, %get3A_531 : vector<32x1024xf32>
    %get3A_533 = arith.constant 256 : index
    %get3A_534 = arith.constant 0 : index
    %get3A_535 = vector.load %arg8[%get3A_533, %get3A_534] : memref<512x1024xf32, #tpu.memory_space<vmem>>, vector<32x1024xf32>
    %add3A_536 = arith.addf %add3A_532, %get3A_535 : vector<32x1024xf32>
    %get3A_537 = arith.constant 288 : index
    %get3A_538 = arith.constant 0 : index
    %get3A_539 = vector.load %arg8[%get3A_537, %get3A_538] : memref<512x1024xf32, #tpu.memory_space<vmem>>, vector<32x1024xf32>
    %add3A_540 = arith.addf %add3A_536, %get3A_539 : vector<32x1024xf32>
    %get3A_541 = arith.constant 320 : index
    %get3A_542 = arith.constant 0 : index
    %get3A_543 = vector.load %arg8[%get3A_541, %get3A_542] : memref<512x1024xf32, #tpu.memory_space<vmem>>, vector<32x1024xf32>
    %add3A_544 = arith.addf %add3A_540, %get3A_543 : vector<32x1024xf32>
    %get3A_545 = arith.constant 352 : index
    %get3A_546 = arith.constant 0 : index
    %get3A_547 = vector.load %arg8[%get3A_545, %get3A_546] : memref<512x1024xf32, #tpu.memory_space<vmem>>, vector<32x1024xf32>
    %add3A_548 = arith.addf %add3A_544, %get3A_547 : vector<32x1024xf32>
    %get3A_549 = arith.constant 384 : index
    %get3A_550 = arith.constant 0 : index
    %get3A_551 = vector.load %arg8[%get3A_549, %get3A_550] : memref<512x1024xf32, #tpu.memory_space<vmem>>, vector<32x1024xf32>
    %add3A_552 = arith.addf %add3A_548, %get3A_551 : vector<32x1024xf32>
    %get3A_553 = arith.constant 416 : index
    %get3A_554 = arith.constant 0 : index
    %get3A_555 = vector.load %arg8[%get3A_553, %get3A_554] : memref<512x1024xf32, #tpu.memory_space<vmem>>, vector<32x1024xf32>
    %add3A_556 = arith.addf %add3A_552, %get3A_555 : vector<32x1024xf32>
    %get3A_557 = arith.constant 448 : index
    %get3A_558 = arith.constant 0 : index
    %get3A_559 = vector.load %arg8[%get3A_557, %get3A_558] : memref<512x1024xf32, #tpu.memory_space<vmem>>, vector<32x1024xf32>
    %add3A_560 = arith.addf %add3A_556, %get3A_559 : vector<32x1024xf32>
    %get3A_561 = arith.constant 480 : index
    %get3A_562 = arith.constant 0 : index
    %get3A_563 = vector.load %arg8[%get3A_561, %get3A_562] : memref<512x1024xf32, #tpu.memory_space<vmem>>, vector<32x1024xf32>
    %add3A_564 = arith.addf %add3A_560, %get3A_563 : vector<32x1024xf32>
    %get3A_565 = arith.constant 0 : index
    %get3A_566 = arith.constant 0 : index
    %get3A_567 = arith.constant 0 : index
    %get3A_568 = vector.load %arg10[%get3A_565, %get3A_566, %get3A_567] : memref<4x32x1024xf32, #tpu.memory_space<vmem>>, vector<1x32x1024xf32>
    %get3A_569 = vector.shape_cast %get3A_568 : vector<1x32x1024xf32> to vector<32x1024xf32>
    %add3A_570 = arith.addf %get3A_569, %add3A_564 : vector<32x1024xf32>
    %swap3A_571 = arith.constant 0 : index
    %swap3A_572 = arith.constant 0 : index
    %swap3A_573 = arith.constant 0 : index
    %swap3A_574 = vector.load %arg10[%swap3A_571, %swap3A_572, %swap3A_573] : memref<4x32x1024xf32, #tpu.memory_space<vmem>>, vector<1x32x1024xf32>
    %swap3A_575 = vector.shape_cast %swap3A_574 : vector<1x32x1024xf32> to vector<32x1024xf32>
    %swap3A_576 = vector.shape_cast %add3A_570 : vector<32x1024xf32> to vector<1x32x1024xf32>
    tpu.vector_store %arg10[%swap3A_571, %swap3A_572, %swap3A_573], %swap3A_576 {strides = array<i32>} : memref<4x32x1024xf32, #tpu.memory_space<vmem>>, vector<1x32x1024xf32>,
    %dma_start3A_577 = arith.constant 11264 : i32
    %dma_start3A_578 = arith.constant 0 : i32
    %dma_start3A_579 = tpu.memref_slice %arg0[%dma_start3A_577, %dma_start3A_578] : memref<32768x1024xf32, #tpu.memory_space<any>> -> memref<512x1024xf32, #tpu.memory_space<any>>
    tpu.enqueue_dma source(%dma_start3A_579 : memref<512x1024xf32, #tpu.memory_space<any>>) target(%arg8 : memref<512x1024xf32, #tpu.memory_space<vmem>>) target_semaphore(%arg17 : memref<!tpu.dma_semaphore, #tpu.memory_space<semaphore_mem>>)
    %dma_wait3A_580 = arith.constant 5632 : i32
    %dma_wait3A_581 = arith.constant 0 : i32
    %dma_wait3A_582 = tpu.memref_slice %arg0[%dma_wait3A_580, %dma_wait3A_581] : memref<32768x1024xf32, #tpu.memory_space<any>> -> memref<512x1024xf32, #tpu.memory_space<any>>
    tpu.wait_dma2 semaphore(%arg18 : memref<!tpu.dma_semaphore, #tpu.memory_space<semaphore_mem>>) src(%dma_wait3A_582 : memref<512x1024xf32, #tpu.memory_space<any>>) dst(%arg9 : memref<512x1024xf32, #tpu.memory_space<vmem>>)
    %get3A_583 = arith.constant 0 : index
    %get3A_584 = arith.constant 0 : index
    %get3A_585 = vector.load %arg9[%get3A_583, %get3A_584] : memref<512x1024xf32, #tpu.memory_space<vmem>>, vector<32x1024xf32>
    %get3A_586 = arith.constant 32 : index
    %get3A_587 = arith.constant 0 : index
    %get3A_588 = vector.load %arg9[%get3A_586, %get3A_587] : memref<512x1024xf32, #tpu.memory_space<vmem>>, vector<32x1024xf32>
    %add3A_589 = arith.addf %get3A_585, %get3A_588 : vector<32x1024xf32>
    %get3A_590 = arith.constant 64 : index
    %get3A_591 = arith.constant 0 : index
    %get3A_592 = vector.load %arg9[%get3A_590, %get3A_591] : memref<512x1024xf32, #tpu.memory_space<vmem>>, vector<32x1024xf32>
    %add3A_593 = arith.addf %add3A_589, %get3A_592 : vector<32x1024xf32>
    %get3A_594 = arith.constant 96 : index
    %get3A_595 = arith.constant 0 : index
    %get3A_596 = vector.load %arg9[%get3A_594, %get3A_595] : memref<512x1024xf32, #tpu.memory_space<vmem>>, vector<32x1024xf32>
    %add3A_597 = arith.addf %add3A_593, %get3A_596 : vector<32x1024xf32>
    %get3A_598 = arith.constant 128 : index
    %get3A_599 = arith.constant 0 : index
    %get3A_600 = vector.load %arg9[%get3A_598, %get3A_599] : memref<512x1024xf32, #tpu.memory_space<vmem>>, vector<32x1024xf32>
    %add3A_601 = arith.addf %add3A_597, %get3A_600 : vector<32x1024xf32>
    %get3A_602 = arith.constant 160 : index
    %get3A_603 = arith.constant 0 : index
    %get3A_604 = vector.load %arg9[%get3A_602, %get3A_603] : memref<512x1024xf32, #tpu.memory_space<vmem>>, vector<32x1024xf32>
    %add3A_605 = arith.addf %add3A_601, %get3A_604 : vector<32x1024xf32>
    %get3A_606 = arith.constant 192 : index
    %get3A_607 = arith.constant 0 : index
    %get3A_608 = vector.load %arg9[%get3A_606, %get3A_607] : memref<512x1024xf32, #tpu.memory_space<vmem>>, vector<32x1024xf32>
    %add3A_609 = arith.addf %add3A_605, %get3A_608 : vector<32x1024xf32>
    %get3A_610 = arith.constant 224 : index
    %get3A_611 = arith.constant 0 : index
    %get3A_612 = vector.load %arg9[%get3A_610, %get3A_611] : memref<512x1024xf32, #tpu.memory_space<vmem>>, vector<32x1024xf32>
    %add3A_613 = arith.addf %add3A_609, %get3A_612 : vector<32x1024xf32>
    %get3A_614 = arith.constant 256 : index
    %get3A_615 = arith.constant 0 : index
    %get3A_616 = vector.load %arg9[%get3A_614, %get3A_615] : memref<512x1024xf32, #tpu.memory_space<vmem>>, vector<32x1024xf32>
    %add3A_617 = arith.addf %add3A_613, %get3A_616 : vector<32x1024xf32>
    %get3A_618 = arith.constant 288 : index
    %get3A_619 = arith.constant 0 : index
    %get3A_620 = vector.load %arg9[%get3A_618, %get3A_619] : memref<512x1024xf32, #tpu.memory_space<vmem>>, vector<32x1024xf32>
    %add3A_621 = arith.addf %add3A_617, %get3A_620 : vector<32x1024xf32>
    %get3A_622 = arith.constant 320 : index
    %get3A_623 = arith.constant 0 : index
    %get3A_624 = vector.load %arg9[%get3A_622, %get3A_623] : memref<512x1024xf32, #tpu.memory_space<vmem>>, vector<32x1024xf32>
    %add3A_625 = arith.addf %add3A_621, %get3A_624 : vector<32x1024xf32>
    %get3A_626 = arith.constant 352 : index
    %get3A_627 = arith.constant 0 : index
    %get3A_628 = vector.load %arg9[%get3A_626, %get3A_627] : memref<512x1024xf32, #tpu.memory_space<vmem>>, vector<32x1024xf32>
    %add3A_629 = arith.addf %add3A_625, %get3A_628 : vector<32x1024xf32>
    %get3A_630 = arith.constant 384 : index
    %get3A_631 = arith.constant 0 : index
    %get3A_632 = vector.load %arg9[%get3A_630, %get3A_631] : memref<512x1024xf32, #tpu.memory_space<vmem>>, vector<32x1024xf32>
    %add3A_633 = arith.addf %add3A_629, %get3A_632 : vector<32x1024xf32>
    %get3A_634 = arith.constant 416 : index
    %get3A_635 = arith.constant 0 : index
    %get3A_636 = vector.load %arg9[%get3A_634, %get3A_635] : memref<512x1024xf32, #tpu.memory_space<vmem>>, vector<32x1024xf32>
    %add3A_637 = arith.addf %add3A_633, %get3A_636 : vector<32x1024xf32>
    %get3A_638 = arith.constant 448 : index
    %get3A_639 = arith.constant 0 : index
    %get3A_640 = vector.load %arg9[%get3A_638, %get3A_639] : memref<512x1024xf32, #tpu.memory_space<vmem>>, vector<32x1024xf32>
    %add3A_641 = arith.addf %add3A_637, %get3A_640 : vector<32x1024xf32>
    %get3A_642 = arith.constant 480 : index
    %get3A_643 = arith.constant 0 : index
    %get3A_644 = vector.load %arg9[%get3A_642, %get3A_643] : memref<512x1024xf32, #tpu.memory_space<vmem>>, vector<32x1024xf32>
    %add3A_645 = arith.addf %add3A_641, %get3A_644 : vector<32x1024xf32>
    %get3A_646 = arith.constant 0 : index
    %get3A_647 = arith.constant 0 : index
    %get3A_648 = arith.constant 0 : index
    %get3A_649 = vector.load %arg10[%get3A_646, %get3A_647, %get3A_648] : memref<4x32x1024xf32, #tpu.memory_space<vmem>>, vector<1x32x1024xf32>
    %get3A_650 = vector.shape_cast %get3A_649 : vector<1x32x1024xf32> to vector<32x1024xf32>
    %add3A_651 = arith.addf %get3A_650, %add3A_645 : vector<32x1024xf32>
    %swap3A_652 = arith.constant 0 : index
    %swap3A_653 = arith.constant 0 : index
    %swap3A_654 = arith.constant 0 : index
    %swap3A_655 = vector.load %arg10[%swap3A_652, %swap3A_653, %swap3A_654] : memref<4x32x1024xf32, #tpu.memory_space<vmem>>, vector<1x32x1024xf32>
    %swap3A_656 = vector.shape_cast %swap3A_655 : vector<1x32x1024xf32> to vector<32x1024xf32>
    %swap3A_657 = vector.shape_cast %add3A_651 : vector<32x1024xf32> to vector<1x32x1024xf32>
    tpu.vector_store %arg10[%swap3A_652, %swap3A_653, %swap3A_654], %swap3A_657 {strides = array<i32>} : memref<4x32x1024xf32, #tpu.memory_space<vmem>>, vector<1x32x1024xf32>,
    %dma_start3A_658 = arith.constant 11776 : i32
    %dma_start3A_659 = arith.constant 0 : i32
    %dma_start3A_660 = tpu.memref_slice %arg0[%dma_start3A_658, %dma_start3A_659] : memref<32768x1024xf32, #tpu.memory_space<any>> -> memref<512x1024xf32, #tpu.memory_space<any>>
    tpu.enqueue_dma source(%dma_start3A_660 : memref<512x1024xf32, #tpu.memory_space<any>>) target(%arg9 : memref<512x1024xf32, #tpu.memory_space<vmem>>) target_semaphore(%arg18 : memref<!tpu.dma_semaphore, #tpu.memory_space<semaphore_mem>>)
    %dma_wait3A_661 = arith.constant 6144 : i32
    %dma_wait3A_662 = arith.constant 0 : i32
    %dma_wait3A_663 = tpu.memref_slice %arg0[%dma_wait3A_661, %dma_wait3A_662] : memref<32768x1024xf32, #tpu.memory_space<any>> -> memref<512x1024xf32, #tpu.memory_space<any>>
    tpu.wait_dma2 semaphore(%arg11 : memref<!tpu.dma_semaphore, #tpu.memory_space<semaphore_mem>>) src(%dma_wait3A_663 : memref<512x1024xf32, #tpu.memory_space<any>>) dst(%arg2 : memref<512x1024xf32, #tpu.memory_space<vmem>>)
    %get3A_664 = arith.constant 0 : index
    %get3A_665 = arith.constant 0 : index
    %get3A_666 = vector.load %arg2[%get3A_664, %get3A_665] : memref<512x1024xf32, #tpu.memory_space<vmem>>, vector<32x1024xf32>
    %get3A_667 = arith.constant 32 : index
    %get3A_668 = arith.constant 0 : index
    %get3A_669 = vector.load %arg2[%get3A_667, %get3A_668] : memref<512x1024xf32, #tpu.memory_space<vmem>>, vector<32x1024xf32>
    %add3A_670 = arith.addf %get3A_666, %get3A_669 : vector<32x1024xf32>
    %get3A_671 = arith.constant 64 : index
    %get3A_672 = arith.constant 0 : index
    %get3A_673 = vector.load %arg2[%get3A_671, %get3A_672] : memref<512x1024xf32, #tpu.memory_space<vmem>>, vector<32x1024xf32>
    %add3A_674 = arith.addf %add3A_670, %get3A_673 : vector<32x1024xf32>
    %get3A_675 = arith.constant 96 : index
    %get3A_676 = arith.constant 0 : index
    %get3A_677 = vector.load %arg2[%get3A_675, %get3A_676] : memref<512x1024xf32, #tpu.memory_space<vmem>>, vector<32x1024xf32>
    %add3A_678 = arith.addf %add3A_674, %get3A_677 : vector<32x1024xf32>
    %get3A_679 = arith.constant 128 : index
    %get3A_680 = arith.constant 0 : index
    %get3A_681 = vector.load %arg2[%get3A_679, %get3A_680] : memref<512x1024xf32, #tpu.memory_space<vmem>>, vector<32x1024xf32>
    %add3A_682 = arith.addf %add3A_678, %get3A_681 : vector<32x1024xf32>
    %get3A_683 = arith.constant 160 : index
    %get3A_684 = arith.constant 0 : index
    %get3A_685 = vector.load %arg2[%get3A_683, %get3A_684] : memref<512x1024xf32, #tpu.memory_space<vmem>>, vector<32x1024xf32>
    %add3A_686 = arith.addf %add3A_682, %get3A_685 : vector<32x1024xf32>
    %get3A_687 = arith.constant 192 : index
    %get3A_688 = arith.constant 0 : index
    %get3A_689 = vector.load %arg2[%get3A_687, %get3A_688] : memref<512x1024xf32, #tpu.memory_space<vmem>>, vector<32x1024xf32>
    %add3A_690 = arith.addf %add3A_686, %get3A_689 : vector<32x1024xf32>
    %get3A_691 = arith.constant 224 : index
    %get3A_692 = arith.constant 0 : index
    %get3A_693 = vector.load %arg2[%get3A_691, %get3A_692] : memref<512x1024xf32, #tpu.memory_space<vmem>>, vector<32x1024xf32>
    %add3A_694 = arith.addf %add3A_690, %get3A_693 : vector<32x1024xf32>
    %get3A_695 = arith.constant 256 : index
    %get3A_696 = arith.constant 0 : index
    %get3A_697 = vector.load %arg2[%get3A_695, %get3A_696] : memref<512x1024xf32, #tpu.memory_space<vmem>>, vector<32x1024xf32>
    %add3A_698 = arith.addf %add3A_694, %get3A_697 : vector<32x1024xf32>
    %get3A_699 = arith.constant 288 : index
    %get3A_700 = arith.constant 0 : index
    %get3A_701 = vector.load %arg2[%get3A_699, %get3A_700] : memref<512x1024xf32, #tpu.memory_space<vmem>>, vector<32x1024xf32>
    %add3A_702 = arith.addf %add3A_698, %get3A_701 : vector<32x1024xf32>
    %get3A_703 = arith.constant 320 : index
    %get3A_704 = arith.constant 0 : index
    %get3A_705 = vector.load %arg2[%get3A_703, %get3A_704] : memref<512x1024xf32, #tpu.memory_space<vmem>>, vector<32x1024xf32>
    %add3A_706 = arith.addf %add3A_702, %get3A_705 : vector<32x1024xf32>
    %get3A_707 = arith.constant 352 : index
    %get3A_708 = arith.constant 0 : index
    %get3A_709 = vector.load %arg2[%get3A_707, %get3A_708] : memref<512x1024xf32, #tpu.memory_space<vmem>>, vector<32x1024xf32>
    %add3A_710 = arith.addf %add3A_706, %get3A_709 : vector<32x1024xf32>
    %get3A_711 = arith.constant 384 : index
    %get3A_712 = arith.constant 0 : index
    %get3A_713 = vector.load %arg2[%get3A_711, %get3A_712] : memref<512x1024xf32, #tpu.memory_space<vmem>>, vector<32x1024xf32>
    %add3A_714 = arith.addf %add3A_710, %get3A_713 : vector<32x1024xf32>
    %get3A_715 = arith.constant 416 : index
    %get3A_716 = arith.constant 0 : index
    %get3A_717 = vector.load %arg2[%get3A_715, %get3A_716] : memref<512x1024xf32, #tpu.memory_space<vmem>>, vector<32x1024xf32>
    %add3A_718 = arith.addf %add3A_714, %get3A_717 : vector<32x1024xf32>
    %get3A_719 = arith.constant 448 : index
    %get3A_720 = arith.constant 0 : index
    %get3A_721 = vector.load %arg2[%get3A_719, %get3A_720] : memref<512x1024xf32, #tpu.memory_space<vmem>>, vector<32x1024xf32>
    %add3A_722 = arith.addf %add3A_718, %get3A_721 : vector<32x1024xf32>
    %get3A_723 = arith.constant 480 : index
    %get3A_724 = arith.constant 0 : index
    %get3A_725 = vector.load %arg2[%get3A_723, %get3A_724] : memref<512x1024xf32, #tpu.memory_space<vmem>>, vector<32x1024xf32>
    %add3A_726 = arith.addf %add3A_722, %get3A_725 : vector<32x1024xf32>
    %get3A_727 = arith.constant 0 : index
    %get3A_728 = arith.constant 0 : index
    %get3A_729 = arith.constant 0 : index
    %get3A_730 = vector.load %arg10[%get3A_727, %get3A_728, %get3A_729] : memref<4x32x1024xf32, #tpu.memory_space<vmem>>, vector<1x32x1024xf32>
    %get3A_731 = vector.shape_cast %get3A_730 : vector<1x32x1024xf32> to vector<32x1024xf32>
    %add3A_732 = arith.addf %get3A_731, %add3A_726 : vector<32x1024xf32>
    %swap3A_733 = arith.constant 0 : index
    %swap3A_734 = arith.constant 0 : index
    %swap3A_735 = arith.constant 0 : index
    %swap3A_736 = vector.load %arg10[%swap3A_733, %swap3A_734, %swap3A_735] : memref<4x32x1024xf32, #tpu.memory_space<vmem>>, vector<1x32x1024xf32>
    %swap3A_737 = vector.shape_cast %swap3A_736 : vector<1x32x1024xf32> to vector<32x1024xf32>
    %swap3A_738 = vector.shape_cast %add3A_732 : vector<32x1024xf32> to vector<1x32x1024xf32>
    tpu.vector_store %arg10[%swap3A_733, %swap3A_734, %swap3A_735], %swap3A_738 {strides = array<i32>} : memref<4x32x1024xf32, #tpu.memory_space<vmem>>, vector<1x32x1024xf32>,
    %dma_start3A_739 = arith.constant 12288 : i32
    %dma_start3A_740 = arith.constant 0 : i32
    %dma_start3A_741 = tpu.memref_slice %arg0[%dma_start3A_739, %dma_start3A_740] : memref<32768x1024xf32, #tpu.memory_space<any>> -> memref<512x1024xf32, #tpu.memory_space<any>>
    tpu.enqueue_dma source(%dma_start3A_741 : memref<512x1024xf32, #tpu.memory_space<any>>) target(%arg2 : memref<512x1024xf32, #tpu.memory_space<vmem>>) target_semaphore(%arg11 : memref<!tpu.dma_semaphore, #tpu.memory_space<semaphore_mem>>)
    %dma_wait3A_742 = arith.constant 6656 : i32
    %dma_wait3A_743 = arith.constant 0 : i32
    %dma_wait3A_744 = tpu.memref_slice %arg0[%dma_wait3A_742, %dma_wait3A_743] : memref<32768x1024xf32, #tpu.memory_space<any>> -> memref<512x1024xf32, #tpu.memory_space<any>>
    tpu.wait_dma2 semaphore(%arg12 : memref<!tpu.dma_semaphore, #tpu.memory_space<semaphore_mem>>) src(%dma_wait3A_744 : memref<512x1024xf32, #tpu.memory_space<any>>) dst(%arg3 : memref<512x1024xf32, #tpu.memory_space<vmem>>)
    %get3A_745 = arith.constant 0 : index
    %get3A_746 = arith.constant 0 : index
    %get3A_747 = vector.load %arg3[%get3A_745, %get3A_746] : memref<512x1024xf32, #tpu.memory_space<vmem>>, vector<32x1024xf32>
    %get3A_748 = arith.constant 32 : index
    %get3A_749 = arith.constant 0 : index
    %get3A_750 = vector.load %arg3[%get3A_748, %get3A_749] : memref<512x1024xf32, #tpu.memory_space<vmem>>, vector<32x1024xf32>
    %add3A_751 = arith.addf %get3A_747, %get3A_750 : vector<32x1024xf32>
    %get3A_752 = arith.constant 64 : index
    %get3A_753 = arith.constant 0 : index
    %get3A_754 = vector.load %arg3[%get3A_752, %get3A_753] : memref<512x1024xf32, #tpu.memory_space<vmem>>, vector<32x1024xf32>
    %add3A_755 = arith.addf %add3A_751, %get3A_754 : vector<32x1024xf32>
    %get3A_756 = arith.constant 96 : index
    %get3A_757 = arith.constant 0 : index
    %get3A_758 = vector.load %arg3[%get3A_756, %get3A_757] : memref<512x1024xf32, #tpu.memory_space<vmem>>, vector<32x1024xf32>
    %add3A_759 = arith.addf %add3A_755, %get3A_758 : vector<32x1024xf32>
    %get3A_760 = arith.constant 128 : index
    %get3A_761 = arith.constant 0 : index
    %get3A_762 = vector.load %arg3[%get3A_760, %get3A_761] : memref<512x1024xf32, #tpu.memory_space<vmem>>, vector<32x1024xf32>
    %add3A_763 = arith.addf %add3A_759, %get3A_762 : vector<32x1024xf32>
    %get3A_764 = arith.constant 160 : index
    %get3A_765 = arith.constant 0 : index
    %get3A_766 = vector.load %arg3[%get3A_764, %get3A_765] : memref<512x1024xf32, #tpu.memory_space<vmem>>, vector<32x1024xf32>
    %add3A_767 = arith.addf %add3A_763, %get3A_766 : vector<32x1024xf32>
    %get3A_768 = arith.constant 192 : index
    %get3A_769 = arith.constant 0 : index
    %get3A_770 = vector.load %arg3[%get3A_768, %get3A_769] : memref<512x1024xf32, #tpu.memory_space<vmem>>, vector<32x1024xf32>
    %add3A_771 = arith.addf %add3A_767, %get3A_770 : vector<32x1024xf32>
    %get3A_772 = arith.constant 224 : index
    %get3A_773 = arith.constant 0 : index
    %get3A_774 = vector.load %arg3[%get3A_772, %get3A_773] : memref<512x1024xf32, #tpu.memory_space<vmem>>, vector<32x1024xf32>
    %add3A_775 = arith.addf %add3A_771, %get3A_774 : vector<32x1024xf32>
    %get3A_776 = arith.constant 256 : index
    %get3A_777 = arith.constant 0 : index
    %get3A_778 = vector.load %arg3[%get3A_776, %get3A_777] : memref<512x1024xf32, #tpu.memory_space<vmem>>, vector<32x1024xf32>
    %add3A_779 = arith.addf %add3A_775, %get3A_778 : vector<32x1024xf32>
    %get3A_780 = arith.constant 288 : index
    %get3A_781 = arith.constant 0 : index
    %get3A_782 = vector.load %arg3[%get3A_780, %get3A_781] : memref<512x1024xf32, #tpu.memory_space<vmem>>, vector<32x1024xf32>
    %add3A_783 = arith.addf %add3A_779, %get3A_782 : vector<32x1024xf32>
    %get3A_784 = arith.constant 320 : index
    %get3A_785 = arith.constant 0 : index
    %get3A_786 = vector.load %arg3[%get3A_784, %get3A_785] : memref<512x1024xf32, #tpu.memory_space<vmem>>, vector<32x1024xf32>
    %add3A_787 = arith.addf %add3A_783, %get3A_786 : vector<32x1024xf32>
    %get3A_788 = arith.constant 352 : index
    %get3A_789 = arith.constant 0 : index
    %get3A_790 = vector.load %arg3[%get3A_788, %get3A_789] : memref<512x1024xf32, #tpu.memory_space<vmem>>, vector<32x1024xf32>
    %add3A_791 = arith.addf %add3A_787, %get3A_790 : vector<32x1024xf32>
    %get3A_792 = arith.constant 384 : index
    %get3A_793 = arith.constant 0 : index
    %get3A_794 = vector.load %arg3[%get3A_792, %get3A_793] : memref<512x1024xf32, #tpu.memory_space<vmem>>, vector<32x1024xf32>
    %add3A_795 = arith.addf %add3A_791, %get3A_794 : vector<32x1024xf32>
    %get3A_796 = arith.constant 416 : index
    %get3A_797 = arith.constant 0 : index
    %get3A_798 = vector.load %arg3[%get3A_796, %get3A_797] : memref<512x1024xf32, #tpu.memory_space<vmem>>, vector<32x1024xf32>
    %add3A_799 = arith.addf %add3A_795, %get3A_798 : vector<32x1024xf32>
    %get3A_800 = arith.constant 448 : index
    %get3A_801 = arith.constant 0 : index
    %get3A_802 = vector.load %arg3[%get3A_800, %get3A_801] : memref<512x1024xf32, #tpu.memory_space<vmem>>, vector<32x1024xf32>
    %add3A_803 = arith.addf %add3A_799, %get3A_802 : vector<32x1024xf32>
    %get3A_804 = arith.constant 480 : index
    %get3A_805 = arith.constant 0 : index
    %get3A_806 = vector.load %arg3[%get3A_804, %get3A_805] : memref<512x1024xf32, #tpu.memory_space<vmem>>, vector<32x1024xf32>
    %add3A_807 = arith.addf %add3A_803, %get3A_806 : vector<32x1024xf32>
    %get3A_808 = arith.constant 0 : index
    %get3A_809 = arith.constant 0 : index
    %get3A_810 = arith.constant 0 : index
    %get3A_811 = vector.load %arg10[%get3A_808, %get3A_809, %get3A_810] : memref<4x32x1024xf32, #tpu.memory_space<vmem>>, vector<1x32x1024xf32>
    %get3A_812 = vector.shape_cast %get3A_811 : vector<1x32x1024xf32> to vector<32x1024xf32>
    %add3A_813 = arith.addf %get3A_812, %add3A_807 : vector<32x1024xf32>
    %swap3A_814 = arith.constant 0 : index
    %swap3A_815 = arith.constant 0 : index
    %swap3A_816 = arith.constant 0 : index
    %swap3A_817 = vector.load %arg10[%swap3A_814, %swap3A_815, %swap3A_816] : memref<4x32x1024xf32, #tpu.memory_space<vmem>>, vector<1x32x1024xf32>
    %swap3A_818 = vector.shape_cast %swap3A_817 : vector<1x32x1024xf32> to vector<32x1024xf32>
    %swap3A_819 = vector.shape_cast %add3A_813 : vector<32x1024xf32> to vector<1x32x1024xf32>
    tpu.vector_store %arg10[%swap3A_814, %swap3A_815, %swap3A_816], %swap3A_819 {strides = array<i32>} : memref<4x32x1024xf32, #tpu.memory_space<vmem>>, vector<1x32x1024xf32>,
    %dma_start3A_820 = arith.constant 12800 : i32
    %dma_start3A_821 = arith.constant 0 : i32
    %dma_start3A_822 = tpu.memref_slice %arg0[%dma_start3A_820, %dma_start3A_821] : memref<32768x1024xf32, #tpu.memory_space<any>> -> memref<512x1024xf32, #tpu.memory_space<any>>
    tpu.enqueue_dma source(%dma_start3A_822 : memref<512x1024xf32, #tpu.memory_space<any>>) target(%arg3 : memref<512x1024xf32, #tpu.memory_space<vmem>>) target_semaphore(%arg12 : memref<!tpu.dma_semaphore, #tpu.memory_space<semaphore_mem>>)
    %dma_wait3A_823 = arith.constant 7168 : i32
    %dma_wait3A_824 = arith.constant 0 : i32
    %dma_wait3A_825 = tpu.memref_slice %arg0[%dma_wait3A_823, %dma_wait3A_824] : memref<32768x1024xf32, #tpu.memory_space<any>> -> memref<512x1024xf32, #tpu.memory_space<any>>
    tpu.wait_dma2 semaphore(%arg13 : memref<!tpu.dma_semaphore, #tpu.memory_space<semaphore_mem>>) src(%dma_wait3A_825 : memref<512x1024xf32, #tpu.memory_space<any>>) dst(%arg4 : memref<512x1024xf32, #tpu.memory_space<vmem>>)
    %get3A_826 = arith.constant 0 : index
    %get3A_827 = arith.constant 0 : index
    %get3A_828 = vector.load %arg4[%get3A_826, %get3A_827] : memref<512x1024xf32, #tpu.memory_space<vmem>>, vector<32x1024xf32>
    %get3A_829 = arith.constant 32 : index
    %get3A_830 = arith.constant 0 : index
    %get3A_831 = vector.load %arg4[%get3A_829, %get3A_830] : memref<512x1024xf32, #tpu.memory_space<vmem>>, vector<32x1024xf32>
    %add3A_832 = arith.addf %get3A_828, %get3A_831 : vector<32x1024xf32>
    %get3A_833 = arith.constant 64 : index
    %get3A_834 = arith.constant 0 : index
    %get3A_835 = vector.load %arg4[%get3A_833, %get3A_834] : memref<512x1024xf32, #tpu.memory_space<vmem>>, vector<32x1024xf32>
    %add3A_836 = arith.addf %add3A_832, %get3A_835 : vector<32x1024xf32>
    %get3A_837 = arith.constant 96 : index
    %get3A_838 = arith.constant 0 : index
    %get3A_839 = vector.load %arg4[%get3A_837, %get3A_838] : memref<512x1024xf32, #tpu.memory_space<vmem>>, vector<32x1024xf32>
    %add3A_840 = arith.addf %add3A_836, %get3A_839 : vector<32x1024xf32>
    %get3A_841 = arith.constant 128 : index
    %get3A_842 = arith.constant 0 : index
    %get3A_843 = vector.load %arg4[%get3A_841, %get3A_842] : memref<512x1024xf32, #tpu.memory_space<vmem>>, vector<32x1024xf32>
    %add3A_844 = arith.addf %add3A_840, %get3A_843 : vector<32x1024xf32>
    %get3A_845 = arith.constant 160 : index
    %get3A_846 = arith.constant 0 : index
    %get3A_847 = vector.load %arg4[%get3A_845, %get3A_846] : memref<512x1024xf32, #tpu.memory_space<vmem>>, vector<32x1024xf32>
    %add3A_848 = arith.addf %add3A_844, %get3A_847 : vector<32x1024xf32>
    %get3A_849 = arith.constant 192 : index
    %get3A_850 = arith.constant 0 : index
    %get3A_851 = vector.load %arg4[%get3A_849, %get3A_850] : memref<512x1024xf32, #tpu.memory_space<vmem>>, vector<32x1024xf32>
    %add3A_852 = arith.addf %add3A_848, %get3A_851 : vector<32x1024xf32>
    %get3A_853 = arith.constant 224 : index
    %get3A_854 = arith.constant 0 : index
    %get3A_855 = vector.load %arg4[%get3A_853, %get3A_854] : memref<512x1024xf32, #tpu.memory_space<vmem>>, vector<32x1024xf32>
    %add3A_856 = arith.addf %add3A_852, %get3A_855 : vector<32x1024xf32>
    %get3A_857 = arith.constant 256 : index
    %get3A_858 = arith.constant 0 : index
    %get3A_859 = vector.load %arg4[%get3A_857, %get3A_858] : memref<512x1024xf32, #tpu.memory_space<vmem>>, vector<32x1024xf32>
    %add3A_860 = arith.addf %add3A_856, %get3A_859 : vector<32x1024xf32>
    %get3A_861 = arith.constant 288 : index
    %get3A_862 = arith.constant 0 : index
    %get3A_863 = vector.load %arg4[%get3A_861, %get3A_862] : memref<512x1024xf32, #tpu.memory_space<vmem>>, vector<32x1024xf32>
    %add3A_864 = arith.addf %add3A_860, %get3A_863 : vector<32x1024xf32>
    %get3A_865 = arith.constant 320 : index
    %get3A_866 = arith.constant 0 : index
    %get3A_867 = vector.load %arg4[%get3A_865, %get3A_866] : memref<512x1024xf32, #tpu.memory_space<vmem>>, vector<32x1024xf32>
    %add3A_868 = arith.addf %add3A_864, %get3A_867 : vector<32x1024xf32>
    %get3A_869 = arith.constant 352 : index
    %get3A_870 = arith.constant 0 : index
    %get3A_871 = vector.load %arg4[%get3A_869, %get3A_870] : memref<512x1024xf32, #tpu.memory_space<vmem>>, vector<32x1024xf32>
    %add3A_872 = arith.addf %add3A_868, %get3A_871 : vector<32x1024xf32>
    %get3A_873 = arith.constant 384 : index
    %get3A_874 = arith.constant 0 : index
    %get3A_875 = vector.load %arg4[%get3A_873, %get3A_874] : memref<512x1024xf32, #tpu.memory_space<vmem>>, vector<32x1024xf32>
    %add3A_876 = arith.addf %add3A_872, %get3A_875 : vector<32x1024xf32>
    %get3A_877 = arith.constant 416 : index
    %get3A_878 = arith.constant 0 : index
    %get3A_879 = vector.load %arg4[%get3A_877, %get3A_878] : memref<512x1024xf32, #tpu.memory_space<vmem>>, vector<32x1024xf32>
    %add3A_880 = arith.addf %add3A_876, %get3A_879 : vector<32x1024xf32>
    %get3A_881 = arith.constant 448 : index
    %get3A_882 = arith.constant 0 : index
    %get3A_883 = vector.load %arg4[%get3A_881, %get3A_882] : memref<512x1024xf32, #tpu.memory_space<vmem>>, vector<32x1024xf32>
    %add3A_884 = arith.addf %add3A_880, %get3A_883 : vector<32x1024xf32>
    %get3A_885 = arith.constant 480 : index
    %get3A_886 = arith.constant 0 : index
    %get3A_887 = vector.load %arg4[%get3A_885, %get3A_886] : memref<512x1024xf32, #tpu.memory_space<vmem>>, vector<32x1024xf32>
    %add3A_888 = arith.addf %add3A_884, %get3A_887 : vector<32x1024xf32>
    %get3A_889 = arith.constant 0 : index
    %get3A_890 = arith.constant 0 : index
    %get3A_891 = arith.constant 0 : index
    %get3A_892 = vector.load %arg10[%get3A_889, %get3A_890, %get3A_891] : memref<4x32x1024xf32, #tpu.memory_space<vmem>>, vector<1x32x1024xf32>
    %get3A_893 = vector.shape_cast %get3A_892 : vector<1x32x1024xf32> to vector<32x1024xf32>
    %add3A_894 = arith.addf %get3A_893, %add3A_888 : vector<32x1024xf32>
    %swap3A_895 = arith.constant 0 : index
    %swap3A_896 = arith.constant 0 : index
    %swap3A_897 = arith.constant 0 : index
    %swap3A_898 = vector.load %arg10[%swap3A_895, %swap3A_896, %swap3A_897] : memref<4x32x1024xf32, #tpu.memory_space<vmem>>, vector<1x32x1024xf32>
    %swap3A_899 = vector.shape_cast %swap3A_898 : vector<1x32x1024xf32> to vector<32x1024xf32>
    %swap3A_900 = vector.shape_cast %add3A_894 : vector<32x1024xf32> to vector<1x32x1024xf32>
    tpu.vector_store %arg10[%swap3A_895, %swap3A_896, %swap3A_897], %swap3A_900 {strides = array<i32>} : memref<4x32x1024xf32, #tpu.memory_space<vmem>>, vector<1x32x1024xf32>,
    %dma_start3A_901 = arith.constant 13312 : i32
    %dma_start3A_902 = arith.constant 0 : i32
    %dma_start3A_903 = tpu.memref_slice %arg0[%dma_start3A_901, %dma_start3A_902] : memref<32768x1024xf32, #tpu.memory_space<any>> -> memref<512x1024xf32, #tpu.memory_space<any>>
    tpu.enqueue_dma source(%dma_start3A_903 : memref<512x1024xf32, #tpu.memory_space<any>>) target(%arg4 : memref<512x1024xf32, #tpu.memory_space<vmem>>) target_semaphore(%arg13 : memref<!tpu.dma_semaphore, #tpu.memory_space<semaphore_mem>>)
    %dma_wait3A_904 = arith.constant 7680 : i32
    %dma_wait3A_905 = arith.constant 0 : i32
    %dma_wait3A_906 = tpu.memref_slice %arg0[%dma_wait3A_904, %dma_wait3A_905] : memref<32768x1024xf32, #tpu.memory_space<any>> -> memref<512x1024xf32, #tpu.memory_space<any>>
    tpu.wait_dma2 semaphore(%arg14 : memref<!tpu.dma_semaphore, #tpu.memory_space<semaphore_mem>>) src(%dma_wait3A_906 : memref<512x1024xf32, #tpu.memory_space<any>>) dst(%arg5 : memref<512x1024xf32, #tpu.memory_space<vmem>>)
    %get3A_907 = arith.constant 0 : index
    %get3A_908 = arith.constant 0 : index
    %get3A_909 = vector.load %arg5[%get3A_907, %get3A_908] : memref<512x1024xf32, #tpu.memory_space<vmem>>, vector<32x1024xf32>
    %get3A_910 = arith.constant 32 : index
    %get3A_911 = arith.constant 0 : index
    %get3A_912 = vector.load %arg5[%get3A_910, %get3A_911] : memref<512x1024xf32, #tpu.memory_space<vmem>>, vector<32x1024xf32>
    %add3A_913 = arith.addf %get3A_909, %get3A_912 : vector<32x1024xf32>
    %get3A_914 = arith.constant 64 : index
    %get3A_915 = arith.constant 0 : index
    %get3A_916 = vector.load %arg5[%get3A_914, %get3A_915] : memref<512x1024xf32, #tpu.memory_space<vmem>>, vector<32x1024xf32>
    %add3A_917 = arith.addf %add3A_913, %get3A_916 : vector<32x1024xf32>
    %get3A_918 = arith.constant 96 : index
    %get3A_919 = arith.constant 0 : index
    %get3A_920 = vector.load %arg5[%get3A_918, %get3A_919] : memref<512x1024xf32, #tpu.memory_space<vmem>>, vector<32x1024xf32>
    %add3A_921 = arith.addf %add3A_917, %get3A_920 : vector<32x1024xf32>
    %get3A_922 = arith.constant 128 : index
    %get3A_923 = arith.constant 0 : index
    %get3A_924 = vector.load %arg5[%get3A_922, %get3A_923] : memref<512x1024xf32, #tpu.memory_space<vmem>>, vector<32x1024xf32>
    %add3A_925 = arith.addf %add3A_921, %get3A_924 : vector<32x1024xf32>
    %get3A_926 = arith.constant 160 : index
    %get3A_927 = arith.constant 0 : index
    %get3A_928 = vector.load %arg5[%get3A_926, %get3A_927] : memref<512x1024xf32, #tpu.memory_space<vmem>>, vector<32x1024xf32>
    %add3A_929 = arith.addf %add3A_925, %get3A_928 : vector<32x1024xf32>
    %get3A_930 = arith.constant 192 : index
    %get3A_931 = arith.constant 0 : index
    %get3A_932 = vector.load %arg5[%get3A_930, %get3A_931] : memref<512x1024xf32, #tpu.memory_space<vmem>>, vector<32x1024xf32>
    %add3A_933 = arith.addf %add3A_929, %get3A_932 : vector<32x1024xf32>
    %get3A_934 = arith.constant 224 : index
    %get3A_935 = arith.constant 0 : index
    %get3A_936 = vector.load %arg5[%get3A_934, %get3A_935] : memref<512x1024xf32, #tpu.memory_space<vmem>>, vector<32x1024xf32>
    %add3A_937 = arith.addf %add3A_933, %get3A_936 : vector<32x1024xf32>
    %get3A_938 = arith.constant 256 : index
    %get3A_939 = arith.constant 0 : index
    %get3A_940 = vector.load %arg5[%get3A_938, %get3A_939] : memref<512x1024xf32, #tpu.memory_space<vmem>>, vector<32x1024xf32>
    %add3A_941 = arith.addf %add3A_937, %get3A_940 : vector<32x1024xf32>
    %get3A_942 = arith.constant 288 : index
    %get3A_943 = arith.constant 0 : index
    %get3A_944 = vector.load %arg5[%get3A_942, %get3A_943] : memref<512x1024xf32, #tpu.memory_space<vmem>>, vector<32x1024xf32>
    %add3A_945 = arith.addf %add3A_941, %get3A_944 : vector<32x1024xf32>
    %get3A_946 = arith.constant 320 : index
    %get3A_947 = arith.constant 0 : index
    %get3A_948 = vector.load %arg5[%get3A_946, %get3A_947] : memref<512x1024xf32, #tpu.memory_space<vmem>>, vector<32x1024xf32>
    %add3A_949 = arith.addf %add3A_945, %get3A_948 : vector<32x1024xf32>
    %get3A_950 = arith.constant 352 : index
    %get3A_951 = arith.constant 0 : index
    %get3A_952 = vector.load %arg5[%get3A_950, %get3A_951] : memref<512x1024xf32, #tpu.memory_space<vmem>>, vector<32x1024xf32>
    %add3A_953 = arith.addf %add3A_949, %get3A_952 : vector<32x1024xf32>
    %get3A_954 = arith.constant 384 : index
    %get3A_955 = arith.constant 0 : index
    %get3A_956 = vector.load %arg5[%get3A_954, %get3A_955] : memref<512x1024xf32, #tpu.memory_space<vmem>>, vector<32x1024xf32>
    %add3A_957 = arith.addf %add3A_953, %get3A_956 : vector<32x1024xf32>
    %get3A_958 = arith.constant 416 : index
    %get3A_959 = arith.constant 0 : index
    %get3A_960 = vector.load %arg5[%get3A_958, %get3A_959] : memref<512x1024xf32, #tpu.memory_space<vmem>>, vector<32x1024xf32>
    %add3A_961 = arith.addf %add3A_957, %get3A_960 : vector<32x1024xf32>
    %get3A_962 = arith.constant 448 : index
    %get3A_963 = arith.constant 0 : index
    %get3A_964 = vector.load %arg5[%get3A_962, %get3A_963] : memref<512x1024xf32, #tpu.memory_space<vmem>>, vector<32x1024xf32>
    %add3A_965 = arith.addf %add3A_961, %get3A_964 : vector<32x1024xf32>
    %get3A_966 = arith.constant 480 : index
    %get3A_967 = arith.constant 0 : index
    %get3A_968 = vector.load %arg5[%get3A_966, %get3A_967] : memref<512x1024xf32, #tpu.memory_space<vmem>>, vector<32x1024xf32>
    %add3A_969 = arith.addf %add3A_965, %get3A_968 : vector<32x1024xf32>
    %get3A_970 = arith.constant 0 : index
    %get3A_971 = arith.constant 0 : index
    %get3A_972 = arith.constant 0 : index
    %get3A_973 = vector.load %arg10[%get3A_970, %get3A_971, %get3A_972] : memref<4x32x1024xf32, #tpu.memory_space<vmem>>, vector<1x32x1024xf32>
    %get3A_974 = vector.shape_cast %get3A_973 : vector<1x32x1024xf32> to vector<32x1024xf32>
    %add3A_975 = arith.addf %get3A_974, %add3A_969 : vector<32x1024xf32>
    %swap3A_976 = arith.constant 0 : index
    %swap3A_977 = arith.constant 0 : index
    %swap3A_978 = arith.constant 0 : index
    %swap3A_979 = vector.load %arg10[%swap3A_976, %swap3A_977, %swap3A_978] : memref<4x32x1024xf32, #tpu.memory_space<vmem>>, vector<1x32x1024xf32>
    %swap3A_980 = vector.shape_cast %swap3A_979 : vector<1x32x1024xf32> to vector<32x1024xf32>
    %swap3A_981 = vector.shape_cast %add3A_975 : vector<32x1024xf32> to vector<1x32x1024xf32>
    tpu.vector_store %arg10[%swap3A_976, %swap3A_977, %swap3A_978], %swap3A_981 {strides = array<i32>} : memref<4x32x1024xf32, #tpu.memory_space<vmem>>, vector<1x32x1024xf32>,
    %dma_start3A_982 = arith.constant 13824 : i32
    %dma_start3A_983 = arith.constant 0 : i32
    %dma_start3A_984 = tpu.memref_slice %arg0[%dma_start3A_982, %dma_start3A_983] : memref<32768x1024xf32, #tpu.memory_space<any>> -> memref<512x1024xf32, #tpu.memory_space<any>>
    tpu.enqueue_dma source(%dma_start3A_984 : memref<512x1024xf32, #tpu.memory_space<any>>) target(%arg5 : memref<512x1024xf32, #tpu.memory_space<vmem>>) target_semaphore(%arg14 : memref<!tpu.dma_semaphore, #tpu.memory_space<semaphore_mem>>)
    %dma_wait3A_985 = arith.constant 10240 : i32
    %dma_wait3A_986 = arith.constant 0 : i32
    %dma_wait3A_987 = tpu.memref_slice %arg0[%dma_wait3A_985, %dma_wait3A_986] : memref<32768x1024xf32, #tpu.memory_space<any>> -> memref<512x1024xf32, #tpu.memory_space<any>>
    tpu.wait_dma2 semaphore(%arg15 : memref<!tpu.dma_semaphore, #tpu.memory_space<semaphore_mem>>) src(%dma_wait3A_987 : memref<512x1024xf32, #tpu.memory_space<any>>) dst(%arg6 : memref<512x1024xf32, #tpu.memory_space<vmem>>)
    %get3A_988 = arith.constant 0 : index
    %get3A_989 = arith.constant 0 : index
    %get3A_990 = vector.load %arg6[%get3A_988, %get3A_989] : memref<512x1024xf32, #tpu.memory_space<vmem>>, vector<32x1024xf32>
    %get3A_991 = arith.constant 32 : index
    %get3A_992 = arith.constant 0 : index
    %get3A_993 = vector.load %arg6[%get3A_991, %get3A_992] : memref<512x1024xf32, #tpu.memory_space<vmem>>, vector<32x1024xf32>
    %add3A_994 = arith.addf %get3A_990, %get3A_993 : vector<32x1024xf32>
    %get3A_995 = arith.constant 64 : index
    %get3A_996 = arith.constant 0 : index
    %get3A_997 = vector.load %arg6[%get3A_995, %get3A_996] : memref<512x1024xf32, #tpu.memory_space<vmem>>, vector<32x1024xf32>
    %add3A_998 = arith.addf %add3A_994, %get3A_997 : vector<32x1024xf32>
    %get3A_999 = arith.constant 96 : index
    %get3A_1000 = arith.constant 0 : index
    %get3A_1001 = vector.load %arg6[%get3A_999, %get3A_1000] : memref<512x1024xf32, #tpu.memory_space<vmem>>, vector<32x1024xf32>
    %add3A_1002 = arith.addf %add3A_998, %get3A_1001 : vector<32x1024xf32>
    %get3A_1003 = arith.constant 128 : index
    %get3A_1004 = arith.constant 0 : index
    %get3A_1005 = vector.load %arg6[%get3A_1003, %get3A_1004] : memref<512x1024xf32, #tpu.memory_space<vmem>>, vector<32x1024xf32>
    %add3A_1006 = arith.addf %add3A_1002, %get3A_1005 : vector<32x1024xf32>
    %get3A_1007 = arith.constant 160 : index
    %get3A_1008 = arith.constant 0 : index
    %get3A_1009 = vector.load %arg6[%get3A_1007, %get3A_1008] : memref<512x1024xf32, #tpu.memory_space<vmem>>, vector<32x1024xf32>
    %add3A_1010 = arith.addf %add3A_1006, %get3A_1009 : vector<32x1024xf32>
    %get3A_1011 = arith.constant 192 : index
    %get3A_1012 = arith.constant 0 : index
    %get3A_1013 = vector.load %arg6[%get3A_1011, %get3A_1012] : memref<512x1024xf32, #tpu.memory_space<vmem>>, vector<32x1024xf32>
    %add3A_1014 = arith.addf %add3A_1010, %get3A_1013 : vector<32x1024xf32>
    %get3A_1015 = arith.constant 224 : index
    %get3A_1016 = arith.constant 0 : index
    %get3A_1017 = vector.load %arg6[%get3A_1015, %get3A_1016] : memref<512x1024xf32, #tpu.memory_space<vmem>>, vector<32x1024xf32>
    %add3A_1018 = arith.addf %add3A_1014, %get3A_1017 : vector<32x1024xf32>
    %get3A_1019 = arith.constant 256 : index
    %get3A_1020 = arith.constant 0 : index
    %get3A_1021 = vector.load %arg6[%get3A_1019, %get3A_1020] : memref<512x1024xf32, #tpu.memory_space<vmem>>, vector<32x1024xf32>
    %add3A_1022 = arith.addf %add3A_1018, %get3A_1021 : vector<32x1024xf32>
    %get3A_1023 = arith.constant 288 : index
    %get3A_1024 = arith.constant 0 : index
    %get3A_1025 = vector.load %arg6[%get3A_1023, %get3A_1024] : memref<512x1024xf32, #tpu.memory_space<vmem>>, vector<32x1024xf32>
    %add3A_1026 = arith.addf %add3A_1022, %get3A_1025 : vector<32x1024xf32>
    %get3A_1027 = arith.constant 320 : index
    %get3A_1028 = arith.constant 0 : index
    %get3A_1029 = vector.load %arg6[%get3A_1027, %get3A_1028] : memref<512x1024xf32, #tpu.memory_space<vmem>>, vector<32x1024xf32>
    %add3A_1030 = arith.addf %add3A_1026, %get3A_1029 : vector<32x1024xf32>
    %get3A_1031 = arith.constant 352 : index
    %get3A_1032 = arith.constant 0 : index
    %get3A_1033 = vector.load %arg6[%get3A_1031, %get3A_1032] : memref<512x1024xf32, #tpu.memory_space<vmem>>, vector<32x1024xf32>
    %add3A_1034 = arith.addf %add3A_1030, %get3A_1033 : vector<32x1024xf32>
    %get3A_1035 = arith.constant 384 : index
    %get3A_1036 = arith.constant 0 : index
    %get3A_1037 = vector.load %arg6[%get3A_1035, %get3A_1036] : memref<512x1024xf32, #tpu.memory_space<vmem>>, vector<32x1024xf32>
    %add3A_1038 = arith.addf %add3A_1034, %get3A_1037 : vector<32x1024xf32>
    %get3A_1039 = arith.constant 416 : index
    %get3A_1040 = arith.constant 0 : index
    %get3A_1041 = vector.load %arg6[%get3A_1039, %get3A_1040] : memref<512x1024xf32, #tpu.memory_space<vmem>>, vector<32x1024xf32>
    %add3A_1042 = arith.addf %add3A_1038, %get3A_1041 : vector<32x1024xf32>
    %get3A_1043 = arith.constant 448 : index
    %get3A_1044 = arith.constant 0 : index
    %get3A_1045 = vector.load %arg6[%get3A_1043, %get3A_1044] : memref<512x1024xf32, #tpu.memory_space<vmem>>, vector<32x1024xf32>
    %add3A_1046 = arith.addf %add3A_1042, %get3A_1045 : vector<32x1024xf32>
    %get3A_1047 = arith.constant 480 : index
    %get3A_1048 = arith.constant 0 : index
    %get3A_1049 = vector.load %arg6[%get3A_1047, %get3A_1048] : memref<512x1024xf32, #tpu.memory_space<vmem>>, vector<32x1024xf32>
    %add3A_1050 = arith.addf %add3A_1046, %get3A_1049 : vector<32x1024xf32>
    %swap3A_1051 = arith.constant 1 : index
    %swap3A_1052 = arith.constant 0 : index
    %swap3A_1053 = arith.constant 0 : index
    %swap3A_1054 = vector.load %arg10[%swap3A_1051, %swap3A_1052, %swap3A_1053] : memref<4x32x1024xf32, #tpu.memory_space<vmem>>, vector<1x32x1024xf32>
    %swap3A_1055 = vector.shape_cast %swap3A_1054 : vector<1x32x1024xf32> to vector<32x1024xf32>
    %swap3A_1056 = vector.shape_cast %add3A_1050 : vector<32x1024xf32> to vector<1x32x1024xf32>
    tpu.vector_store %arg10[%swap3A_1051, %swap3A_1052, %swap3A_1053], %swap3A_1056 {strides = array<i32>} : memref<4x32x1024xf32, #tpu.memory_space<vmem>>, vector<1x32x1024xf32>,
    %dma_start3A_1057 = arith.constant 14336 : i32
    %dma_start3A_1058 = arith.constant 0 : i32
    %dma_start3A_1059 = tpu.memref_slice %arg0[%dma_start3A_1057, %dma_start3A_1058] : memref<32768x1024xf32, #tpu.memory_space<any>> -> memref<512x1024xf32, #tpu.memory_space<any>>
    tpu.enqueue_dma source(%dma_start3A_1059 : memref<512x1024xf32, #tpu.memory_space<any>>) target(%arg6 : memref<512x1024xf32, #tpu.memory_space<vmem>>) target_semaphore(%arg15 : memref<!tpu.dma_semaphore, #tpu.memory_space<semaphore_mem>>)
    %dma_wait3A_1060 = arith.constant 10752 : i32
    %dma_wait3A_1061 = arith.constant 0 : i32
    %dma_wait3A_1062 = tpu.memref_slice %arg0[%dma_wait3A_1060, %dma_wait3A_1061] : memref<32768x1024xf32, #tpu.memory_space<any>> -> memref<512x1024xf32, #tpu.memory_space<any>>
    tpu.wait_dma2 semaphore(%arg16 : memref<!tpu.dma_semaphore, #tpu.memory_space<semaphore_mem>>) src(%dma_wait3A_1062 : memref<512x1024xf32, #tpu.memory_space<any>>) dst(%arg7 : memref<512x1024xf32, #tpu.memory_space<vmem>>)
    %get3A_1063 = arith.constant 0 : index
    %get3A_1064 = arith.constant 0 : index
    %get3A_1065 = vector.load %arg7[%get3A_1063, %get3A_1064] : memref<512x1024xf32, #tpu.memory_space<vmem>>, vector<32x1024xf32>
    %get3A_1066 = arith.constant 32 : index
    %get3A_1067 = arith.constant 0 : index
    %get3A_1068 = vector.load %arg7[%get3A_1066, %get3A_1067] : memref<512x1024xf32, #tpu.memory_space<vmem>>, vector<32x1024xf32>
    %add3A_1069 = arith.addf %get3A_1065, %get3A_1068 : vector<32x1024xf32>
    %get3A_1070 = arith.constant 64 : index
    %get3A_1071 = arith.constant 0 : index
    %get3A_1072 = vector.load %arg7[%get3A_1070, %get3A_1071] : memref<512x1024xf32, #tpu.memory_space<vmem>>, vector<32x1024xf32>
    %add3A_1073 = arith.addf %add3A_1069, %get3A_1072 : vector<32x1024xf32>
    %get3A_1074 = arith.constant 96 : index
    %get3A_1075 = arith.constant 0 : index
    %get3A_1076 = vector.load %arg7[%get3A_1074, %get3A_1075] : memref<512x1024xf32, #tpu.memory_space<vmem>>, vector<32x1024xf32>
    %add3A_1077 = arith.addf %add3A_1073, %get3A_1076 : vector<32x1024xf32>
    %get3A_1078 = arith.constant 128 : index
    %get3A_1079 = arith.constant 0 : index
    %get3A_1080 = vector.load %arg7[%get3A_1078, %get3A_1079] : memref<512x1024xf32, #tpu.memory_space<vmem>>, vector<32x1024xf32>
    %add3A_1081 = arith.addf %add3A_1077, %get3A_1080 : vector<32x1024xf32>
    %get3A_1082 = arith.constant 160 : index
    %get3A_1083 = arith.constant 0 : index
    %get3A_1084 = vector.load %arg7[%get3A_1082, %get3A_1083] : memref<512x1024xf32, #tpu.memory_space<vmem>>, vector<32x1024xf32>
    %add3A_1085 = arith.addf %add3A_1081, %get3A_1084 : vector<32x1024xf32>
    %get3A_1086 = arith.constant 192 : index
    %get3A_1087 = arith.constant 0 : index
    %get3A_1088 = vector.load %arg7[%get3A_1086, %get3A_1087] : memref<512x1024xf32, #tpu.memory_space<vmem>>, vector<32x1024xf32>
    %add3A_1089 = arith.addf %add3A_1085, %get3A_1088 : vector<32x1024xf32>
    %get3A_1090 = arith.constant 224 : index
    %get3A_1091 = arith.constant 0 : index
    %get3A_1092 = vector.load %arg7[%get3A_1090, %get3A_1091] : memref<512x1024xf32, #tpu.memory_space<vmem>>, vector<32x1024xf32>
    %add3A_1093 = arith.addf %add3A_1089, %get3A_1092 : vector<32x1024xf32>
    %get3A_1094 = arith.constant 256 : index
    %get3A_1095 = arith.constant 0 : index
    %get3A_1096 = vector.load %arg7[%get3A_1094, %get3A_1095] : memref<512x1024xf32, #tpu.memory_space<vmem>>, vector<32x1024xf32>
    %add3A_1097 = arith.addf %add3A_1093, %get3A_1096 : vector<32x1024xf32>
    %get3A_1098 = arith.constant 288 : index
    %get3A_1099 = arith.constant 0 : index
    %get3A_1100 = vector.load %arg7[%get3A_1098, %get3A_1099] : memref<512x1024xf32, #tpu.memory_space<vmem>>, vector<32x1024xf32>
    %add3A_1101 = arith.addf %add3A_1097, %get3A_1100 : vector<32x1024xf32>
    %get3A_1102 = arith.constant 320 : index
    %get3A_1103 = arith.constant 0 : index
    %get3A_1104 = vector.load %arg7[%get3A_1102, %get3A_1103] : memref<512x1024xf32, #tpu.memory_space<vmem>>, vector<32x1024xf32>
    %add3A_1105 = arith.addf %add3A_1101, %get3A_1104 : vector<32x1024xf32>
    %get3A_1106 = arith.constant 352 : index
    %get3A_1107 = arith.constant 0 : index
    %get3A_1108 = vector.load %arg7[%get3A_1106, %get3A_1107] : memref<512x1024xf32, #tpu.memory_space<vmem>>, vector<32x1024xf32>
    %add3A_1109 = arith.addf %add3A_1105, %get3A_1108 : vector<32x1024xf32>
    %get3A_1110 = arith.constant 384 : index
    %get3A_1111 = arith.constant 0 : index
    %get3A_1112 = vector.load %arg7[%get3A_1110, %get3A_1111] : memref<512x1024xf32, #tpu.memory_space<vmem>>, vector<32x1024xf32>
    %add3A_1113 = arith.addf %add3A_1109, %get3A_1112 : vector<32x1024xf32>
    %get3A_1114 = arith.constant 416 : index
    %get3A_1115 = arith.constant 0 : index
    %get3A_1116 = vector.load %arg7[%get3A_1114, %get3A_1115] : memref<512x1024xf32, #tpu.memory_space<vmem>>, vector<32x1024xf32>
    %add3A_1117 = arith.addf %add3A_1113, %get3A_1116 : vector<32x1024xf32>
    %get3A_1118 = arith.constant 448 : index
    %get3A_1119 = arith.constant 0 : index
    %get3A_1120 = vector.load %arg7[%get3A_1118, %get3A_1119] : memref<512x1024xf32, #tpu.memory_space<vmem>>, vector<32x1024xf32>
    %add3A_1121 = arith.addf %add3A_1117, %get3A_1120 : vector<32x1024xf32>
    %get3A_1122 = arith.constant 480 : index
    %get3A_1123 = arith.constant 0 : index
    %get3A_1124 = vector.load %arg7[%get3A_1122, %get3A_1123] : memref<512x1024xf32, #tpu.memory_space<vmem>>, vector<32x1024xf32>
    %add3A_1125 = arith.addf %add3A_1121, %get3A_1124 : vector<32x1024xf32>
    %get3A_1126 = arith.constant 1 : index
    %get3A_1127 = arith.constant 0 : index
    %get3A_1128 = arith.constant 0 : index
    %get3A_1129 = vector.load %arg10[%get3A_1126, %get3A_1127, %get3A_1128] : memref<4x32x1024xf32, #tpu.memory_space<vmem>>, vector<1x32x1024xf32>
    %get3A_1130 = vector.shape_cast %get3A_1129 : vector<1x32x1024xf32> to vector<32x1024xf32>
    %add3A_1131 = arith.addf %get3A_1130, %add3A_1125 : vector<32x1024xf32>
    %swap3A_1132 = arith.constant 1 : index
    %swap3A_1133 = arith.constant 0 : index
    %swap3A_1134 = arith.constant 0 : index
    %swap3A_1135 = vector.load %arg10[%swap3A_1132, %swap3A_1133, %swap3A_1134] : memref<4x32x1024xf32, #tpu.memory_space<vmem>>, vector<1x32x1024xf32>
    %swap3A_1136 = vector.shape_cast %swap3A_1135 : vector<1x32x1024xf32> to vector<32x1024xf32>
    %swap3A_1137 = vector.shape_cast %add3A_1131 : vector<32x1024xf32> to vector<1x32x1024xf32>
    tpu.vector_store %arg10[%swap3A_1132, %swap3A_1133, %swap3A_1134], %swap3A_1137 {strides = array<i32>} : memref<4x32x1024xf32, #tpu.memory_space<vmem>>, vector<1x32x1024xf32>,
    %dma_start3A_1138 = arith.constant 14848 : i32
    %dma_start3A_1139 = arith.constant 0 : i32
    %dma_start3A_1140 = tpu.memref_slice %arg0[%dma_start3A_1138, %dma_start3A_1139] : memref<32768x1024xf32, #tpu.memory_space<any>> -> memref<512x1024xf32, #tpu.memory_space<any>>
    tpu.enqueue_dma source(%dma_start3A_1140 : memref<512x1024xf32, #tpu.memory_space<any>>) target(%arg7 : memref<512x1024xf32, #tpu.memory_space<vmem>>) target_semaphore(%arg16 : memref<!tpu.dma_semaphore, #tpu.memory_space<semaphore_mem>>)
    %dma_wait3A_1141 = arith.constant 11264 : i32
    %dma_wait3A_1142 = arith.constant 0 : i32
    %dma_wait3A_1143 = tpu.memref_slice %arg0[%dma_wait3A_1141, %dma_wait3A_1142] : memref<32768x1024xf32, #tpu.memory_space<any>> -> memref<512x1024xf32, #tpu.memory_space<any>>
    tpu.wait_dma2 semaphore(%arg17 : memref<!tpu.dma_semaphore, #tpu.memory_space<semaphore_mem>>) src(%dma_wait3A_1143 : memref<512x1024xf32, #tpu.memory_space<any>>) dst(%arg8 : memref<512x1024xf32, #tpu.memory_space<vmem>>)
    %get3A_1144 = arith.constant 0 : index
    %get3A_1145 = arith.constant 0 : index
    %get3A_1146 = vector.load %arg8[%get3A_1144, %get3A_1145] : memref<512x1024xf32, #tpu.memory_space<vmem>>, vector<32x1024xf32>
    %get3A_1147 = arith.constant 32 : index
    %get3A_1148 = arith.constant 0 : index
    %get3A_1149 = vector.load %arg8[%get3A_1147, %get3A_1148] : memref<512x1024xf32, #tpu.memory_space<vmem>>, vector<32x1024xf32>
    %add3A_1150 = arith.addf %get3A_1146, %get3A_1149 : vector<32x1024xf32>
    %get3A_1151 = arith.constant 64 : index
    %get3A_1152 = arith.constant 0 : index
    %get3A_1153 = vector.load %arg8[%get3A_1151, %get3A_1152] : memref<512x1024xf32, #tpu.memory_space<vmem>>, vector<32x1024xf32>
    %add3A_1154 = arith.addf %add3A_1150, %get3A_1153 : vector<32x1024xf32>
    %get3A_1155 = arith.constant 96 : index
    %get3A_1156 = arith.constant 0 : index
    %get3A_1157 = vector.load %arg8[%get3A_1155, %get3A_1156] : memref<512x1024xf32, #tpu.memory_space<vmem>>, vector<32x1024xf32>
    %add3A_1158 = arith.addf %add3A_1154, %get3A_1157 : vector<32x1024xf32>
    %get3A_1159 = arith.constant 128 : index
    %get3A_1160 = arith.constant 0 : index
    %get3A_1161 = vector.load %arg8[%get3A_1159, %get3A_1160] : memref<512x1024xf32, #tpu.memory_space<vmem>>, vector<32x1024xf32>
    %add3A_1162 = arith.addf %add3A_1158, %get3A_1161 : vector<32x1024xf32>
    %get3A_1163 = arith.constant 160 : index
    %get3A_1164 = arith.constant 0 : index
    %get3A_1165 = vector.load %arg8[%get3A_1163, %get3A_1164] : memref<512x1024xf32, #tpu.memory_space<vmem>>, vector<32x1024xf32>
    %add3A_1166 = arith.addf %add3A_1162, %get3A_1165 : vector<32x1024xf32>
    %get3A_1167 = arith.constant 192 : index
    %get3A_1168 = arith.constant 0 : index
    %get3A_1169 = vector.load %arg8[%get3A_1167, %get3A_1168] : memref<512x1024xf32, #tpu.memory_space<vmem>>, vector<32x1024xf32>
    %add3A_1170 = arith.addf %add3A_1166, %get3A_1169 : vector<32x1024xf32>
    %get3A_1171 = arith.constant 224 : index
    %get3A_1172 = arith.constant 0 : index
    %get3A_1173 = vector.load %arg8[%get3A_1171, %get3A_1172] : memref<512x1024xf32, #tpu.memory_space<vmem>>, vector<32x1024xf32>
    %add3A_1174 = arith.addf %add3A_1170, %get3A_1173 : vector<32x1024xf32>
    %get3A_1175 = arith.constant 256 : index
    %get3A_1176 = arith.constant 0 : index
    %get3A_1177 = vector.load %arg8[%get3A_1175, %get3A_1176] : memref<512x1024xf32, #tpu.memory_space<vmem>>, vector<32x1024xf32>
    %add3A_1178 = arith.addf %add3A_1174, %get3A_1177 : vector<32x1024xf32>
    %get3A_1179 = arith.constant 288 : index
    %get3A_1180 = arith.constant 0 : index
    %get3A_1181 = vector.load %arg8[%get3A_1179, %get3A_1180] : memref<512x1024xf32, #tpu.memory_space<vmem>>, vector<32x1024xf32>
    %add3A_1182 = arith.addf %add3A_1178, %get3A_1181 : vector<32x1024xf32>
    %get3A_1183 = arith.constant 320 : index
    %get3A_1184 = arith.constant 0 : index
    %get3A_1185 = vector.load %arg8[%get3A_1183, %get3A_1184] : memref<512x1024xf32, #tpu.memory_space<vmem>>, vector<32x1024xf32>
    %add3A_1186 = arith.addf %add3A_1182, %get3A_1185 : vector<32x1024xf32>
    %get3A_1187 = arith.constant 352 : index
    %get3A_1188 = arith.constant 0 : index
    %get3A_1189 = vector.load %arg8[%get3A_1187, %get3A_1188] : memref<512x1024xf32, #tpu.memory_space<vmem>>, vector<32x1024xf32>
    %add3A_1190 = arith.addf %add3A_1186, %get3A_1189 : vector<32x1024xf32>
    %get3A_1191 = arith.constant 384 : index
    %get3A_1192 = arith.constant 0 : index
    %get3A_1193 = vector.load %arg8[%get3A_1191, %get3A_1192] : memref<512x1024xf32, #tpu.memory_space<vmem>>, vector<32x1024xf32>
    %add3A_1194 = arith.addf %add3A_1190, %get3A_1193 : vector<32x1024xf32>
    %get3A_1195 = arith.constant 416 : index
    %get3A_1196 = arith.constant 0 : index
    %get3A_1197 = vector.load %arg8[%get3A_1195, %get3A_1196] : memref<512x1024xf32, #tpu.memory_space<vmem>>, vector<32x1024xf32>
    %add3A_1198 = arith.addf %add3A_1194, %get3A_1197 : vector<32x1024xf32>
    %get3A_1199 = arith.constant 448 : index
    %get3A_1200 = arith.constant 0 : index
    %get3A_1201 = vector.load %arg8[%get3A_1199, %get3A_1200] : memref<512x1024xf32, #tpu.memory_space<vmem>>, vector<32x1024xf32>
    %add3A_1202 = arith.addf %add3A_1198, %get3A_1201 : vector<32x1024xf32>
    %get3A_1203 = arith.constant 480 : index
    %get3A_1204 = arith.constant 0 : index
    %get3A_1205 = vector.load %arg8[%get3A_1203, %get3A_1204] : memref<512x1024xf32, #tpu.memory_space<vmem>>, vector<32x1024xf32>
    %add3A_1206 = arith.addf %add3A_1202, %get3A_1205 : vector<32x1024xf32>
    %get3A_1207 = arith.constant 1 : index
    %get3A_1208 = arith.constant 0 : index
    %get3A_1209 = arith.constant 0 : index
    %get3A_1210 = vector.load %arg10[%get3A_1207, %get3A_1208, %get3A_1209] : memref<4x32x1024xf32, #tpu.memory_space<vmem>>, vector<1x32x1024xf32>
    %get3A_1211 = vector.shape_cast %get3A_1210 : vector<1x32x1024xf32> to vector<32x1024xf32>
    %add3A_1212 = arith.addf %get3A_1211, %add3A_1206 : vector<32x1024xf32>
    %swap3A_1213 = arith.constant 1 : index
    %swap3A_1214 = arith.constant 0 : index
    %swap3A_1215 = arith.constant 0 : index
    %swap3A_1216 = vector.load %arg10[%swap3A_1213, %swap3A_1214, %swap3A_1215] : memref<4x32x1024xf32, #tpu.memory_space<vmem>>, vector<1x32x1024xf32>
    %swap3A_1217 = vector.shape_cast %swap3A_1216 : vector<1x32x1024xf32> to vector<32x1024xf32>
    %swap3A_1218 = vector.shape_cast %add3A_1212 : vector<32x1024xf32> to vector<1x32x1024xf32>
    tpu.vector_store %arg10[%swap3A_1213, %swap3A_1214, %swap3A_1215], %swap3A_1218 {strides = array<i32>} : memref<4x32x1024xf32, #tpu.memory_space<vmem>>, vector<1x32x1024xf32>,
    %dma_start3A_1219 = arith.constant 15360 : i32
    %dma_start3A_1220 = arith.constant 0 : i32
    %dma_start3A_1221 = tpu.memref_slice %arg0[%dma_start3A_1219, %dma_start3A_1220] : memref<32768x1024xf32, #tpu.memory_space<any>> -> memref<512x1024xf32, #tpu.memory_space<any>>
    tpu.enqueue_dma source(%dma_start3A_1221 : memref<512x1024xf32, #tpu.memory_space<any>>) target(%arg8 : memref<512x1024xf32, #tpu.memory_space<vmem>>) target_semaphore(%arg17 : memref<!tpu.dma_semaphore, #tpu.memory_space<semaphore_mem>>)
    %dma_wait3A_1222 = arith.constant 11776 : i32
    %dma_wait3A_1223 = arith.constant 0 : i32
    %dma_wait3A_1224 = tpu.memref_slice %arg0[%dma_wait3A_1222, %dma_wait3A_1223] : memref<32768x1024xf32, #tpu.memory_space<any>> -> memref<512x1024xf32, #tpu.memory_space<any>>
    tpu.wait_dma2 semaphore(%arg18 : memref<!tpu.dma_semaphore, #tpu.memory_space<semaphore_mem>>) src(%dma_wait3A_1224 : memref<512x1024xf32, #tpu.memory_space<any>>) dst(%arg9 : memref<512x1024xf32, #tpu.memory_space<vmem>>)
    %get3A_1225 = arith.constant 0 : index
    %get3A_1226 = arith.constant 0 : index
    %get3A_1227 = vector.load %arg9[%get3A_1225, %get3A_1226] : memref<512x1024xf32, #tpu.memory_space<vmem>>, vector<32x1024xf32>
    %get3A_1228 = arith.constant 32 : index
    %get3A_1229 = arith.constant 0 : index
    %get3A_1230 = vector.load %arg9[%get3A_1228, %get3A_1229] : memref<512x1024xf32, #tpu.memory_space<vmem>>, vector<32x1024xf32>
    %add3A_1231 = arith.addf %get3A_1227, %get3A_1230 : vector<32x1024xf32>
    %get3A_1232 = arith.constant 64 : index
    %get3A_1233 = arith.constant 0 : index
    %get3A_1234 = vector.load %arg9[%get3A_1232, %get3A_1233] : memref<512x1024xf32, #tpu.memory_space<vmem>>, vector<32x1024xf32>
    %add3A_1235 = arith.addf %add3A_1231, %get3A_1234 : vector<32x1024xf32>
    %get3A_1236 = arith.constant 96 : index
    %get3A_1237 = arith.constant 0 : index
    %get3A_1238 = vector.load %arg9[%get3A_1236, %get3A_1237] : memref<512x1024xf32, #tpu.memory_space<vmem>>, vector<32x1024xf32>
    %add3A_1239 = arith.addf %add3A_1235, %get3A_1238 : vector<32x1024xf32>
    %get3A_1240 = arith.constant 128 : index
    %get3A_1241 = arith.constant 0 : index
    %get3A_1242 = vector.load %arg9[%get3A_1240, %get3A_1241] : memref<512x1024xf32, #tpu.memory_space<vmem>>, vector<32x1024xf32>
    %add3A_1243 = arith.addf %add3A_1239, %get3A_1242 : vector<32x1024xf32>
    %get3A_1244 = arith.constant 160 : index
    %get3A_1245 = arith.constant 0 : index
    %get3A_1246 = vector.load %arg9[%get3A_1244, %get3A_1245] : memref<512x1024xf32, #tpu.memory_space<vmem>>, vector<32x1024xf32>
    %add3A_1247 = arith.addf %add3A_1243, %get3A_1246 : vector<32x1024xf32>
    %get3A_1248 = arith.constant 192 : index
    %get3A_1249 = arith.constant 0 : index
    %get3A_1250 = vector.load %arg9[%get3A_1248, %get3A_1249] : memref<512x1024xf32, #tpu.memory_space<vmem>>, vector<32x1024xf32>
    %add3A_1251 = arith.addf %add3A_1247, %get3A_1250 : vector<32x1024xf32>
    %get3A_1252 = arith.constant 224 : index
    %get3A_1253 = arith.constant 0 : index
    %get3A_1254 = vector.load %arg9[%get3A_1252, %get3A_1253] : memref<512x1024xf32, #tpu.memory_space<vmem>>, vector<32x1024xf32>
    %add3A_1255 = arith.addf %add3A_1251, %get3A_1254 : vector<32x1024xf32>
    %get3A_1256 = arith.constant 256 : index
    %get3A_1257 = arith.constant 0 : index
    %get3A_1258 = vector.load %arg9[%get3A_1256, %get3A_1257] : memref<512x1024xf32, #tpu.memory_space<vmem>>, vector<32x1024xf32>
    %add3A_1259 = arith.addf %add3A_1255, %get3A_1258 : vector<32x1024xf32>
    %get3A_1260 = arith.constant 288 : index
    %get3A_1261 = arith.constant 0 : index
    %get3A_1262 = vector.load %arg9[%get3A_1260, %get3A_1261] : memref<512x1024xf32, #tpu.memory_space<vmem>>, vector<32x1024xf32>
    %add3A_1263 = arith.addf %add3A_1259, %get3A_1262 : vector<32x1024xf32>
    %get3A_1264 = arith.constant 320 : index
    %get3A_1265 = arith.constant 0 : index
    %get3A_1266 = vector.load %arg9[%get3A_1264, %get3A_1265] : memref<512x1024xf32, #tpu.memory_space<vmem>>, vector<32x1024xf32>
    %add3A_1267 = arith.addf %add3A_1263, %get3A_1266 : vector<32x1024xf32>
    %get3A_1268 = arith.constant 352 : index
    %get3A_1269 = arith.constant 0 : index
    %get3A_1270 = vector.load %arg9[%get3A_1268, %get3A_1269] : memref<512x1024xf32, #tpu.memory_space<vmem>>, vector<32x1024xf32>
    %add3A_1271 = arith.addf %add3A_1267, %get3A_1270 : vector<32x1024xf32>
    %get3A_1272 = arith.constant 384 : index
    %get3A_1273 = arith.constant 0 : index
    %get3A_1274 = vector.load %arg9[%get3A_1272, %get3A_1273] : memref<512x1024xf32, #tpu.memory_space<vmem>>, vector<32x1024xf32>
    %add3A_1275 = arith.addf %add3A_1271, %get3A_1274 : vector<32x1024xf32>
    %get3A_1276 = arith.constant 416 : index
    %get3A_1277 = arith.constant 0 : index
    %get3A_1278 = vector.load %arg9[%get3A_1276, %get3A_1277] : memref<512x1024xf32, #tpu.memory_space<vmem>>, vector<32x1024xf32>
    %add3A_1279 = arith.addf %add3A_1275, %get3A_1278 : vector<32x1024xf32>
    %get3A_1280 = arith.constant 448 : index
    %get3A_1281 = arith.constant 0 : index
    %get3A_1282 = vector.load %arg9[%get3A_1280, %get3A_1281] : memref<512x1024xf32, #tpu.memory_space<vmem>>, vector<32x1024xf32>
    %add3A_1283 = arith.addf %add3A_1279, %get3A_1282 : vector<32x1024xf32>
    %get3A_1284 = arith.constant 480 : index
    %get3A_1285 = arith.constant 0 : index
    %get3A_1286 = vector.load %arg9[%get3A_1284, %get3A_1285] : memref<512x1024xf32, #tpu.memory_space<vmem>>, vector<32x1024xf32>
    %add3A_1287 = arith.addf %add3A_1283, %get3A_1286 : vector<32x1024xf32>
    %get3A_1288 = arith.constant 1 : index
    %get3A_1289 = arith.constant 0 : index
    %get3A_1290 = arith.constant 0 : index
    %get3A_1291 = vector.load %arg10[%get3A_1288, %get3A_1289, %get3A_1290] : memref<4x32x1024xf32, #tpu.memory_space<vmem>>, vector<1x32x1024xf32>
    %get3A_1292 = vector.shape_cast %get3A_1291 : vector<1x32x1024xf32> to vector<32x1024xf32>
    %add3A_1293 = arith.addf %get3A_1292, %add3A_1287 : vector<32x1024xf32>
    %swap3A_1294 = arith.constant 1 : index
    %swap3A_1295 = arith.constant 0 : index
    %swap3A_1296 = arith.constant 0 : index
    %swap3A_1297 = vector.load %arg10[%swap3A_1294, %swap3A_1295, %swap3A_1296] : memref<4x32x1024xf32, #tpu.memory_space<vmem>>, vector<1x32x1024xf32>
    %swap3A_1298 = vector.shape_cast %swap3A_1297 : vector<1x32x1024xf32> to vector<32x1024xf32>
    %swap3A_1299 = vector.shape_cast %add3A_1293 : vector<32x1024xf32> to vector<1x32x1024xf32>
    tpu.vector_store %arg10[%swap3A_1294, %swap3A_1295, %swap3A_1296], %swap3A_1299 {strides = array<i32>} : memref<4x32x1024xf32, #tpu.memory_space<vmem>>, vector<1x32x1024xf32>,
    %dma_start3A_1300 = arith.constant 15872 : i32
    %dma_start3A_1301 = arith.constant 0 : i32
    %dma_start3A_1302 = tpu.memref_slice %arg0[%dma_start3A_1300, %dma_start3A_1301] : memref<32768x1024xf32, #tpu.memory_space<any>> -> memref<512x1024xf32, #tpu.memory_space<any>>
    tpu.enqueue_dma source(%dma_start3A_1302 : memref<512x1024xf32, #tpu.memory_space<any>>) target(%arg9 : memref<512x1024xf32, #tpu.memory_space<vmem>>) target_semaphore(%arg18 : memref<!tpu.dma_semaphore, #tpu.memory_space<semaphore_mem>>)
    %dma_wait3A_1303 = arith.constant 12288 : i32
    %dma_wait3A_1304 = arith.constant 0 : i32
    %dma_wait3A_1305 = tpu.memref_slice %arg0[%dma_wait3A_1303, %dma_wait3A_1304] : memref<32768x1024xf32, #tpu.memory_space<any>> -> memref<512x1024xf32, #tpu.memory_space<any>>
    tpu.wait_dma2 semaphore(%arg11 : memref<!tpu.dma_semaphore, #tpu.memory_space<semaphore_mem>>) src(%dma_wait3A_1305 : memref<512x1024xf32, #tpu.memory_space<any>>) dst(%arg2 : memref<512x1024xf32, #tpu.memory_space<vmem>>)
    %get3A_1306 = arith.constant 0 : index
    %get3A_1307 = arith.constant 0 : index
    %get3A_1308 = vector.load %arg2[%get3A_1306, %get3A_1307] : memref<512x1024xf32, #tpu.memory_space<vmem>>, vector<32x1024xf32>
    %get3A_1309 = arith.constant 32 : index
    %get3A_1310 = arith.constant 0 : index
    %get3A_1311 = vector.load %arg2[%get3A_1309, %get3A_1310] : memref<512x1024xf32, #tpu.memory_space<vmem>>, vector<32x1024xf32>
    %add3A_1312 = arith.addf %get3A_1308, %get3A_1311 : vector<32x1024xf32>
    %get3A_1313 = arith.constant 64 : index
    %get3A_1314 = arith.constant 0 : index
    %get3A_1315 = vector.load %arg2[%get3A_1313, %get3A_1314] : memref<512x1024xf32, #tpu.memory_space<vmem>>, vector<32x1024xf32>
    %add3A_1316 = arith.addf %add3A_1312, %get3A_1315 : vector<32x1024xf32>
    %get3A_1317 = arith.constant 96 : index
    %get3A_1318 = arith.constant 0 : index
    %get3A_1319 = vector.load %arg2[%get3A_1317, %get3A_1318] : memref<512x1024xf32, #tpu.memory_space<vmem>>, vector<32x1024xf32>
    %add3A_1320 = arith.addf %add3A_1316, %get3A_1319 : vector<32x1024xf32>
    %get3A_1321 = arith.constant 128 : index
    %get3A_1322 = arith.constant 0 : index
    %get3A_1323 = vector.load %arg2[%get3A_1321, %get3A_1322] : memref<512x1024xf32, #tpu.memory_space<vmem>>, vector<32x1024xf32>
    %add3A_1324 = arith.addf %add3A_1320, %get3A_1323 : vector<32x1024xf32>
    %get3A_1325 = arith.constant 160 : index
    %get3A_1326 = arith.constant 0 : index
    %get3A_1327 = vector.load %arg2[%get3A_1325, %get3A_1326] : memref<512x1024xf32, #tpu.memory_space<vmem>>, vector<32x1024xf32>
    %add3A_1328 = arith.addf %add3A_1324, %get3A_1327 : vector<32x1024xf32>
    %get3A_1329 = arith.constant 192 : index
    %get3A_1330 = arith.constant 0 : index
    %get3A_1331 = vector.load %arg2[%get3A_1329, %get3A_1330] : memref<512x1024xf32, #tpu.memory_space<vmem>>, vector<32x1024xf32>
    %add3A_1332 = arith.addf %add3A_1328, %get3A_1331 : vector<32x1024xf32>
    %get3A_1333 = arith.constant 224 : index
    %get3A_1334 = arith.constant 0 : index
    %get3A_1335 = vector.load %arg2[%get3A_1333, %get3A_1334] : memref<512x1024xf32, #tpu.memory_space<vmem>>, vector<32x1024xf32>
    %add3A_1336 = arith.addf %add3A_1332, %get3A_1335 : vector<32x1024xf32>
    %get3A_1337 = arith.constant 256 : index
    %get3A_1338 = arith.constant 0 : index
    %get3A_1339 = vector.load %arg2[%get3A_1337, %get3A_1338] : memref<512x1024xf32, #tpu.memory_space<vmem>>, vector<32x1024xf32>
    %add3A_1340 = arith.addf %add3A_1336, %get3A_1339 : vector<32x1024xf32>
    %get3A_1341 = arith.constant 288 : index
    %get3A_1342 = arith.constant 0 : index
    %get3A_1343 = vector.load %arg2[%get3A_1341, %get3A_1342] : memref<512x1024xf32, #tpu.memory_space<vmem>>, vector<32x1024xf32>
    %add3A_1344 = arith.addf %add3A_1340, %get3A_1343 : vector<32x1024xf32>
    %get3A_1345 = arith.constant 320 : index
    %get3A_1346 = arith.constant 0 : index
    %get3A_1347 = vector.load %arg2[%get3A_1345, %get3A_1346] : memref<512x1024xf32, #tpu.memory_space<vmem>>, vector<32x1024xf32>
    %add3A_1348 = arith.addf %add3A_1344, %get3A_1347 : vector<32x1024xf32>
    %get3A_1349 = arith.constant 352 : index
    %get3A_1350 = arith.constant 0 : index
    %get3A_1351 = vector.load %arg2[%get3A_1349, %get3A_1350] : memref<512x1024xf32, #tpu.memory_space<vmem>>, vector<32x1024xf32>
    %add3A_1352 = arith.addf %add3A_1348, %get3A_1351 : vector<32x1024xf32>
    %get3A_1353 = arith.constant 384 : index
    %get3A_1354 = arith.constant 0 : index
    %get3A_1355 = vector.load %arg2[%get3A_1353, %get3A_1354] : memref<512x1024xf32, #tpu.memory_space<vmem>>, vector<32x1024xf32>
    %add3A_1356 = arith.addf %add3A_1352, %get3A_1355 : vector<32x1024xf32>
    %get3A_1357 = arith.constant 416 : index
    %get3A_1358 = arith.constant 0 : index
    %get3A_1359 = vector.load %arg2[%get3A_1357, %get3A_1358] : memref<512x1024xf32, #tpu.memory_space<vmem>>, vector<32x1024xf32>
    %add3A_1360 = arith.addf %add3A_1356, %get3A_1359 : vector<32x1024xf32>
    %get3A_1361 = arith.constant 448 : index
    %get3A_1362 = arith.constant 0 : index
    %get3A_1363 = vector.load %arg2[%get3A_1361, %get3A_1362] : memref<512x1024xf32, #tpu.memory_space<vmem>>, vector<32x1024xf32>
    %add3A_1364 = arith.addf %add3A_1360, %get3A_1363 : vector<32x1024xf32>
    %get3A_1365 = arith.constant 480 : index
    %get3A_1366 = arith.constant 0 : index
    %get3A_1367 = vector.load %arg2[%get3A_1365, %get3A_1366] : memref<512x1024xf32, #tpu.memory_space<vmem>>, vector<32x1024xf32>
    %add3A_1368 = arith.addf %add3A_1364, %get3A_1367 : vector<32x1024xf32>
    %get3A_1369 = arith.constant 1 : index
    %get3A_1370 = arith.constant 0 : index
    %get3A_1371 = arith.constant 0 : index
    %get3A_1372 = vector.load %arg10[%get3A_1369, %get3A_1370, %get3A_1371] : memref<4x32x1024xf32, #tpu.memory_space<vmem>>, vector<1x32x1024xf32>
    %get3A_1373 = vector.shape_cast %get3A_1372 : vector<1x32x1024xf32> to vector<32x1024xf32>
    %add3A_1374 = arith.addf %get3A_1373, %add3A_1368 : vector<32x1024xf32>
    %swap3A_1375 = arith.constant 1 : index
    %swap3A_1376 = arith.constant 0 : index
    %swap3A_1377 = arith.constant 0 : index
    %swap3A_1378 = vector.load %arg10[%swap3A_1375, %swap3A_1376, %swap3A_1377] : memref<4x32x1024xf32, #tpu.memory_space<vmem>>, vector<1x32x1024xf32>
    %swap3A_1379 = vector.shape_cast %swap3A_1378 : vector<1x32x1024xf32> to vector<32x1024xf32>
    %swap3A_1380 = vector.shape_cast %add3A_1374 : vector<32x1024xf32> to vector<1x32x1024xf32>
    tpu.vector_store %arg10[%swap3A_1375, %swap3A_1376, %swap3A_1377], %swap3A_1380 {strides = array<i32>} : memref<4x32x1024xf32, #tpu.memory_space<vmem>>, vector<1x32x1024xf32>,
    %dma_start3A_1381 = arith.constant 18432 : i32
    %dma_start3A_1382 = arith.constant 0 : i32
    %dma_start3A_1383 = tpu.memref_slice %arg0[%dma_start3A_1381, %dma_start3A_1382] : memref<32768x1024xf32, #tpu.memory_space<any>> -> memref<512x1024xf32, #tpu.memory_space<any>>
    tpu.enqueue_dma source(%dma_start3A_1383 : memref<512x1024xf32, #tpu.memory_space<any>>) target(%arg2 : memref<512x1024xf32, #tpu.memory_space<vmem>>) target_semaphore(%arg11 : memref<!tpu.dma_semaphore, #tpu.memory_space<semaphore_mem>>)
    %dma_wait3A_1384 = arith.constant 12800 : i32
    %dma_wait3A_1385 = arith.constant 0 : i32
    %dma_wait3A_1386 = tpu.memref_slice %arg0[%dma_wait3A_1384, %dma_wait3A_1385] : memref<32768x1024xf32, #tpu.memory_space<any>> -> memref<512x1024xf32, #tpu.memory_space<any>>
    tpu.wait_dma2 semaphore(%arg12 : memref<!tpu.dma_semaphore, #tpu.memory_space<semaphore_mem>>) src(%dma_wait3A_1386 : memref<512x1024xf32, #tpu.memory_space<any>>) dst(%arg3 : memref<512x1024xf32, #tpu.memory_space<vmem>>)
    %get3A_1387 = arith.constant 0 : index
    %get3A_1388 = arith.constant 0 : index
    %get3A_1389 = vector.load %arg3[%get3A_1387, %get3A_1388] : memref<512x1024xf32, #tpu.memory_space<vmem>>, vector<32x1024xf32>
    %get3A_1390 = arith.constant 32 : index
    %get3A_1391 = arith.constant 0 : index
    %get3A_1392 = vector.load %arg3[%get3A_1390, %get3A_1391] : memref<512x1024xf32, #tpu.memory_space<vmem>>, vector<32x1024xf32>
    %add3A_1393 = arith.addf %get3A_1389, %get3A_1392 : vector<32x1024xf32>
    %get3A_1394 = arith.constant 64 : index
    %get3A_1395 = arith.constant 0 : index
    %get3A_1396 = vector.load %arg3[%get3A_1394, %get3A_1395] : memref<512x1024xf32, #tpu.memory_space<vmem>>, vector<32x1024xf32>
    %add3A_1397 = arith.addf %add3A_1393, %get3A_1396 : vector<32x1024xf32>
    %get3A_1398 = arith.constant 96 : index
    %get3A_1399 = arith.constant 0 : index
    %get3A_1400 = vector.load %arg3[%get3A_1398, %get3A_1399] : memref<512x1024xf32, #tpu.memory_space<vmem>>, vector<32x1024xf32>
    %add3A_1401 = arith.addf %add3A_1397, %get3A_1400 : vector<32x1024xf32>
    %get3A_1402 = arith.constant 128 : index
    %get3A_1403 = arith.constant 0 : index
    %get3A_1404 = vector.load %arg3[%get3A_1402, %get3A_1403] : memref<512x1024xf32, #tpu.memory_space<vmem>>, vector<32x1024xf32>
    %add3A_1405 = arith.addf %add3A_1401, %get3A_1404 : vector<32x1024xf32>
    %get3A_1406 = arith.constant 160 : index
    %get3A_1407 = arith.constant 0 : index
    %get3A_1408 = vector.load %arg3[%get3A_1406, %get3A_1407] : memref<512x1024xf32, #tpu.memory_space<vmem>>, vector<32x1024xf32>
    %add3A_1409 = arith.addf %add3A_1405, %get3A_1408 : vector<32x1024xf32>
    %get3A_1410 = arith.constant 192 : index
    %get3A_1411 = arith.constant 0 : index
    %get3A_1412 = vector.load %arg3[%get3A_1410, %get3A_1411] : memref<512x1024xf32, #tpu.memory_space<vmem>>, vector<32x1024xf32>
    %add3A_1413 = arith.addf %add3A_1409, %get3A_1412 : vector<32x1024xf32>
    %get3A_1414 = arith.constant 224 : index
    %get3A_1415 = arith.constant 0 : index
    %get3A_1416 = vector.load %arg3[%get3A_1414, %get3A_1415] : memref<512x1024xf32, #tpu.memory_space<vmem>>, vector<32x1024xf32>
    %add3A_1417 = arith.addf %add3A_1413, %get3A_1416 : vector<32x1024xf32>
    %get3A_1418 = arith.constant 256 : index
    %get3A_1419 = arith.constant 0 : index
    %get3A_1420 = vector.load %arg3[%get3A_1418, %get3A_1419] : memref<512x1024xf32, #tpu.memory_space<vmem>>, vector<32x1024xf32>
    %add3A_1421 = arith.addf %add3A_1417, %get3A_1420 : vector<32x1024xf32>
    %get3A_1422 = arith.constant 288 : index
    %get3A_1423 = arith.constant 0 : index
    %get3A_1424 = vector.load %arg3[%get3A_1422, %get3A_1423] : memref<512x1024xf32, #tpu.memory_space<vmem>>, vector<32x1024xf32>
    %add3A_1425 = arith.addf %add3A_1421, %get3A_1424 : vector<32x1024xf32>
    %get3A_1426 = arith.constant 320 : index
    %get3A_1427 = arith.constant 0 : index
    %get3A_1428 = vector.load %arg3[%get3A_1426, %get3A_1427] : memref<512x1024xf32, #tpu.memory_space<vmem>>, vector<32x1024xf32>
    %add3A_1429 = arith.addf %add3A_1425, %get3A_1428 : vector<32x1024xf32>
    %get3A_1430 = arith.constant 352 : index
    %get3A_1431 = arith.constant 0 : index
    %get3A_1432 = vector.load %arg3[%get3A_1430, %get3A_1431] : memref<512x1024xf32, #tpu.memory_space<vmem>>, vector<32x1024xf32>
    %add3A_1433 = arith.addf %add3A_1429, %get3A_1432 : vector<32x1024xf32>
    %get3A_1434 = arith.constant 384 : index
    %get3A_1435 = arith.constant 0 : index
    %get3A_1436 = vector.load %arg3[%get3A_1434, %get3A_1435] : memref<512x1024xf32, #tpu.memory_space<vmem>>, vector<32x1024xf32>
    %add3A_1437 = arith.addf %add3A_1433, %get3A_1436 : vector<32x1024xf32>
    %get3A_1438 = arith.constant 416 : index
    %get3A_1439 = arith.constant 0 : index
    %get3A_1440 = vector.load %arg3[%get3A_1438, %get3A_1439] : memref<512x1024xf32, #tpu.memory_space<vmem>>, vector<32x1024xf32>
    %add3A_1441 = arith.addf %add3A_1437, %get3A_1440 : vector<32x1024xf32>
    %get3A_1442 = arith.constant 448 : index
    %get3A_1443 = arith.constant 0 : index
    %get3A_1444 = vector.load %arg3[%get3A_1442, %get3A_1443] : memref<512x1024xf32, #tpu.memory_space<vmem>>, vector<32x1024xf32>
    %add3A_1445 = arith.addf %add3A_1441, %get3A_1444 : vector<32x1024xf32>
    %get3A_1446 = arith.constant 480 : index
    %get3A_1447 = arith.constant 0 : index
    %get3A_1448 = vector.load %arg3[%get3A_1446, %get3A_1447] : memref<512x1024xf32, #tpu.memory_space<vmem>>, vector<32x1024xf32>
    %add3A_1449 = arith.addf %add3A_1445, %get3A_1448 : vector<32x1024xf32>
    %get3A_1450 = arith.constant 1 : index
    %get3A_1451 = arith.constant 0 : index
    %get3A_1452 = arith.constant 0 : index
    %get3A_1453 = vector.load %arg10[%get3A_1450, %get3A_1451, %get3A_1452] : memref<4x32x1024xf32, #tpu.memory_space<vmem>>, vector<1x32x1024xf32>
    %get3A_1454 = vector.shape_cast %get3A_1453 : vector<1x32x1024xf32> to vector<32x1024xf32>
    %add3A_1455 = arith.addf %get3A_1454, %add3A_1449 : vector<32x1024xf32>
    %swap3A_1456 = arith.constant 1 : index
    %swap3A_1457 = arith.constant 0 : index
    %swap3A_1458 = arith.constant 0 : index
    %swap3A_1459 = vector.load %arg10[%swap3A_1456, %swap3A_1457, %swap3A_1458] : memref<4x32x1024xf32, #tpu.memory_space<vmem>>, vector<1x32x1024xf32>
    %swap3A_1460 = vector.shape_cast %swap3A_1459 : vector<1x32x1024xf32> to vector<32x1024xf32>
    %swap3A_1461 = vector.shape_cast %add3A_1455 : vector<32x1024xf32> to vector<1x32x1024xf32>
    tpu.vector_store %arg10[%swap3A_1456, %swap3A_1457, %swap3A_1458], %swap3A_1461 {strides = array<i32>} : memref<4x32x1024xf32, #tpu.memory_space<vmem>>, vector<1x32x1024xf32>,
    %dma_start3A_1462 = arith.constant 18944 : i32
    %dma_start3A_1463 = arith.constant 0 : i32
    %dma_start3A_1464 = tpu.memref_slice %arg0[%dma_start3A_1462, %dma_start3A_1463] : memref<32768x1024xf32, #tpu.memory_space<any>> -> memref<512x1024xf32, #tpu.memory_space<any>>
    tpu.enqueue_dma source(%dma_start3A_1464 : memref<512x1024xf32, #tpu.memory_space<any>>) target(%arg3 : memref<512x1024xf32, #tpu.memory_space<vmem>>) target_semaphore(%arg12 : memref<!tpu.dma_semaphore, #tpu.memory_space<semaphore_mem>>)
    %dma_wait3A_1465 = arith.constant 13312 : i32
    %dma_wait3A_1466 = arith.constant 0 : i32
    %dma_wait3A_1467 = tpu.memref_slice %arg0[%dma_wait3A_1465, %dma_wait3A_1466] : memref<32768x1024xf32, #tpu.memory_space<any>> -> memref<512x1024xf32, #tpu.memory_space<any>>
    tpu.wait_dma2 semaphore(%arg13 : memref<!tpu.dma_semaphore, #tpu.memory_space<semaphore_mem>>) src(%dma_wait3A_1467 : memref<512x1024xf32, #tpu.memory_space<any>>) dst(%arg4 : memref<512x1024xf32, #tpu.memory_space<vmem>>)
    %get3A_1468 = arith.constant 0 : index
    %get3A_1469 = arith.constant 0 : index
    %get3A_1470 = vector.load %arg4[%get3A_1468, %get3A_1469] : memref<512x1024xf32, #tpu.memory_space<vmem>>, vector<32x1024xf32>
    %get3A_1471 = arith.constant 32 : index
    %get3A_1472 = arith.constant 0 : index
    %get3A_1473 = vector.load %arg4[%get3A_1471, %get3A_1472] : memref<512x1024xf32, #tpu.memory_space<vmem>>, vector<32x1024xf32>
    %add3A_1474 = arith.addf %get3A_1470, %get3A_1473 : vector<32x1024xf32>
    %get3A_1475 = arith.constant 64 : index
    %get3A_1476 = arith.constant 0 : index
    %get3A_1477 = vector.load %arg4[%get3A_1475, %get3A_1476] : memref<512x1024xf32, #tpu.memory_space<vmem>>, vector<32x1024xf32>
    %add3A_1478 = arith.addf %add3A_1474, %get3A_1477 : vector<32x1024xf32>
    %get3A_1479 = arith.constant 96 : index
    %get3A_1480 = arith.constant 0 : index
    %get3A_1481 = vector.load %arg4[%get3A_1479, %get3A_1480] : memref<512x1024xf32, #tpu.memory_space<vmem>>, vector<32x1024xf32>
    %add3A_1482 = arith.addf %add3A_1478, %get3A_1481 : vector<32x1024xf32>
    %get3A_1483 = arith.constant 128 : index
    %get3A_1484 = arith.constant 0 : index
    %get3A_1485 = vector.load %arg4[%get3A_1483, %get3A_1484] : memref<512x1024xf32, #tpu.memory_space<vmem>>, vector<32x1024xf32>
    %add3A_1486 = arith.addf %add3A_1482, %get3A_1485 : vector<32x1024xf32>
    %get3A_1487 = arith.constant 160 : index
    %get3A_1488 = arith.constant 0 : index
    %get3A_1489 = vector.load %arg4[%get3A_1487, %get3A_1488] : memref<512x1024xf32, #tpu.memory_space<vmem>>, vector<32x1024xf32>
    %add3A_1490 = arith.addf %add3A_1486, %get3A_1489 : vector<32x1024xf32>
    %get3A_1491 = arith.constant 192 : index
    %get3A_1492 = arith.constant 0 : index
    %get3A_1493 = vector.load %arg4[%get3A_1491, %get3A_1492] : memref<512x1024xf32, #tpu.memory_space<vmem>>, vector<32x1024xf32>
    %add3A_1494 = arith.addf %add3A_1490, %get3A_1493 : vector<32x1024xf32>
    %get3A_1495 = arith.constant 224 : index
    %get3A_1496 = arith.constant 0 : index
    %get3A_1497 = vector.load %arg4[%get3A_1495, %get3A_1496] : memref<512x1024xf32, #tpu.memory_space<vmem>>, vector<32x1024xf32>
    %add3A_1498 = arith.addf %add3A_1494, %get3A_1497 : vector<32x1024xf32>
    %get3A_1499 = arith.constant 256 : index
    %get3A_1500 = arith.constant 0 : index
    %get3A_1501 = vector.load %arg4[%get3A_1499, %get3A_1500] : memref<512x1024xf32, #tpu.memory_space<vmem>>, vector<32x1024xf32>
    %add3A_1502 = arith.addf %add3A_1498, %get3A_1501 : vector<32x1024xf32>
    %get3A_1503 = arith.constant 288 : index
    %get3A_1504 = arith.constant 0 : index
    %get3A_1505 = vector.load %arg4[%get3A_1503, %get3A_1504] : memref<512x1024xf32, #tpu.memory_space<vmem>>, vector<32x1024xf32>
    %add3A_1506 = arith.addf %add3A_1502, %get3A_1505 : vector<32x1024xf32>
    %get3A_1507 = arith.constant 320 : index
    %get3A_1508 = arith.constant 0 : index
    %get3A_1509 = vector.load %arg4[%get3A_1507, %get3A_1508] : memref<512x1024xf32, #tpu.memory_space<vmem>>, vector<32x1024xf32>
    %add3A_1510 = arith.addf %add3A_1506, %get3A_1509 : vector<32x1024xf32>
    %get3A_1511 = arith.constant 352 : index
    %get3A_1512 = arith.constant 0 : index
    %get3A_1513 = vector.load %arg4[%get3A_1511, %get3A_1512] : memref<512x1024xf32, #tpu.memory_space<vmem>>, vector<32x1024xf32>
    %add3A_1514 = arith.addf %add3A_1510, %get3A_1513 : vector<32x1024xf32>
    %get3A_1515 = arith.constant 384 : index
    %get3A_1516 = arith.constant 0 : index
    %get3A_1517 = vector.load %arg4[%get3A_1515, %get3A_1516] : memref<512x1024xf32, #tpu.memory_space<vmem>>, vector<32x1024xf32>
    %add3A_1518 = arith.addf %add3A_1514, %get3A_1517 : vector<32x1024xf32>
    %get3A_1519 = arith.constant 416 : index
    %get3A_1520 = arith.constant 0 : index
    %get3A_1521 = vector.load %arg4[%get3A_1519, %get3A_1520] : memref<512x1024xf32, #tpu.memory_space<vmem>>, vector<32x1024xf32>
    %add3A_1522 = arith.addf %add3A_1518, %get3A_1521 : vector<32x1024xf32>
    %get3A_1523 = arith.constant 448 : index
    %get3A_1524 = arith.constant 0 : index
    %get3A_1525 = vector.load %arg4[%get3A_1523, %get3A_1524] : memref<512x1024xf32, #tpu.memory_space<vmem>>, vector<32x1024xf32>
    %add3A_1526 = arith.addf %add3A_1522, %get3A_1525 : vector<32x1024xf32>
    %get3A_1527 = arith.constant 480 : index
    %get3A_1528 = arith.constant 0 : index
    %get3A_1529 = vector.load %arg4[%get3A_1527, %get3A_1528] : memref<512x1024xf32, #tpu.memory_space<vmem>>, vector<32x1024xf32>
    %add3A_1530 = arith.addf %add3A_1526, %get3A_1529 : vector<32x1024xf32>
    %get3A_1531 = arith.constant 1 : index
    %get3A_1532 = arith.constant 0 : index
    %get3A_1533 = arith.constant 0 : index
    %get3A_1534 = vector.load %arg10[%get3A_1531, %get3A_1532, %get3A_1533] : memref<4x32x1024xf32, #tpu.memory_space<vmem>>, vector<1x32x1024xf32>
    %get3A_1535 = vector.shape_cast %get3A_1534 : vector<1x32x1024xf32> to vector<32x1024xf32>
    %add3A_1536 = arith.addf %get3A_1535, %add3A_1530 : vector<32x1024xf32>
    %swap3A_1537 = arith.constant 1 : index
    %swap3A_1538 = arith.constant 0 : index
    %swap3A_1539 = arith.constant 0 : index
    %swap3A_1540 = vector.load %arg10[%swap3A_1537, %swap3A_1538, %swap3A_1539] : memref<4x32x1024xf32, #tpu.memory_space<vmem>>, vector<1x32x1024xf32>
    %swap3A_1541 = vector.shape_cast %swap3A_1540 : vector<1x32x1024xf32> to vector<32x1024xf32>
    %swap3A_1542 = vector.shape_cast %add3A_1536 : vector<32x1024xf32> to vector<1x32x1024xf32>
    tpu.vector_store %arg10[%swap3A_1537, %swap3A_1538, %swap3A_1539], %swap3A_1542 {strides = array<i32>} : memref<4x32x1024xf32, #tpu.memory_space<vmem>>, vector<1x32x1024xf32>,
    %dma_start3A_1543 = arith.constant 19456 : i32
    %dma_start3A_1544 = arith.constant 0 : i32
    %dma_start3A_1545 = tpu.memref_slice %arg0[%dma_start3A_1543, %dma_start3A_1544] : memref<32768x1024xf32, #tpu.memory_space<any>> -> memref<512x1024xf32, #tpu.memory_space<any>>
    tpu.enqueue_dma source(%dma_start3A_1545 : memref<512x1024xf32, #tpu.memory_space<any>>) target(%arg4 : memref<512x1024xf32, #tpu.memory_space<vmem>>) target_semaphore(%arg13 : memref<!tpu.dma_semaphore, #tpu.memory_space<semaphore_mem>>)
    %dma_wait3A_1546 = arith.constant 13824 : i32
    %dma_wait3A_1547 = arith.constant 0 : i32
    %dma_wait3A_1548 = tpu.memref_slice %arg0[%dma_wait3A_1546, %dma_wait3A_1547] : memref<32768x1024xf32, #tpu.memory_space<any>> -> memref<512x1024xf32, #tpu.memory_space<any>>
    tpu.wait_dma2 semaphore(%arg14 : memref<!tpu.dma_semaphore, #tpu.memory_space<semaphore_mem>>) src(%dma_wait3A_1548 : memref<512x1024xf32, #tpu.memory_space<any>>) dst(%arg5 : memref<512x1024xf32, #tpu.memory_space<vmem>>)
    %get3A_1549 = arith.constant 0 : index
    %get3A_1550 = arith.constant 0 : index
    %get3A_1551 = vector.load %arg5[%get3A_1549, %get3A_1550] : memref<512x1024xf32, #tpu.memory_space<vmem>>, vector<32x1024xf32>
    %get3A_1552 = arith.constant 32 : index
    %get3A_1553 = arith.constant 0 : index
    %get3A_1554 = vector.load %arg5[%get3A_1552, %get3A_1553] : memref<512x1024xf32, #tpu.memory_space<vmem>>, vector<32x1024xf32>
    %add3A_1555 = arith.addf %get3A_1551, %get3A_1554 : vector<32x1024xf32>
    %get3A_1556 = arith.constant 64 : index
    %get3A_1557 = arith.constant 0 : index
    %get3A_1558 = vector.load %arg5[%get3A_1556, %get3A_1557] : memref<512x1024xf32, #tpu.memory_space<vmem>>, vector<32x1024xf32>
    %add3A_1559 = arith.addf %add3A_1555, %get3A_1558 : vector<32x1024xf32>
    %get3A_1560 = arith.constant 96 : index
    %get3A_1561 = arith.constant 0 : index
    %get3A_1562 = vector.load %arg5[%get3A_1560, %get3A_1561] : memref<512x1024xf32, #tpu.memory_space<vmem>>, vector<32x1024xf32>
    %add3A_1563 = arith.addf %add3A_1559, %get3A_1562 : vector<32x1024xf32>
    %get3A_1564 = arith.constant 128 : index
    %get3A_1565 = arith.constant 0 : index
    %get3A_1566 = vector.load %arg5[%get3A_1564, %get3A_1565] : memref<512x1024xf32, #tpu.memory_space<vmem>>, vector<32x1024xf32>
    %add3A_1567 = arith.addf %add3A_1563, %get3A_1566 : vector<32x1024xf32>
    %get3A_1568 = arith.constant 160 : index
    %get3A_1569 = arith.constant 0 : index
    %get3A_1570 = vector.load %arg5[%get3A_1568, %get3A_1569] : memref<512x1024xf32, #tpu.memory_space<vmem>>, vector<32x1024xf32>
    %add3A_1571 = arith.addf %add3A_1567, %get3A_1570 : vector<32x1024xf32>
    %get3A_1572 = arith.constant 192 : index
    %get3A_1573 = arith.constant 0 : index
    %get3A_1574 = vector.load %arg5[%get3A_1572, %get3A_1573] : memref<512x1024xf32, #tpu.memory_space<vmem>>, vector<32x1024xf32>
    %add3A_1575 = arith.addf %add3A_1571, %get3A_1574 : vector<32x1024xf32>
    %get3A_1576 = arith.constant 224 : index
    %get3A_1577 = arith.constant 0 : index
    %get3A_1578 = vector.load %arg5[%get3A_1576, %get3A_1577] : memref<512x1024xf32, #tpu.memory_space<vmem>>, vector<32x1024xf32>
    %add3A_1579 = arith.addf %add3A_1575, %get3A_1578 : vector<32x1024xf32>
    %get3A_1580 = arith.constant 256 : index
    %get3A_1581 = arith.constant 0 : index
    %get3A_1582 = vector.load %arg5[%get3A_1580, %get3A_1581] : memref<512x1024xf32, #tpu.memory_space<vmem>>, vector<32x1024xf32>
    %add3A_1583 = arith.addf %add3A_1579, %get3A_1582 : vector<32x1024xf32>
    %get3A_1584 = arith.constant 288 : index
    %get3A_1585 = arith.constant 0 : index
    %get3A_1586 = vector.load %arg5[%get3A_1584, %get3A_1585] : memref<512x1024xf32, #tpu.memory_space<vmem>>, vector<32x1024xf32>
    %add3A_1587 = arith.addf %add3A_1583, %get3A_1586 : vector<32x1024xf32>
    %get3A_1588 = arith.constant 320 : index
    %get3A_1589 = arith.constant 0 : index
    %get3A_1590 = vector.load %arg5[%get3A_1588, %get3A_1589] : memref<512x1024xf32, #tpu.memory_space<vmem>>, vector<32x1024xf32>
    %add3A_1591 = arith.addf %add3A_1587, %get3A_1590 : vector<32x1024xf32>
    %get3A_1592 = arith.constant 352 : index
    %get3A_1593 = arith.constant 0 : index
    %get3A_1594 = vector.load %arg5[%get3A_1592, %get3A_1593] : memref<512x1024xf32, #tpu.memory_space<vmem>>, vector<32x1024xf32>
    %add3A_1595 = arith.addf %add3A_1591, %get3A_1594 : vector<32x1024xf32>
    %get3A_1596 = arith.constant 384 : index
    %get3A_1597 = arith.constant 0 : index
    %get3A_1598 = vector.load %arg5[%get3A_1596, %get3A_1597] : memref<512x1024xf32, #tpu.memory_space<vmem>>, vector<32x1024xf32>
    %add3A_1599 = arith.addf %add3A_1595, %get3A_1598 : vector<32x1024xf32>
    %get3A_1600 = arith.constant 416 : index
    %get3A_1601 = arith.constant 0 : index
    %get3A_1602 = vector.load %arg5[%get3A_1600, %get3A_1601] : memref<512x1024xf32, #tpu.memory_space<vmem>>, vector<32x1024xf32>
    %add3A_1603 = arith.addf %add3A_1599, %get3A_1602 : vector<32x1024xf32>
    %get3A_1604 = arith.constant 448 : index
    %get3A_1605 = arith.constant 0 : index
    %get3A_1606 = vector.load %arg5[%get3A_1604, %get3A_1605] : memref<512x1024xf32, #tpu.memory_space<vmem>>, vector<32x1024xf32>
    %add3A_1607 = arith.addf %add3A_1603, %get3A_1606 : vector<32x1024xf32>
    %get3A_1608 = arith.constant 480 : index
    %get3A_1609 = arith.constant 0 : index
    %get3A_1610 = vector.load %arg5[%get3A_1608, %get3A_1609] : memref<512x1024xf32, #tpu.memory_space<vmem>>, vector<32x1024xf32>
    %add3A_1611 = arith.addf %add3A_1607, %get3A_1610 : vector<32x1024xf32>
    %get3A_1612 = arith.constant 1 : index
    %get3A_1613 = arith.constant 0 : index
    %get3A_1614 = arith.constant 0 : index
    %get3A_1615 = vector.load %arg10[%get3A_1612, %get3A_1613, %get3A_1614] : memref<4x32x1024xf32, #tpu.memory_space<vmem>>, vector<1x32x1024xf32>
    %get3A_1616 = vector.shape_cast %get3A_1615 : vector<1x32x1024xf32> to vector<32x1024xf32>
    %add3A_1617 = arith.addf %get3A_1616, %add3A_1611 : vector<32x1024xf32>
    %swap3A_1618 = arith.constant 1 : index
    %swap3A_1619 = arith.constant 0 : index
    %swap3A_1620 = arith.constant 0 : index
    %swap3A_1621 = vector.load %arg10[%swap3A_1618, %swap3A_1619, %swap3A_1620] : memref<4x32x1024xf32, #tpu.memory_space<vmem>>, vector<1x32x1024xf32>
    %swap3A_1622 = vector.shape_cast %swap3A_1621 : vector<1x32x1024xf32> to vector<32x1024xf32>
    %swap3A_1623 = vector.shape_cast %add3A_1617 : vector<32x1024xf32> to vector<1x32x1024xf32>
    tpu.vector_store %arg10[%swap3A_1618, %swap3A_1619, %swap3A_1620], %swap3A_1623 {strides = array<i32>} : memref<4x32x1024xf32, #tpu.memory_space<vmem>>, vector<1x32x1024xf32>,
    %dma_start3A_1624 = arith.constant 19968 : i32
    %dma_start3A_1625 = arith.constant 0 : i32
    %dma_start3A_1626 = tpu.memref_slice %arg0[%dma_start3A_1624, %dma_start3A_1625] : memref<32768x1024xf32, #tpu.memory_space<any>> -> memref<512x1024xf32, #tpu.memory_space<any>>
    tpu.enqueue_dma source(%dma_start3A_1626 : memref<512x1024xf32, #tpu.memory_space<any>>) target(%arg5 : memref<512x1024xf32, #tpu.memory_space<vmem>>) target_semaphore(%arg14 : memref<!tpu.dma_semaphore, #tpu.memory_space<semaphore_mem>>)
    %dma_wait3A_1627 = arith.constant 14336 : i32
    %dma_wait3A_1628 = arith.constant 0 : i32
    %dma_wait3A_1629 = tpu.memref_slice %arg0[%dma_wait3A_1627, %dma_wait3A_1628] : memref<32768x1024xf32, #tpu.memory_space<any>> -> memref<512x1024xf32, #tpu.memory_space<any>>
    tpu.wait_dma2 semaphore(%arg15 : memref<!tpu.dma_semaphore, #tpu.memory_space<semaphore_mem>>) src(%dma_wait3A_1629 : memref<512x1024xf32, #tpu.memory_space<any>>) dst(%arg6 : memref<512x1024xf32, #tpu.memory_space<vmem>>)
    %get3A_1630 = arith.constant 0 : index
    %get3A_1631 = arith.constant 0 : index
    %get3A_1632 = vector.load %arg6[%get3A_1630, %get3A_1631] : memref<512x1024xf32, #tpu.memory_space<vmem>>, vector<32x1024xf32>
    %get3A_1633 = arith.constant 32 : index
    %get3A_1634 = arith.constant 0 : index
    %get3A_1635 = vector.load %arg6[%get3A_1633, %get3A_1634] : memref<512x1024xf32, #tpu.memory_space<vmem>>, vector<32x1024xf32>
    %add3A_1636 = arith.addf %get3A_1632, %get3A_1635 : vector<32x1024xf32>
    %get3A_1637 = arith.constant 64 : index
    %get3A_1638 = arith.constant 0 : index
    %get3A_1639 = vector.load %arg6[%get3A_1637, %get3A_1638] : memref<512x1024xf32, #tpu.memory_space<vmem>>, vector<32x1024xf32>
    %add3A_1640 = arith.addf %add3A_1636, %get3A_1639 : vector<32x1024xf32>
    %get3A_1641 = arith.constant 96 : index
    %get3A_1642 = arith.constant 0 : index
    %get3A_1643 = vector.load %arg6[%get3A_1641, %get3A_1642] : memref<512x1024xf32, #tpu.memory_space<vmem>>, vector<32x1024xf32>
    %add3A_1644 = arith.addf %add3A_1640, %get3A_1643 : vector<32x1024xf32>
    %get3A_1645 = arith.constant 128 : index
    %get3A_1646 = arith.constant 0 : index
    %get3A_1647 = vector.load %arg6[%get3A_1645, %get3A_1646] : memref<512x1024xf32, #tpu.memory_space<vmem>>, vector<32x1024xf32>
    %add3A_1648 = arith.addf %add3A_1644, %get3A_1647 : vector<32x1024xf32>
    %get3A_1649 = arith.constant 160 : index
    %get3A_1650 = arith.constant 0 : index
    %get3A_1651 = vector.load %arg6[%get3A_1649, %get3A_1650] : memref<512x1024xf32, #tpu.memory_space<vmem>>, vector<32x1024xf32>
    %add3A_1652 = arith.addf %add3A_1648, %get3A_1651 : vector<32x1024xf32>
    %get3A_1653 = arith.constant 192 : index
    %get3A_1654 = arith.constant 0 : index
    %get3A_1655 = vector.load %arg6[%get3A_1653, %get3A_1654] : memref<512x1024xf32, #tpu.memory_space<vmem>>, vector<32x1024xf32>
    %add3A_1656 = arith.addf %add3A_1652, %get3A_1655 : vector<32x1024xf32>
    %get3A_1657 = arith.constant 224 : index
    %get3A_1658 = arith.constant 0 : index
    %get3A_1659 = vector.load %arg6[%get3A_1657, %get3A_1658] : memref<512x1024xf32, #tpu.memory_space<vmem>>, vector<32x1024xf32>
    %add3A_1660 = arith.addf %add3A_1656, %get3A_1659 : vector<32x1024xf32>
    %get3A_1661 = arith.constant 256 : index
    %get3A_1662 = arith.constant 0 : index
    %get3A_1663 = vector.load %arg6[%get3A_1661, %get3A_1662] : memref<512x1024xf32, #tpu.memory_space<vmem>>, vector<32x1024xf32>
    %add3A_1664 = arith.addf %add3A_1660, %get3A_1663 : vector<32x1024xf32>
    %get3A_1665 = arith.constant 288 : index
    %get3A_1666 = arith.constant 0 : index
    %get3A_1667 = vector.load %arg6[%get3A_1665, %get3A_1666] : memref<512x1024xf32, #tpu.memory_space<vmem>>, vector<32x1024xf32>
    %add3A_1668 = arith.addf %add3A_1664, %get3A_1667 : vector<32x1024xf32>
    %get3A_1669 = arith.constant 320 : index
    %get3A_1670 = arith.constant 0 : index
    %get3A_1671 = vector.load %arg6[%get3A_1669, %get3A_1670] : memref<512x1024xf32, #tpu.memory_space<vmem>>, vector<32x1024xf32>
    %add3A_1672 = arith.addf %add3A_1668, %get3A_1671 : vector<32x1024xf32>
    %get3A_1673 = arith.constant 352 : index
    %get3A_1674 = arith.constant 0 : index
    %get3A_1675 = vector.load %arg6[%get3A_1673, %get3A_1674] : memref<512x1024xf32, #tpu.memory_space<vmem>>, vector<32x1024xf32>
    %add3A_1676 = arith.addf %add3A_1672, %get3A_1675 : vector<32x1024xf32>
    %get3A_1677 = arith.constant 384 : index
    %get3A_1678 = arith.constant 0 : index
    %get3A_1679 = vector.load %arg6[%get3A_1677, %get3A_1678] : memref<512x1024xf32, #tpu.memory_space<vmem>>, vector<32x1024xf32>
    %add3A_1680 = arith.addf %add3A_1676, %get3A_1679 : vector<32x1024xf32>
    %get3A_1681 = arith.constant 416 : index
    %get3A_1682 = arith.constant 0 : index
    %get3A_1683 = vector.load %arg6[%get3A_1681, %get3A_1682] : memref<512x1024xf32, #tpu.memory_space<vmem>>, vector<32x1024xf32>
    %add3A_1684 = arith.addf %add3A_1680, %get3A_1683 : vector<32x1024xf32>
    %get3A_1685 = arith.constant 448 : index
    %get3A_1686 = arith.constant 0 : index
    %get3A_1687 = vector.load %arg6[%get3A_1685, %get3A_1686] : memref<512x1024xf32, #tpu.memory_space<vmem>>, vector<32x1024xf32>
    %add3A_1688 = arith.addf %add3A_1684, %get3A_1687 : vector<32x1024xf32>
    %get3A_1689 = arith.constant 480 : index
    %get3A_1690 = arith.constant 0 : index
    %get3A_1691 = vector.load %arg6[%get3A_1689, %get3A_1690] : memref<512x1024xf32, #tpu.memory_space<vmem>>, vector<32x1024xf32>
    %add3A_1692 = arith.addf %add3A_1688, %get3A_1691 : vector<32x1024xf32>
    %get3A_1693 = arith.constant 1 : index
    %get3A_1694 = arith.constant 0 : index
    %get3A_1695 = arith.constant 0 : index
    %get3A_1696 = vector.load %arg10[%get3A_1693, %get3A_1694, %get3A_1695] : memref<4x32x1024xf32, #tpu.memory_space<vmem>>, vector<1x32x1024xf32>
    %get3A_1697 = vector.shape_cast %get3A_1696 : vector<1x32x1024xf32> to vector<32x1024xf32>
    %add3A_1698 = arith.addf %get3A_1697, %add3A_1692 : vector<32x1024xf32>
    %swap3A_1699 = arith.constant 1 : index
    %swap3A_1700 = arith.constant 0 : index
    %swap3A_1701 = arith.constant 0 : index
    %swap3A_1702 = vector.load %arg10[%swap3A_1699, %swap3A_1700, %swap3A_1701] : memref<4x32x1024xf32, #tpu.memory_space<vmem>>, vector<1x32x1024xf32>
    %swap3A_1703 = vector.shape_cast %swap3A_1702 : vector<1x32x1024xf32> to vector<32x1024xf32>
    %swap3A_1704 = vector.shape_cast %add3A_1698 : vector<32x1024xf32> to vector<1x32x1024xf32>
    tpu.vector_store %arg10[%swap3A_1699, %swap3A_1700, %swap3A_1701], %swap3A_1704 {strides = array<i32>} : memref<4x32x1024xf32, #tpu.memory_space<vmem>>, vector<1x32x1024xf32>,
    %dma_start3A_1705 = arith.constant 20480 : i32
    %dma_start3A_1706 = arith.constant 0 : i32
    %dma_start3A_1707 = tpu.memref_slice %arg0[%dma_start3A_1705, %dma_start3A_1706] : memref<32768x1024xf32, #tpu.memory_space<any>> -> memref<512x1024xf32, #tpu.memory_space<any>>
    tpu.enqueue_dma source(%dma_start3A_1707 : memref<512x1024xf32, #tpu.memory_space<any>>) target(%arg6 : memref<512x1024xf32, #tpu.memory_space<vmem>>) target_semaphore(%arg15 : memref<!tpu.dma_semaphore, #tpu.memory_space<semaphore_mem>>)
    %dma_wait3A_1708 = arith.constant 14848 : i32
    %dma_wait3A_1709 = arith.constant 0 : i32
    %dma_wait3A_1710 = tpu.memref_slice %arg0[%dma_wait3A_1708, %dma_wait3A_1709] : memref<32768x1024xf32, #tpu.memory_space<any>> -> memref<512x1024xf32, #tpu.memory_space<any>>
    tpu.wait_dma2 semaphore(%arg16 : memref<!tpu.dma_semaphore, #tpu.memory_space<semaphore_mem>>) src(%dma_wait3A_1710 : memref<512x1024xf32, #tpu.memory_space<any>>) dst(%arg7 : memref<512x1024xf32, #tpu.memory_space<vmem>>)
    %get3A_1711 = arith.constant 0 : index
    %get3A_1712 = arith.constant 0 : index
    %get3A_1713 = vector.load %arg7[%get3A_1711, %get3A_1712] : memref<512x1024xf32, #tpu.memory_space<vmem>>, vector<32x1024xf32>
    %get3A_1714 = arith.constant 32 : index
    %get3A_1715 = arith.constant 0 : index
    %get3A_1716 = vector.load %arg7[%get3A_1714, %get3A_1715] : memref<512x1024xf32, #tpu.memory_space<vmem>>, vector<32x1024xf32>
    %add3A_1717 = arith.addf %get3A_1713, %get3A_1716 : vector<32x1024xf32>
    %get3A_1718 = arith.constant 64 : index
    %get3A_1719 = arith.constant 0 : index
    %get3A_1720 = vector.load %arg7[%get3A_1718, %get3A_1719] : memref<512x1024xf32, #tpu.memory_space<vmem>>, vector<32x1024xf32>
    %add3A_1721 = arith.addf %add3A_1717, %get3A_1720 : vector<32x1024xf32>
    %get3A_1722 = arith.constant 96 : index
    %get3A_1723 = arith.constant 0 : index
    %get3A_1724 = vector.load %arg7[%get3A_1722, %get3A_1723] : memref<512x1024xf32, #tpu.memory_space<vmem>>, vector<32x1024xf32>
    %add3A_1725 = arith.addf %add3A_1721, %get3A_1724 : vector<32x1024xf32>
    %get3A_1726 = arith.constant 128 : index
    %get3A_1727 = arith.constant 0 : index
    %get3A_1728 = vector.load %arg7[%get3A_1726, %get3A_1727] : memref<512x1024xf32, #tpu.memory_space<vmem>>, vector<32x1024xf32>
    %add3A_1729 = arith.addf %add3A_1725, %get3A_1728 : vector<32x1024xf32>
    %get3A_1730 = arith.constant 160 : index
    %get3A_1731 = arith.constant 0 : index
    %get3A_1732 = vector.load %arg7[%get3A_1730, %get3A_1731] : memref<512x1024xf32, #tpu.memory_space<vmem>>, vector<32x1024xf32>
    %add3A_1733 = arith.addf %add3A_1729, %get3A_1732 : vector<32x1024xf32>
    %get3A_1734 = arith.constant 192 : index
    %get3A_1735 = arith.constant 0 : index
    %get3A_1736 = vector.load %arg7[%get3A_1734, %get3A_1735] : memref<512x1024xf32, #tpu.memory_space<vmem>>, vector<32x1024xf32>
    %add3A_1737 = arith.addf %add3A_1733, %get3A_1736 : vector<32x1024xf32>
    %get3A_1738 = arith.constant 224 : index
    %get3A_1739 = arith.constant 0 : index
    %get3A_1740 = vector.load %arg7[%get3A_1738, %get3A_1739] : memref<512x1024xf32, #tpu.memory_space<vmem>>, vector<32x1024xf32>
    %add3A_1741 = arith.addf %add3A_1737, %get3A_1740 : vector<32x1024xf32>
    %get3A_1742 = arith.constant 256 : index
    %get3A_1743 = arith.constant 0 : index
    %get3A_1744 = vector.load %arg7[%get3A_1742, %get3A_1743] : memref<512x1024xf32, #tpu.memory_space<vmem>>, vector<32x1024xf32>
    %add3A_1745 = arith.addf %add3A_1741, %get3A_1744 : vector<32x1024xf32>
    %get3A_1746 = arith.constant 288 : index
    %get3A_1747 = arith.constant 0 : index
    %get3A_1748 = vector.load %arg7[%get3A_1746, %get3A_1747] : memref<512x1024xf32, #tpu.memory_space<vmem>>, vector<32x1024xf32>
    %add3A_1749 = arith.addf %add3A_1745, %get3A_1748 : vector<32x1024xf32>
    %get3A_1750 = arith.constant 320 : index
    %get3A_1751 = arith.constant 0 : index
    %get3A_1752 = vector.load %arg7[%get3A_1750, %get3A_1751] : memref<512x1024xf32, #tpu.memory_space<vmem>>, vector<32x1024xf32>
    %add3A_1753 = arith.addf %add3A_1749, %get3A_1752 : vector<32x1024xf32>
    %get3A_1754 = arith.constant 352 : index
    %get3A_1755 = arith.constant 0 : index
    %get3A_1756 = vector.load %arg7[%get3A_1754, %get3A_1755] : memref<512x1024xf32, #tpu.memory_space<vmem>>, vector<32x1024xf32>
    %add3A_1757 = arith.addf %add3A_1753, %get3A_1756 : vector<32x1024xf32>
    %get3A_1758 = arith.constant 384 : index
    %get3A_1759 = arith.constant 0 : index
    %get3A_1760 = vector.load %arg7[%get3A_1758, %get3A_1759] : memref<512x1024xf32, #tpu.memory_space<vmem>>, vector<32x1024xf32>
    %add3A_1761 = arith.addf %add3A_1757, %get3A_1760 : vector<32x1024xf32>
    %get3A_1762 = arith.constant 416 : index
    %get3A_1763 = arith.constant 0 : index
    %get3A_1764 = vector.load %arg7[%get3A_1762, %get3A_1763] : memref<512x1024xf32, #tpu.memory_space<vmem>>, vector<32x1024xf32>
    %add3A_1765 = arith.addf %add3A_1761, %get3A_1764 : vector<32x1024xf32>
    %get3A_1766 = arith.constant 448 : index
    %get3A_1767 = arith.constant 0 : index
    %get3A_1768 = vector.load %arg7[%get3A_1766, %get3A_1767] : memref<512x1024xf32, #tpu.memory_space<vmem>>, vector<32x1024xf32>
    %add3A_1769 = arith.addf %add3A_1765, %get3A_1768 : vector<32x1024xf32>
    %get3A_1770 = arith.constant 480 : index
    %get3A_1771 = arith.constant 0 : index
    %get3A_1772 = vector.load %arg7[%get3A_1770, %get3A_1771] : memref<512x1024xf32, #tpu.memory_space<vmem>>, vector<32x1024xf32>
    %add3A_1773 = arith.addf %add3A_1769, %get3A_1772 : vector<32x1024xf32>
    %get3A_1774 = arith.constant 1 : index
    %get3A_1775 = arith.constant 0 : index
    %get3A_1776 = arith.constant 0 : index
    %get3A_1777 = vector.load %arg10[%get3A_1774, %get3A_1775, %get3A_1776] : memref<4x32x1024xf32, #tpu.memory_space<vmem>>, vector<1x32x1024xf32>
    %get3A_1778 = vector.shape_cast %get3A_1777 : vector<1x32x1024xf32> to vector<32x1024xf32>
    %add3A_1779 = arith.addf %get3A_1778, %add3A_1773 : vector<32x1024xf32>
    %swap3A_1780 = arith.constant 1 : index
    %swap3A_1781 = arith.constant 0 : index
    %swap3A_1782 = arith.constant 0 : index
    %swap3A_1783 = vector.load %arg10[%swap3A_1780, %swap3A_1781, %swap3A_1782] : memref<4x32x1024xf32, #tpu.memory_space<vmem>>, vector<1x32x1024xf32>
    %swap3A_1784 = vector.shape_cast %swap3A_1783 : vector<1x32x1024xf32> to vector<32x1024xf32>
    %swap3A_1785 = vector.shape_cast %add3A_1779 : vector<32x1024xf32> to vector<1x32x1024xf32>
    tpu.vector_store %arg10[%swap3A_1780, %swap3A_1781, %swap3A_1782], %swap3A_1785 {strides = array<i32>} : memref<4x32x1024xf32, #tpu.memory_space<vmem>>, vector<1x32x1024xf32>,
    %dma_start3A_1786 = arith.constant 20992 : i32
    %dma_start3A_1787 = arith.constant 0 : i32
    %dma_start3A_1788 = tpu.memref_slice %arg0[%dma_start3A_1786, %dma_start3A_1787] : memref<32768x1024xf32, #tpu.memory_space<any>> -> memref<512x1024xf32, #tpu.memory_space<any>>
    tpu.enqueue_dma source(%dma_start3A_1788 : memref<512x1024xf32, #tpu.memory_space<any>>) target(%arg7 : memref<512x1024xf32, #tpu.memory_space<vmem>>) target_semaphore(%arg16 : memref<!tpu.dma_semaphore, #tpu.memory_space<semaphore_mem>>)
    %dma_wait3A_1789 = arith.constant 15360 : i32
    %dma_wait3A_1790 = arith.constant 0 : i32
    %dma_wait3A_1791 = tpu.memref_slice %arg0[%dma_wait3A_1789, %dma_wait3A_1790] : memref<32768x1024xf32, #tpu.memory_space<any>> -> memref<512x1024xf32, #tpu.memory_space<any>>
    tpu.wait_dma2 semaphore(%arg17 : memref<!tpu.dma_semaphore, #tpu.memory_space<semaphore_mem>>) src(%dma_wait3A_1791 : memref<512x1024xf32, #tpu.memory_space<any>>) dst(%arg8 : memref<512x1024xf32, #tpu.memory_space<vmem>>)
    %get3A_1792 = arith.constant 0 : index
    %get3A_1793 = arith.constant 0 : index
    %get3A_1794 = vector.load %arg8[%get3A_1792, %get3A_1793] : memref<512x1024xf32, #tpu.memory_space<vmem>>, vector<32x1024xf32>
    %get3A_1795 = arith.constant 32 : index
    %get3A_1796 = arith.constant 0 : index
    %get3A_1797 = vector.load %arg8[%get3A_1795, %get3A_1796] : memref<512x1024xf32, #tpu.memory_space<vmem>>, vector<32x1024xf32>
    %add3A_1798 = arith.addf %get3A_1794, %get3A_1797 : vector<32x1024xf32>
    %get3A_1799 = arith.constant 64 : index
    %get3A_1800 = arith.constant 0 : index
    %get3A_1801 = vector.load %arg8[%get3A_1799, %get3A_1800] : memref<512x1024xf32, #tpu.memory_space<vmem>>, vector<32x1024xf32>
    %add3A_1802 = arith.addf %add3A_1798, %get3A_1801 : vector<32x1024xf32>
    %get3A_1803 = arith.constant 96 : index
    %get3A_1804 = arith.constant 0 : index
    %get3A_1805 = vector.load %arg8[%get3A_1803, %get3A_1804] : memref<512x1024xf32, #tpu.memory_space<vmem>>, vector<32x1024xf32>
    %add3A_1806 = arith.addf %add3A_1802, %get3A_1805 : vector<32x1024xf32>
    %get3A_1807 = arith.constant 128 : index
    %get3A_1808 = arith.constant 0 : index
    %get3A_1809 = vector.load %arg8[%get3A_1807, %get3A_1808] : memref<512x1024xf32, #tpu.memory_space<vmem>>, vector<32x1024xf32>
    %add3A_1810 = arith.addf %add3A_1806, %get3A_1809 : vector<32x1024xf32>
    %get3A_1811 = arith.constant 160 : index
    %get3A_1812 = arith.constant 0 : index
    %get3A_1813 = vector.load %arg8[%get3A_1811, %get3A_1812] : memref<512x1024xf32, #tpu.memory_space<vmem>>, vector<32x1024xf32>
    %add3A_1814 = arith.addf %add3A_1810, %get3A_1813 : vector<32x1024xf32>
    %get3A_1815 = arith.constant 192 : index
    %get3A_1816 = arith.constant 0 : index
    %get3A_1817 = vector.load %arg8[%get3A_1815, %get3A_1816] : memref<512x1024xf32, #tpu.memory_space<vmem>>, vector<32x1024xf32>
    %add3A_1818 = arith.addf %add3A_1814, %get3A_1817 : vector<32x1024xf32>
    %get3A_1819 = arith.constant 224 : index
    %get3A_1820 = arith.constant 0 : index
    %get3A_1821 = vector.load %arg8[%get3A_1819, %get3A_1820] : memref<512x1024xf32, #tpu.memory_space<vmem>>, vector<32x1024xf32>
    %add3A_1822 = arith.addf %add3A_1818, %get3A_1821 : vector<32x1024xf32>
    %get3A_1823 = arith.constant 256 : index
    %get3A_1824 = arith.constant 0 : index
    %get3A_1825 = vector.load %arg8[%get3A_1823, %get3A_1824] : memref<512x1024xf32, #tpu.memory_space<vmem>>, vector<32x1024xf32>
    %add3A_1826 = arith.addf %add3A_1822, %get3A_1825 : vector<32x1024xf32>
    %get3A_1827 = arith.constant 288 : index
    %get3A_1828 = arith.constant 0 : index
    %get3A_1829 = vector.load %arg8[%get3A_1827, %get3A_1828] : memref<512x1024xf32, #tpu.memory_space<vmem>>, vector<32x1024xf32>
    %add3A_1830 = arith.addf %add3A_1826, %get3A_1829 : vector<32x1024xf32>
    %get3A_1831 = arith.constant 320 : index
    %get3A_1832 = arith.constant 0 : index
    %get3A_1833 = vector.load %arg8[%get3A_1831, %get3A_1832] : memref<512x1024xf32, #tpu.memory_space<vmem>>, vector<32x1024xf32>
    %add3A_1834 = arith.addf %add3A_1830, %get3A_1833 : vector<32x1024xf32>
    %get3A_1835 = arith.constant 352 : index
    %get3A_1836 = arith.constant 0 : index
    %get3A_1837 = vector.load %arg8[%get3A_1835, %get3A_1836] : memref<512x1024xf32, #tpu.memory_space<vmem>>, vector<32x1024xf32>
    %add3A_1838 = arith.addf %add3A_1834, %get3A_1837 : vector<32x1024xf32>
    %get3A_1839 = arith.constant 384 : index
    %get3A_1840 = arith.constant 0 : index
    %get3A_1841 = vector.load %arg8[%get3A_1839, %get3A_1840] : memref<512x1024xf32, #tpu.memory_space<vmem>>, vector<32x1024xf32>
    %add3A_1842 = arith.addf %add3A_1838, %get3A_1841 : vector<32x1024xf32>
    %get3A_1843 = arith.constant 416 : index
    %get3A_1844 = arith.constant 0 : index
    %get3A_1845 = vector.load %arg8[%get3A_1843, %get3A_1844] : memref<512x1024xf32, #tpu.memory_space<vmem>>, vector<32x1024xf32>
    %add3A_1846 = arith.addf %add3A_1842, %get3A_1845 : vector<32x1024xf32>
    %get3A_1847 = arith.constant 448 : index
    %get3A_1848 = arith.constant 0 : index
    %get3A_1849 = vector.load %arg8[%get3A_1847, %get3A_1848] : memref<512x1024xf32, #tpu.memory_space<vmem>>, vector<32x1024xf32>
    %add3A_1850 = arith.addf %add3A_1846, %get3A_1849 : vector<32x1024xf32>
    %get3A_1851 = arith.constant 480 : index
    %get3A_1852 = arith.constant 0 : index
    %get3A_1853 = vector.load %arg8[%get3A_1851, %get3A_1852] : memref<512x1024xf32, #tpu.memory_space<vmem>>, vector<32x1024xf32>
    %add3A_1854 = arith.addf %add3A_1850, %get3A_1853 : vector<32x1024xf32>
    %get3A_1855 = arith.constant 1 : index
    %get3A_1856 = arith.constant 0 : index
    %get3A_1857 = arith.constant 0 : index
    %get3A_1858 = vector.load %arg10[%get3A_1855, %get3A_1856, %get3A_1857] : memref<4x32x1024xf32, #tpu.memory_space<vmem>>, vector<1x32x1024xf32>
    %get3A_1859 = vector.shape_cast %get3A_1858 : vector<1x32x1024xf32> to vector<32x1024xf32>
    %add3A_1860 = arith.addf %get3A_1859, %add3A_1854 : vector<32x1024xf32>
    %swap3A_1861 = arith.constant 1 : index
    %swap3A_1862 = arith.constant 0 : index
    %swap3A_1863 = arith.constant 0 : index
    %swap3A_1864 = vector.load %arg10[%swap3A_1861, %swap3A_1862, %swap3A_1863] : memref<4x32x1024xf32, #tpu.memory_space<vmem>>, vector<1x32x1024xf32>
    %swap3A_1865 = vector.shape_cast %swap3A_1864 : vector<1x32x1024xf32> to vector<32x1024xf32>
    %swap3A_1866 = vector.shape_cast %add3A_1860 : vector<32x1024xf32> to vector<1x32x1024xf32>
    tpu.vector_store %arg10[%swap3A_1861, %swap3A_1862, %swap3A_1863], %swap3A_1866 {strides = array<i32>} : memref<4x32x1024xf32, #tpu.memory_space<vmem>>, vector<1x32x1024xf32>,
    %dma_start3A_1867 = arith.constant 21504 : i32
    %dma_start3A_1868 = arith.constant 0 : i32
    %dma_start3A_1869 = tpu.memref_slice %arg0[%dma_start3A_1867, %dma_start3A_1868] : memref<32768x1024xf32, #tpu.memory_space<any>> -> memref<512x1024xf32, #tpu.memory_space<any>>
    tpu.enqueue_dma source(%dma_start3A_1869 : memref<512x1024xf32, #tpu.memory_space<any>>) target(%arg8 : memref<512x1024xf32, #tpu.memory_space<vmem>>) target_semaphore(%arg17 : memref<!tpu.dma_semaphore, #tpu.memory_space<semaphore_mem>>)
    %dma_wait3A_1870 = arith.constant 15872 : i32
    %dma_wait3A_1871 = arith.constant 0 : i32
    %dma_wait3A_1872 = tpu.memref_slice %arg0[%dma_wait3A_1870, %dma_wait3A_1871] : memref<32768x1024xf32, #tpu.memory_space<any>> -> memref<512x1024xf32, #tpu.memory_space<any>>
    tpu.wait_dma2 semaphore(%arg18 : memref<!tpu.dma_semaphore, #tpu.memory_space<semaphore_mem>>) src(%dma_wait3A_1872 : memref<512x1024xf32, #tpu.memory_space<any>>) dst(%arg9 : memref<512x1024xf32, #tpu.memory_space<vmem>>)
    %get3A_1873 = arith.constant 0 : index
    %get3A_1874 = arith.constant 0 : index
    %get3A_1875 = vector.load %arg9[%get3A_1873, %get3A_1874] : memref<512x1024xf32, #tpu.memory_space<vmem>>, vector<32x1024xf32>
    %get3A_1876 = arith.constant 32 : index
    %get3A_1877 = arith.constant 0 : index
    %get3A_1878 = vector.load %arg9[%get3A_1876, %get3A_1877] : memref<512x1024xf32, #tpu.memory_space<vmem>>, vector<32x1024xf32>
    %add3A_1879 = arith.addf %get3A_1875, %get3A_1878 : vector<32x1024xf32>
    %get3A_1880 = arith.constant 64 : index
    %get3A_1881 = arith.constant 0 : index
    %get3A_1882 = vector.load %arg9[%get3A_1880, %get3A_1881] : memref<512x1024xf32, #tpu.memory_space<vmem>>, vector<32x1024xf32>
    %add3A_1883 = arith.addf %add3A_1879, %get3A_1882 : vector<32x1024xf32>
    %get3A_1884 = arith.constant 96 : index
    %get3A_1885 = arith.constant 0 : index
    %get3A_1886 = vector.load %arg9[%get3A_1884, %get3A_1885] : memref<512x1024xf32, #tpu.memory_space<vmem>>, vector<32x1024xf32>
    %add3A_1887 = arith.addf %add3A_1883, %get3A_1886 : vector<32x1024xf32>
    %get3A_1888 = arith.constant 128 : index
    %get3A_1889 = arith.constant 0 : index
    %get3A_1890 = vector.load %arg9[%get3A_1888, %get3A_1889] : memref<512x1024xf32, #tpu.memory_space<vmem>>, vector<32x1024xf32>
    %add3A_1891 = arith.addf %add3A_1887, %get3A_1890 : vector<32x1024xf32>
    %get3A_1892 = arith.constant 160 : index
    %get3A_1893 = arith.constant 0 : index
    %get3A_1894 = vector.load %arg9[%get3A_1892, %get3A_1893] : memref<512x1024xf32, #tpu.memory_space<vmem>>, vector<32x1024xf32>
    %add3A_1895 = arith.addf %add3A_1891, %get3A_1894 : vector<32x1024xf32>
    %get3A_1896 = arith.constant 192 : index
    %get3A_1897 = arith.constant 0 : index
    %get3A_1898 = vector.load %arg9[%get3A_1896, %get3A_1897] : memref<512x1024xf32, #tpu.memory_space<vmem>>, vector<32x1024xf32>
    %add3A_1899 = arith.addf %add3A_1895, %get3A_1898 : vector<32x1024xf32>
    %get3A_1900 = arith.constant 224 : index
    %get3A_1901 = arith.constant 0 : index
    %get3A_1902 = vector.load %arg9[%get3A_1900, %get3A_1901] : memref<512x1024xf32, #tpu.memory_space<vmem>>, vector<32x1024xf32>
    %add3A_1903 = arith.addf %add3A_1899, %get3A_1902 : vector<32x1024xf32>
    %get3A_1904 = arith.constant 256 : index
    %get3A_1905 = arith.constant 0 : index
    %get3A_1906 = vector.load %arg9[%get3A_1904, %get3A_1905] : memref<512x1024xf32, #tpu.memory_space<vmem>>, vector<32x1024xf32>
    %add3A_1907 = arith.addf %add3A_1903, %get3A_1906 : vector<32x1024xf32>
    %get3A_1908 = arith.constant 288 : index
    %get3A_1909 = arith.constant 0 : index
    %get3A_1910 = vector.load %arg9[%get3A_1908, %get3A_1909] : memref<512x1024xf32, #tpu.memory_space<vmem>>, vector<32x1024xf32>
    %add3A_1911 = arith.addf %add3A_1907, %get3A_1910 : vector<32x1024xf32>
    %get3A_1912 = arith.constant 320 : index
    %get3A_1913 = arith.constant 0 : index
    %get3A_1914 = vector.load %arg9[%get3A_1912, %get3A_1913] : memref<512x1024xf32, #tpu.memory_space<vmem>>, vector<32x1024xf32>
    %add3A_1915 = arith.addf %add3A_1911, %get3A_1914 : vector<32x1024xf32>
    %get3A_1916 = arith.constant 352 : index
    %get3A_1917 = arith.constant 0 : index
    %get3A_1918 = vector.load %arg9[%get3A_1916, %get3A_1917] : memref<512x1024xf32, #tpu.memory_space<vmem>>, vector<32x1024xf32>
    %add3A_1919 = arith.addf %add3A_1915, %get3A_1918 : vector<32x1024xf32>
    %get3A_1920 = arith.constant 384 : index
    %get3A_1921 = arith.constant 0 : index
    %get3A_1922 = vector.load %arg9[%get3A_1920, %get3A_1921] : memref<512x1024xf32, #tpu.memory_space<vmem>>, vector<32x1024xf32>
    %add3A_1923 = arith.addf %add3A_1919, %get3A_1922 : vector<32x1024xf32>
    %get3A_1924 = arith.constant 416 : index
    %get3A_1925 = arith.constant 0 : index
    %get3A_1926 = vector.load %arg9[%get3A_1924, %get3A_1925] : memref<512x1024xf32, #tpu.memory_space<vmem>>, vector<32x1024xf32>
    %add3A_1927 = arith.addf %add3A_1923, %get3A_1926 : vector<32x1024xf32>
    %get3A_1928 = arith.constant 448 : index
    %get3A_1929 = arith.constant 0 : index
    %get3A_1930 = vector.load %arg9[%get3A_1928, %get3A_1929] : memref<512x1024xf32, #tpu.memory_space<vmem>>, vector<32x1024xf32>
    %add3A_1931 = arith.addf %add3A_1927, %get3A_1930 : vector<32x1024xf32>
    %get3A_1932 = arith.constant 480 : index
    %get3A_1933 = arith.constant 0 : index
    %get3A_1934 = vector.load %arg9[%get3A_1932, %get3A_1933] : memref<512x1024xf32, #tpu.memory_space<vmem>>, vector<32x1024xf32>
    %add3A_1935 = arith.addf %add3A_1931, %get3A_1934 : vector<32x1024xf32>
    %get3A_1936 = arith.constant 1 : index
    %get3A_1937 = arith.constant 0 : index
    %get3A_1938 = arith.constant 0 : index
    %get3A_1939 = vector.load %arg10[%get3A_1936, %get3A_1937, %get3A_1938] : memref<4x32x1024xf32, #tpu.memory_space<vmem>>, vector<1x32x1024xf32>
    %get3A_1940 = vector.shape_cast %get3A_1939 : vector<1x32x1024xf32> to vector<32x1024xf32>
    %add3A_1941 = arith.addf %get3A_1940, %add3A_1935 : vector<32x1024xf32>
    %swap3A_1942 = arith.constant 1 : index
    %swap3A_1943 = arith.constant 0 : index
    %swap3A_1944 = arith.constant 0 : index
    %swap3A_1945 = vector.load %arg10[%swap3A_1942, %swap3A_1943, %swap3A_1944] : memref<4x32x1024xf32, #tpu.memory_space<vmem>>, vector<1x32x1024xf32>
    %swap3A_1946 = vector.shape_cast %swap3A_1945 : vector<1x32x1024xf32> to vector<32x1024xf32>
    %swap3A_1947 = vector.shape_cast %add3A_1941 : vector<32x1024xf32> to vector<1x32x1024xf32>
    tpu.vector_store %arg10[%swap3A_1942, %swap3A_1943, %swap3A_1944], %swap3A_1947 {strides = array<i32>} : memref<4x32x1024xf32, #tpu.memory_space<vmem>>, vector<1x32x1024xf32>,
    %dma_start3A_1948 = arith.constant 22016 : i32
    %dma_start3A_1949 = arith.constant 0 : i32
    %dma_start3A_1950 = tpu.memref_slice %arg0[%dma_start3A_1948, %dma_start3A_1949] : memref<32768x1024xf32, #tpu.memory_space<any>> -> memref<512x1024xf32, #tpu.memory_space<any>>
    tpu.enqueue_dma source(%dma_start3A_1950 : memref<512x1024xf32, #tpu.memory_space<any>>) target(%arg9 : memref<512x1024xf32, #tpu.memory_space<vmem>>) target_semaphore(%arg18 : memref<!tpu.dma_semaphore, #tpu.memory_space<semaphore_mem>>)
    %dma_wait3A_1951 = arith.constant 18432 : i32
    %dma_wait3A_1952 = arith.constant 0 : i32
    %dma_wait3A_1953 = tpu.memref_slice %arg0[%dma_wait3A_1951, %dma_wait3A_1952] : memref<32768x1024xf32, #tpu.memory_space<any>> -> memref<512x1024xf32, #tpu.memory_space<any>>
    tpu.wait_dma2 semaphore(%arg11 : memref<!tpu.dma_semaphore, #tpu.memory_space<semaphore_mem>>) src(%dma_wait3A_1953 : memref<512x1024xf32, #tpu.memory_space<any>>) dst(%arg2 : memref<512x1024xf32, #tpu.memory_space<vmem>>)
    %get3A_1954 = arith.constant 0 : index
    %get3A_1955 = arith.constant 0 : index
    %get3A_1956 = vector.load %arg2[%get3A_1954, %get3A_1955] : memref<512x1024xf32, #tpu.memory_space<vmem>>, vector<32x1024xf32>
    %get3A_1957 = arith.constant 32 : index
    %get3A_1958 = arith.constant 0 : index
    %get3A_1959 = vector.load %arg2[%get3A_1957, %get3A_1958] : memref<512x1024xf32, #tpu.memory_space<vmem>>, vector<32x1024xf32>
    %add3A_1960 = arith.addf %get3A_1956, %get3A_1959 : vector<32x1024xf32>
    %get3A_1961 = arith.constant 64 : index
    %get3A_1962 = arith.constant 0 : index
    %get3A_1963 = vector.load %arg2[%get3A_1961, %get3A_1962] : memref<512x1024xf32, #tpu.memory_space<vmem>>, vector<32x1024xf32>
    %add3A_1964 = arith.addf %add3A_1960, %get3A_1963 : vector<32x1024xf32>
    %get3A_1965 = arith.constant 96 : index
    %get3A_1966 = arith.constant 0 : index
    %get3A_1967 = vector.load %arg2[%get3A_1965, %get3A_1966] : memref<512x1024xf32, #tpu.memory_space<vmem>>, vector<32x1024xf32>
    %add3A_1968 = arith.addf %add3A_1964, %get3A_1967 : vector<32x1024xf32>
    %get3A_1969 = arith.constant 128 : index
    %get3A_1970 = arith.constant 0 : index
    %get3A_1971 = vector.load %arg2[%get3A_1969, %get3A_1970] : memref<512x1024xf32, #tpu.memory_space<vmem>>, vector<32x1024xf32>
    %add3A_1972 = arith.addf %add3A_1968, %get3A_1971 : vector<32x1024xf32>
    %get3A_1973 = arith.constant 160 : index
    %get3A_1974 = arith.constant 0 : index
    %get3A_1975 = vector.load %arg2[%get3A_1973, %get3A_1974] : memref<512x1024xf32, #tpu.memory_space<vmem>>, vector<32x1024xf32>
    %add3A_1976 = arith.addf %add3A_1972, %get3A_1975 : vector<32x1024xf32>
    %get3A_1977 = arith.constant 192 : index
    %get3A_1978 = arith.constant 0 : index
    %get3A_1979 = vector.load %arg2[%get3A_1977, %get3A_1978] : memref<512x1024xf32, #tpu.memory_space<vmem>>, vector<32x1024xf32>
    %add3A_1980 = arith.addf %add3A_1976, %get3A_1979 : vector<32x1024xf32>
    %get3A_1981 = arith.constant 224 : index
    %get3A_1982 = arith.constant 0 : index
    %get3A_1983 = vector.load %arg2[%get3A_1981, %get3A_1982] : memref<512x1024xf32, #tpu.memory_space<vmem>>, vector<32x1024xf32>
    %add3A_1984 = arith.addf %add3A_1980, %get3A_1983 : vector<32x1024xf32>
    %get3A_1985 = arith.constant 256 : index
    %get3A_1986 = arith.constant 0 : index
    %get3A_1987 = vector.load %arg2[%get3A_1985, %get3A_1986] : memref<512x1024xf32, #tpu.memory_space<vmem>>, vector<32x1024xf32>
    %add3A_1988 = arith.addf %add3A_1984, %get3A_1987 : vector<32x1024xf32>
    %get3A_1989 = arith.constant 288 : index
    %get3A_1990 = arith.constant 0 : index
    %get3A_1991 = vector.load %arg2[%get3A_1989, %get3A_1990] : memref<512x1024xf32, #tpu.memory_space<vmem>>, vector<32x1024xf32>
    %add3A_1992 = arith.addf %add3A_1988, %get3A_1991 : vector<32x1024xf32>
    %get3A_1993 = arith.constant 320 : index
    %get3A_1994 = arith.constant 0 : index
    %get3A_1995 = vector.load %arg2[%get3A_1993, %get3A_1994] : memref<512x1024xf32, #tpu.memory_space<vmem>>, vector<32x1024xf32>
    %add3A_1996 = arith.addf %add3A_1992, %get3A_1995 : vector<32x1024xf32>
    %get3A_1997 = arith.constant 352 : index
    %get3A_1998 = arith.constant 0 : index
    %get3A_1999 = vector.load %arg2[%get3A_1997, %get3A_1998] : memref<512x1024xf32, #tpu.memory_space<vmem>>, vector<32x1024xf32>
    %add3A_2000 = arith.addf %add3A_1996, %get3A_1999 : vector<32x1024xf32>
    %get3A_2001 = arith.constant 384 : index
    %get3A_2002 = arith.constant 0 : index
    %get3A_2003 = vector.load %arg2[%get3A_2001, %get3A_2002] : memref<512x1024xf32, #tpu.memory_space<vmem>>, vector<32x1024xf32>
    %add3A_2004 = arith.addf %add3A_2000, %get3A_2003 : vector<32x1024xf32>
    %get3A_2005 = arith.constant 416 : index
    %get3A_2006 = arith.constant 0 : index
    %get3A_2007 = vector.load %arg2[%get3A_2005, %get3A_2006] : memref<512x1024xf32, #tpu.memory_space<vmem>>, vector<32x1024xf32>
    %add3A_2008 = arith.addf %add3A_2004, %get3A_2007 : vector<32x1024xf32>
    %get3A_2009 = arith.constant 448 : index
    %get3A_2010 = arith.constant 0 : index
    %get3A_2011 = vector.load %arg2[%get3A_2009, %get3A_2010] : memref<512x1024xf32, #tpu.memory_space<vmem>>, vector<32x1024xf32>
    %add3A_2012 = arith.addf %add3A_2008, %get3A_2011 : vector<32x1024xf32>
    %get3A_2013 = arith.constant 480 : index
    %get3A_2014 = arith.constant 0 : index
    %get3A_2015 = vector.load %arg2[%get3A_2013, %get3A_2014] : memref<512x1024xf32, #tpu.memory_space<vmem>>, vector<32x1024xf32>
    %add3A_2016 = arith.addf %add3A_2012, %get3A_2015 : vector<32x1024xf32>
    %swap3A_2017 = arith.constant 2 : index
    %swap3A_2018 = arith.constant 0 : index
    %swap3A_2019 = arith.constant 0 : index
    %swap3A_2020 = vector.load %arg10[%swap3A_2017, %swap3A_2018, %swap3A_2019] : memref<4x32x1024xf32, #tpu.memory_space<vmem>>, vector<1x32x1024xf32>
    %swap3A_2021 = vector.shape_cast %swap3A_2020 : vector<1x32x1024xf32> to vector<32x1024xf32>
    %swap3A_2022 = vector.shape_cast %add3A_2016 : vector<32x1024xf32> to vector<1x32x1024xf32>
    tpu.vector_store %arg10[%swap3A_2017, %swap3A_2018, %swap3A_2019], %swap3A_2022 {strides = array<i32>} : memref<4x32x1024xf32, #tpu.memory_space<vmem>>, vector<1x32x1024xf32>,
    %dma_start3A_2023 = arith.constant 22528 : i32
    %dma_start3A_2024 = arith.constant 0 : i32
    %dma_start3A_2025 = tpu.memref_slice %arg0[%dma_start3A_2023, %dma_start3A_2024] : memref<32768x1024xf32, #tpu.memory_space<any>> -> memref<512x1024xf32, #tpu.memory_space<any>>
    tpu.enqueue_dma source(%dma_start3A_2025 : memref<512x1024xf32, #tpu.memory_space<any>>) target(%arg2 : memref<512x1024xf32, #tpu.memory_space<vmem>>) target_semaphore(%arg11 : memref<!tpu.dma_semaphore, #tpu.memory_space<semaphore_mem>>)
    %dma_wait3A_2026 = arith.constant 18944 : i32
    %dma_wait3A_2027 = arith.constant 0 : i32
    %dma_wait3A_2028 = tpu.memref_slice %arg0[%dma_wait3A_2026, %dma_wait3A_2027] : memref<32768x1024xf32, #tpu.memory_space<any>> -> memref<512x1024xf32, #tpu.memory_space<any>>
    tpu.wait_dma2 semaphore(%arg12 : memref<!tpu.dma_semaphore, #tpu.memory_space<semaphore_mem>>) src(%dma_wait3A_2028 : memref<512x1024xf32, #tpu.memory_space<any>>) dst(%arg3 : memref<512x1024xf32, #tpu.memory_space<vmem>>)
    %get3A_2029 = arith.constant 0 : index
    %get3A_2030 = arith.constant 0 : index
    %get3A_2031 = vector.load %arg3[%get3A_2029, %get3A_2030] : memref<512x1024xf32, #tpu.memory_space<vmem>>, vector<32x1024xf32>
    %get3A_2032 = arith.constant 32 : index
    %get3A_2033 = arith.constant 0 : index
    %get3A_2034 = vector.load %arg3[%get3A_2032, %get3A_2033] : memref<512x1024xf32, #tpu.memory_space<vmem>>, vector<32x1024xf32>
    %add3A_2035 = arith.addf %get3A_2031, %get3A_2034 : vector<32x1024xf32>
    %get3A_2036 = arith.constant 64 : index
    %get3A_2037 = arith.constant 0 : index
    %get3A_2038 = vector.load %arg3[%get3A_2036, %get3A_2037] : memref<512x1024xf32, #tpu.memory_space<vmem>>, vector<32x1024xf32>
    %add3A_2039 = arith.addf %add3A_2035, %get3A_2038 : vector<32x1024xf32>
    %get3A_2040 = arith.constant 96 : index
    %get3A_2041 = arith.constant 0 : index
    %get3A_2042 = vector.load %arg3[%get3A_2040, %get3A_2041] : memref<512x1024xf32, #tpu.memory_space<vmem>>, vector<32x1024xf32>
    %add3A_2043 = arith.addf %add3A_2039, %get3A_2042 : vector<32x1024xf32>
    %get3A_2044 = arith.constant 128 : index
    %get3A_2045 = arith.constant 0 : index
    %get3A_2046 = vector.load %arg3[%get3A_2044, %get3A_2045] : memref<512x1024xf32, #tpu.memory_space<vmem>>, vector<32x1024xf32>
    %add3A_2047 = arith.addf %add3A_2043, %get3A_2046 : vector<32x1024xf32>
    %get3A_2048 = arith.constant 160 : index
    %get3A_2049 = arith.constant 0 : index
    %get3A_2050 = vector.load %arg3[%get3A_2048, %get3A_2049] : memref<512x1024xf32, #tpu.memory_space<vmem>>, vector<32x1024xf32>
    %add3A_2051 = arith.addf %add3A_2047, %get3A_2050 : vector<32x1024xf32>
    %get3A_2052 = arith.constant 192 : index
    %get3A_2053 = arith.constant 0 : index
    %get3A_2054 = vector.load %arg3[%get3A_2052, %get3A_2053] : memref<512x1024xf32, #tpu.memory_space<vmem>>, vector<32x1024xf32>
    %add3A_2055 = arith.addf %add3A_2051, %get3A_2054 : vector<32x1024xf32>
    %get3A_2056 = arith.constant 224 : index
    %get3A_2057 = arith.constant 0 : index
    %get3A_2058 = vector.load %arg3[%get3A_2056, %get3A_2057] : memref<512x1024xf32, #tpu.memory_space<vmem>>, vector<32x1024xf32>
    %add3A_2059 = arith.addf %add3A_2055, %get3A_2058 : vector<32x1024xf32>
    %get3A_2060 = arith.constant 256 : index
    %get3A_2061 = arith.constant 0 : index
    %get3A_2062 = vector.load %arg3[%get3A_2060, %get3A_2061] : memref<512x1024xf32, #tpu.memory_space<vmem>>, vector<32x1024xf32>
    %add3A_2063 = arith.addf %add3A_2059, %get3A_2062 : vector<32x1024xf32>
    %get3A_2064 = arith.constant 288 : index
    %get3A_2065 = arith.constant 0 : index
    %get3A_2066 = vector.load %arg3[%get3A_2064, %get3A_2065] : memref<512x1024xf32, #tpu.memory_space<vmem>>, vector<32x1024xf32>
    %add3A_2067 = arith.addf %add3A_2063, %get3A_2066 : vector<32x1024xf32>
    %get3A_2068 = arith.constant 320 : index
    %get3A_2069 = arith.constant 0 : index
    %get3A_2070 = vector.load %arg3[%get3A_2068, %get3A_2069] : memref<512x1024xf32, #tpu.memory_space<vmem>>, vector<32x1024xf32>
    %add3A_2071 = arith.addf %add3A_2067, %get3A_2070 : vector<32x1024xf32>
    %get3A_2072 = arith.constant 352 : index
    %get3A_2073 = arith.constant 0 : index
    %get3A_2074 = vector.load %arg3[%get3A_2072, %get3A_2073] : memref<512x1024xf32, #tpu.memory_space<vmem>>, vector<32x1024xf32>
    %add3A_2075 = arith.addf %add3A_2071, %get3A_2074 : vector<32x1024xf32>
    %get3A_2076 = arith.constant 384 : index
    %get3A_2077 = arith.constant 0 : index
    %get3A_2078 = vector.load %arg3[%get3A_2076, %get3A_2077] : memref<512x1024xf32, #tpu.memory_space<vmem>>, vector<32x1024xf32>
    %add3A_2079 = arith.addf %add3A_2075, %get3A_2078 : vector<32x1024xf32>
    %get3A_2080 = arith.constant 416 : index
    %get3A_2081 = arith.constant 0 : index
    %get3A_2082 = vector.load %arg3[%get3A_2080, %get3A_2081] : memref<512x1024xf32, #tpu.memory_space<vmem>>, vector<32x1024xf32>
    %add3A_2083 = arith.addf %add3A_2079, %get3A_2082 : vector<32x1024xf32>
    %get3A_2084 = arith.constant 448 : index
    %get3A_2085 = arith.constant 0 : index
    %get3A_2086 = vector.load %arg3[%get3A_2084, %get3A_2085] : memref<512x1024xf32, #tpu.memory_space<vmem>>, vector<32x1024xf32>
    %add3A_2087 = arith.addf %add3A_2083, %get3A_2086 : vector<32x1024xf32>
    %get3A_2088 = arith.constant 480 : index
    %get3A_2089 = arith.constant 0 : index
    %get3A_2090 = vector.load %arg3[%get3A_2088, %get3A_2089] : memref<512x1024xf32, #tpu.memory_space<vmem>>, vector<32x1024xf32>
    %add3A_2091 = arith.addf %add3A_2087, %get3A_2090 : vector<32x1024xf32>
    %get3A_2092 = arith.constant 2 : index
    %get3A_2093 = arith.constant 0 : index
    %get3A_2094 = arith.constant 0 : index
    %get3A_2095 = vector.load %arg10[%get3A_2092, %get3A_2093, %get3A_2094] : memref<4x32x1024xf32, #tpu.memory_space<vmem>>, vector<1x32x1024xf32>
    %get3A_2096 = vector.shape_cast %get3A_2095 : vector<1x32x1024xf32> to vector<32x1024xf32>
    %add3A_2097 = arith.addf %get3A_2096, %add3A_2091 : vector<32x1024xf32>
    %swap3A_2098 = arith.constant 2 : index
    %swap3A_2099 = arith.constant 0 : index
    %swap3A_2100 = arith.constant 0 : index
    %swap3A_2101 = vector.load %arg10[%swap3A_2098, %swap3A_2099, %swap3A_2100] : memref<4x32x1024xf32, #tpu.memory_space<vmem>>, vector<1x32x1024xf32>
    %swap3A_2102 = vector.shape_cast %swap3A_2101 : vector<1x32x1024xf32> to vector<32x1024xf32>
    %swap3A_2103 = vector.shape_cast %add3A_2097 : vector<32x1024xf32> to vector<1x32x1024xf32>
    tpu.vector_store %arg10[%swap3A_2098, %swap3A_2099, %swap3A_2100], %swap3A_2103 {strides = array<i32>} : memref<4x32x1024xf32, #tpu.memory_space<vmem>>, vector<1x32x1024xf32>,
    %dma_start3A_2104 = arith.constant 23040 : i32
    %dma_start3A_2105 = arith.constant 0 : i32
    %dma_start3A_2106 = tpu.memref_slice %arg0[%dma_start3A_2104, %dma_start3A_2105] : memref<32768x1024xf32, #tpu.memory_space<any>> -> memref<512x1024xf32, #tpu.memory_space<any>>
    tpu.enqueue_dma source(%dma_start3A_2106 : memref<512x1024xf32, #tpu.memory_space<any>>) target(%arg3 : memref<512x1024xf32, #tpu.memory_space<vmem>>) target_semaphore(%arg12 : memref<!tpu.dma_semaphore, #tpu.memory_space<semaphore_mem>>)
    %dma_wait3A_2107 = arith.constant 19456 : i32
    %dma_wait3A_2108 = arith.constant 0 : i32
    %dma_wait3A_2109 = tpu.memref_slice %arg0[%dma_wait3A_2107, %dma_wait3A_2108] : memref<32768x1024xf32, #tpu.memory_space<any>> -> memref<512x1024xf32, #tpu.memory_space<any>>
    tpu.wait_dma2 semaphore(%arg13 : memref<!tpu.dma_semaphore, #tpu.memory_space<semaphore_mem>>) src(%dma_wait3A_2109 : memref<512x1024xf32, #tpu.memory_space<any>>) dst(%arg4 : memref<512x1024xf32, #tpu.memory_space<vmem>>)
    %get3A_2110 = arith.constant 0 : index
    %get3A_2111 = arith.constant 0 : index
    %get3A_2112 = vector.load %arg4[%get3A_2110, %get3A_2111] : memref<512x1024xf32, #tpu.memory_space<vmem>>, vector<32x1024xf32>
    %get3A_2113 = arith.constant 32 : index
    %get3A_2114 = arith.constant 0 : index
    %get3A_2115 = vector.load %arg4[%get3A_2113, %get3A_2114] : memref<512x1024xf32, #tpu.memory_space<vmem>>, vector<32x1024xf32>
    %add3A_2116 = arith.addf %get3A_2112, %get3A_2115 : vector<32x1024xf32>
    %get3A_2117 = arith.constant 64 : index
    %get3A_2118 = arith.constant 0 : index
    %get3A_2119 = vector.load %arg4[%get3A_2117, %get3A_2118] : memref<512x1024xf32, #tpu.memory_space<vmem>>, vector<32x1024xf32>
    %add3A_2120 = arith.addf %add3A_2116, %get3A_2119 : vector<32x1024xf32>
    %get3A_2121 = arith.constant 96 : index
    %get3A_2122 = arith.constant 0 : index
    %get3A_2123 = vector.load %arg4[%get3A_2121, %get3A_2122] : memref<512x1024xf32, #tpu.memory_space<vmem>>, vector<32x1024xf32>
    %add3A_2124 = arith.addf %add3A_2120, %get3A_2123 : vector<32x1024xf32>
    %get3A_2125 = arith.constant 128 : index
    %get3A_2126 = arith.constant 0 : index
    %get3A_2127 = vector.load %arg4[%get3A_2125, %get3A_2126] : memref<512x1024xf32, #tpu.memory_space<vmem>>, vector<32x1024xf32>
    %add3A_2128 = arith.addf %add3A_2124, %get3A_2127 : vector<32x1024xf32>
    %get3A_2129 = arith.constant 160 : index
    %get3A_2130 = arith.constant 0 : index
    %get3A_2131 = vector.load %arg4[%get3A_2129, %get3A_2130] : memref<512x1024xf32, #tpu.memory_space<vmem>>, vector<32x1024xf32>
    %add3A_2132 = arith.addf %add3A_2128, %get3A_2131 : vector<32x1024xf32>
    %get3A_2133 = arith.constant 192 : index
    %get3A_2134 = arith.constant 0 : index
    %get3A_2135 = vector.load %arg4[%get3A_2133, %get3A_2134] : memref<512x1024xf32, #tpu.memory_space<vmem>>, vector<32x1024xf32>
    %add3A_2136 = arith.addf %add3A_2132, %get3A_2135 : vector<32x1024xf32>
    %get3A_2137 = arith.constant 224 : index
    %get3A_2138 = arith.constant 0 : index
    %get3A_2139 = vector.load %arg4[%get3A_2137, %get3A_2138] : memref<512x1024xf32, #tpu.memory_space<vmem>>, vector<32x1024xf32>
    %add3A_2140 = arith.addf %add3A_2136, %get3A_2139 : vector<32x1024xf32>
    %get3A_2141 = arith.constant 256 : index
    %get3A_2142 = arith.constant 0 : index
    %get3A_2143 = vector.load %arg4[%get3A_2141, %get3A_2142] : memref<512x1024xf32, #tpu.memory_space<vmem>>, vector<32x1024xf32>
    %add3A_2144 = arith.addf %add3A_2140, %get3A_2143 : vector<32x1024xf32>
    %get3A_2145 = arith.constant 288 : index
    %get3A_2146 = arith.constant 0 : index
    %get3A_2147 = vector.load %arg4[%get3A_2145, %get3A_2146] : memref<512x1024xf32, #tpu.memory_space<vmem>>, vector<32x1024xf32>
    %add3A_2148 = arith.addf %add3A_2144, %get3A_2147 : vector<32x1024xf32>
    %get3A_2149 = arith.constant 320 : index
    %get3A_2150 = arith.constant 0 : index
    %get3A_2151 = vector.load %arg4[%get3A_2149, %get3A_2150] : memref<512x1024xf32, #tpu.memory_space<vmem>>, vector<32x1024xf32>
    %add3A_2152 = arith.addf %add3A_2148, %get3A_2151 : vector<32x1024xf32>
    %get3A_2153 = arith.constant 352 : index
    %get3A_2154 = arith.constant 0 : index
    %get3A_2155 = vector.load %arg4[%get3A_2153, %get3A_2154] : memref<512x1024xf32, #tpu.memory_space<vmem>>, vector<32x1024xf32>
    %add3A_2156 = arith.addf %add3A_2152, %get3A_2155 : vector<32x1024xf32>
    %get3A_2157 = arith.constant 384 : index
    %get3A_2158 = arith.constant 0 : index
    %get3A_2159 = vector.load %arg4[%get3A_2157, %get3A_2158] : memref<512x1024xf32, #tpu.memory_space<vmem>>, vector<32x1024xf32>
    %add3A_2160 = arith.addf %add3A_2156, %get3A_2159 : vector<32x1024xf32>
    %get3A_2161 = arith.constant 416 : index
    %get3A_2162 = arith.constant 0 : index
    %get3A_2163 = vector.load %arg4[%get3A_2161, %get3A_2162] : memref<512x1024xf32, #tpu.memory_space<vmem>>, vector<32x1024xf32>
    %add3A_2164 = arith.addf %add3A_2160, %get3A_2163 : vector<32x1024xf32>
    %get3A_2165 = arith.constant 448 : index
    %get3A_2166 = arith.constant 0 : index
    %get3A_2167 = vector.load %arg4[%get3A_2165, %get3A_2166] : memref<512x1024xf32, #tpu.memory_space<vmem>>, vector<32x1024xf32>
    %add3A_2168 = arith.addf %add3A_2164, %get3A_2167 : vector<32x1024xf32>
    %get3A_2169 = arith.constant 480 : index
    %get3A_2170 = arith.constant 0 : index
    %get3A_2171 = vector.load %arg4[%get3A_2169, %get3A_2170] : memref<512x1024xf32, #tpu.memory_space<vmem>>, vector<32x1024xf32>
    %add3A_2172 = arith.addf %add3A_2168, %get3A_2171 : vector<32x1024xf32>
    %get3A_2173 = arith.constant 2 : index
    %get3A_2174 = arith.constant 0 : index
    %get3A_2175 = arith.constant 0 : index
    %get3A_2176 = vector.load %arg10[%get3A_2173, %get3A_2174, %get3A_2175] : memref<4x32x1024xf32, #tpu.memory_space<vmem>>, vector<1x32x1024xf32>
    %get3A_2177 = vector.shape_cast %get3A_2176 : vector<1x32x1024xf32> to vector<32x1024xf32>
    %add3A_2178 = arith.addf %get3A_2177, %add3A_2172 : vector<32x1024xf32>
    %swap3A_2179 = arith.constant 2 : index
    %swap3A_2180 = arith.constant 0 : index
    %swap3A_2181 = arith.constant 0 : index
    %swap3A_2182 = vector.load %arg10[%swap3A_2179, %swap3A_2180, %swap3A_2181] : memref<4x32x1024xf32, #tpu.memory_space<vmem>>, vector<1x32x1024xf32>
    %swap3A_2183 = vector.shape_cast %swap3A_2182 : vector<1x32x1024xf32> to vector<32x1024xf32>
    %swap3A_2184 = vector.shape_cast %add3A_2178 : vector<32x1024xf32> to vector<1x32x1024xf32>
    tpu.vector_store %arg10[%swap3A_2179, %swap3A_2180, %swap3A_2181], %swap3A_2184 {strides = array<i32>} : memref<4x32x1024xf32, #tpu.memory_space<vmem>>, vector<1x32x1024xf32>,
    %dma_start3A_2185 = arith.constant 23552 : i32
    %dma_start3A_2186 = arith.constant 0 : i32
    %dma_start3A_2187 = tpu.memref_slice %arg0[%dma_start3A_2185, %dma_start3A_2186] : memref<32768x1024xf32, #tpu.memory_space<any>> -> memref<512x1024xf32, #tpu.memory_space<any>>
    tpu.enqueue_dma source(%dma_start3A_2187 : memref<512x1024xf32, #tpu.memory_space<any>>) target(%arg4 : memref<512x1024xf32, #tpu.memory_space<vmem>>) target_semaphore(%arg13 : memref<!tpu.dma_semaphore, #tpu.memory_space<semaphore_mem>>)
    %dma_wait3A_2188 = arith.constant 19968 : i32
    %dma_wait3A_2189 = arith.constant 0 : i32
    %dma_wait3A_2190 = tpu.memref_slice %arg0[%dma_wait3A_2188, %dma_wait3A_2189] : memref<32768x1024xf32, #tpu.memory_space<any>> -> memref<512x1024xf32, #tpu.memory_space<any>>
    tpu.wait_dma2 semaphore(%arg14 : memref<!tpu.dma_semaphore, #tpu.memory_space<semaphore_mem>>) src(%dma_wait3A_2190 : memref<512x1024xf32, #tpu.memory_space<any>>) dst(%arg5 : memref<512x1024xf32, #tpu.memory_space<vmem>>)
    %get3A_2191 = arith.constant 0 : index
    %get3A_2192 = arith.constant 0 : index
    %get3A_2193 = vector.load %arg5[%get3A_2191, %get3A_2192] : memref<512x1024xf32, #tpu.memory_space<vmem>>, vector<32x1024xf32>
    %get3A_2194 = arith.constant 32 : index
    %get3A_2195 = arith.constant 0 : index
    %get3A_2196 = vector.load %arg5[%get3A_2194, %get3A_2195] : memref<512x1024xf32, #tpu.memory_space<vmem>>, vector<32x1024xf32>
    %add3A_2197 = arith.addf %get3A_2193, %get3A_2196 : vector<32x1024xf32>
    %get3A_2198 = arith.constant 64 : index
    %get3A_2199 = arith.constant 0 : index
    %get3A_2200 = vector.load %arg5[%get3A_2198, %get3A_2199] : memref<512x1024xf32, #tpu.memory_space<vmem>>, vector<32x1024xf32>
    %add3A_2201 = arith.addf %add3A_2197, %get3A_2200 : vector<32x1024xf32>
    %get3A_2202 = arith.constant 96 : index
    %get3A_2203 = arith.constant 0 : index
    %get3A_2204 = vector.load %arg5[%get3A_2202, %get3A_2203] : memref<512x1024xf32, #tpu.memory_space<vmem>>, vector<32x1024xf32>
    %add3A_2205 = arith.addf %add3A_2201, %get3A_2204 : vector<32x1024xf32>
    %get3A_2206 = arith.constant 128 : index
    %get3A_2207 = arith.constant 0 : index
    %get3A_2208 = vector.load %arg5[%get3A_2206, %get3A_2207] : memref<512x1024xf32, #tpu.memory_space<vmem>>, vector<32x1024xf32>
    %add3A_2209 = arith.addf %add3A_2205, %get3A_2208 : vector<32x1024xf32>
    %get3A_2210 = arith.constant 160 : index
    %get3A_2211 = arith.constant 0 : index
    %get3A_2212 = vector.load %arg5[%get3A_2210, %get3A_2211] : memref<512x1024xf32, #tpu.memory_space<vmem>>, vector<32x1024xf32>
    %add3A_2213 = arith.addf %add3A_2209, %get3A_2212 : vector<32x1024xf32>
    %get3A_2214 = arith.constant 192 : index
    %get3A_2215 = arith.constant 0 : index
    %get3A_2216 = vector.load %arg5[%get3A_2214, %get3A_2215] : memref<512x1024xf32, #tpu.memory_space<vmem>>, vector<32x1024xf32>
    %add3A_2217 = arith.addf %add3A_2213, %get3A_2216 : vector<32x1024xf32>
    %get3A_2218 = arith.constant 224 : index
    %get3A_2219 = arith.constant 0 : index
    %get3A_2220 = vector.load %arg5[%get3A_2218, %get3A_2219] : memref<512x1024xf32, #tpu.memory_space<vmem>>, vector<32x1024xf32>
    %add3A_2221 = arith.addf %add3A_2217, %get3A_2220 : vector<32x1024xf32>
    %get3A_2222 = arith.constant 256 : index
    %get3A_2223 = arith.constant 0 : index
    %get3A_2224 = vector.load %arg5[%get3A_2222, %get3A_2223] : memref<512x1024xf32, #tpu.memory_space<vmem>>, vector<32x1024xf32>
    %add3A_2225 = arith.addf %add3A_2221, %get3A_2224 : vector<32x1024xf32>
    %get3A_2226 = arith.constant 288 : index
    %get3A_2227 = arith.constant 0 : index
    %get3A_2228 = vector.load %arg5[%get3A_2226, %get3A_2227] : memref<512x1024xf32, #tpu.memory_space<vmem>>, vector<32x1024xf32>
    %add3A_2229 = arith.addf %add3A_2225, %get3A_2228 : vector<32x1024xf32>
    %get3A_2230 = arith.constant 320 : index
    %get3A_2231 = arith.constant 0 : index
    %get3A_2232 = vector.load %arg5[%get3A_2230, %get3A_2231] : memref<512x1024xf32, #tpu.memory_space<vmem>>, vector<32x1024xf32>
    %add3A_2233 = arith.addf %add3A_2229, %get3A_2232 : vector<32x1024xf32>
    %get3A_2234 = arith.constant 352 : index
    %get3A_2235 = arith.constant 0 : index
    %get3A_2236 = vector.load %arg5[%get3A_2234, %get3A_2235] : memref<512x1024xf32, #tpu.memory_space<vmem>>, vector<32x1024xf32>
    %add3A_2237 = arith.addf %add3A_2233, %get3A_2236 : vector<32x1024xf32>
    %get3A_2238 = arith.constant 384 : index
    %get3A_2239 = arith.constant 0 : index
    %get3A_2240 = vector.load %arg5[%get3A_2238, %get3A_2239] : memref<512x1024xf32, #tpu.memory_space<vmem>>, vector<32x1024xf32>
    %add3A_2241 = arith.addf %add3A_2237, %get3A_2240 : vector<32x1024xf32>
    %get3A_2242 = arith.constant 416 : index
    %get3A_2243 = arith.constant 0 : index
    %get3A_2244 = vector.load %arg5[%get3A_2242, %get3A_2243] : memref<512x1024xf32, #tpu.memory_space<vmem>>, vector<32x1024xf32>
    %add3A_2245 = arith.addf %add3A_2241, %get3A_2244 : vector<32x1024xf32>
    %get3A_2246 = arith.constant 448 : index
    %get3A_2247 = arith.constant 0 : index
    %get3A_2248 = vector.load %arg5[%get3A_2246, %get3A_2247] : memref<512x1024xf32, #tpu.memory_space<vmem>>, vector<32x1024xf32>
    %add3A_2249 = arith.addf %add3A_2245, %get3A_2248 : vector<32x1024xf32>
    %get3A_2250 = arith.constant 480 : index
    %get3A_2251 = arith.constant 0 : index
    %get3A_2252 = vector.load %arg5[%get3A_2250, %get3A_2251] : memref<512x1024xf32, #tpu.memory_space<vmem>>, vector<32x1024xf32>
    %add3A_2253 = arith.addf %add3A_2249, %get3A_2252 : vector<32x1024xf32>
    %get3A_2254 = arith.constant 2 : index
    %get3A_2255 = arith.constant 0 : index
    %get3A_2256 = arith.constant 0 : index
    %get3A_2257 = vector.load %arg10[%get3A_2254, %get3A_2255, %get3A_2256] : memref<4x32x1024xf32, #tpu.memory_space<vmem>>, vector<1x32x1024xf32>
    %get3A_2258 = vector.shape_cast %get3A_2257 : vector<1x32x1024xf32> to vector<32x1024xf32>
    %add3A_2259 = arith.addf %get3A_2258, %add3A_2253 : vector<32x1024xf32>
    %swap3A_2260 = arith.constant 2 : index
    %swap3A_2261 = arith.constant 0 : index
    %swap3A_2262 = arith.constant 0 : index
    %swap3A_2263 = vector.load %arg10[%swap3A_2260, %swap3A_2261, %swap3A_2262] : memref<4x32x1024xf32, #tpu.memory_space<vmem>>, vector<1x32x1024xf32>
    %swap3A_2264 = vector.shape_cast %swap3A_2263 : vector<1x32x1024xf32> to vector<32x1024xf32>
    %swap3A_2265 = vector.shape_cast %add3A_2259 : vector<32x1024xf32> to vector<1x32x1024xf32>
    tpu.vector_store %arg10[%swap3A_2260, %swap3A_2261, %swap3A_2262], %swap3A_2265 {strides = array<i32>} : memref<4x32x1024xf32, #tpu.memory_space<vmem>>, vector<1x32x1024xf32>,
    %dma_start3A_2266 = arith.constant 24064 : i32
    %dma_start3A_2267 = arith.constant 0 : i32
    %dma_start3A_2268 = tpu.memref_slice %arg0[%dma_start3A_2266, %dma_start3A_2267] : memref<32768x1024xf32, #tpu.memory_space<any>> -> memref<512x1024xf32, #tpu.memory_space<any>>
    tpu.enqueue_dma source(%dma_start3A_2268 : memref<512x1024xf32, #tpu.memory_space<any>>) target(%arg5 : memref<512x1024xf32, #tpu.memory_space<vmem>>) target_semaphore(%arg14 : memref<!tpu.dma_semaphore, #tpu.memory_space<semaphore_mem>>)
    %dma_wait3A_2269 = arith.constant 20480 : i32
    %dma_wait3A_2270 = arith.constant 0 : i32
    %dma_wait3A_2271 = tpu.memref_slice %arg0[%dma_wait3A_2269, %dma_wait3A_2270] : memref<32768x1024xf32, #tpu.memory_space<any>> -> memref<512x1024xf32, #tpu.memory_space<any>>
    tpu.wait_dma2 semaphore(%arg15 : memref<!tpu.dma_semaphore, #tpu.memory_space<semaphore_mem>>) src(%dma_wait3A_2271 : memref<512x1024xf32, #tpu.memory_space<any>>) dst(%arg6 : memref<512x1024xf32, #tpu.memory_space<vmem>>)
    %get3A_2272 = arith.constant 0 : index
    %get3A_2273 = arith.constant 0 : index
    %get3A_2274 = vector.load %arg6[%get3A_2272, %get3A_2273] : memref<512x1024xf32, #tpu.memory_space<vmem>>, vector<32x1024xf32>
    %get3A_2275 = arith.constant 32 : index
    %get3A_2276 = arith.constant 0 : index
    %get3A_2277 = vector.load %arg6[%get3A_2275, %get3A_2276] : memref<512x1024xf32, #tpu.memory_space<vmem>>, vector<32x1024xf32>
    %add3A_2278 = arith.addf %get3A_2274, %get3A_2277 : vector<32x1024xf32>
    %get3A_2279 = arith.constant 64 : index
    %get3A_2280 = arith.constant 0 : index
    %get3A_2281 = vector.load %arg6[%get3A_2279, %get3A_2280] : memref<512x1024xf32, #tpu.memory_space<vmem>>, vector<32x1024xf32>
    %add3A_2282 = arith.addf %add3A_2278, %get3A_2281 : vector<32x1024xf32>
    %get3A_2283 = arith.constant 96 : index
    %get3A_2284 = arith.constant 0 : index
    %get3A_2285 = vector.load %arg6[%get3A_2283, %get3A_2284] : memref<512x1024xf32, #tpu.memory_space<vmem>>, vector<32x1024xf32>
    %add3A_2286 = arith.addf %add3A_2282, %get3A_2285 : vector<32x1024xf32>
    %get3A_2287 = arith.constant 128 : index
    %get3A_2288 = arith.constant 0 : index
    %get3A_2289 = vector.load %arg6[%get3A_2287, %get3A_2288] : memref<512x1024xf32, #tpu.memory_space<vmem>>, vector<32x1024xf32>
    %add3A_2290 = arith.addf %add3A_2286, %get3A_2289 : vector<32x1024xf32>
    %get3A_2291 = arith.constant 160 : index
    %get3A_2292 = arith.constant 0 : index
    %get3A_2293 = vector.load %arg6[%get3A_2291, %get3A_2292] : memref<512x1024xf32, #tpu.memory_space<vmem>>, vector<32x1024xf32>
    %add3A_2294 = arith.addf %add3A_2290, %get3A_2293 : vector<32x1024xf32>
    %get3A_2295 = arith.constant 192 : index
    %get3A_2296 = arith.constant 0 : index
    %get3A_2297 = vector.load %arg6[%get3A_2295, %get3A_2296] : memref<512x1024xf32, #tpu.memory_space<vmem>>, vector<32x1024xf32>
    %add3A_2298 = arith.addf %add3A_2294, %get3A_2297 : vector<32x1024xf32>
    %get3A_2299 = arith.constant 224 : index
    %get3A_2300 = arith.constant 0 : index
    %get3A_2301 = vector.load %arg6[%get3A_2299, %get3A_2300] : memref<512x1024xf32, #tpu.memory_space<vmem>>, vector<32x1024xf32>
    %add3A_2302 = arith.addf %add3A_2298, %get3A_2301 : vector<32x1024xf32>
    %get3A_2303 = arith.constant 256 : index
    %get3A_2304 = arith.constant 0 : index
    %get3A_2305 = vector.load %arg6[%get3A_2303, %get3A_2304] : memref<512x1024xf32, #tpu.memory_space<vmem>>, vector<32x1024xf32>
    %add3A_2306 = arith.addf %add3A_2302, %get3A_2305 : vector<32x1024xf32>
    %get3A_2307 = arith.constant 288 : index
    %get3A_2308 = arith.constant 0 : index
    %get3A_2309 = vector.load %arg6[%get3A_2307, %get3A_2308] : memref<512x1024xf32, #tpu.memory_space<vmem>>, vector<32x1024xf32>
    %add3A_2310 = arith.addf %add3A_2306, %get3A_2309 : vector<32x1024xf32>
    %get3A_2311 = arith.constant 320 : index
    %get3A_2312 = arith.constant 0 : index
    %get3A_2313 = vector.load %arg6[%get3A_2311, %get3A_2312] : memref<512x1024xf32, #tpu.memory_space<vmem>>, vector<32x1024xf32>
    %add3A_2314 = arith.addf %add3A_2310, %get3A_2313 : vector<32x1024xf32>
    %get3A_2315 = arith.constant 352 : index
    %get3A_2316 = arith.constant 0 : index
    %get3A_2317 = vector.load %arg6[%get3A_2315, %get3A_2316] : memref<512x1024xf32, #tpu.memory_space<vmem>>, vector<32x1024xf32>
    %add3A_2318 = arith.addf %add3A_2314, %get3A_2317 : vector<32x1024xf32>
    %get3A_2319 = arith.constant 384 : index
    %get3A_2320 = arith.constant 0 : index
    %get3A_2321 = vector.load %arg6[%get3A_2319, %get3A_2320] : memref<512x1024xf32, #tpu.memory_space<vmem>>, vector<32x1024xf32>
    %add3A_2322 = arith.addf %add3A_2318, %get3A_2321 : vector<32x1024xf32>
    %get3A_2323 = arith.constant 416 : index
    %get3A_2324 = arith.constant 0 : index
    %get3A_2325 = vector.load %arg6[%get3A_2323, %get3A_2324] : memref<512x1024xf32, #tpu.memory_space<vmem>>, vector<32x1024xf32>
    %add3A_2326 = arith.addf %add3A_2322, %get3A_2325 : vector<32x1024xf32>
    %get3A_2327 = arith.constant 448 : index
    %get3A_2328 = arith.constant 0 : index
    %get3A_2329 = vector.load %arg6[%get3A_2327, %get3A_2328] : memref<512x1024xf32, #tpu.memory_space<vmem>>, vector<32x1024xf32>
    %add3A_2330 = arith.addf %add3A_2326, %get3A_2329 : vector<32x1024xf32>
    %get3A_2331 = arith.constant 480 : index
    %get3A_2332 = arith.constant 0 : index
    %get3A_2333 = vector.load %arg6[%get3A_2331, %get3A_2332] : memref<512x1024xf32, #tpu.memory_space<vmem>>, vector<32x1024xf32>
    %add3A_2334 = arith.addf %add3A_2330, %get3A_2333 : vector<32x1024xf32>
    %get3A_2335 = arith.constant 2 : index
    %get3A_2336 = arith.constant 0 : index
    %get3A_2337 = arith.constant 0 : index
    %get3A_2338 = vector.load %arg10[%get3A_2335, %get3A_2336, %get3A_2337] : memref<4x32x1024xf32, #tpu.memory_space<vmem>>, vector<1x32x1024xf32>
    %get3A_2339 = vector.shape_cast %get3A_2338 : vector<1x32x1024xf32> to vector<32x1024xf32>
    %add3A_2340 = arith.addf %get3A_2339, %add3A_2334 : vector<32x1024xf32>
    %swap3A_2341 = arith.constant 2 : index
    %swap3A_2342 = arith.constant 0 : index
    %swap3A_2343 = arith.constant 0 : index
    %swap3A_2344 = vector.load %arg10[%swap3A_2341, %swap3A_2342, %swap3A_2343] : memref<4x32x1024xf32, #tpu.memory_space<vmem>>, vector<1x32x1024xf32>
    %swap3A_2345 = vector.shape_cast %swap3A_2344 : vector<1x32x1024xf32> to vector<32x1024xf32>
    %swap3A_2346 = vector.shape_cast %add3A_2340 : vector<32x1024xf32> to vector<1x32x1024xf32>
    tpu.vector_store %arg10[%swap3A_2341, %swap3A_2342, %swap3A_2343], %swap3A_2346 {strides = array<i32>} : memref<4x32x1024xf32, #tpu.memory_space<vmem>>, vector<1x32x1024xf32>,
    %dma_start3A_2347 = arith.constant 26624 : i32
    %dma_start3A_2348 = arith.constant 0 : i32
    %dma_start3A_2349 = tpu.memref_slice %arg0[%dma_start3A_2347, %dma_start3A_2348] : memref<32768x1024xf32, #tpu.memory_space<any>> -> memref<512x1024xf32, #tpu.memory_space<any>>
    tpu.enqueue_dma source(%dma_start3A_2349 : memref<512x1024xf32, #tpu.memory_space<any>>) target(%arg6 : memref<512x1024xf32, #tpu.memory_space<vmem>>) target_semaphore(%arg15 : memref<!tpu.dma_semaphore, #tpu.memory_space<semaphore_mem>>)
    %dma_wait3A_2350 = arith.constant 20992 : i32
    %dma_wait3A_2351 = arith.constant 0 : i32
    %dma_wait3A_2352 = tpu.memref_slice %arg0[%dma_wait3A_2350, %dma_wait3A_2351] : memref<32768x1024xf32, #tpu.memory_space<any>> -> memref<512x1024xf32, #tpu.memory_space<any>>
    tpu.wait_dma2 semaphore(%arg16 : memref<!tpu.dma_semaphore, #tpu.memory_space<semaphore_mem>>) src(%dma_wait3A_2352 : memref<512x1024xf32, #tpu.memory_space<any>>) dst(%arg7 : memref<512x1024xf32, #tpu.memory_space<vmem>>)
    %get3A_2353 = arith.constant 0 : index
    %get3A_2354 = arith.constant 0 : index
    %get3A_2355 = vector.load %arg7[%get3A_2353, %get3A_2354] : memref<512x1024xf32, #tpu.memory_space<vmem>>, vector<32x1024xf32>
    %get3A_2356 = arith.constant 32 : index
    %get3A_2357 = arith.constant 0 : index
    %get3A_2358 = vector.load %arg7[%get3A_2356, %get3A_2357] : memref<512x1024xf32, #tpu.memory_space<vmem>>, vector<32x1024xf32>
    %add3A_2359 = arith.addf %get3A_2355, %get3A_2358 : vector<32x1024xf32>
    %get3A_2360 = arith.constant 64 : index
    %get3A_2361 = arith.constant 0 : index
    %get3A_2362 = vector.load %arg7[%get3A_2360, %get3A_2361] : memref<512x1024xf32, #tpu.memory_space<vmem>>, vector<32x1024xf32>
    %add3A_2363 = arith.addf %add3A_2359, %get3A_2362 : vector<32x1024xf32>
    %get3A_2364 = arith.constant 96 : index
    %get3A_2365 = arith.constant 0 : index
    %get3A_2366 = vector.load %arg7[%get3A_2364, %get3A_2365] : memref<512x1024xf32, #tpu.memory_space<vmem>>, vector<32x1024xf32>
    %add3A_2367 = arith.addf %add3A_2363, %get3A_2366 : vector<32x1024xf32>
    %get3A_2368 = arith.constant 128 : index
    %get3A_2369 = arith.constant 0 : index
    %get3A_2370 = vector.load %arg7[%get3A_2368, %get3A_2369] : memref<512x1024xf32, #tpu.memory_space<vmem>>, vector<32x1024xf32>
    %add3A_2371 = arith.addf %add3A_2367, %get3A_2370 : vector<32x1024xf32>
    %get3A_2372 = arith.constant 160 : index
    %get3A_2373 = arith.constant 0 : index
    %get3A_2374 = vector.load %arg7[%get3A_2372, %get3A_2373] : memref<512x1024xf32, #tpu.memory_space<vmem>>, vector<32x1024xf32>
    %add3A_2375 = arith.addf %add3A_2371, %get3A_2374 : vector<32x1024xf32>
    %get3A_2376 = arith.constant 192 : index
    %get3A_2377 = arith.constant 0 : index
    %get3A_2378 = vector.load %arg7[%get3A_2376, %get3A_2377] : memref<512x1024xf32, #tpu.memory_space<vmem>>, vector<32x1024xf32>
    %add3A_2379 = arith.addf %add3A_2375, %get3A_2378 : vector<32x1024xf32>
    %get3A_2380 = arith.constant 224 : index
    %get3A_2381 = arith.constant 0 : index
    %get3A_2382 = vector.load %arg7[%get3A_2380, %get3A_2381] : memref<512x1024xf32, #tpu.memory_space<vmem>>, vector<32x1024xf32>
    %add3A_2383 = arith.addf %add3A_2379, %get3A_2382 : vector<32x1024xf32>
    %get3A_2384 = arith.constant 256 : index
    %get3A_2385 = arith.constant 0 : index
    %get3A_2386 = vector.load %arg7[%get3A_2384, %get3A_2385] : memref<512x1024xf32, #tpu.memory_space<vmem>>, vector<32x1024xf32>
    %add3A_2387 = arith.addf %add3A_2383, %get3A_2386 : vector<32x1024xf32>
    %get3A_2388 = arith.constant 288 : index
    %get3A_2389 = arith.constant 0 : index
    %get3A_2390 = vector.load %arg7[%get3A_2388, %get3A_2389] : memref<512x1024xf32, #tpu.memory_space<vmem>>, vector<32x1024xf32>
    %add3A_2391 = arith.addf %add3A_2387, %get3A_2390 : vector<32x1024xf32>
    %get3A_2392 = arith.constant 320 : index
    %get3A_2393 = arith.constant 0 : index
    %get3A_2394 = vector.load %arg7[%get3A_2392, %get3A_2393] : memref<512x1024xf32, #tpu.memory_space<vmem>>, vector<32x1024xf32>
    %add3A_2395 = arith.addf %add3A_2391, %get3A_2394 : vector<32x1024xf32>
    %get3A_2396 = arith.constant 352 : index
    %get3A_2397 = arith.constant 0 : index
    %get3A_2398 = vector.load %arg7[%get3A_2396, %get3A_2397] : memref<512x1024xf32, #tpu.memory_space<vmem>>, vector<32x1024xf32>
    %add3A_2399 = arith.addf %add3A_2395, %get3A_2398 : vector<32x1024xf32>
    %get3A_2400 = arith.constant 384 : index
    %get3A_2401 = arith.constant 0 : index
    %get3A_2402 = vector.load %arg7[%get3A_2400, %get3A_2401] : memref<512x1024xf32, #tpu.memory_space<vmem>>, vector<32x1024xf32>
    %add3A_2403 = arith.addf %add3A_2399, %get3A_2402 : vector<32x1024xf32>
    %get3A_2404 = arith.constant 416 : index
    %get3A_2405 = arith.constant 0 : index
    %get3A_2406 = vector.load %arg7[%get3A_2404, %get3A_2405] : memref<512x1024xf32, #tpu.memory_space<vmem>>, vector<32x1024xf32>
    %add3A_2407 = arith.addf %add3A_2403, %get3A_2406 : vector<32x1024xf32>
    %get3A_2408 = arith.constant 448 : index
    %get3A_2409 = arith.constant 0 : index
    %get3A_2410 = vector.load %arg7[%get3A_2408, %get3A_2409] : memref<512x1024xf32, #tpu.memory_space<vmem>>, vector<32x1024xf32>
    %add3A_2411 = arith.addf %add3A_2407, %get3A_2410 : vector<32x1024xf32>
    %get3A_2412 = arith.constant 480 : index
    %get3A_2413 = arith.constant 0 : index
    %get3A_2414 = vector.load %arg7[%get3A_2412, %get3A_2413] : memref<512x1024xf32, #tpu.memory_space<vmem>>, vector<32x1024xf32>
    %add3A_2415 = arith.addf %add3A_2411, %get3A_2414 : vector<32x1024xf32>
    %get3A_2416 = arith.constant 2 : index
    %get3A_2417 = arith.constant 0 : index
    %get3A_2418 = arith.constant 0 : index
    %get3A_2419 = vector.load %arg10[%get3A_2416, %get3A_2417, %get3A_2418] : memref<4x32x1024xf32, #tpu.memory_space<vmem>>, vector<1x32x1024xf32>
    %get3A_2420 = vector.shape_cast %get3A_2419 : vector<1x32x1024xf32> to vector<32x1024xf32>
    %add3A_2421 = arith.addf %get3A_2420, %add3A_2415 : vector<32x1024xf32>
    %swap3A_2422 = arith.constant 2 : index
    %swap3A_2423 = arith.constant 0 : index
    %swap3A_2424 = arith.constant 0 : index
    %swap3A_2425 = vector.load %arg10[%swap3A_2422, %swap3A_2423, %swap3A_2424] : memref<4x32x1024xf32, #tpu.memory_space<vmem>>, vector<1x32x1024xf32>
    %swap3A_2426 = vector.shape_cast %swap3A_2425 : vector<1x32x1024xf32> to vector<32x1024xf32>
    %swap3A_2427 = vector.shape_cast %add3A_2421 : vector<32x1024xf32> to vector<1x32x1024xf32>
    tpu.vector_store %arg10[%swap3A_2422, %swap3A_2423, %swap3A_2424], %swap3A_2427 {strides = array<i32>} : memref<4x32x1024xf32, #tpu.memory_space<vmem>>, vector<1x32x1024xf32>,
    %dma_start3A_2428 = arith.constant 27136 : i32
    %dma_start3A_2429 = arith.constant 0 : i32
    %dma_start3A_2430 = tpu.memref_slice %arg0[%dma_start3A_2428, %dma_start3A_2429] : memref<32768x1024xf32, #tpu.memory_space<any>> -> memref<512x1024xf32, #tpu.memory_space<any>>
    tpu.enqueue_dma source(%dma_start3A_2430 : memref<512x1024xf32, #tpu.memory_space<any>>) target(%arg7 : memref<512x1024xf32, #tpu.memory_space<vmem>>) target_semaphore(%arg16 : memref<!tpu.dma_semaphore, #tpu.memory_space<semaphore_mem>>)
    %dma_wait3A_2431 = arith.constant 21504 : i32
    %dma_wait3A_2432 = arith.constant 0 : i32
    %dma_wait3A_2433 = tpu.memref_slice %arg0[%dma_wait3A_2431, %dma_wait3A_2432] : memref<32768x1024xf32, #tpu.memory_space<any>> -> memref<512x1024xf32, #tpu.memory_space<any>>
    tpu.wait_dma2 semaphore(%arg17 : memref<!tpu.dma_semaphore, #tpu.memory_space<semaphore_mem>>) src(%dma_wait3A_2433 : memref<512x1024xf32, #tpu.memory_space<any>>) dst(%arg8 : memref<512x1024xf32, #tpu.memory_space<vmem>>)
    %get3A_2434 = arith.constant 0 : index
    %get3A_2435 = arith.constant 0 : index
    %get3A_2436 = vector.load %arg8[%get3A_2434, %get3A_2435] : memref<512x1024xf32, #tpu.memory_space<vmem>>, vector<32x1024xf32>
    %get3A_2437 = arith.constant 32 : index
    %get3A_2438 = arith.constant 0 : index
    %get3A_2439 = vector.load %arg8[%get3A_2437, %get3A_2438] : memref<512x1024xf32, #tpu.memory_space<vmem>>, vector<32x1024xf32>
    %add3A_2440 = arith.addf %get3A_2436, %get3A_2439 : vector<32x1024xf32>
    %get3A_2441 = arith.constant 64 : index
    %get3A_2442 = arith.constant 0 : index
    %get3A_2443 = vector.load %arg8[%get3A_2441, %get3A_2442] : memref<512x1024xf32, #tpu.memory_space<vmem>>, vector<32x1024xf32>
    %add3A_2444 = arith.addf %add3A_2440, %get3A_2443 : vector<32x1024xf32>
    %get3A_2445 = arith.constant 96 : index
    %get3A_2446 = arith.constant 0 : index
    %get3A_2447 = vector.load %arg8[%get3A_2445, %get3A_2446] : memref<512x1024xf32, #tpu.memory_space<vmem>>, vector<32x1024xf32>
    %add3A_2448 = arith.addf %add3A_2444, %get3A_2447 : vector<32x1024xf32>
    %get3A_2449 = arith.constant 128 : index
    %get3A_2450 = arith.constant 0 : index
    %get3A_2451 = vector.load %arg8[%get3A_2449, %get3A_2450] : memref<512x1024xf32, #tpu.memory_space<vmem>>, vector<32x1024xf32>
    %add3A_2452 = arith.addf %add3A_2448, %get3A_2451 : vector<32x1024xf32>
    %get3A_2453 = arith.constant 160 : index
    %get3A_2454 = arith.constant 0 : index
    %get3A_2455 = vector.load %arg8[%get3A_2453, %get3A_2454] : memref<512x1024xf32, #tpu.memory_space<vmem>>, vector<32x1024xf32>
    %add3A_2456 = arith.addf %add3A_2452, %get3A_2455 : vector<32x1024xf32>
    %get3A_2457 = arith.constant 192 : index
    %get3A_2458 = arith.constant 0 : index
    %get3A_2459 = vector.load %arg8[%get3A_2457, %get3A_2458] : memref<512x1024xf32, #tpu.memory_space<vmem>>, vector<32x1024xf32>
    %add3A_2460 = arith.addf %add3A_2456, %get3A_2459 : vector<32x1024xf32>
    %get3A_2461 = arith.constant 224 : index
    %get3A_2462 = arith.constant 0 : index
    %get3A_2463 = vector.load %arg8[%get3A_2461, %get3A_2462] : memref<512x1024xf32, #tpu.memory_space<vmem>>, vector<32x1024xf32>
    %add3A_2464 = arith.addf %add3A_2460, %get3A_2463 : vector<32x1024xf32>
    %get3A_2465 = arith.constant 256 : index
    %get3A_2466 = arith.constant 0 : index
    %get3A_2467 = vector.load %arg8[%get3A_2465, %get3A_2466] : memref<512x1024xf32, #tpu.memory_space<vmem>>, vector<32x1024xf32>
    %add3A_2468 = arith.addf %add3A_2464, %get3A_2467 : vector<32x1024xf32>
    %get3A_2469 = arith.constant 288 : index
    %get3A_2470 = arith.constant 0 : index
    %get3A_2471 = vector.load %arg8[%get3A_2469, %get3A_2470] : memref<512x1024xf32, #tpu.memory_space<vmem>>, vector<32x1024xf32>
    %add3A_2472 = arith.addf %add3A_2468, %get3A_2471 : vector<32x1024xf32>
    %get3A_2473 = arith.constant 320 : index
    %get3A_2474 = arith.constant 0 : index
    %get3A_2475 = vector.load %arg8[%get3A_2473, %get3A_2474] : memref<512x1024xf32, #tpu.memory_space<vmem>>, vector<32x1024xf32>
    %add3A_2476 = arith.addf %add3A_2472, %get3A_2475 : vector<32x1024xf32>
    %get3A_2477 = arith.constant 352 : index
    %get3A_2478 = arith.constant 0 : index
    %get3A_2479 = vector.load %arg8[%get3A_2477, %get3A_2478] : memref<512x1024xf32, #tpu.memory_space<vmem>>, vector<32x1024xf32>
    %add3A_2480 = arith.addf %add3A_2476, %get3A_2479 : vector<32x1024xf32>
    %get3A_2481 = arith.constant 384 : index
    %get3A_2482 = arith.constant 0 : index
    %get3A_2483 = vector.load %arg8[%get3A_2481, %get3A_2482] : memref<512x1024xf32, #tpu.memory_space<vmem>>, vector<32x1024xf32>
    %add3A_2484 = arith.addf %add3A_2480, %get3A_2483 : vector<32x1024xf32>
    %get3A_2485 = arith.constant 416 : index
    %get3A_2486 = arith.constant 0 : index
    %get3A_2487 = vector.load %arg8[%get3A_2485, %get3A_2486] : memref<512x1024xf32, #tpu.memory_space<vmem>>, vector<32x1024xf32>
    %add3A_2488 = arith.addf %add3A_2484, %get3A_2487 : vector<32x1024xf32>
    %get3A_2489 = arith.constant 448 : index
    %get3A_2490 = arith.constant 0 : index
    %get3A_2491 = vector.load %arg8[%get3A_2489, %get3A_2490] : memref<512x1024xf32, #tpu.memory_space<vmem>>, vector<32x1024xf32>
    %add3A_2492 = arith.addf %add3A_2488, %get3A_2491 : vector<32x1024xf32>
    %get3A_2493 = arith.constant 480 : index
    %get3A_2494 = arith.constant 0 : index
    %get3A_2495 = vector.load %arg8[%get3A_2493, %get3A_2494] : memref<512x1024xf32, #tpu.memory_space<vmem>>, vector<32x1024xf32>
    %add3A_2496 = arith.addf %add3A_2492, %get3A_2495 : vector<32x1024xf32>
    %get3A_2497 = arith.constant 2 : index
    %get3A_2498 = arith.constant 0 : index
    %get3A_2499 = arith.constant 0 : index
    %get3A_2500 = vector.load %arg10[%get3A_2497, %get3A_2498, %get3A_2499] : memref<4x32x1024xf32, #tpu.memory_space<vmem>>, vector<1x32x1024xf32>
    %get3A_2501 = vector.shape_cast %get3A_2500 : vector<1x32x1024xf32> to vector<32x1024xf32>
    %add3A_2502 = arith.addf %get3A_2501, %add3A_2496 : vector<32x1024xf32>
    %swap3A_2503 = arith.constant 2 : index
    %swap3A_2504 = arith.constant 0 : index
    %swap3A_2505 = arith.constant 0 : index
    %swap3A_2506 = vector.load %arg10[%swap3A_2503, %swap3A_2504, %swap3A_2505] : memref<4x32x1024xf32, #tpu.memory_space<vmem>>, vector<1x32x1024xf32>
    %swap3A_2507 = vector.shape_cast %swap3A_2506 : vector<1x32x1024xf32> to vector<32x1024xf32>
    %swap3A_2508 = vector.shape_cast %add3A_2502 : vector<32x1024xf32> to vector<1x32x1024xf32>
    tpu.vector_store %arg10[%swap3A_2503, %swap3A_2504, %swap3A_2505], %swap3A_2508 {strides = array<i32>} : memref<4x32x1024xf32, #tpu.memory_space<vmem>>, vector<1x32x1024xf32>,
    %dma_start3A_2509 = arith.constant 27648 : i32
    %dma_start3A_2510 = arith.constant 0 : i32
    %dma_start3A_2511 = tpu.memref_slice %arg0[%dma_start3A_2509, %dma_start3A_2510] : memref<32768x1024xf32, #tpu.memory_space<any>> -> memref<512x1024xf32, #tpu.memory_space<any>>
    tpu.enqueue_dma source(%dma_start3A_2511 : memref<512x1024xf32, #tpu.memory_space<any>>) target(%arg8 : memref<512x1024xf32, #tpu.memory_space<vmem>>) target_semaphore(%arg17 : memref<!tpu.dma_semaphore, #tpu.memory_space<semaphore_mem>>)
    %dma_wait3A_2512 = arith.constant 22016 : i32
    %dma_wait3A_2513 = arith.constant 0 : i32
    %dma_wait3A_2514 = tpu.memref_slice %arg0[%dma_wait3A_2512, %dma_wait3A_2513] : memref<32768x1024xf32, #tpu.memory_space<any>> -> memref<512x1024xf32, #tpu.memory_space<any>>
    tpu.wait_dma2 semaphore(%arg18 : memref<!tpu.dma_semaphore, #tpu.memory_space<semaphore_mem>>) src(%dma_wait3A_2514 : memref<512x1024xf32, #tpu.memory_space<any>>) dst(%arg9 : memref<512x1024xf32, #tpu.memory_space<vmem>>)
    %get3A_2515 = arith.constant 0 : index
    %get3A_2516 = arith.constant 0 : index
    %get3A_2517 = vector.load %arg9[%get3A_2515, %get3A_2516] : memref<512x1024xf32, #tpu.memory_space<vmem>>, vector<32x1024xf32>
    %get3A_2518 = arith.constant 32 : index
    %get3A_2519 = arith.constant 0 : index
    %get3A_2520 = vector.load %arg9[%get3A_2518, %get3A_2519] : memref<512x1024xf32, #tpu.memory_space<vmem>>, vector<32x1024xf32>
    %add3A_2521 = arith.addf %get3A_2517, %get3A_2520 : vector<32x1024xf32>
    %get3A_2522 = arith.constant 64 : index
    %get3A_2523 = arith.constant 0 : index
    %get3A_2524 = vector.load %arg9[%get3A_2522, %get3A_2523] : memref<512x1024xf32, #tpu.memory_space<vmem>>, vector<32x1024xf32>
    %add3A_2525 = arith.addf %add3A_2521, %get3A_2524 : vector<32x1024xf32>
    %get3A_2526 = arith.constant 96 : index
    %get3A_2527 = arith.constant 0 : index
    %get3A_2528 = vector.load %arg9[%get3A_2526, %get3A_2527] : memref<512x1024xf32, #tpu.memory_space<vmem>>, vector<32x1024xf32>
    %add3A_2529 = arith.addf %add3A_2525, %get3A_2528 : vector<32x1024xf32>
    %get3A_2530 = arith.constant 128 : index
    %get3A_2531 = arith.constant 0 : index
    %get3A_2532 = vector.load %arg9[%get3A_2530, %get3A_2531] : memref<512x1024xf32, #tpu.memory_space<vmem>>, vector<32x1024xf32>
    %add3A_2533 = arith.addf %add3A_2529, %get3A_2532 : vector<32x1024xf32>
    %get3A_2534 = arith.constant 160 : index
    %get3A_2535 = arith.constant 0 : index
    %get3A_2536 = vector.load %arg9[%get3A_2534, %get3A_2535] : memref<512x1024xf32, #tpu.memory_space<vmem>>, vector<32x1024xf32>
    %add3A_2537 = arith.addf %add3A_2533, %get3A_2536 : vector<32x1024xf32>
    %get3A_2538 = arith.constant 192 : index
    %get3A_2539 = arith.constant 0 : index
    %get3A_2540 = vector.load %arg9[%get3A_2538, %get3A_2539] : memref<512x1024xf32, #tpu.memory_space<vmem>>, vector<32x1024xf32>
    %add3A_2541 = arith.addf %add3A_2537, %get3A_2540 : vector<32x1024xf32>
    %get3A_2542 = arith.constant 224 : index
    %get3A_2543 = arith.constant 0 : index
    %get3A_2544 = vector.load %arg9[%get3A_2542, %get3A_2543] : memref<512x1024xf32, #tpu.memory_space<vmem>>, vector<32x1024xf32>
    %add3A_2545 = arith.addf %add3A_2541, %get3A_2544 : vector<32x1024xf32>
    %get3A_2546 = arith.constant 256 : index
    %get3A_2547 = arith.constant 0 : index
    %get3A_2548 = vector.load %arg9[%get3A_2546, %get3A_2547] : memref<512x1024xf32, #tpu.memory_space<vmem>>, vector<32x1024xf32>
    %add3A_2549 = arith.addf %add3A_2545, %get3A_2548 : vector<32x1024xf32>
    %get3A_2550 = arith.constant 288 : index
    %get3A_2551 = arith.constant 0 : index
    %get3A_2552 = vector.load %arg9[%get3A_2550, %get3A_2551] : memref<512x1024xf32, #tpu.memory_space<vmem>>, vector<32x1024xf32>
    %add3A_2553 = arith.addf %add3A_2549, %get3A_2552 : vector<32x1024xf32>
    %get3A_2554 = arith.constant 320 : index
    %get3A_2555 = arith.constant 0 : index
    %get3A_2556 = vector.load %arg9[%get3A_2554, %get3A_2555] : memref<512x1024xf32, #tpu.memory_space<vmem>>, vector<32x1024xf32>
    %add3A_2557 = arith.addf %add3A_2553, %get3A_2556 : vector<32x1024xf32>
    %get3A_2558 = arith.constant 352 : index
    %get3A_2559 = arith.constant 0 : index
    %get3A_2560 = vector.load %arg9[%get3A_2558, %get3A_2559] : memref<512x1024xf32, #tpu.memory_space<vmem>>, vector<32x1024xf32>
    %add3A_2561 = arith.addf %add3A_2557, %get3A_2560 : vector<32x1024xf32>
    %get3A_2562 = arith.constant 384 : index
    %get3A_2563 = arith.constant 0 : index
    %get3A_2564 = vector.load %arg9[%get3A_2562, %get3A_2563] : memref<512x1024xf32, #tpu.memory_space<vmem>>, vector<32x1024xf32>
    %add3A_2565 = arith.addf %add3A_2561, %get3A_2564 : vector<32x1024xf32>
    %get3A_2566 = arith.constant 416 : index
    %get3A_2567 = arith.constant 0 : index
    %get3A_2568 = vector.load %arg9[%get3A_2566, %get3A_2567] : memref<512x1024xf32, #tpu.memory_space<vmem>>, vector<32x1024xf32>
    %add3A_2569 = arith.addf %add3A_2565, %get3A_2568 : vector<32x1024xf32>
    %get3A_2570 = arith.constant 448 : index
    %get3A_2571 = arith.constant 0 : index
    %get3A_2572 = vector.load %arg9[%get3A_2570, %get3A_2571] : memref<512x1024xf32, #tpu.memory_space<vmem>>, vector<32x1024xf32>
    %add3A_2573 = arith.addf %add3A_2569, %get3A_2572 : vector<32x1024xf32>
    %get3A_2574 = arith.constant 480 : index
    %get3A_2575 = arith.constant 0 : index
    %get3A_2576 = vector.load %arg9[%get3A_2574, %get3A_2575] : memref<512x1024xf32, #tpu.memory_space<vmem>>, vector<32x1024xf32>
    %add3A_2577 = arith.addf %add3A_2573, %get3A_2576 : vector<32x1024xf32>
    %get3A_2578 = arith.constant 2 : index
    %get3A_2579 = arith.constant 0 : index
    %get3A_2580 = arith.constant 0 : index
    %get3A_2581 = vector.load %arg10[%get3A_2578, %get3A_2579, %get3A_2580] : memref<4x32x1024xf32, #tpu.memory_space<vmem>>, vector<1x32x1024xf32>
    %get3A_2582 = vector.shape_cast %get3A_2581 : vector<1x32x1024xf32> to vector<32x1024xf32>
    %add3A_2583 = arith.addf %get3A_2582, %add3A_2577 : vector<32x1024xf32>
    %swap3A_2584 = arith.constant 2 : index
    %swap3A_2585 = arith.constant 0 : index
    %swap3A_2586 = arith.constant 0 : index
    %swap3A_2587 = vector.load %arg10[%swap3A_2584, %swap3A_2585, %swap3A_2586] : memref<4x32x1024xf32, #tpu.memory_space<vmem>>, vector<1x32x1024xf32>
    %swap3A_2588 = vector.shape_cast %swap3A_2587 : vector<1x32x1024xf32> to vector<32x1024xf32>
    %swap3A_2589 = vector.shape_cast %add3A_2583 : vector<32x1024xf32> to vector<1x32x1024xf32>
    tpu.vector_store %arg10[%swap3A_2584, %swap3A_2585, %swap3A_2586], %swap3A_2589 {strides = array<i32>} : memref<4x32x1024xf32, #tpu.memory_space<vmem>>, vector<1x32x1024xf32>,
    %dma_start3A_2590 = arith.constant 28160 : i32
    %dma_start3A_2591 = arith.constant 0 : i32
    %dma_start3A_2592 = tpu.memref_slice %arg0[%dma_start3A_2590, %dma_start3A_2591] : memref<32768x1024xf32, #tpu.memory_space<any>> -> memref<512x1024xf32, #tpu.memory_space<any>>
    tpu.enqueue_dma source(%dma_start3A_2592 : memref<512x1024xf32, #tpu.memory_space<any>>) target(%arg9 : memref<512x1024xf32, #tpu.memory_space<vmem>>) target_semaphore(%arg18 : memref<!tpu.dma_semaphore, #tpu.memory_space<semaphore_mem>>)
    %dma_wait3A_2593 = arith.constant 22528 : i32
    %dma_wait3A_2594 = arith.constant 0 : i32
    %dma_wait3A_2595 = tpu.memref_slice %arg0[%dma_wait3A_2593, %dma_wait3A_2594] : memref<32768x1024xf32, #tpu.memory_space<any>> -> memref<512x1024xf32, #tpu.memory_space<any>>
    tpu.wait_dma2 semaphore(%arg11 : memref<!tpu.dma_semaphore, #tpu.memory_space<semaphore_mem>>) src(%dma_wait3A_2595 : memref<512x1024xf32, #tpu.memory_space<any>>) dst(%arg2 : memref<512x1024xf32, #tpu.memory_space<vmem>>)
    %get3A_2596 = arith.constant 0 : index
    %get3A_2597 = arith.constant 0 : index
    %get3A_2598 = vector.load %arg2[%get3A_2596, %get3A_2597] : memref<512x1024xf32, #tpu.memory_space<vmem>>, vector<32x1024xf32>
    %get3A_2599 = arith.constant 32 : index
    %get3A_2600 = arith.constant 0 : index
    %get3A_2601 = vector.load %arg2[%get3A_2599, %get3A_2600] : memref<512x1024xf32, #tpu.memory_space<vmem>>, vector<32x1024xf32>
    %add3A_2602 = arith.addf %get3A_2598, %get3A_2601 : vector<32x1024xf32>
    %get3A_2603 = arith.constant 64 : index
    %get3A_2604 = arith.constant 0 : index
    %get3A_2605 = vector.load %arg2[%get3A_2603, %get3A_2604] : memref<512x1024xf32, #tpu.memory_space<vmem>>, vector<32x1024xf32>
    %add3A_2606 = arith.addf %add3A_2602, %get3A_2605 : vector<32x1024xf32>
    %get3A_2607 = arith.constant 96 : index
    %get3A_2608 = arith.constant 0 : index
    %get3A_2609 = vector.load %arg2[%get3A_2607, %get3A_2608] : memref<512x1024xf32, #tpu.memory_space<vmem>>, vector<32x1024xf32>
    %add3A_2610 = arith.addf %add3A_2606, %get3A_2609 : vector<32x1024xf32>
    %get3A_2611 = arith.constant 128 : index
    %get3A_2612 = arith.constant 0 : index
    %get3A_2613 = vector.load %arg2[%get3A_2611, %get3A_2612] : memref<512x1024xf32, #tpu.memory_space<vmem>>, vector<32x1024xf32>
    %add3A_2614 = arith.addf %add3A_2610, %get3A_2613 : vector<32x1024xf32>
    %get3A_2615 = arith.constant 160 : index
    %get3A_2616 = arith.constant 0 : index
    %get3A_2617 = vector.load %arg2[%get3A_2615, %get3A_2616] : memref<512x1024xf32, #tpu.memory_space<vmem>>, vector<32x1024xf32>
    %add3A_2618 = arith.addf %add3A_2614, %get3A_2617 : vector<32x1024xf32>
    %get3A_2619 = arith.constant 192 : index
    %get3A_2620 = arith.constant 0 : index
    %get3A_2621 = vector.load %arg2[%get3A_2619, %get3A_2620] : memref<512x1024xf32, #tpu.memory_space<vmem>>, vector<32x1024xf32>
    %add3A_2622 = arith.addf %add3A_2618, %get3A_2621 : vector<32x1024xf32>
    %get3A_2623 = arith.constant 224 : index
    %get3A_2624 = arith.constant 0 : index
    %get3A_2625 = vector.load %arg2[%get3A_2623, %get3A_2624] : memref<512x1024xf32, #tpu.memory_space<vmem>>, vector<32x1024xf32>
    %add3A_2626 = arith.addf %add3A_2622, %get3A_2625 : vector<32x1024xf32>
    %get3A_2627 = arith.constant 256 : index
    %get3A_2628 = arith.constant 0 : index
    %get3A_2629 = vector.load %arg2[%get3A_2627, %get3A_2628] : memref<512x1024xf32, #tpu.memory_space<vmem>>, vector<32x1024xf32>
    %add3A_2630 = arith.addf %add3A_2626, %get3A_2629 : vector<32x1024xf32>
    %get3A_2631 = arith.constant 288 : index
    %get3A_2632 = arith.constant 0 : index
    %get3A_2633 = vector.load %arg2[%get3A_2631, %get3A_2632] : memref<512x1024xf32, #tpu.memory_space<vmem>>, vector<32x1024xf32>
    %add3A_2634 = arith.addf %add3A_2630, %get3A_2633 : vector<32x1024xf32>
    %get3A_2635 = arith.constant 320 : index
    %get3A_2636 = arith.constant 0 : index
    %get3A_2637 = vector.load %arg2[%get3A_2635, %get3A_2636] : memref<512x1024xf32, #tpu.memory_space<vmem>>, vector<32x1024xf32>
    %add3A_2638 = arith.addf %add3A_2634, %get3A_2637 : vector<32x1024xf32>
    %get3A_2639 = arith.constant 352 : index
    %get3A_2640 = arith.constant 0 : index
    %get3A_2641 = vector.load %arg2[%get3A_2639, %get3A_2640] : memref<512x1024xf32, #tpu.memory_space<vmem>>, vector<32x1024xf32>
    %add3A_2642 = arith.addf %add3A_2638, %get3A_2641 : vector<32x1024xf32>
    %get3A_2643 = arith.constant 384 : index
    %get3A_2644 = arith.constant 0 : index
    %get3A_2645 = vector.load %arg2[%get3A_2643, %get3A_2644] : memref<512x1024xf32, #tpu.memory_space<vmem>>, vector<32x1024xf32>
    %add3A_2646 = arith.addf %add3A_2642, %get3A_2645 : vector<32x1024xf32>
    %get3A_2647 = arith.constant 416 : index
    %get3A_2648 = arith.constant 0 : index
    %get3A_2649 = vector.load %arg2[%get3A_2647, %get3A_2648] : memref<512x1024xf32, #tpu.memory_space<vmem>>, vector<32x1024xf32>
    %add3A_2650 = arith.addf %add3A_2646, %get3A_2649 : vector<32x1024xf32>
    %get3A_2651 = arith.constant 448 : index
    %get3A_2652 = arith.constant 0 : index
    %get3A_2653 = vector.load %arg2[%get3A_2651, %get3A_2652] : memref<512x1024xf32, #tpu.memory_space<vmem>>, vector<32x1024xf32>
    %add3A_2654 = arith.addf %add3A_2650, %get3A_2653 : vector<32x1024xf32>
    %get3A_2655 = arith.constant 480 : index
    %get3A_2656 = arith.constant 0 : index
    %get3A_2657 = vector.load %arg2[%get3A_2655, %get3A_2656] : memref<512x1024xf32, #tpu.memory_space<vmem>>, vector<32x1024xf32>
    %add3A_2658 = arith.addf %add3A_2654, %get3A_2657 : vector<32x1024xf32>
    %get3A_2659 = arith.constant 2 : index
    %get3A_2660 = arith.constant 0 : index
    %get3A_2661 = arith.constant 0 : index
    %get3A_2662 = vector.load %arg10[%get3A_2659, %get3A_2660, %get3A_2661] : memref<4x32x1024xf32, #tpu.memory_space<vmem>>, vector<1x32x1024xf32>
    %get3A_2663 = vector.shape_cast %get3A_2662 : vector<1x32x1024xf32> to vector<32x1024xf32>
    %add3A_2664 = arith.addf %get3A_2663, %add3A_2658 : vector<32x1024xf32>
    %swap3A_2665 = arith.constant 2 : index
    %swap3A_2666 = arith.constant 0 : index
    %swap3A_2667 = arith.constant 0 : index
    %swap3A_2668 = vector.load %arg10[%swap3A_2665, %swap3A_2666, %swap3A_2667] : memref<4x32x1024xf32, #tpu.memory_space<vmem>>, vector<1x32x1024xf32>
    %swap3A_2669 = vector.shape_cast %swap3A_2668 : vector<1x32x1024xf32> to vector<32x1024xf32>
    %swap3A_2670 = vector.shape_cast %add3A_2664 : vector<32x1024xf32> to vector<1x32x1024xf32>
    tpu.vector_store %arg10[%swap3A_2665, %swap3A_2666, %swap3A_2667], %swap3A_2670 {strides = array<i32>} : memref<4x32x1024xf32, #tpu.memory_space<vmem>>, vector<1x32x1024xf32>,
    %dma_start3A_2671 = arith.constant 28672 : i32
    %dma_start3A_2672 = arith.constant 0 : i32
    %dma_start3A_2673 = tpu.memref_slice %arg0[%dma_start3A_2671, %dma_start3A_2672] : memref<32768x1024xf32, #tpu.memory_space<any>> -> memref<512x1024xf32, #tpu.memory_space<any>>
    tpu.enqueue_dma source(%dma_start3A_2673 : memref<512x1024xf32, #tpu.memory_space<any>>) target(%arg2 : memref<512x1024xf32, #tpu.memory_space<vmem>>) target_semaphore(%arg11 : memref<!tpu.dma_semaphore, #tpu.memory_space<semaphore_mem>>)
    %dma_wait3A_2674 = arith.constant 23040 : i32
    %dma_wait3A_2675 = arith.constant 0 : i32
    %dma_wait3A_2676 = tpu.memref_slice %arg0[%dma_wait3A_2674, %dma_wait3A_2675] : memref<32768x1024xf32, #tpu.memory_space<any>> -> memref<512x1024xf32, #tpu.memory_space<any>>
    tpu.wait_dma2 semaphore(%arg12 : memref<!tpu.dma_semaphore, #tpu.memory_space<semaphore_mem>>) src(%dma_wait3A_2676 : memref<512x1024xf32, #tpu.memory_space<any>>) dst(%arg3 : memref<512x1024xf32, #tpu.memory_space<vmem>>)
    %get3A_2677 = arith.constant 0 : index
    %get3A_2678 = arith.constant 0 : index
    %get3A_2679 = vector.load %arg3[%get3A_2677, %get3A_2678] : memref<512x1024xf32, #tpu.memory_space<vmem>>, vector<32x1024xf32>
    %get3A_2680 = arith.constant 32 : index
    %get3A_2681 = arith.constant 0 : index
    %get3A_2682 = vector.load %arg3[%get3A_2680, %get3A_2681] : memref<512x1024xf32, #tpu.memory_space<vmem>>, vector<32x1024xf32>
    %add3A_2683 = arith.addf %get3A_2679, %get3A_2682 : vector<32x1024xf32>
    %get3A_2684 = arith.constant 64 : index
    %get3A_2685 = arith.constant 0 : index
    %get3A_2686 = vector.load %arg3[%get3A_2684, %get3A_2685] : memref<512x1024xf32, #tpu.memory_space<vmem>>, vector<32x1024xf32>
    %add3A_2687 = arith.addf %add3A_2683, %get3A_2686 : vector<32x1024xf32>
    %get3A_2688 = arith.constant 96 : index
    %get3A_2689 = arith.constant 0 : index
    %get3A_2690 = vector.load %arg3[%get3A_2688, %get3A_2689] : memref<512x1024xf32, #tpu.memory_space<vmem>>, vector<32x1024xf32>
    %add3A_2691 = arith.addf %add3A_2687, %get3A_2690 : vector<32x1024xf32>
    %get3A_2692 = arith.constant 128 : index
    %get3A_2693 = arith.constant 0 : index
    %get3A_2694 = vector.load %arg3[%get3A_2692, %get3A_2693] : memref<512x1024xf32, #tpu.memory_space<vmem>>, vector<32x1024xf32>
    %add3A_2695 = arith.addf %add3A_2691, %get3A_2694 : vector<32x1024xf32>
    %get3A_2696 = arith.constant 160 : index
    %get3A_2697 = arith.constant 0 : index
    %get3A_2698 = vector.load %arg3[%get3A_2696, %get3A_2697] : memref<512x1024xf32, #tpu.memory_space<vmem>>, vector<32x1024xf32>
    %add3A_2699 = arith.addf %add3A_2695, %get3A_2698 : vector<32x1024xf32>
    %get3A_2700 = arith.constant 192 : index
    %get3A_2701 = arith.constant 0 : index
    %get3A_2702 = vector.load %arg3[%get3A_2700, %get3A_2701] : memref<512x1024xf32, #tpu.memory_space<vmem>>, vector<32x1024xf32>
    %add3A_2703 = arith.addf %add3A_2699, %get3A_2702 : vector<32x1024xf32>
    %get3A_2704 = arith.constant 224 : index
    %get3A_2705 = arith.constant 0 : index
    %get3A_2706 = vector.load %arg3[%get3A_2704, %get3A_2705] : memref<512x1024xf32, #tpu.memory_space<vmem>>, vector<32x1024xf32>
    %add3A_2707 = arith.addf %add3A_2703, %get3A_2706 : vector<32x1024xf32>
    %get3A_2708 = arith.constant 256 : index
    %get3A_2709 = arith.constant 0 : index
    %get3A_2710 = vector.load %arg3[%get3A_2708, %get3A_2709] : memref<512x1024xf32, #tpu.memory_space<vmem>>, vector<32x1024xf32>
    %add3A_2711 = arith.addf %add3A_2707, %get3A_2710 : vector<32x1024xf32>
    %get3A_2712 = arith.constant 288 : index
    %get3A_2713 = arith.constant 0 : index
    %get3A_2714 = vector.load %arg3[%get3A_2712, %get3A_2713] : memref<512x1024xf32, #tpu.memory_space<vmem>>, vector<32x1024xf32>
    %add3A_2715 = arith.addf %add3A_2711, %get3A_2714 : vector<32x1024xf32>
    %get3A_2716 = arith.constant 320 : index
    %get3A_2717 = arith.constant 0 : index
    %get3A_2718 = vector.load %arg3[%get3A_2716, %get3A_2717] : memref<512x1024xf32, #tpu.memory_space<vmem>>, vector<32x1024xf32>
    %add3A_2719 = arith.addf %add3A_2715, %get3A_2718 : vector<32x1024xf32>
    %get3A_2720 = arith.constant 352 : index
    %get3A_2721 = arith.constant 0 : index
    %get3A_2722 = vector.load %arg3[%get3A_2720, %get3A_2721] : memref<512x1024xf32, #tpu.memory_space<vmem>>, vector<32x1024xf32>
    %add3A_2723 = arith.addf %add3A_2719, %get3A_2722 : vector<32x1024xf32>
    %get3A_2724 = arith.constant 384 : index
    %get3A_2725 = arith.constant 0 : index
    %get3A_2726 = vector.load %arg3[%get3A_2724, %get3A_2725] : memref<512x1024xf32, #tpu.memory_space<vmem>>, vector<32x1024xf32>
    %add3A_2727 = arith.addf %add3A_2723, %get3A_2726 : vector<32x1024xf32>
    %get3A_2728 = arith.constant 416 : index
    %get3A_2729 = arith.constant 0 : index
    %get3A_2730 = vector.load %arg3[%get3A_2728, %get3A_2729] : memref<512x1024xf32, #tpu.memory_space<vmem>>, vector<32x1024xf32>
    %add3A_2731 = arith.addf %add3A_2727, %get3A_2730 : vector<32x1024xf32>
    %get3A_2732 = arith.constant 448 : index
    %get3A_2733 = arith.constant 0 : index
    %get3A_2734 = vector.load %arg3[%get3A_2732, %get3A_2733] : memref<512x1024xf32, #tpu.memory_space<vmem>>, vector<32x1024xf32>
    %add3A_2735 = arith.addf %add3A_2731, %get3A_2734 : vector<32x1024xf32>
    %get3A_2736 = arith.constant 480 : index
    %get3A_2737 = arith.constant 0 : index
    %get3A_2738 = vector.load %arg3[%get3A_2736, %get3A_2737] : memref<512x1024xf32, #tpu.memory_space<vmem>>, vector<32x1024xf32>
    %add3A_2739 = arith.addf %add3A_2735, %get3A_2738 : vector<32x1024xf32>
    %get3A_2740 = arith.constant 2 : index
    %get3A_2741 = arith.constant 0 : index
    %get3A_2742 = arith.constant 0 : index
    %get3A_2743 = vector.load %arg10[%get3A_2740, %get3A_2741, %get3A_2742] : memref<4x32x1024xf32, #tpu.memory_space<vmem>>, vector<1x32x1024xf32>
    %get3A_2744 = vector.shape_cast %get3A_2743 : vector<1x32x1024xf32> to vector<32x1024xf32>
    %add3A_2745 = arith.addf %get3A_2744, %add3A_2739 : vector<32x1024xf32>
    %swap3A_2746 = arith.constant 2 : index
    %swap3A_2747 = arith.constant 0 : index
    %swap3A_2748 = arith.constant 0 : index
    %swap3A_2749 = vector.load %arg10[%swap3A_2746, %swap3A_2747, %swap3A_2748] : memref<4x32x1024xf32, #tpu.memory_space<vmem>>, vector<1x32x1024xf32>
    %swap3A_2750 = vector.shape_cast %swap3A_2749 : vector<1x32x1024xf32> to vector<32x1024xf32>
    %swap3A_2751 = vector.shape_cast %add3A_2745 : vector<32x1024xf32> to vector<1x32x1024xf32>
    tpu.vector_store %arg10[%swap3A_2746, %swap3A_2747, %swap3A_2748], %swap3A_2751 {strides = array<i32>} : memref<4x32x1024xf32, #tpu.memory_space<vmem>>, vector<1x32x1024xf32>,
    %dma_start3A_2752 = arith.constant 29184 : i32
    %dma_start3A_2753 = arith.constant 0 : i32
    %dma_start3A_2754 = tpu.memref_slice %arg0[%dma_start3A_2752, %dma_start3A_2753] : memref<32768x1024xf32, #tpu.memory_space<any>> -> memref<512x1024xf32, #tpu.memory_space<any>>
    tpu.enqueue_dma source(%dma_start3A_2754 : memref<512x1024xf32, #tpu.memory_space<any>>) target(%arg3 : memref<512x1024xf32, #tpu.memory_space<vmem>>) target_semaphore(%arg12 : memref<!tpu.dma_semaphore, #tpu.memory_space<semaphore_mem>>)
    %dma_wait3A_2755 = arith.constant 23552 : i32
    %dma_wait3A_2756 = arith.constant 0 : i32
    %dma_wait3A_2757 = tpu.memref_slice %arg0[%dma_wait3A_2755, %dma_wait3A_2756] : memref<32768x1024xf32, #tpu.memory_space<any>> -> memref<512x1024xf32, #tpu.memory_space<any>>
    tpu.wait_dma2 semaphore(%arg13 : memref<!tpu.dma_semaphore, #tpu.memory_space<semaphore_mem>>) src(%dma_wait3A_2757 : memref<512x1024xf32, #tpu.memory_space<any>>) dst(%arg4 : memref<512x1024xf32, #tpu.memory_space<vmem>>)
    %get3A_2758 = arith.constant 0 : index
    %get3A_2759 = arith.constant 0 : index
    %get3A_2760 = vector.load %arg4[%get3A_2758, %get3A_2759] : memref<512x1024xf32, #tpu.memory_space<vmem>>, vector<32x1024xf32>
    %get3A_2761 = arith.constant 32 : index
    %get3A_2762 = arith.constant 0 : index
    %get3A_2763 = vector.load %arg4[%get3A_2761, %get3A_2762] : memref<512x1024xf32, #tpu.memory_space<vmem>>, vector<32x1024xf32>
    %add3A_2764 = arith.addf %get3A_2760, %get3A_2763 : vector<32x1024xf32>
    %get3A_2765 = arith.constant 64 : index
    %get3A_2766 = arith.constant 0 : index
    %get3A_2767 = vector.load %arg4[%get3A_2765, %get3A_2766] : memref<512x1024xf32, #tpu.memory_space<vmem>>, vector<32x1024xf32>
    %add3A_2768 = arith.addf %add3A_2764, %get3A_2767 : vector<32x1024xf32>
    %get3A_2769 = arith.constant 96 : index
    %get3A_2770 = arith.constant 0 : index
    %get3A_2771 = vector.load %arg4[%get3A_2769, %get3A_2770] : memref<512x1024xf32, #tpu.memory_space<vmem>>, vector<32x1024xf32>
    %add3A_2772 = arith.addf %add3A_2768, %get3A_2771 : vector<32x1024xf32>
    %get3A_2773 = arith.constant 128 : index
    %get3A_2774 = arith.constant 0 : index
    %get3A_2775 = vector.load %arg4[%get3A_2773, %get3A_2774] : memref<512x1024xf32, #tpu.memory_space<vmem>>, vector<32x1024xf32>
    %add3A_2776 = arith.addf %add3A_2772, %get3A_2775 : vector<32x1024xf32>
    %get3A_2777 = arith.constant 160 : index
    %get3A_2778 = arith.constant 0 : index
    %get3A_2779 = vector.load %arg4[%get3A_2777, %get3A_2778] : memref<512x1024xf32, #tpu.memory_space<vmem>>, vector<32x1024xf32>
    %add3A_2780 = arith.addf %add3A_2776, %get3A_2779 : vector<32x1024xf32>
    %get3A_2781 = arith.constant 192 : index
    %get3A_2782 = arith.constant 0 : index
    %get3A_2783 = vector.load %arg4[%get3A_2781, %get3A_2782] : memref<512x1024xf32, #tpu.memory_space<vmem>>, vector<32x1024xf32>
    %add3A_2784 = arith.addf %add3A_2780, %get3A_2783 : vector<32x1024xf32>
    %get3A_2785 = arith.constant 224 : index
    %get3A_2786 = arith.constant 0 : index
    %get3A_2787 = vector.load %arg4[%get3A_2785, %get3A_2786] : memref<512x1024xf32, #tpu.memory_space<vmem>>, vector<32x1024xf32>
    %add3A_2788 = arith.addf %add3A_2784, %get3A_2787 : vector<32x1024xf32>
    %get3A_2789 = arith.constant 256 : index
    %get3A_2790 = arith.constant 0 : index
    %get3A_2791 = vector.load %arg4[%get3A_2789, %get3A_2790] : memref<512x1024xf32, #tpu.memory_space<vmem>>, vector<32x1024xf32>
    %add3A_2792 = arith.addf %add3A_2788, %get3A_2791 : vector<32x1024xf32>
    %get3A_2793 = arith.constant 288 : index
    %get3A_2794 = arith.constant 0 : index
    %get3A_2795 = vector.load %arg4[%get3A_2793, %get3A_2794] : memref<512x1024xf32, #tpu.memory_space<vmem>>, vector<32x1024xf32>
    %add3A_2796 = arith.addf %add3A_2792, %get3A_2795 : vector<32x1024xf32>
    %get3A_2797 = arith.constant 320 : index
    %get3A_2798 = arith.constant 0 : index
    %get3A_2799 = vector.load %arg4[%get3A_2797, %get3A_2798] : memref<512x1024xf32, #tpu.memory_space<vmem>>, vector<32x1024xf32>
    %add3A_2800 = arith.addf %add3A_2796, %get3A_2799 : vector<32x1024xf32>
    %get3A_2801 = arith.constant 352 : index
    %get3A_2802 = arith.constant 0 : index
    %get3A_2803 = vector.load %arg4[%get3A_2801, %get3A_2802] : memref<512x1024xf32, #tpu.memory_space<vmem>>, vector<32x1024xf32>
    %add3A_2804 = arith.addf %add3A_2800, %get3A_2803 : vector<32x1024xf32>
    %get3A_2805 = arith.constant 384 : index
    %get3A_2806 = arith.constant 0 : index
    %get3A_2807 = vector.load %arg4[%get3A_2805, %get3A_2806] : memref<512x1024xf32, #tpu.memory_space<vmem>>, vector<32x1024xf32>
    %add3A_2808 = arith.addf %add3A_2804, %get3A_2807 : vector<32x1024xf32>
    %get3A_2809 = arith.constant 416 : index
    %get3A_2810 = arith.constant 0 : index
    %get3A_2811 = vector.load %arg4[%get3A_2809, %get3A_2810] : memref<512x1024xf32, #tpu.memory_space<vmem>>, vector<32x1024xf32>
    %add3A_2812 = arith.addf %add3A_2808, %get3A_2811 : vector<32x1024xf32>
    %get3A_2813 = arith.constant 448 : index
    %get3A_2814 = arith.constant 0 : index
    %get3A_2815 = vector.load %arg4[%get3A_2813, %get3A_2814] : memref<512x1024xf32, #tpu.memory_space<vmem>>, vector<32x1024xf32>
    %add3A_2816 = arith.addf %add3A_2812, %get3A_2815 : vector<32x1024xf32>
    %get3A_2817 = arith.constant 480 : index
    %get3A_2818 = arith.constant 0 : index
    %get3A_2819 = vector.load %arg4[%get3A_2817, %get3A_2818] : memref<512x1024xf32, #tpu.memory_space<vmem>>, vector<32x1024xf32>
    %add3A_2820 = arith.addf %add3A_2816, %get3A_2819 : vector<32x1024xf32>
    %get3A_2821 = arith.constant 2 : index
    %get3A_2822 = arith.constant 0 : index
    %get3A_2823 = arith.constant 0 : index
    %get3A_2824 = vector.load %arg10[%get3A_2821, %get3A_2822, %get3A_2823] : memref<4x32x1024xf32, #tpu.memory_space<vmem>>, vector<1x32x1024xf32>
    %get3A_2825 = vector.shape_cast %get3A_2824 : vector<1x32x1024xf32> to vector<32x1024xf32>
    %add3A_2826 = arith.addf %get3A_2825, %add3A_2820 : vector<32x1024xf32>
    %swap3A_2827 = arith.constant 2 : index
    %swap3A_2828 = arith.constant 0 : index
    %swap3A_2829 = arith.constant 0 : index
    %swap3A_2830 = vector.load %arg10[%swap3A_2827, %swap3A_2828, %swap3A_2829] : memref<4x32x1024xf32, #tpu.memory_space<vmem>>, vector<1x32x1024xf32>
    %swap3A_2831 = vector.shape_cast %swap3A_2830 : vector<1x32x1024xf32> to vector<32x1024xf32>
    %swap3A_2832 = vector.shape_cast %add3A_2826 : vector<32x1024xf32> to vector<1x32x1024xf32>
    tpu.vector_store %arg10[%swap3A_2827, %swap3A_2828, %swap3A_2829], %swap3A_2832 {strides = array<i32>} : memref<4x32x1024xf32, #tpu.memory_space<vmem>>, vector<1x32x1024xf32>,
    %dma_start3A_2833 = arith.constant 29696 : i32
    %dma_start3A_2834 = arith.constant 0 : i32
    %dma_start3A_2835 = tpu.memref_slice %arg0[%dma_start3A_2833, %dma_start3A_2834] : memref<32768x1024xf32, #tpu.memory_space<any>> -> memref<512x1024xf32, #tpu.memory_space<any>>
    tpu.enqueue_dma source(%dma_start3A_2835 : memref<512x1024xf32, #tpu.memory_space<any>>) target(%arg4 : memref<512x1024xf32, #tpu.memory_space<vmem>>) target_semaphore(%arg13 : memref<!tpu.dma_semaphore, #tpu.memory_space<semaphore_mem>>)
    %dma_wait3A_2836 = arith.constant 24064 : i32
    %dma_wait3A_2837 = arith.constant 0 : i32
    %dma_wait3A_2838 = tpu.memref_slice %arg0[%dma_wait3A_2836, %dma_wait3A_2837] : memref<32768x1024xf32, #tpu.memory_space<any>> -> memref<512x1024xf32, #tpu.memory_space<any>>
    tpu.wait_dma2 semaphore(%arg14 : memref<!tpu.dma_semaphore, #tpu.memory_space<semaphore_mem>>) src(%dma_wait3A_2838 : memref<512x1024xf32, #tpu.memory_space<any>>) dst(%arg5 : memref<512x1024xf32, #tpu.memory_space<vmem>>)
    %get3A_2839 = arith.constant 0 : index
    %get3A_2840 = arith.constant 0 : index
    %get3A_2841 = vector.load %arg5[%get3A_2839, %get3A_2840] : memref<512x1024xf32, #tpu.memory_space<vmem>>, vector<32x1024xf32>
    %get3A_2842 = arith.constant 32 : index
    %get3A_2843 = arith.constant 0 : index
    %get3A_2844 = vector.load %arg5[%get3A_2842, %get3A_2843] : memref<512x1024xf32, #tpu.memory_space<vmem>>, vector<32x1024xf32>
    %add3A_2845 = arith.addf %get3A_2841, %get3A_2844 : vector<32x1024xf32>
    %get3A_2846 = arith.constant 64 : index
    %get3A_2847 = arith.constant 0 : index
    %get3A_2848 = vector.load %arg5[%get3A_2846, %get3A_2847] : memref<512x1024xf32, #tpu.memory_space<vmem>>, vector<32x1024xf32>
    %add3A_2849 = arith.addf %add3A_2845, %get3A_2848 : vector<32x1024xf32>
    %get3A_2850 = arith.constant 96 : index
    %get3A_2851 = arith.constant 0 : index
    %get3A_2852 = vector.load %arg5[%get3A_2850, %get3A_2851] : memref<512x1024xf32, #tpu.memory_space<vmem>>, vector<32x1024xf32>
    %add3A_2853 = arith.addf %add3A_2849, %get3A_2852 : vector<32x1024xf32>
    %get3A_2854 = arith.constant 128 : index
    %get3A_2855 = arith.constant 0 : index
    %get3A_2856 = vector.load %arg5[%get3A_2854, %get3A_2855] : memref<512x1024xf32, #tpu.memory_space<vmem>>, vector<32x1024xf32>
    %add3A_2857 = arith.addf %add3A_2853, %get3A_2856 : vector<32x1024xf32>
    %get3A_2858 = arith.constant 160 : index
    %get3A_2859 = arith.constant 0 : index
    %get3A_2860 = vector.load %arg5[%get3A_2858, %get3A_2859] : memref<512x1024xf32, #tpu.memory_space<vmem>>, vector<32x1024xf32>
    %add3A_2861 = arith.addf %add3A_2857, %get3A_2860 : vector<32x1024xf32>
    %get3A_2862 = arith.constant 192 : index
    %get3A_2863 = arith.constant 0 : index
    %get3A_2864 = vector.load %arg5[%get3A_2862, %get3A_2863] : memref<512x1024xf32, #tpu.memory_space<vmem>>, vector<32x1024xf32>
    %add3A_2865 = arith.addf %add3A_2861, %get3A_2864 : vector<32x1024xf32>
    %get3A_2866 = arith.constant 224 : index
    %get3A_2867 = arith.constant 0 : index
    %get3A_2868 = vector.load %arg5[%get3A_2866, %get3A_2867] : memref<512x1024xf32, #tpu.memory_space<vmem>>, vector<32x1024xf32>
    %add3A_2869 = arith.addf %add3A_2865, %get3A_2868 : vector<32x1024xf32>
    %get3A_2870 = arith.constant 256 : index
    %get3A_2871 = arith.constant 0 : index
    %get3A_2872 = vector.load %arg5[%get3A_2870, %get3A_2871] : memref<512x1024xf32, #tpu.memory_space<vmem>>, vector<32x1024xf32>
    %add3A_2873 = arith.addf %add3A_2869, %get3A_2872 : vector<32x1024xf32>
    %get3A_2874 = arith.constant 288 : index
    %get3A_2875 = arith.constant 0 : index
    %get3A_2876 = vector.load %arg5[%get3A_2874, %get3A_2875] : memref<512x1024xf32, #tpu.memory_space<vmem>>, vector<32x1024xf32>
    %add3A_2877 = arith.addf %add3A_2873, %get3A_2876 : vector<32x1024xf32>
    %get3A_2878 = arith.constant 320 : index
    %get3A_2879 = arith.constant 0 : index
    %get3A_2880 = vector.load %arg5[%get3A_2878, %get3A_2879] : memref<512x1024xf32, #tpu.memory_space<vmem>>, vector<32x1024xf32>
    %add3A_2881 = arith.addf %add3A_2877, %get3A_2880 : vector<32x1024xf32>
    %get3A_2882 = arith.constant 352 : index
    %get3A_2883 = arith.constant 0 : index
    %get3A_2884 = vector.load %arg5[%get3A_2882, %get3A_2883] : memref<512x1024xf32, #tpu.memory_space<vmem>>, vector<32x1024xf32>
    %add3A_2885 = arith.addf %add3A_2881, %get3A_2884 : vector<32x1024xf32>
    %get3A_2886 = arith.constant 384 : index
    %get3A_2887 = arith.constant 0 : index
    %get3A_2888 = vector.load %arg5[%get3A_2886, %get3A_2887] : memref<512x1024xf32, #tpu.memory_space<vmem>>, vector<32x1024xf32>
    %add3A_2889 = arith.addf %add3A_2885, %get3A_2888 : vector<32x1024xf32>
    %get3A_2890 = arith.constant 416 : index
    %get3A_2891 = arith.constant 0 : index
    %get3A_2892 = vector.load %arg5[%get3A_2890, %get3A_2891] : memref<512x1024xf32, #tpu.memory_space<vmem>>, vector<32x1024xf32>
    %add3A_2893 = arith.addf %add3A_2889, %get3A_2892 : vector<32x1024xf32>
    %get3A_2894 = arith.constant 448 : index
    %get3A_2895 = arith.constant 0 : index
    %get3A_2896 = vector.load %arg5[%get3A_2894, %get3A_2895] : memref<512x1024xf32, #tpu.memory_space<vmem>>, vector<32x1024xf32>
    %add3A_2897 = arith.addf %add3A_2893, %get3A_2896 : vector<32x1024xf32>
    %get3A_2898 = arith.constant 480 : index
    %get3A_2899 = arith.constant 0 : index
    %get3A_2900 = vector.load %arg5[%get3A_2898, %get3A_2899] : memref<512x1024xf32, #tpu.memory_space<vmem>>, vector<32x1024xf32>
    %add3A_2901 = arith.addf %add3A_2897, %get3A_2900 : vector<32x1024xf32>
    %get3A_2902 = arith.constant 2 : index
    %get3A_2903 = arith.constant 0 : index
    %get3A_2904 = arith.constant 0 : index
    %get3A_2905 = vector.load %arg10[%get3A_2902, %get3A_2903, %get3A_2904] : memref<4x32x1024xf32, #tpu.memory_space<vmem>>, vector<1x32x1024xf32>
    %get3A_2906 = vector.shape_cast %get3A_2905 : vector<1x32x1024xf32> to vector<32x1024xf32>
    %add3A_2907 = arith.addf %get3A_2906, %add3A_2901 : vector<32x1024xf32>
    %swap3A_2908 = arith.constant 2 : index
    %swap3A_2909 = arith.constant 0 : index
    %swap3A_2910 = arith.constant 0 : index
    %swap3A_2911 = vector.load %arg10[%swap3A_2908, %swap3A_2909, %swap3A_2910] : memref<4x32x1024xf32, #tpu.memory_space<vmem>>, vector<1x32x1024xf32>
    %swap3A_2912 = vector.shape_cast %swap3A_2911 : vector<1x32x1024xf32> to vector<32x1024xf32>
    %swap3A_2913 = vector.shape_cast %add3A_2907 : vector<32x1024xf32> to vector<1x32x1024xf32>
    tpu.vector_store %arg10[%swap3A_2908, %swap3A_2909, %swap3A_2910], %swap3A_2913 {strides = array<i32>} : memref<4x32x1024xf32, #tpu.memory_space<vmem>>, vector<1x32x1024xf32>,
    %dma_start3A_2914 = arith.constant 30208 : i32
    %dma_start3A_2915 = arith.constant 0 : i32
    %dma_start3A_2916 = tpu.memref_slice %arg0[%dma_start3A_2914, %dma_start3A_2915] : memref<32768x1024xf32, #tpu.memory_space<any>> -> memref<512x1024xf32, #tpu.memory_space<any>>
    tpu.enqueue_dma source(%dma_start3A_2916 : memref<512x1024xf32, #tpu.memory_space<any>>) target(%arg5 : memref<512x1024xf32, #tpu.memory_space<vmem>>) target_semaphore(%arg14 : memref<!tpu.dma_semaphore, #tpu.memory_space<semaphore_mem>>)
    %dma_wait3A_2917 = arith.constant 26624 : i32
    %dma_wait3A_2918 = arith.constant 0 : i32
    %dma_wait3A_2919 = tpu.memref_slice %arg0[%dma_wait3A_2917, %dma_wait3A_2918] : memref<32768x1024xf32, #tpu.memory_space<any>> -> memref<512x1024xf32, #tpu.memory_space<any>>
    tpu.wait_dma2 semaphore(%arg15 : memref<!tpu.dma_semaphore, #tpu.memory_space<semaphore_mem>>) src(%dma_wait3A_2919 : memref<512x1024xf32, #tpu.memory_space<any>>) dst(%arg6 : memref<512x1024xf32, #tpu.memory_space<vmem>>)
    %get3A_2920 = arith.constant 0 : index
    %get3A_2921 = arith.constant 0 : index
    %get3A_2922 = vector.load %arg6[%get3A_2920, %get3A_2921] : memref<512x1024xf32, #tpu.memory_space<vmem>>, vector<32x1024xf32>
    %get3A_2923 = arith.constant 32 : index
    %get3A_2924 = arith.constant 0 : index
    %get3A_2925 = vector.load %arg6[%get3A_2923, %get3A_2924] : memref<512x1024xf32, #tpu.memory_space<vmem>>, vector<32x1024xf32>
    %add3A_2926 = arith.addf %get3A_2922, %get3A_2925 : vector<32x1024xf32>
    %get3A_2927 = arith.constant 64 : index
    %get3A_2928 = arith.constant 0 : index
    %get3A_2929 = vector.load %arg6[%get3A_2927, %get3A_2928] : memref<512x1024xf32, #tpu.memory_space<vmem>>, vector<32x1024xf32>
    %add3A_2930 = arith.addf %add3A_2926, %get3A_2929 : vector<32x1024xf32>
    %get3A_2931 = arith.constant 96 : index
    %get3A_2932 = arith.constant 0 : index
    %get3A_2933 = vector.load %arg6[%get3A_2931, %get3A_2932] : memref<512x1024xf32, #tpu.memory_space<vmem>>, vector<32x1024xf32>
    %add3A_2934 = arith.addf %add3A_2930, %get3A_2933 : vector<32x1024xf32>
    %get3A_2935 = arith.constant 128 : index
    %get3A_2936 = arith.constant 0 : index
    %get3A_2937 = vector.load %arg6[%get3A_2935, %get3A_2936] : memref<512x1024xf32, #tpu.memory_space<vmem>>, vector<32x1024xf32>
    %add3A_2938 = arith.addf %add3A_2934, %get3A_2937 : vector<32x1024xf32>
    %get3A_2939 = arith.constant 160 : index
    %get3A_2940 = arith.constant 0 : index
    %get3A_2941 = vector.load %arg6[%get3A_2939, %get3A_2940] : memref<512x1024xf32, #tpu.memory_space<vmem>>, vector<32x1024xf32>
    %add3A_2942 = arith.addf %add3A_2938, %get3A_2941 : vector<32x1024xf32>
    %get3A_2943 = arith.constant 192 : index
    %get3A_2944 = arith.constant 0 : index
    %get3A_2945 = vector.load %arg6[%get3A_2943, %get3A_2944] : memref<512x1024xf32, #tpu.memory_space<vmem>>, vector<32x1024xf32>
    %add3A_2946 = arith.addf %add3A_2942, %get3A_2945 : vector<32x1024xf32>
    %get3A_2947 = arith.constant 224 : index
    %get3A_2948 = arith.constant 0 : index
    %get3A_2949 = vector.load %arg6[%get3A_2947, %get3A_2948] : memref<512x1024xf32, #tpu.memory_space<vmem>>, vector<32x1024xf32>
    %add3A_2950 = arith.addf %add3A_2946, %get3A_2949 : vector<32x1024xf32>
    %get3A_2951 = arith.constant 256 : index
    %get3A_2952 = arith.constant 0 : index
    %get3A_2953 = vector.load %arg6[%get3A_2951, %get3A_2952] : memref<512x1024xf32, #tpu.memory_space<vmem>>, vector<32x1024xf32>
    %add3A_2954 = arith.addf %add3A_2950, %get3A_2953 : vector<32x1024xf32>
    %get3A_2955 = arith.constant 288 : index
    %get3A_2956 = arith.constant 0 : index
    %get3A_2957 = vector.load %arg6[%get3A_2955, %get3A_2956] : memref<512x1024xf32, #tpu.memory_space<vmem>>, vector<32x1024xf32>
    %add3A_2958 = arith.addf %add3A_2954, %get3A_2957 : vector<32x1024xf32>
    %get3A_2959 = arith.constant 320 : index
    %get3A_2960 = arith.constant 0 : index
    %get3A_2961 = vector.load %arg6[%get3A_2959, %get3A_2960] : memref<512x1024xf32, #tpu.memory_space<vmem>>, vector<32x1024xf32>
    %add3A_2962 = arith.addf %add3A_2958, %get3A_2961 : vector<32x1024xf32>
    %get3A_2963 = arith.constant 352 : index
    %get3A_2964 = arith.constant 0 : index
    %get3A_2965 = vector.load %arg6[%get3A_2963, %get3A_2964] : memref<512x1024xf32, #tpu.memory_space<vmem>>, vector<32x1024xf32>
    %add3A_2966 = arith.addf %add3A_2962, %get3A_2965 : vector<32x1024xf32>
    %get3A_2967 = arith.constant 384 : index
    %get3A_2968 = arith.constant 0 : index
    %get3A_2969 = vector.load %arg6[%get3A_2967, %get3A_2968] : memref<512x1024xf32, #tpu.memory_space<vmem>>, vector<32x1024xf32>
    %add3A_2970 = arith.addf %add3A_2966, %get3A_2969 : vector<32x1024xf32>
    %get3A_2971 = arith.constant 416 : index
    %get3A_2972 = arith.constant 0 : index
    %get3A_2973 = vector.load %arg6[%get3A_2971, %get3A_2972] : memref<512x1024xf32, #tpu.memory_space<vmem>>, vector<32x1024xf32>
    %add3A_2974 = arith.addf %add3A_2970, %get3A_2973 : vector<32x1024xf32>
    %get3A_2975 = arith.constant 448 : index
    %get3A_2976 = arith.constant 0 : index
    %get3A_2977 = vector.load %arg6[%get3A_2975, %get3A_2976] : memref<512x1024xf32, #tpu.memory_space<vmem>>, vector<32x1024xf32>
    %add3A_2978 = arith.addf %add3A_2974, %get3A_2977 : vector<32x1024xf32>
    %get3A_2979 = arith.constant 480 : index
    %get3A_2980 = arith.constant 0 : index
    %get3A_2981 = vector.load %arg6[%get3A_2979, %get3A_2980] : memref<512x1024xf32, #tpu.memory_space<vmem>>, vector<32x1024xf32>
    %add3A_2982 = arith.addf %add3A_2978, %get3A_2981 : vector<32x1024xf32>
    %swap3A_2983 = arith.constant 3 : index
    %swap3A_2984 = arith.constant 0 : index
    %swap3A_2985 = arith.constant 0 : index
    %swap3A_2986 = vector.load %arg10[%swap3A_2983, %swap3A_2984, %swap3A_2985] : memref<4x32x1024xf32, #tpu.memory_space<vmem>>, vector<1x32x1024xf32>
    %swap3A_2987 = vector.shape_cast %swap3A_2986 : vector<1x32x1024xf32> to vector<32x1024xf32>
    %swap3A_2988 = vector.shape_cast %add3A_2982 : vector<32x1024xf32> to vector<1x32x1024xf32>
    tpu.vector_store %arg10[%swap3A_2983, %swap3A_2984, %swap3A_2985], %swap3A_2988 {strides = array<i32>} : memref<4x32x1024xf32, #tpu.memory_space<vmem>>, vector<1x32x1024xf32>,
    %dma_start3A_2989 = arith.constant 30720 : i32
    %dma_start3A_2990 = arith.constant 0 : i32
    %dma_start3A_2991 = tpu.memref_slice %arg0[%dma_start3A_2989, %dma_start3A_2990] : memref<32768x1024xf32, #tpu.memory_space<any>> -> memref<512x1024xf32, #tpu.memory_space<any>>
    tpu.enqueue_dma source(%dma_start3A_2991 : memref<512x1024xf32, #tpu.memory_space<any>>) target(%arg6 : memref<512x1024xf32, #tpu.memory_space<vmem>>) target_semaphore(%arg15 : memref<!tpu.dma_semaphore, #tpu.memory_space<semaphore_mem>>)
    %dma_wait3A_2992 = arith.constant 27136 : i32
    %dma_wait3A_2993 = arith.constant 0 : i32
    %dma_wait3A_2994 = tpu.memref_slice %arg0[%dma_wait3A_2992, %dma_wait3A_2993] : memref<32768x1024xf32, #tpu.memory_space<any>> -> memref<512x1024xf32, #tpu.memory_space<any>>
    tpu.wait_dma2 semaphore(%arg16 : memref<!tpu.dma_semaphore, #tpu.memory_space<semaphore_mem>>) src(%dma_wait3A_2994 : memref<512x1024xf32, #tpu.memory_space<any>>) dst(%arg7 : memref<512x1024xf32, #tpu.memory_space<vmem>>)
    %get3A_2995 = arith.constant 0 : index
    %get3A_2996 = arith.constant 0 : index
    %get3A_2997 = vector.load %arg7[%get3A_2995, %get3A_2996] : memref<512x1024xf32, #tpu.memory_space<vmem>>, vector<32x1024xf32>
    %get3A_2998 = arith.constant 32 : index
    %get3A_2999 = arith.constant 0 : index
    %get3A_3000 = vector.load %arg7[%get3A_2998, %get3A_2999] : memref<512x1024xf32, #tpu.memory_space<vmem>>, vector<32x1024xf32>
    %add3A_3001 = arith.addf %get3A_2997, %get3A_3000 : vector<32x1024xf32>
    %get3A_3002 = arith.constant 64 : index
    %get3A_3003 = arith.constant 0 : index
    %get3A_3004 = vector.load %arg7[%get3A_3002, %get3A_3003] : memref<512x1024xf32, #tpu.memory_space<vmem>>, vector<32x1024xf32>
    %add3A_3005 = arith.addf %add3A_3001, %get3A_3004 : vector<32x1024xf32>
    %get3A_3006 = arith.constant 96 : index
    %get3A_3007 = arith.constant 0 : index
    %get3A_3008 = vector.load %arg7[%get3A_3006, %get3A_3007] : memref<512x1024xf32, #tpu.memory_space<vmem>>, vector<32x1024xf32>
    %add3A_3009 = arith.addf %add3A_3005, %get3A_3008 : vector<32x1024xf32>
    %get3A_3010 = arith.constant 128 : index
    %get3A_3011 = arith.constant 0 : index
    %get3A_3012 = vector.load %arg7[%get3A_3010, %get3A_3011] : memref<512x1024xf32, #tpu.memory_space<vmem>>, vector<32x1024xf32>
    %add3A_3013 = arith.addf %add3A_3009, %get3A_3012 : vector<32x1024xf32>
    %get3A_3014 = arith.constant 160 : index
    %get3A_3015 = arith.constant 0 : index
    %get3A_3016 = vector.load %arg7[%get3A_3014, %get3A_3015] : memref<512x1024xf32, #tpu.memory_space<vmem>>, vector<32x1024xf32>
    %add3A_3017 = arith.addf %add3A_3013, %get3A_3016 : vector<32x1024xf32>
    %get3A_3018 = arith.constant 192 : index
    %get3A_3019 = arith.constant 0 : index
    %get3A_3020 = vector.load %arg7[%get3A_3018, %get3A_3019] : memref<512x1024xf32, #tpu.memory_space<vmem>>, vector<32x1024xf32>
    %add3A_3021 = arith.addf %add3A_3017, %get3A_3020 : vector<32x1024xf32>
    %get3A_3022 = arith.constant 224 : index
    %get3A_3023 = arith.constant 0 : index
    %get3A_3024 = vector.load %arg7[%get3A_3022, %get3A_3023] : memref<512x1024xf32, #tpu.memory_space<vmem>>, vector<32x1024xf32>
    %add3A_3025 = arith.addf %add3A_3021, %get3A_3024 : vector<32x1024xf32>
    %get3A_3026 = arith.constant 256 : index
    %get3A_3027 = arith.constant 0 : index
    %get3A_3028 = vector.load %arg7[%get3A_3026, %get3A_3027] : memref<512x1024xf32, #tpu.memory_space<vmem>>, vector<32x1024xf32>
    %add3A_3029 = arith.addf %add3A_3025, %get3A_3028 : vector<32x1024xf32>
    %get3A_3030 = arith.constant 288 : index
    %get3A_3031 = arith.constant 0 : index
    %get3A_3032 = vector.load %arg7[%get3A_3030, %get3A_3031] : memref<512x1024xf32, #tpu.memory_space<vmem>>, vector<32x1024xf32>
    %add3A_3033 = arith.addf %add3A_3029, %get3A_3032 : vector<32x1024xf32>
    %get3A_3034 = arith.constant 320 : index
    %get3A_3035 = arith.constant 0 : index
    %get3A_3036 = vector.load %arg7[%get3A_3034, %get3A_3035] : memref<512x1024xf32, #tpu.memory_space<vmem>>, vector<32x1024xf32>
    %add3A_3037 = arith.addf %add3A_3033, %get3A_3036 : vector<32x1024xf32>
    %get3A_3038 = arith.constant 352 : index
    %get3A_3039 = arith.constant 0 : index
    %get3A_3040 = vector.load %arg7[%get3A_3038, %get3A_3039] : memref<512x1024xf32, #tpu.memory_space<vmem>>, vector<32x1024xf32>
    %add3A_3041 = arith.addf %add3A_3037, %get3A_3040 : vector<32x1024xf32>
    %get3A_3042 = arith.constant 384 : index
    %get3A_3043 = arith.constant 0 : index
    %get3A_3044 = vector.load %arg7[%get3A_3042, %get3A_3043] : memref<512x1024xf32, #tpu.memory_space<vmem>>, vector<32x1024xf32>
    %add3A_3045 = arith.addf %add3A_3041, %get3A_3044 : vector<32x1024xf32>
    %get3A_3046 = arith.constant 416 : index
    %get3A_3047 = arith.constant 0 : index
    %get3A_3048 = vector.load %arg7[%get3A_3046, %get3A_3047] : memref<512x1024xf32, #tpu.memory_space<vmem>>, vector<32x1024xf32>
    %add3A_3049 = arith.addf %add3A_3045, %get3A_3048 : vector<32x1024xf32>
    %get3A_3050 = arith.constant 448 : index
    %get3A_3051 = arith.constant 0 : index
    %get3A_3052 = vector.load %arg7[%get3A_3050, %get3A_3051] : memref<512x1024xf32, #tpu.memory_space<vmem>>, vector<32x1024xf32>
    %add3A_3053 = arith.addf %add3A_3049, %get3A_3052 : vector<32x1024xf32>
    %get3A_3054 = arith.constant 480 : index
    %get3A_3055 = arith.constant 0 : index
    %get3A_3056 = vector.load %arg7[%get3A_3054, %get3A_3055] : memref<512x1024xf32, #tpu.memory_space<vmem>>, vector<32x1024xf32>
    %add3A_3057 = arith.addf %add3A_3053, %get3A_3056 : vector<32x1024xf32>
    %get3A_3058 = arith.constant 3 : index
    %get3A_3059 = arith.constant 0 : index
    %get3A_3060 = arith.constant 0 : index
    %get3A_3061 = vector.load %arg10[%get3A_3058, %get3A_3059, %get3A_3060] : memref<4x32x1024xf32, #tpu.memory_space<vmem>>, vector<1x32x1024xf32>
    %get3A_3062 = vector.shape_cast %get3A_3061 : vector<1x32x1024xf32> to vector<32x1024xf32>
    %add3A_3063 = arith.addf %get3A_3062, %add3A_3057 : vector<32x1024xf32>
    %swap3A_3064 = arith.constant 3 : index
    %swap3A_3065 = arith.constant 0 : index
    %swap3A_3066 = arith.constant 0 : index
    %swap3A_3067 = vector.load %arg10[%swap3A_3064, %swap3A_3065, %swap3A_3066] : memref<4x32x1024xf32, #tpu.memory_space<vmem>>, vector<1x32x1024xf32>
    %swap3A_3068 = vector.shape_cast %swap3A_3067 : vector<1x32x1024xf32> to vector<32x1024xf32>
    %swap3A_3069 = vector.shape_cast %add3A_3063 : vector<32x1024xf32> to vector<1x32x1024xf32>
    tpu.vector_store %arg10[%swap3A_3064, %swap3A_3065, %swap3A_3066], %swap3A_3069 {strides = array<i32>} : memref<4x32x1024xf32, #tpu.memory_space<vmem>>, vector<1x32x1024xf32>,
    %dma_start3A_3070 = arith.constant 31232 : i32
    %dma_start3A_3071 = arith.constant 0 : i32
    %dma_start3A_3072 = tpu.memref_slice %arg0[%dma_start3A_3070, %dma_start3A_3071] : memref<32768x1024xf32, #tpu.memory_space<any>> -> memref<512x1024xf32, #tpu.memory_space<any>>
    tpu.enqueue_dma source(%dma_start3A_3072 : memref<512x1024xf32, #tpu.memory_space<any>>) target(%arg7 : memref<512x1024xf32, #tpu.memory_space<vmem>>) target_semaphore(%arg16 : memref<!tpu.dma_semaphore, #tpu.memory_space<semaphore_mem>>)
    %dma_wait3A_3073 = arith.constant 27648 : i32
    %dma_wait3A_3074 = arith.constant 0 : i32
    %dma_wait3A_3075 = tpu.memref_slice %arg0[%dma_wait3A_3073, %dma_wait3A_3074] : memref<32768x1024xf32, #tpu.memory_space<any>> -> memref<512x1024xf32, #tpu.memory_space<any>>
    tpu.wait_dma2 semaphore(%arg17 : memref<!tpu.dma_semaphore, #tpu.memory_space<semaphore_mem>>) src(%dma_wait3A_3075 : memref<512x1024xf32, #tpu.memory_space<any>>) dst(%arg8 : memref<512x1024xf32, #tpu.memory_space<vmem>>)
    %get3A_3076 = arith.constant 0 : index
    %get3A_3077 = arith.constant 0 : index
    %get3A_3078 = vector.load %arg8[%get3A_3076, %get3A_3077] : memref<512x1024xf32, #tpu.memory_space<vmem>>, vector<32x1024xf32>
    %get3A_3079 = arith.constant 32 : index
    %get3A_3080 = arith.constant 0 : index
    %get3A_3081 = vector.load %arg8[%get3A_3079, %get3A_3080] : memref<512x1024xf32, #tpu.memory_space<vmem>>, vector<32x1024xf32>
    %add3A_3082 = arith.addf %get3A_3078, %get3A_3081 : vector<32x1024xf32>
    %get3A_3083 = arith.constant 64 : index
    %get3A_3084 = arith.constant 0 : index
    %get3A_3085 = vector.load %arg8[%get3A_3083, %get3A_3084] : memref<512x1024xf32, #tpu.memory_space<vmem>>, vector<32x1024xf32>
    %add3A_3086 = arith.addf %add3A_3082, %get3A_3085 : vector<32x1024xf32>
    %get3A_3087 = arith.constant 96 : index
    %get3A_3088 = arith.constant 0 : index
    %get3A_3089 = vector.load %arg8[%get3A_3087, %get3A_3088] : memref<512x1024xf32, #tpu.memory_space<vmem>>, vector<32x1024xf32>
    %add3A_3090 = arith.addf %add3A_3086, %get3A_3089 : vector<32x1024xf32>
    %get3A_3091 = arith.constant 128 : index
    %get3A_3092 = arith.constant 0 : index
    %get3A_3093 = vector.load %arg8[%get3A_3091, %get3A_3092] : memref<512x1024xf32, #tpu.memory_space<vmem>>, vector<32x1024xf32>
    %add3A_3094 = arith.addf %add3A_3090, %get3A_3093 : vector<32x1024xf32>
    %get3A_3095 = arith.constant 160 : index
    %get3A_3096 = arith.constant 0 : index
    %get3A_3097 = vector.load %arg8[%get3A_3095, %get3A_3096] : memref<512x1024xf32, #tpu.memory_space<vmem>>, vector<32x1024xf32>
    %add3A_3098 = arith.addf %add3A_3094, %get3A_3097 : vector<32x1024xf32>
    %get3A_3099 = arith.constant 192 : index
    %get3A_3100 = arith.constant 0 : index
    %get3A_3101 = vector.load %arg8[%get3A_3099, %get3A_3100] : memref<512x1024xf32, #tpu.memory_space<vmem>>, vector<32x1024xf32>
    %add3A_3102 = arith.addf %add3A_3098, %get3A_3101 : vector<32x1024xf32>
    %get3A_3103 = arith.constant 224 : index
    %get3A_3104 = arith.constant 0 : index
    %get3A_3105 = vector.load %arg8[%get3A_3103, %get3A_3104] : memref<512x1024xf32, #tpu.memory_space<vmem>>, vector<32x1024xf32>
    %add3A_3106 = arith.addf %add3A_3102, %get3A_3105 : vector<32x1024xf32>
    %get3A_3107 = arith.constant 256 : index
    %get3A_3108 = arith.constant 0 : index
    %get3A_3109 = vector.load %arg8[%get3A_3107, %get3A_3108] : memref<512x1024xf32, #tpu.memory_space<vmem>>, vector<32x1024xf32>
    %add3A_3110 = arith.addf %add3A_3106, %get3A_3109 : vector<32x1024xf32>
    %get3A_3111 = arith.constant 288 : index
    %get3A_3112 = arith.constant 0 : index
    %get3A_3113 = vector.load %arg8[%get3A_3111, %get3A_3112] : memref<512x1024xf32, #tpu.memory_space<vmem>>, vector<32x1024xf32>
    %add3A_3114 = arith.addf %add3A_3110, %get3A_3113 : vector<32x1024xf32>
    %get3A_3115 = arith.constant 320 : index
    %get3A_3116 = arith.constant 0 : index
    %get3A_3117 = vector.load %arg8[%get3A_3115, %get3A_3116] : memref<512x1024xf32, #tpu.memory_space<vmem>>, vector<32x1024xf32>
    %add3A_3118 = arith.addf %add3A_3114, %get3A_3117 : vector<32x1024xf32>
    %get3A_3119 = arith.constant 352 : index
    %get3A_3120 = arith.constant 0 : index
    %get3A_3121 = vector.load %arg8[%get3A_3119, %get3A_3120] : memref<512x1024xf32, #tpu.memory_space<vmem>>, vector<32x1024xf32>
    %add3A_3122 = arith.addf %add3A_3118, %get3A_3121 : vector<32x1024xf32>
    %get3A_3123 = arith.constant 384 : index
    %get3A_3124 = arith.constant 0 : index
    %get3A_3125 = vector.load %arg8[%get3A_3123, %get3A_3124] : memref<512x1024xf32, #tpu.memory_space<vmem>>, vector<32x1024xf32>
    %add3A_3126 = arith.addf %add3A_3122, %get3A_3125 : vector<32x1024xf32>
    %get3A_3127 = arith.constant 416 : index
    %get3A_3128 = arith.constant 0 : index
    %get3A_3129 = vector.load %arg8[%get3A_3127, %get3A_3128] : memref<512x1024xf32, #tpu.memory_space<vmem>>, vector<32x1024xf32>
    %add3A_3130 = arith.addf %add3A_3126, %get3A_3129 : vector<32x1024xf32>
    %get3A_3131 = arith.constant 448 : index
    %get3A_3132 = arith.constant 0 : index
    %get3A_3133 = vector.load %arg8[%get3A_3131, %get3A_3132] : memref<512x1024xf32, #tpu.memory_space<vmem>>, vector<32x1024xf32>
    %add3A_3134 = arith.addf %add3A_3130, %get3A_3133 : vector<32x1024xf32>
    %get3A_3135 = arith.constant 480 : index
    %get3A_3136 = arith.constant 0 : index
    %get3A_3137 = vector.load %arg8[%get3A_3135, %get3A_3136] : memref<512x1024xf32, #tpu.memory_space<vmem>>, vector<32x1024xf32>
    %add3A_3138 = arith.addf %add3A_3134, %get3A_3137 : vector<32x1024xf32>
    %get3A_3139 = arith.constant 3 : index
    %get3A_3140 = arith.constant 0 : index
    %get3A_3141 = arith.constant 0 : index
    %get3A_3142 = vector.load %arg10[%get3A_3139, %get3A_3140, %get3A_3141] : memref<4x32x1024xf32, #tpu.memory_space<vmem>>, vector<1x32x1024xf32>
    %get3A_3143 = vector.shape_cast %get3A_3142 : vector<1x32x1024xf32> to vector<32x1024xf32>
    %add3A_3144 = arith.addf %get3A_3143, %add3A_3138 : vector<32x1024xf32>
    %swap3A_3145 = arith.constant 3 : index
    %swap3A_3146 = arith.constant 0 : index
    %swap3A_3147 = arith.constant 0 : index
    %swap3A_3148 = vector.load %arg10[%swap3A_3145, %swap3A_3146, %swap3A_3147] : memref<4x32x1024xf32, #tpu.memory_space<vmem>>, vector<1x32x1024xf32>
    %swap3A_3149 = vector.shape_cast %swap3A_3148 : vector<1x32x1024xf32> to vector<32x1024xf32>
    %swap3A_3150 = vector.shape_cast %add3A_3144 : vector<32x1024xf32> to vector<1x32x1024xf32>
    tpu.vector_store %arg10[%swap3A_3145, %swap3A_3146, %swap3A_3147], %swap3A_3150 {strides = array<i32>} : memref<4x32x1024xf32, #tpu.memory_space<vmem>>, vector<1x32x1024xf32>,
    %dma_start3A_3151 = arith.constant 31744 : i32
    %dma_start3A_3152 = arith.constant 0 : i32
    %dma_start3A_3153 = tpu.memref_slice %arg0[%dma_start3A_3151, %dma_start3A_3152] : memref<32768x1024xf32, #tpu.memory_space<any>> -> memref<512x1024xf32, #tpu.memory_space<any>>
    tpu.enqueue_dma source(%dma_start3A_3153 : memref<512x1024xf32, #tpu.memory_space<any>>) target(%arg8 : memref<512x1024xf32, #tpu.memory_space<vmem>>) target_semaphore(%arg17 : memref<!tpu.dma_semaphore, #tpu.memory_space<semaphore_mem>>)
    %dma_wait3A_3154 = arith.constant 28160 : i32
    %dma_wait3A_3155 = arith.constant 0 : i32
    %dma_wait3A_3156 = tpu.memref_slice %arg0[%dma_wait3A_3154, %dma_wait3A_3155] : memref<32768x1024xf32, #tpu.memory_space<any>> -> memref<512x1024xf32, #tpu.memory_space<any>>
    tpu.wait_dma2 semaphore(%arg18 : memref<!tpu.dma_semaphore, #tpu.memory_space<semaphore_mem>>) src(%dma_wait3A_3156 : memref<512x1024xf32, #tpu.memory_space<any>>) dst(%arg9 : memref<512x1024xf32, #tpu.memory_space<vmem>>)
    %get3A_3157 = arith.constant 0 : index
    %get3A_3158 = arith.constant 0 : index
    %get3A_3159 = vector.load %arg9[%get3A_3157, %get3A_3158] : memref<512x1024xf32, #tpu.memory_space<vmem>>, vector<32x1024xf32>
    %get3A_3160 = arith.constant 32 : index
    %get3A_3161 = arith.constant 0 : index
    %get3A_3162 = vector.load %arg9[%get3A_3160, %get3A_3161] : memref<512x1024xf32, #tpu.memory_space<vmem>>, vector<32x1024xf32>
    %add3A_3163 = arith.addf %get3A_3159, %get3A_3162 : vector<32x1024xf32>
    %get3A_3164 = arith.constant 64 : index
    %get3A_3165 = arith.constant 0 : index
    %get3A_3166 = vector.load %arg9[%get3A_3164, %get3A_3165] : memref<512x1024xf32, #tpu.memory_space<vmem>>, vector<32x1024xf32>
    %add3A_3167 = arith.addf %add3A_3163, %get3A_3166 : vector<32x1024xf32>
    %get3A_3168 = arith.constant 96 : index
    %get3A_3169 = arith.constant 0 : index
    %get3A_3170 = vector.load %arg9[%get3A_3168, %get3A_3169] : memref<512x1024xf32, #tpu.memory_space<vmem>>, vector<32x1024xf32>
    %add3A_3171 = arith.addf %add3A_3167, %get3A_3170 : vector<32x1024xf32>
    %get3A_3172 = arith.constant 128 : index
    %get3A_3173 = arith.constant 0 : index
    %get3A_3174 = vector.load %arg9[%get3A_3172, %get3A_3173] : memref<512x1024xf32, #tpu.memory_space<vmem>>, vector<32x1024xf32>
    %add3A_3175 = arith.addf %add3A_3171, %get3A_3174 : vector<32x1024xf32>
    %get3A_3176 = arith.constant 160 : index
    %get3A_3177 = arith.constant 0 : index
    %get3A_3178 = vector.load %arg9[%get3A_3176, %get3A_3177] : memref<512x1024xf32, #tpu.memory_space<vmem>>, vector<32x1024xf32>
    %add3A_3179 = arith.addf %add3A_3175, %get3A_3178 : vector<32x1024xf32>
    %get3A_3180 = arith.constant 192 : index
    %get3A_3181 = arith.constant 0 : index
    %get3A_3182 = vector.load %arg9[%get3A_3180, %get3A_3181] : memref<512x1024xf32, #tpu.memory_space<vmem>>, vector<32x1024xf32>
    %add3A_3183 = arith.addf %add3A_3179, %get3A_3182 : vector<32x1024xf32>
    %get3A_3184 = arith.constant 224 : index
    %get3A_3185 = arith.constant 0 : index
    %get3A_3186 = vector.load %arg9[%get3A_3184, %get3A_3185] : memref<512x1024xf32, #tpu.memory_space<vmem>>, vector<32x1024xf32>
    %add3A_3187 = arith.addf %add3A_3183, %get3A_3186 : vector<32x1024xf32>
    %get3A_3188 = arith.constant 256 : index
    %get3A_3189 = arith.constant 0 : index
    %get3A_3190 = vector.load %arg9[%get3A_3188, %get3A_3189] : memref<512x1024xf32, #tpu.memory_space<vmem>>, vector<32x1024xf32>
    %add3A_3191 = arith.addf %add3A_3187, %get3A_3190 : vector<32x1024xf32>
    %get3A_3192 = arith.constant 288 : index
    %get3A_3193 = arith.constant 0 : index
    %get3A_3194 = vector.load %arg9[%get3A_3192, %get3A_3193] : memref<512x1024xf32, #tpu.memory_space<vmem>>, vector<32x1024xf32>
    %add3A_3195 = arith.addf %add3A_3191, %get3A_3194 : vector<32x1024xf32>
    %get3A_3196 = arith.constant 320 : index
    %get3A_3197 = arith.constant 0 : index
    %get3A_3198 = vector.load %arg9[%get3A_3196, %get3A_3197] : memref<512x1024xf32, #tpu.memory_space<vmem>>, vector<32x1024xf32>
    %add3A_3199 = arith.addf %add3A_3195, %get3A_3198 : vector<32x1024xf32>
    %get3A_3200 = arith.constant 352 : index
    %get3A_3201 = arith.constant 0 : index
    %get3A_3202 = vector.load %arg9[%get3A_3200, %get3A_3201] : memref<512x1024xf32, #tpu.memory_space<vmem>>, vector<32x1024xf32>
    %add3A_3203 = arith.addf %add3A_3199, %get3A_3202 : vector<32x1024xf32>
    %get3A_3204 = arith.constant 384 : index
    %get3A_3205 = arith.constant 0 : index
    %get3A_3206 = vector.load %arg9[%get3A_3204, %get3A_3205] : memref<512x1024xf32, #tpu.memory_space<vmem>>, vector<32x1024xf32>
    %add3A_3207 = arith.addf %add3A_3203, %get3A_3206 : vector<32x1024xf32>
    %get3A_3208 = arith.constant 416 : index
    %get3A_3209 = arith.constant 0 : index
    %get3A_3210 = vector.load %arg9[%get3A_3208, %get3A_3209] : memref<512x1024xf32, #tpu.memory_space<vmem>>, vector<32x1024xf32>
    %add3A_3211 = arith.addf %add3A_3207, %get3A_3210 : vector<32x1024xf32>
    %get3A_3212 = arith.constant 448 : index
    %get3A_3213 = arith.constant 0 : index
    %get3A_3214 = vector.load %arg9[%get3A_3212, %get3A_3213] : memref<512x1024xf32, #tpu.memory_space<vmem>>, vector<32x1024xf32>
    %add3A_3215 = arith.addf %add3A_3211, %get3A_3214 : vector<32x1024xf32>
    %get3A_3216 = arith.constant 480 : index
    %get3A_3217 = arith.constant 0 : index
    %get3A_3218 = vector.load %arg9[%get3A_3216, %get3A_3217] : memref<512x1024xf32, #tpu.memory_space<vmem>>, vector<32x1024xf32>
    %add3A_3219 = arith.addf %add3A_3215, %get3A_3218 : vector<32x1024xf32>
    %get3A_3220 = arith.constant 3 : index
    %get3A_3221 = arith.constant 0 : index
    %get3A_3222 = arith.constant 0 : index
    %get3A_3223 = vector.load %arg10[%get3A_3220, %get3A_3221, %get3A_3222] : memref<4x32x1024xf32, #tpu.memory_space<vmem>>, vector<1x32x1024xf32>
    %get3A_3224 = vector.shape_cast %get3A_3223 : vector<1x32x1024xf32> to vector<32x1024xf32>
    %add3A_3225 = arith.addf %get3A_3224, %add3A_3219 : vector<32x1024xf32>
    %swap3A_3226 = arith.constant 3 : index
    %swap3A_3227 = arith.constant 0 : index
    %swap3A_3228 = arith.constant 0 : index
    %swap3A_3229 = vector.load %arg10[%swap3A_3226, %swap3A_3227, %swap3A_3228] : memref<4x32x1024xf32, #tpu.memory_space<vmem>>, vector<1x32x1024xf32>
    %swap3A_3230 = vector.shape_cast %swap3A_3229 : vector<1x32x1024xf32> to vector<32x1024xf32>
    %swap3A_3231 = vector.shape_cast %add3A_3225 : vector<32x1024xf32> to vector<1x32x1024xf32>
    tpu.vector_store %arg10[%swap3A_3226, %swap3A_3227, %swap3A_3228], %swap3A_3231 {strides = array<i32>} : memref<4x32x1024xf32, #tpu.memory_space<vmem>>, vector<1x32x1024xf32>,
    %dma_start3A_3232 = arith.constant 32256 : i32
    %dma_start3A_3233 = arith.constant 0 : i32
    %dma_start3A_3234 = tpu.memref_slice %arg0[%dma_start3A_3232, %dma_start3A_3233] : memref<32768x1024xf32, #tpu.memory_space<any>> -> memref<512x1024xf32, #tpu.memory_space<any>>
    tpu.enqueue_dma source(%dma_start3A_3234 : memref<512x1024xf32, #tpu.memory_space<any>>) target(%arg9 : memref<512x1024xf32, #tpu.memory_space<vmem>>) target_semaphore(%arg18 : memref<!tpu.dma_semaphore, #tpu.memory_space<semaphore_mem>>)
    %dma_wait3A_3235 = arith.constant 28672 : i32
    %dma_wait3A_3236 = arith.constant 0 : i32
    %dma_wait3A_3237 = tpu.memref_slice %arg0[%dma_wait3A_3235, %dma_wait3A_3236] : memref<32768x1024xf32, #tpu.memory_space<any>> -> memref<512x1024xf32, #tpu.memory_space<any>>
    tpu.wait_dma2 semaphore(%arg11 : memref<!tpu.dma_semaphore, #tpu.memory_space<semaphore_mem>>) src(%dma_wait3A_3237 : memref<512x1024xf32, #tpu.memory_space<any>>) dst(%arg2 : memref<512x1024xf32, #tpu.memory_space<vmem>>)
    %get3A_3238 = arith.constant 0 : index
    %get3A_3239 = arith.constant 0 : index
    %get3A_3240 = vector.load %arg2[%get3A_3238, %get3A_3239] : memref<512x1024xf32, #tpu.memory_space<vmem>>, vector<32x1024xf32>
    %get3A_3241 = arith.constant 32 : index
    %get3A_3242 = arith.constant 0 : index
    %get3A_3243 = vector.load %arg2[%get3A_3241, %get3A_3242] : memref<512x1024xf32, #tpu.memory_space<vmem>>, vector<32x1024xf32>
    %add3A_3244 = arith.addf %get3A_3240, %get3A_3243 : vector<32x1024xf32>
    %get3A_3245 = arith.constant 64 : index
    %get3A_3246 = arith.constant 0 : index
    %get3A_3247 = vector.load %arg2[%get3A_3245, %get3A_3246] : memref<512x1024xf32, #tpu.memory_space<vmem>>, vector<32x1024xf32>
    %add3A_3248 = arith.addf %add3A_3244, %get3A_3247 : vector<32x1024xf32>
    %get3A_3249 = arith.constant 96 : index
    %get3A_3250 = arith.constant 0 : index
    %get3A_3251 = vector.load %arg2[%get3A_3249, %get3A_3250] : memref<512x1024xf32, #tpu.memory_space<vmem>>, vector<32x1024xf32>
    %add3A_3252 = arith.addf %add3A_3248, %get3A_3251 : vector<32x1024xf32>
    %get3A_3253 = arith.constant 128 : index
    %get3A_3254 = arith.constant 0 : index
    %get3A_3255 = vector.load %arg2[%get3A_3253, %get3A_3254] : memref<512x1024xf32, #tpu.memory_space<vmem>>, vector<32x1024xf32>
    %add3A_3256 = arith.addf %add3A_3252, %get3A_3255 : vector<32x1024xf32>
    %get3A_3257 = arith.constant 160 : index
    %get3A_3258 = arith.constant 0 : index
    %get3A_3259 = vector.load %arg2[%get3A_3257, %get3A_3258] : memref<512x1024xf32, #tpu.memory_space<vmem>>, vector<32x1024xf32>
    %add3A_3260 = arith.addf %add3A_3256, %get3A_3259 : vector<32x1024xf32>
    %get3A_3261 = arith.constant 192 : index
    %get3A_3262 = arith.constant 0 : index
    %get3A_3263 = vector.load %arg2[%get3A_3261, %get3A_3262] : memref<512x1024xf32, #tpu.memory_space<vmem>>, vector<32x1024xf32>
    %add3A_3264 = arith.addf %add3A_3260, %get3A_3263 : vector<32x1024xf32>
    %get3A_3265 = arith.constant 224 : index
    %get3A_3266 = arith.constant 0 : index
    %get3A_3267 = vector.load %arg2[%get3A_3265, %get3A_3266] : memref<512x1024xf32, #tpu.memory_space<vmem>>, vector<32x1024xf32>
    %add3A_3268 = arith.addf %add3A_3264, %get3A_3267 : vector<32x1024xf32>
    %get3A_3269 = arith.constant 256 : index
    %get3A_3270 = arith.constant 0 : index
    %get3A_3271 = vector.load %arg2[%get3A_3269, %get3A_3270] : memref<512x1024xf32, #tpu.memory_space<vmem>>, vector<32x1024xf32>
    %add3A_3272 = arith.addf %add3A_3268, %get3A_3271 : vector<32x1024xf32>
    %get3A_3273 = arith.constant 288 : index
    %get3A_3274 = arith.constant 0 : index
    %get3A_3275 = vector.load %arg2[%get3A_3273, %get3A_3274] : memref<512x1024xf32, #tpu.memory_space<vmem>>, vector<32x1024xf32>
    %add3A_3276 = arith.addf %add3A_3272, %get3A_3275 : vector<32x1024xf32>
    %get3A_3277 = arith.constant 320 : index
    %get3A_3278 = arith.constant 0 : index
    %get3A_3279 = vector.load %arg2[%get3A_3277, %get3A_3278] : memref<512x1024xf32, #tpu.memory_space<vmem>>, vector<32x1024xf32>
    %add3A_3280 = arith.addf %add3A_3276, %get3A_3279 : vector<32x1024xf32>
    %get3A_3281 = arith.constant 352 : index
    %get3A_3282 = arith.constant 0 : index
    %get3A_3283 = vector.load %arg2[%get3A_3281, %get3A_3282] : memref<512x1024xf32, #tpu.memory_space<vmem>>, vector<32x1024xf32>
    %add3A_3284 = arith.addf %add3A_3280, %get3A_3283 : vector<32x1024xf32>
    %get3A_3285 = arith.constant 384 : index
    %get3A_3286 = arith.constant 0 : index
    %get3A_3287 = vector.load %arg2[%get3A_3285, %get3A_3286] : memref<512x1024xf32, #tpu.memory_space<vmem>>, vector<32x1024xf32>
    %add3A_3288 = arith.addf %add3A_3284, %get3A_3287 : vector<32x1024xf32>
    %get3A_3289 = arith.constant 416 : index
    %get3A_3290 = arith.constant 0 : index
    %get3A_3291 = vector.load %arg2[%get3A_3289, %get3A_3290] : memref<512x1024xf32, #tpu.memory_space<vmem>>, vector<32x1024xf32>
    %add3A_3292 = arith.addf %add3A_3288, %get3A_3291 : vector<32x1024xf32>
    %get3A_3293 = arith.constant 448 : index
    %get3A_3294 = arith.constant 0 : index
    %get3A_3295 = vector.load %arg2[%get3A_3293, %get3A_3294] : memref<512x1024xf32, #tpu.memory_space<vmem>>, vector<32x1024xf32>
    %add3A_3296 = arith.addf %add3A_3292, %get3A_3295 : vector<32x1024xf32>
    %get3A_3297 = arith.constant 480 : index
    %get3A_3298 = arith.constant 0 : index
    %get3A_3299 = vector.load %arg2[%get3A_3297, %get3A_3298] : memref<512x1024xf32, #tpu.memory_space<vmem>>, vector<32x1024xf32>
    %add3A_3300 = arith.addf %add3A_3296, %get3A_3299 : vector<32x1024xf32>
    %get3A_3301 = arith.constant 3 : index
    %get3A_3302 = arith.constant 0 : index
    %get3A_3303 = arith.constant 0 : index
    %get3A_3304 = vector.load %arg10[%get3A_3301, %get3A_3302, %get3A_3303] : memref<4x32x1024xf32, #tpu.memory_space<vmem>>, vector<1x32x1024xf32>
    %get3A_3305 = vector.shape_cast %get3A_3304 : vector<1x32x1024xf32> to vector<32x1024xf32>
    %add3A_3306 = arith.addf %get3A_3305, %add3A_3300 : vector<32x1024xf32>
    %swap3A_3307 = arith.constant 3 : index
    %swap3A_3308 = arith.constant 0 : index
    %swap3A_3309 = arith.constant 0 : index
    %swap3A_3310 = vector.load %arg10[%swap3A_3307, %swap3A_3308, %swap3A_3309] : memref<4x32x1024xf32, #tpu.memory_space<vmem>>, vector<1x32x1024xf32>
    %swap3A_3311 = vector.shape_cast %swap3A_3310 : vector<1x32x1024xf32> to vector<32x1024xf32>
    %swap3A_3312 = vector.shape_cast %add3A_3306 : vector<32x1024xf32> to vector<1x32x1024xf32>
    tpu.vector_store %arg10[%swap3A_3307, %swap3A_3308, %swap3A_3309], %swap3A_3312 {strides = array<i32>} : memref<4x32x1024xf32, #tpu.memory_space<vmem>>, vector<1x32x1024xf32>,
    %dma_wait3A_3313 = arith.constant 29184 : i32
    %dma_wait3A_3314 = arith.constant 0 : i32
    %dma_wait3A_3315 = tpu.memref_slice %arg0[%dma_wait3A_3313, %dma_wait3A_3314] : memref<32768x1024xf32, #tpu.memory_space<any>> -> memref<512x1024xf32, #tpu.memory_space<any>>
    tpu.wait_dma2 semaphore(%arg12 : memref<!tpu.dma_semaphore, #tpu.memory_space<semaphore_mem>>) src(%dma_wait3A_3315 : memref<512x1024xf32, #tpu.memory_space<any>>) dst(%arg3 : memref<512x1024xf32, #tpu.memory_space<vmem>>)
    %get3A_3316 = arith.constant 0 : index
    %get3A_3317 = arith.constant 0 : index
    %get3A_3318 = vector.load %arg3[%get3A_3316, %get3A_3317] : memref<512x1024xf32, #tpu.memory_space<vmem>>, vector<32x1024xf32>
    %get3A_3319 = arith.constant 32 : index
    %get3A_3320 = arith.constant 0 : index
    %get3A_3321 = vector.load %arg3[%get3A_3319, %get3A_3320] : memref<512x1024xf32, #tpu.memory_space<vmem>>, vector<32x1024xf32>
    %add3A_3322 = arith.addf %get3A_3318, %get3A_3321 : vector<32x1024xf32>
    %get3A_3323 = arith.constant 64 : index
    %get3A_3324 = arith.constant 0 : index
    %get3A_3325 = vector.load %arg3[%get3A_3323, %get3A_3324] : memref<512x1024xf32, #tpu.memory_space<vmem>>, vector<32x1024xf32>
    %add3A_3326 = arith.addf %add3A_3322, %get3A_3325 : vector<32x1024xf32>
    %get3A_3327 = arith.constant 96 : index
    %get3A_3328 = arith.constant 0 : index
    %get3A_3329 = vector.load %arg3[%get3A_3327, %get3A_3328] : memref<512x1024xf32, #tpu.memory_space<vmem>>, vector<32x1024xf32>
    %add3A_3330 = arith.addf %add3A_3326, %get3A_3329 : vector<32x1024xf32>
    %get3A_3331 = arith.constant 128 : index
    %get3A_3332 = arith.constant 0 : index
    %get3A_3333 = vector.load %arg3[%get3A_3331, %get3A_3332] : memref<512x1024xf32, #tpu.memory_space<vmem>>, vector<32x1024xf32>
    %add3A_3334 = arith.addf %add3A_3330, %get3A_3333 : vector<32x1024xf32>
    %get3A_3335 = arith.constant 160 : index
    %get3A_3336 = arith.constant 0 : index
    %get3A_3337 = vector.load %arg3[%get3A_3335, %get3A_3336] : memref<512x1024xf32, #tpu.memory_space<vmem>>, vector<32x1024xf32>
    %add3A_3338 = arith.addf %add3A_3334, %get3A_3337 : vector<32x1024xf32>
    %get3A_3339 = arith.constant 192 : index
    %get3A_3340 = arith.constant 0 : index
    %get3A_3341 = vector.load %arg3[%get3A_3339, %get3A_3340] : memref<512x1024xf32, #tpu.memory_space<vmem>>, vector<32x1024xf32>
    %add3A_3342 = arith.addf %add3A_3338, %get3A_3341 : vector<32x1024xf32>
    %get3A_3343 = arith.constant 224 : index
    %get3A_3344 = arith.constant 0 : index
    %get3A_3345 = vector.load %arg3[%get3A_3343, %get3A_3344] : memref<512x1024xf32, #tpu.memory_space<vmem>>, vector<32x1024xf32>
    %add3A_3346 = arith.addf %add3A_3342, %get3A_3345 : vector<32x1024xf32>
    %get3A_3347 = arith.constant 256 : index
    %get3A_3348 = arith.constant 0 : index
    %get3A_3349 = vector.load %arg3[%get3A_3347, %get3A_3348] : memref<512x1024xf32, #tpu.memory_space<vmem>>, vector<32x1024xf32>
    %add3A_3350 = arith.addf %add3A_3346, %get3A_3349 : vector<32x1024xf32>
    %get3A_3351 = arith.constant 288 : index
    %get3A_3352 = arith.constant 0 : index
    %get3A_3353 = vector.load %arg3[%get3A_3351, %get3A_3352] : memref<512x1024xf32, #tpu.memory_space<vmem>>, vector<32x1024xf32>
    %add3A_3354 = arith.addf %add3A_3350, %get3A_3353 : vector<32x1024xf32>
    %get3A_3355 = arith.constant 320 : index
    %get3A_3356 = arith.constant 0 : index
    %get3A_3357 = vector.load %arg3[%get3A_3355, %get3A_3356] : memref<512x1024xf32, #tpu.memory_space<vmem>>, vector<32x1024xf32>
    %add3A_3358 = arith.addf %add3A_3354, %get3A_3357 : vector<32x1024xf32>
    %get3A_3359 = arith.constant 352 : index
    %get3A_3360 = arith.constant 0 : index
    %get3A_3361 = vector.load %arg3[%get3A_3359, %get3A_3360] : memref<512x1024xf32, #tpu.memory_space<vmem>>, vector<32x1024xf32>
    %add3A_3362 = arith.addf %add3A_3358, %get3A_3361 : vector<32x1024xf32>
    %get3A_3363 = arith.constant 384 : index
    %get3A_3364 = arith.constant 0 : index
    %get3A_3365 = vector.load %arg3[%get3A_3363, %get3A_3364] : memref<512x1024xf32, #tpu.memory_space<vmem>>, vector<32x1024xf32>
    %add3A_3366 = arith.addf %add3A_3362, %get3A_3365 : vector<32x1024xf32>
    %get3A_3367 = arith.constant 416 : index
    %get3A_3368 = arith.constant 0 : index
    %get3A_3369 = vector.load %arg3[%get3A_3367, %get3A_3368] : memref<512x1024xf32, #tpu.memory_space<vmem>>, vector<32x1024xf32>
    %add3A_3370 = arith.addf %add3A_3366, %get3A_3369 : vector<32x1024xf32>
    %get3A_3371 = arith.constant 448 : index
    %get3A_3372 = arith.constant 0 : index
    %get3A_3373 = vector.load %arg3[%get3A_3371, %get3A_3372] : memref<512x1024xf32, #tpu.memory_space<vmem>>, vector<32x1024xf32>
    %add3A_3374 = arith.addf %add3A_3370, %get3A_3373 : vector<32x1024xf32>
    %get3A_3375 = arith.constant 480 : index
    %get3A_3376 = arith.constant 0 : index
    %get3A_3377 = vector.load %arg3[%get3A_3375, %get3A_3376] : memref<512x1024xf32, #tpu.memory_space<vmem>>, vector<32x1024xf32>
    %add3A_3378 = arith.addf %add3A_3374, %get3A_3377 : vector<32x1024xf32>
    %get3A_3379 = arith.constant 3 : index
    %get3A_3380 = arith.constant 0 : index
    %get3A_3381 = arith.constant 0 : index
    %get3A_3382 = vector.load %arg10[%get3A_3379, %get3A_3380, %get3A_3381] : memref<4x32x1024xf32, #tpu.memory_space<vmem>>, vector<1x32x1024xf32>
    %get3A_3383 = vector.shape_cast %get3A_3382 : vector<1x32x1024xf32> to vector<32x1024xf32>
    %add3A_3384 = arith.addf %get3A_3383, %add3A_3378 : vector<32x1024xf32>
    %swap3A_3385 = arith.constant 3 : index
    %swap3A_3386 = arith.constant 0 : index
    %swap3A_3387 = arith.constant 0 : index
    %swap3A_3388 = vector.load %arg10[%swap3A_3385, %swap3A_3386, %swap3A_3387] : memref<4x32x1024xf32, #tpu.memory_space<vmem>>, vector<1x32x1024xf32>
    %swap3A_3389 = vector.shape_cast %swap3A_3388 : vector<1x32x1024xf32> to vector<32x1024xf32>
    %swap3A_3390 = vector.shape_cast %add3A_3384 : vector<32x1024xf32> to vector<1x32x1024xf32>
    tpu.vector_store %arg10[%swap3A_3385, %swap3A_3386, %swap3A_3387], %swap3A_3390 {strides = array<i32>} : memref<4x32x1024xf32, #tpu.memory_space<vmem>>, vector<1x32x1024xf32>,
    %dma_wait3A_3391 = arith.constant 29696 : i32
    %dma_wait3A_3392 = arith.constant 0 : i32
    %dma_wait3A_3393 = tpu.memref_slice %arg0[%dma_wait3A_3391, %dma_wait3A_3392] : memref<32768x1024xf32, #tpu.memory_space<any>> -> memref<512x1024xf32, #tpu.memory_space<any>>
    tpu.wait_dma2 semaphore(%arg13 : memref<!tpu.dma_semaphore, #tpu.memory_space<semaphore_mem>>) src(%dma_wait3A_3393 : memref<512x1024xf32, #tpu.memory_space<any>>) dst(%arg4 : memref<512x1024xf32, #tpu.memory_space<vmem>>)
    %get3A_3394 = arith.constant 0 : index
    %get3A_3395 = arith.constant 0 : index
    %get3A_3396 = vector.load %arg4[%get3A_3394, %get3A_3395] : memref<512x1024xf32, #tpu.memory_space<vmem>>, vector<32x1024xf32>
    %get3A_3397 = arith.constant 32 : index
    %get3A_3398 = arith.constant 0 : index
    %get3A_3399 = vector.load %arg4[%get3A_3397, %get3A_3398] : memref<512x1024xf32, #tpu.memory_space<vmem>>, vector<32x1024xf32>
    %add3A_3400 = arith.addf %get3A_3396, %get3A_3399 : vector<32x1024xf32>
    %get3A_3401 = arith.constant 64 : index
    %get3A_3402 = arith.constant 0 : index
    %get3A_3403 = vector.load %arg4[%get3A_3401, %get3A_3402] : memref<512x1024xf32, #tpu.memory_space<vmem>>, vector<32x1024xf32>
    %add3A_3404 = arith.addf %add3A_3400, %get3A_3403 : vector<32x1024xf32>
    %get3A_3405 = arith.constant 96 : index
    %get3A_3406 = arith.constant 0 : index
    %get3A_3407 = vector.load %arg4[%get3A_3405, %get3A_3406] : memref<512x1024xf32, #tpu.memory_space<vmem>>, vector<32x1024xf32>
    %add3A_3408 = arith.addf %add3A_3404, %get3A_3407 : vector<32x1024xf32>
    %get3A_3409 = arith.constant 128 : index
    %get3A_3410 = arith.constant 0 : index
    %get3A_3411 = vector.load %arg4[%get3A_3409, %get3A_3410] : memref<512x1024xf32, #tpu.memory_space<vmem>>, vector<32x1024xf32>
    %add3A_3412 = arith.addf %add3A_3408, %get3A_3411 : vector<32x1024xf32>
    %get3A_3413 = arith.constant 160 : index
    %get3A_3414 = arith.constant 0 : index
    %get3A_3415 = vector.load %arg4[%get3A_3413, %get3A_3414] : memref<512x1024xf32, #tpu.memory_space<vmem>>, vector<32x1024xf32>
    %add3A_3416 = arith.addf %add3A_3412, %get3A_3415 : vector<32x1024xf32>
    %get3A_3417 = arith.constant 192 : index
    %get3A_3418 = arith.constant 0 : index
    %get3A_3419 = vector.load %arg4[%get3A_3417, %get3A_3418] : memref<512x1024xf32, #tpu.memory_space<vmem>>, vector<32x1024xf32>
    %add3A_3420 = arith.addf %add3A_3416, %get3A_3419 : vector<32x1024xf32>
    %get3A_3421 = arith.constant 224 : index
    %get3A_3422 = arith.constant 0 : index
    %get3A_3423 = vector.load %arg4[%get3A_3421, %get3A_3422] : memref<512x1024xf32, #tpu.memory_space<vmem>>, vector<32x1024xf32>
    %add3A_3424 = arith.addf %add3A_3420, %get3A_3423 : vector<32x1024xf32>
    %get3A_3425 = arith.constant 256 : index
    %get3A_3426 = arith.constant 0 : index
    %get3A_3427 = vector.load %arg4[%get3A_3425, %get3A_3426] : memref<512x1024xf32, #tpu.memory_space<vmem>>, vector<32x1024xf32>
    %add3A_3428 = arith.addf %add3A_3424, %get3A_3427 : vector<32x1024xf32>
    %get3A_3429 = arith.constant 288 : index
    %get3A_3430 = arith.constant 0 : index
    %get3A_3431 = vector.load %arg4[%get3A_3429, %get3A_3430] : memref<512x1024xf32, #tpu.memory_space<vmem>>, vector<32x1024xf32>
    %add3A_3432 = arith.addf %add3A_3428, %get3A_3431 : vector<32x1024xf32>
    %get3A_3433 = arith.constant 320 : index
    %get3A_3434 = arith.constant 0 : index
    %get3A_3435 = vector.load %arg4[%get3A_3433, %get3A_3434] : memref<512x1024xf32, #tpu.memory_space<vmem>>, vector<32x1024xf32>
    %add3A_3436 = arith.addf %add3A_3432, %get3A_3435 : vector<32x1024xf32>
    %get3A_3437 = arith.constant 352 : index
    %get3A_3438 = arith.constant 0 : index
    %get3A_3439 = vector.load %arg4[%get3A_3437, %get3A_3438] : memref<512x1024xf32, #tpu.memory_space<vmem>>, vector<32x1024xf32>
    %add3A_3440 = arith.addf %add3A_3436, %get3A_3439 : vector<32x1024xf32>
    %get3A_3441 = arith.constant 384 : index
    %get3A_3442 = arith.constant 0 : index
    %get3A_3443 = vector.load %arg4[%get3A_3441, %get3A_3442] : memref<512x1024xf32, #tpu.memory_space<vmem>>, vector<32x1024xf32>
    %add3A_3444 = arith.addf %add3A_3440, %get3A_3443 : vector<32x1024xf32>
    %get3A_3445 = arith.constant 416 : index
    %get3A_3446 = arith.constant 0 : index
    %get3A_3447 = vector.load %arg4[%get3A_3445, %get3A_3446] : memref<512x1024xf32, #tpu.memory_space<vmem>>, vector<32x1024xf32>
    %add3A_3448 = arith.addf %add3A_3444, %get3A_3447 : vector<32x1024xf32>
    %get3A_3449 = arith.constant 448 : index
    %get3A_3450 = arith.constant 0 : index
    %get3A_3451 = vector.load %arg4[%get3A_3449, %get3A_3450] : memref<512x1024xf32, #tpu.memory_space<vmem>>, vector<32x1024xf32>
    %add3A_3452 = arith.addf %add3A_3448, %get3A_3451 : vector<32x1024xf32>
    %get3A_3453 = arith.constant 480 : index
    %get3A_3454 = arith.constant 0 : index
    %get3A_3455 = vector.load %arg4[%get3A_3453, %get3A_3454] : memref<512x1024xf32, #tpu.memory_space<vmem>>, vector<32x1024xf32>
    %add3A_3456 = arith.addf %add3A_3452, %get3A_3455 : vector<32x1024xf32>
    %get3A_3457 = arith.constant 3 : index
    %get3A_3458 = arith.constant 0 : index
    %get3A_3459 = arith.constant 0 : index
    %get3A_3460 = vector.load %arg10[%get3A_3457, %get3A_3458, %get3A_3459] : memref<4x32x1024xf32, #tpu.memory_space<vmem>>, vector<1x32x1024xf32>
    %get3A_3461 = vector.shape_cast %get3A_3460 : vector<1x32x1024xf32> to vector<32x1024xf32>
    %add3A_3462 = arith.addf %get3A_3461, %add3A_3456 : vector<32x1024xf32>
    %swap3A_3463 = arith.constant 3 : index
    %swap3A_3464 = arith.constant 0 : index
    %swap3A_3465 = arith.constant 0 : index
    %swap3A_3466 = vector.load %arg10[%swap3A_3463, %swap3A_3464, %swap3A_3465] : memref<4x32x1024xf32, #tpu.memory_space<vmem>>, vector<1x32x1024xf32>
    %swap3A_3467 = vector.shape_cast %swap3A_3466 : vector<1x32x1024xf32> to vector<32x1024xf32>
    %swap3A_3468 = vector.shape_cast %add3A_3462 : vector<32x1024xf32> to vector<1x32x1024xf32>
    tpu.vector_store %arg10[%swap3A_3463, %swap3A_3464, %swap3A_3465], %swap3A_3468 {strides = array<i32>} : memref<4x32x1024xf32, #tpu.memory_space<vmem>>, vector<1x32x1024xf32>,
    %dma_wait3A_3469 = arith.constant 30208 : i32
    %dma_wait3A_3470 = arith.constant 0 : i32
    %dma_wait3A_3471 = tpu.memref_slice %arg0[%dma_wait3A_3469, %dma_wait3A_3470] : memref<32768x1024xf32, #tpu.memory_space<any>> -> memref<512x1024xf32, #tpu.memory_space<any>>
    tpu.wait_dma2 semaphore(%arg14 : memref<!tpu.dma_semaphore, #tpu.memory_space<semaphore_mem>>) src(%dma_wait3A_3471 : memref<512x1024xf32, #tpu.memory_space<any>>) dst(%arg5 : memref<512x1024xf32, #tpu.memory_space<vmem>>)
    %get3A_3472 = arith.constant 0 : index
    %get3A_3473 = arith.constant 0 : index
    %get3A_3474 = vector.load %arg5[%get3A_3472, %get3A_3473] : memref<512x1024xf32, #tpu.memory_space<vmem>>, vector<32x1024xf32>
    %get3A_3475 = arith.constant 32 : index
    %get3A_3476 = arith.constant 0 : index
    %get3A_3477 = vector.load %arg5[%get3A_3475, %get3A_3476] : memref<512x1024xf32, #tpu.memory_space<vmem>>, vector<32x1024xf32>
    %add3A_3478 = arith.addf %get3A_3474, %get3A_3477 : vector<32x1024xf32>
    %get3A_3479 = arith.constant 64 : index
    %get3A_3480 = arith.constant 0 : index
    %get3A_3481 = vector.load %arg5[%get3A_3479, %get3A_3480] : memref<512x1024xf32, #tpu.memory_space<vmem>>, vector<32x1024xf32>
    %add3A_3482 = arith.addf %add3A_3478, %get3A_3481 : vector<32x1024xf32>
    %get3A_3483 = arith.constant 96 : index
    %get3A_3484 = arith.constant 0 : index
    %get3A_3485 = vector.load %arg5[%get3A_3483, %get3A_3484] : memref<512x1024xf32, #tpu.memory_space<vmem>>, vector<32x1024xf32>
    %add3A_3486 = arith.addf %add3A_3482, %get3A_3485 : vector<32x1024xf32>
    %get3A_3487 = arith.constant 128 : index
    %get3A_3488 = arith.constant 0 : index
    %get3A_3489 = vector.load %arg5[%get3A_3487, %get3A_3488] : memref<512x1024xf32, #tpu.memory_space<vmem>>, vector<32x1024xf32>
    %add3A_3490 = arith.addf %add3A_3486, %get3A_3489 : vector<32x1024xf32>
    %get3A_3491 = arith.constant 160 : index
    %get3A_3492 = arith.constant 0 : index
    %get3A_3493 = vector.load %arg5[%get3A_3491, %get3A_3492] : memref<512x1024xf32, #tpu.memory_space<vmem>>, vector<32x1024xf32>
    %add3A_3494 = arith.addf %add3A_3490, %get3A_3493 : vector<32x1024xf32>
    %get3A_3495 = arith.constant 192 : index
    %get3A_3496 = arith.constant 0 : index
    %get3A_3497 = vector.load %arg5[%get3A_3495, %get3A_3496] : memref<512x1024xf32, #tpu.memory_space<vmem>>, vector<32x1024xf32>
    %add3A_3498 = arith.addf %add3A_3494, %get3A_3497 : vector<32x1024xf32>
    %get3A_3499 = arith.constant 224 : index
    %get3A_3500 = arith.constant 0 : index
    %get3A_3501 = vector.load %arg5[%get3A_3499, %get3A_3500] : memref<512x1024xf32, #tpu.memory_space<vmem>>, vector<32x1024xf32>
    %add3A_3502 = arith.addf %add3A_3498, %get3A_3501 : vector<32x1024xf32>
    %get3A_3503 = arith.constant 256 : index
    %get3A_3504 = arith.constant 0 : index
    %get3A_3505 = vector.load %arg5[%get3A_3503, %get3A_3504] : memref<512x1024xf32, #tpu.memory_space<vmem>>, vector<32x1024xf32>
    %add3A_3506 = arith.addf %add3A_3502, %get3A_3505 : vector<32x1024xf32>
    %get3A_3507 = arith.constant 288 : index
    %get3A_3508 = arith.constant 0 : index
    %get3A_3509 = vector.load %arg5[%get3A_3507, %get3A_3508] : memref<512x1024xf32, #tpu.memory_space<vmem>>, vector<32x1024xf32>
    %add3A_3510 = arith.addf %add3A_3506, %get3A_3509 : vector<32x1024xf32>
    %get3A_3511 = arith.constant 320 : index
    %get3A_3512 = arith.constant 0 : index
    %get3A_3513 = vector.load %arg5[%get3A_3511, %get3A_3512] : memref<512x1024xf32, #tpu.memory_space<vmem>>, vector<32x1024xf32>
    %add3A_3514 = arith.addf %add3A_3510, %get3A_3513 : vector<32x1024xf32>
    %get3A_3515 = arith.constant 352 : index
    %get3A_3516 = arith.constant 0 : index
    %get3A_3517 = vector.load %arg5[%get3A_3515, %get3A_3516] : memref<512x1024xf32, #tpu.memory_space<vmem>>, vector<32x1024xf32>
    %add3A_3518 = arith.addf %add3A_3514, %get3A_3517 : vector<32x1024xf32>
    %get3A_3519 = arith.constant 384 : index
    %get3A_3520 = arith.constant 0 : index
    %get3A_3521 = vector.load %arg5[%get3A_3519, %get3A_3520] : memref<512x1024xf32, #tpu.memory_space<vmem>>, vector<32x1024xf32>
    %add3A_3522 = arith.addf %add3A_3518, %get3A_3521 : vector<32x1024xf32>
    %get3A_3523 = arith.constant 416 : index
    %get3A_3524 = arith.constant 0 : index
    %get3A_3525 = vector.load %arg5[%get3A_3523, %get3A_3524] : memref<512x1024xf32, #tpu.memory_space<vmem>>, vector<32x1024xf32>
    %add3A_3526 = arith.addf %add3A_3522, %get3A_3525 : vector<32x1024xf32>
    %get3A_3527 = arith.constant 448 : index
    %get3A_3528 = arith.constant 0 : index
    %get3A_3529 = vector.load %arg5[%get3A_3527, %get3A_3528] : memref<512x1024xf32, #tpu.memory_space<vmem>>, vector<32x1024xf32>
    %add3A_3530 = arith.addf %add3A_3526, %get3A_3529 : vector<32x1024xf32>
    %get3A_3531 = arith.constant 480 : index
    %get3A_3532 = arith.constant 0 : index
    %get3A_3533 = vector.load %arg5[%get3A_3531, %get3A_3532] : memref<512x1024xf32, #tpu.memory_space<vmem>>, vector<32x1024xf32>
    %add3A_3534 = arith.addf %add3A_3530, %get3A_3533 : vector<32x1024xf32>
    %get3A_3535 = arith.constant 3 : index
    %get3A_3536 = arith.constant 0 : index
    %get3A_3537 = arith.constant 0 : index
    %get3A_3538 = vector.load %arg10[%get3A_3535, %get3A_3536, %get3A_3537] : memref<4x32x1024xf32, #tpu.memory_space<vmem>>, vector<1x32x1024xf32>
    %get3A_3539 = vector.shape_cast %get3A_3538 : vector<1x32x1024xf32> to vector<32x1024xf32>
    %add3A_3540 = arith.addf %get3A_3539, %add3A_3534 : vector<32x1024xf32>
    %swap3A_3541 = arith.constant 3 : index
    %swap3A_3542 = arith.constant 0 : index
    %swap3A_3543 = arith.constant 0 : index
    %swap3A_3544 = vector.load %arg10[%swap3A_3541, %swap3A_3542, %swap3A_3543] : memref<4x32x1024xf32, #tpu.memory_space<vmem>>, vector<1x32x1024xf32>
    %swap3A_3545 = vector.shape_cast %swap3A_3544 : vector<1x32x1024xf32> to vector<32x1024xf32>
    %swap3A_3546 = vector.shape_cast %add3A_3540 : vector<32x1024xf32> to vector<1x32x1024xf32>
    tpu.vector_store %arg10[%swap3A_3541, %swap3A_3542, %swap3A_3543], %swap3A_3546 {strides = array<i32>} : memref<4x32x1024xf32, #tpu.memory_space<vmem>>, vector<1x32x1024xf32>,
    %dma_wait3A_3547 = arith.constant 30720 : i32
    %dma_wait3A_3548 = arith.constant 0 : i32
    %dma_wait3A_3549 = tpu.memref_slice %arg0[%dma_wait3A_3547, %dma_wait3A_3548] : memref<32768x1024xf32, #tpu.memory_space<any>> -> memref<512x1024xf32, #tpu.memory_space<any>>
    tpu.wait_dma2 semaphore(%arg15 : memref<!tpu.dma_semaphore, #tpu.memory_space<semaphore_mem>>) src(%dma_wait3A_3549 : memref<512x1024xf32, #tpu.memory_space<any>>) dst(%arg6 : memref<512x1024xf32, #tpu.memory_space<vmem>>)
    %get3A_3550 = arith.constant 0 : index
    %get3A_3551 = arith.constant 0 : index
    %get3A_3552 = vector.load %arg6[%get3A_3550, %get3A_3551] : memref<512x1024xf32, #tpu.memory_space<vmem>>, vector<32x1024xf32>
    %get3A_3553 = arith.constant 32 : index
    %get3A_3554 = arith.constant 0 : index
    %get3A_3555 = vector.load %arg6[%get3A_3553, %get3A_3554] : memref<512x1024xf32, #tpu.memory_space<vmem>>, vector<32x1024xf32>
    %add3A_3556 = arith.addf %get3A_3552, %get3A_3555 : vector<32x1024xf32>
    %get3A_3557 = arith.constant 64 : index
    %get3A_3558 = arith.constant 0 : index
    %get3A_3559 = vector.load %arg6[%get3A_3557, %get3A_3558] : memref<512x1024xf32, #tpu.memory_space<vmem>>, vector<32x1024xf32>
    %add3A_3560 = arith.addf %add3A_3556, %get3A_3559 : vector<32x1024xf32>
    %get3A_3561 = arith.constant 96 : index
    %get3A_3562 = arith.constant 0 : index
    %get3A_3563 = vector.load %arg6[%get3A_3561, %get3A_3562] : memref<512x1024xf32, #tpu.memory_space<vmem>>, vector<32x1024xf32>
    %add3A_3564 = arith.addf %add3A_3560, %get3A_3563 : vector<32x1024xf32>
    %get3A_3565 = arith.constant 128 : index
    %get3A_3566 = arith.constant 0 : index
    %get3A_3567 = vector.load %arg6[%get3A_3565, %get3A_3566] : memref<512x1024xf32, #tpu.memory_space<vmem>>, vector<32x1024xf32>
    %add3A_3568 = arith.addf %add3A_3564, %get3A_3567 : vector<32x1024xf32>
    %get3A_3569 = arith.constant 160 : index
    %get3A_3570 = arith.constant 0 : index
    %get3A_3571 = vector.load %arg6[%get3A_3569, %get3A_3570] : memref<512x1024xf32, #tpu.memory_space<vmem>>, vector<32x1024xf32>
    %add3A_3572 = arith.addf %add3A_3568, %get3A_3571 : vector<32x1024xf32>
    %get3A_3573 = arith.constant 192 : index
    %get3A_3574 = arith.constant 0 : index
    %get3A_3575 = vector.load %arg6[%get3A_3573, %get3A_3574] : memref<512x1024xf32, #tpu.memory_space<vmem>>, vector<32x1024xf32>
    %add3A_3576 = arith.addf %add3A_3572, %get3A_3575 : vector<32x1024xf32>
    %get3A_3577 = arith.constant 224 : index
    %get3A_3578 = arith.constant 0 : index
    %get3A_3579 = vector.load %arg6[%get3A_3577, %get3A_3578] : memref<512x1024xf32, #tpu.memory_space<vmem>>, vector<32x1024xf32>
    %add3A_3580 = arith.addf %add3A_3576, %get3A_3579 : vector<32x1024xf32>
    %get3A_3581 = arith.constant 256 : index
    %get3A_3582 = arith.constant 0 : index
    %get3A_3583 = vector.load %arg6[%get3A_3581, %get3A_3582] : memref<512x1024xf32, #tpu.memory_space<vmem>>, vector<32x1024xf32>
    %add3A_3584 = arith.addf %add3A_3580, %get3A_3583 : vector<32x1024xf32>
    %get3A_3585 = arith.constant 288 : index
    %get3A_3586 = arith.constant 0 : index
    %get3A_3587 = vector.load %arg6[%get3A_3585, %get3A_3586] : memref<512x1024xf32, #tpu.memory_space<vmem>>, vector<32x1024xf32>
    %add3A_3588 = arith.addf %add3A_3584, %get3A_3587 : vector<32x1024xf32>
    %get3A_3589 = arith.constant 320 : index
    %get3A_3590 = arith.constant 0 : index
    %get3A_3591 = vector.load %arg6[%get3A_3589, %get3A_3590] : memref<512x1024xf32, #tpu.memory_space<vmem>>, vector<32x1024xf32>
    %add3A_3592 = arith.addf %add3A_3588, %get3A_3591 : vector<32x1024xf32>
    %get3A_3593 = arith.constant 352 : index
    %get3A_3594 = arith.constant 0 : index
    %get3A_3595 = vector.load %arg6[%get3A_3593, %get3A_3594] : memref<512x1024xf32, #tpu.memory_space<vmem>>, vector<32x1024xf32>
    %add3A_3596 = arith.addf %add3A_3592, %get3A_3595 : vector<32x1024xf32>
    %get3A_3597 = arith.constant 384 : index
    %get3A_3598 = arith.constant 0 : index
    %get3A_3599 = vector.load %arg6[%get3A_3597, %get3A_3598] : memref<512x1024xf32, #tpu.memory_space<vmem>>, vector<32x1024xf32>
    %add3A_3600 = arith.addf %add3A_3596, %get3A_3599 : vector<32x1024xf32>
    %get3A_3601 = arith.constant 416 : index
    %get3A_3602 = arith.constant 0 : index
    %get3A_3603 = vector.load %arg6[%get3A_3601, %get3A_3602] : memref<512x1024xf32, #tpu.memory_space<vmem>>, vector<32x1024xf32>
    %add3A_3604 = arith.addf %add3A_3600, %get3A_3603 : vector<32x1024xf32>
    %get3A_3605 = arith.constant 448 : index
    %get3A_3606 = arith.constant 0 : index
    %get3A_3607 = vector.load %arg6[%get3A_3605, %get3A_3606] : memref<512x1024xf32, #tpu.memory_space<vmem>>, vector<32x1024xf32>
    %add3A_3608 = arith.addf %add3A_3604, %get3A_3607 : vector<32x1024xf32>
    %get3A_3609 = arith.constant 480 : index
    %get3A_3610 = arith.constant 0 : index
    %get3A_3611 = vector.load %arg6[%get3A_3609, %get3A_3610] : memref<512x1024xf32, #tpu.memory_space<vmem>>, vector<32x1024xf32>
    %add3A_3612 = arith.addf %add3A_3608, %get3A_3611 : vector<32x1024xf32>
    %get3A_3613 = arith.constant 3 : index
    %get3A_3614 = arith.constant 0 : index
    %get3A_3615 = arith.constant 0 : index
    %get3A_3616 = vector.load %arg10[%get3A_3613, %get3A_3614, %get3A_3615] : memref<4x32x1024xf32, #tpu.memory_space<vmem>>, vector<1x32x1024xf32>
    %get3A_3617 = vector.shape_cast %get3A_3616 : vector<1x32x1024xf32> to vector<32x1024xf32>
    %add3A_3618 = arith.addf %get3A_3617, %add3A_3612 : vector<32x1024xf32>
    %swap3A_3619 = arith.constant 3 : index
    %swap3A_3620 = arith.constant 0 : index
    %swap3A_3621 = arith.constant 0 : index
    %swap3A_3622 = vector.load %arg10[%swap3A_3619, %swap3A_3620, %swap3A_3621] : memref<4x32x1024xf32, #tpu.memory_space<vmem>>, vector<1x32x1024xf32>
    %swap3A_3623 = vector.shape_cast %swap3A_3622 : vector<1x32x1024xf32> to vector<32x1024xf32>
    %swap3A_3624 = vector.shape_cast %add3A_3618 : vector<32x1024xf32> to vector<1x32x1024xf32>
    tpu.vector_store %arg10[%swap3A_3619, %swap3A_3620, %swap3A_3621], %swap3A_3624 {strides = array<i32>} : memref<4x32x1024xf32, #tpu.memory_space<vmem>>, vector<1x32x1024xf32>,
    %dma_wait3A_3625 = arith.constant 31232 : i32
    %dma_wait3A_3626 = arith.constant 0 : i32
    %dma_wait3A_3627 = tpu.memref_slice %arg0[%dma_wait3A_3625, %dma_wait3A_3626] : memref<32768x1024xf32, #tpu.memory_space<any>> -> memref<512x1024xf32, #tpu.memory_space<any>>
    tpu.wait_dma2 semaphore(%arg16 : memref<!tpu.dma_semaphore, #tpu.memory_space<semaphore_mem>>) src(%dma_wait3A_3627 : memref<512x1024xf32, #tpu.memory_space<any>>) dst(%arg7 : memref<512x1024xf32, #tpu.memory_space<vmem>>)
    %get3A_3628 = arith.constant 0 : index
    %get3A_3629 = arith.constant 0 : index
    %get3A_3630 = vector.load %arg7[%get3A_3628, %get3A_3629] : memref<512x1024xf32, #tpu.memory_space<vmem>>, vector<32x1024xf32>
    %get3A_3631 = arith.constant 32 : index
    %get3A_3632 = arith.constant 0 : index
    %get3A_3633 = vector.load %arg7[%get3A_3631, %get3A_3632] : memref<512x1024xf32, #tpu.memory_space<vmem>>, vector<32x1024xf32>
    %add3A_3634 = arith.addf %get3A_3630, %get3A_3633 : vector<32x1024xf32>
    %get3A_3635 = arith.constant 64 : index
    %get3A_3636 = arith.constant 0 : index
    %get3A_3637 = vector.load %arg7[%get3A_3635, %get3A_3636] : memref<512x1024xf32, #tpu.memory_space<vmem>>, vector<32x1024xf32>
    %add3A_3638 = arith.addf %add3A_3634, %get3A_3637 : vector<32x1024xf32>
    %get3A_3639 = arith.constant 96 : index
    %get3A_3640 = arith.constant 0 : index
    %get3A_3641 = vector.load %arg7[%get3A_3639, %get3A_3640] : memref<512x1024xf32, #tpu.memory_space<vmem>>, vector<32x1024xf32>
    %add3A_3642 = arith.addf %add3A_3638, %get3A_3641 : vector<32x1024xf32>
    %get3A_3643 = arith.constant 128 : index
    %get3A_3644 = arith.constant 0 : index
    %get3A_3645 = vector.load %arg7[%get3A_3643, %get3A_3644] : memref<512x1024xf32, #tpu.memory_space<vmem>>, vector<32x1024xf32>
    %add3A_3646 = arith.addf %add3A_3642, %get3A_3645 : vector<32x1024xf32>
    %get3A_3647 = arith.constant 160 : index
    %get3A_3648 = arith.constant 0 : index
    %get3A_3649 = vector.load %arg7[%get3A_3647, %get3A_3648] : memref<512x1024xf32, #tpu.memory_space<vmem>>, vector<32x1024xf32>
    %add3A_3650 = arith.addf %add3A_3646, %get3A_3649 : vector<32x1024xf32>
    %get3A_3651 = arith.constant 192 : index
    %get3A_3652 = arith.constant 0 : index
    %get3A_3653 = vector.load %arg7[%get3A_3651, %get3A_3652] : memref<512x1024xf32, #tpu.memory_space<vmem>>, vector<32x1024xf32>
    %add3A_3654 = arith.addf %add3A_3650, %get3A_3653 : vector<32x1024xf32>
    %get3A_3655 = arith.constant 224 : index
    %get3A_3656 = arith.constant 0 : index
    %get3A_3657 = vector.load %arg7[%get3A_3655, %get3A_3656] : memref<512x1024xf32, #tpu.memory_space<vmem>>, vector<32x1024xf32>
    %add3A_3658 = arith.addf %add3A_3654, %get3A_3657 : vector<32x1024xf32>
    %get3A_3659 = arith.constant 256 : index
    %get3A_3660 = arith.constant 0 : index
    %get3A_3661 = vector.load %arg7[%get3A_3659, %get3A_3660] : memref<512x1024xf32, #tpu.memory_space<vmem>>, vector<32x1024xf32>
    %add3A_3662 = arith.addf %add3A_3658, %get3A_3661 : vector<32x1024xf32>
    %get3A_3663 = arith.constant 288 : index
    %get3A_3664 = arith.constant 0 : index
    %get3A_3665 = vector.load %arg7[%get3A_3663, %get3A_3664] : memref<512x1024xf32, #tpu.memory_space<vmem>>, vector<32x1024xf32>
    %add3A_3666 = arith.addf %add3A_3662, %get3A_3665 : vector<32x1024xf32>
    %get3A_3667 = arith.constant 320 : index
    %get3A_3668 = arith.constant 0 : index
    %get3A_3669 = vector.load %arg7[%get3A_3667, %get3A_3668] : memref<512x1024xf32, #tpu.memory_space<vmem>>, vector<32x1024xf32>
    %add3A_3670 = arith.addf %add3A_3666, %get3A_3669 : vector<32x1024xf32>
    %get3A_3671 = arith.constant 352 : index
    %get3A_3672 = arith.constant 0 : index
    %get3A_3673 = vector.load %arg7[%get3A_3671, %get3A_3672] : memref<512x1024xf32, #tpu.memory_space<vmem>>, vector<32x1024xf32>
    %add3A_3674 = arith.addf %add3A_3670, %get3A_3673 : vector<32x1024xf32>
    %get3A_3675 = arith.constant 384 : index
    %get3A_3676 = arith.constant 0 : index
    %get3A_3677 = vector.load %arg7[%get3A_3675, %get3A_3676] : memref<512x1024xf32, #tpu.memory_space<vmem>>, vector<32x1024xf32>
    %add3A_3678 = arith.addf %add3A_3674, %get3A_3677 : vector<32x1024xf32>
    %get3A_3679 = arith.constant 416 : index
    %get3A_3680 = arith.constant 0 : index
    %get3A_3681 = vector.load %arg7[%get3A_3679, %get3A_3680] : memref<512x1024xf32, #tpu.memory_space<vmem>>, vector<32x1024xf32>
    %add3A_3682 = arith.addf %add3A_3678, %get3A_3681 : vector<32x1024xf32>
    %get3A_3683 = arith.constant 448 : index
    %get3A_3684 = arith.constant 0 : index
    %get3A_3685 = vector.load %arg7[%get3A_3683, %get3A_3684] : memref<512x1024xf32, #tpu.memory_space<vmem>>, vector<32x1024xf32>
    %add3A_3686 = arith.addf %add3A_3682, %get3A_3685 : vector<32x1024xf32>
    %get3A_3687 = arith.constant 480 : index
    %get3A_3688 = arith.constant 0 : index
    %get3A_3689 = vector.load %arg7[%get3A_3687, %get3A_3688] : memref<512x1024xf32, #tpu.memory_space<vmem>>, vector<32x1024xf32>
    %add3A_3690 = arith.addf %add3A_3686, %get3A_3689 : vector<32x1024xf32>
    %get3A_3691 = arith.constant 3 : index
    %get3A_3692 = arith.constant 0 : index
    %get3A_3693 = arith.constant 0 : index
    %get3A_3694 = vector.load %arg10[%get3A_3691, %get3A_3692, %get3A_3693] : memref<4x32x1024xf32, #tpu.memory_space<vmem>>, vector<1x32x1024xf32>
    %get3A_3695 = vector.shape_cast %get3A_3694 : vector<1x32x1024xf32> to vector<32x1024xf32>
    %add3A_3696 = arith.addf %get3A_3695, %add3A_3690 : vector<32x1024xf32>
    %swap3A_3697 = arith.constant 3 : index
    %swap3A_3698 = arith.constant 0 : index
    %swap3A_3699 = arith.constant 0 : index
    %swap3A_3700 = vector.load %arg10[%swap3A_3697, %swap3A_3698, %swap3A_3699] : memref<4x32x1024xf32, #tpu.memory_space<vmem>>, vector<1x32x1024xf32>
    %swap3A_3701 = vector.shape_cast %swap3A_3700 : vector<1x32x1024xf32> to vector<32x1024xf32>
    %swap3A_3702 = vector.shape_cast %add3A_3696 : vector<32x1024xf32> to vector<1x32x1024xf32>
    tpu.vector_store %arg10[%swap3A_3697, %swap3A_3698, %swap3A_3699], %swap3A_3702 {strides = array<i32>} : memref<4x32x1024xf32, #tpu.memory_space<vmem>>, vector<1x32x1024xf32>,
    %dma_wait3A_3703 = arith.constant 31744 : i32
    %dma_wait3A_3704 = arith.constant 0 : i32
    %dma_wait3A_3705 = tpu.memref_slice %arg0[%dma_wait3A_3703, %dma_wait3A_3704] : memref<32768x1024xf32, #tpu.memory_space<any>> -> memref<512x1024xf32, #tpu.memory_space<any>>
    tpu.wait_dma2 semaphore(%arg17 : memref<!tpu.dma_semaphore, #tpu.memory_space<semaphore_mem>>) src(%dma_wait3A_3705 : memref<512x1024xf32, #tpu.memory_space<any>>) dst(%arg8 : memref<512x1024xf32, #tpu.memory_space<vmem>>)
    %get3A_3706 = arith.constant 0 : index
    %get3A_3707 = arith.constant 0 : index
    %get3A_3708 = vector.load %arg8[%get3A_3706, %get3A_3707] : memref<512x1024xf32, #tpu.memory_space<vmem>>, vector<32x1024xf32>
    %get3A_3709 = arith.constant 32 : index
    %get3A_3710 = arith.constant 0 : index
    %get3A_3711 = vector.load %arg8[%get3A_3709, %get3A_3710] : memref<512x1024xf32, #tpu.memory_space<vmem>>, vector<32x1024xf32>
    %add3A_3712 = arith.addf %get3A_3708, %get3A_3711 : vector<32x1024xf32>
    %get3A_3713 = arith.constant 64 : index
    %get3A_3714 = arith.constant 0 : index
    %get3A_3715 = vector.load %arg8[%get3A_3713, %get3A_3714] : memref<512x1024xf32, #tpu.memory_space<vmem>>, vector<32x1024xf32>
    %add3A_3716 = arith.addf %add3A_3712, %get3A_3715 : vector<32x1024xf32>
    %get3A_3717 = arith.constant 96 : index
    %get3A_3718 = arith.constant 0 : index
    %get3A_3719 = vector.load %arg8[%get3A_3717, %get3A_3718] : memref<512x1024xf32, #tpu.memory_space<vmem>>, vector<32x1024xf32>
    %add3A_3720 = arith.addf %add3A_3716, %get3A_3719 : vector<32x1024xf32>
    %get3A_3721 = arith.constant 128 : index
    %get3A_3722 = arith.constant 0 : index
    %get3A_3723 = vector.load %arg8[%get3A_3721, %get3A_3722] : memref<512x1024xf32, #tpu.memory_space<vmem>>, vector<32x1024xf32>
    %add3A_3724 = arith.addf %add3A_3720, %get3A_3723 : vector<32x1024xf32>
    %get3A_3725 = arith.constant 160 : index
    %get3A_3726 = arith.constant 0 : index
    %get3A_3727 = vector.load %arg8[%get3A_3725, %get3A_3726] : memref<512x1024xf32, #tpu.memory_space<vmem>>, vector<32x1024xf32>
    %add3A_3728 = arith.addf %add3A_3724, %get3A_3727 : vector<32x1024xf32>
    %get3A_3729 = arith.constant 192 : index
    %get3A_3730 = arith.constant 0 : index
    %get3A_3731 = vector.load %arg8[%get3A_3729, %get3A_3730] : memref<512x1024xf32, #tpu.memory_space<vmem>>, vector<32x1024xf32>
    %add3A_3732 = arith.addf %add3A_3728, %get3A_3731 : vector<32x1024xf32>
    %get3A_3733 = arith.constant 224 : index
    %get3A_3734 = arith.constant 0 : index
    %get3A_3735 = vector.load %arg8[%get3A_3733, %get3A_3734] : memref<512x1024xf32, #tpu.memory_space<vmem>>, vector<32x1024xf32>
    %add3A_3736 = arith.addf %add3A_3732, %get3A_3735 : vector<32x1024xf32>
    %get3A_3737 = arith.constant 256 : index
    %get3A_3738 = arith.constant 0 : index
    %get3A_3739 = vector.load %arg8[%get3A_3737, %get3A_3738] : memref<512x1024xf32, #tpu.memory_space<vmem>>, vector<32x1024xf32>
    %add3A_3740 = arith.addf %add3A_3736, %get3A_3739 : vector<32x1024xf32>
    %get3A_3741 = arith.constant 288 : index
    %get3A_3742 = arith.constant 0 : index
    %get3A_3743 = vector.load %arg8[%get3A_3741, %get3A_3742] : memref<512x1024xf32, #tpu.memory_space<vmem>>, vector<32x1024xf32>
    %add3A_3744 = arith.addf %add3A_3740, %get3A_3743 : vector<32x1024xf32>
    %get3A_3745 = arith.constant 320 : index
    %get3A_3746 = arith.constant 0 : index
    %get3A_3747 = vector.load %arg8[%get3A_3745, %get3A_3746] : memref<512x1024xf32, #tpu.memory_space<vmem>>, vector<32x1024xf32>
    %add3A_3748 = arith.addf %add3A_3744, %get3A_3747 : vector<32x1024xf32>
    %get3A_3749 = arith.constant 352 : index
    %get3A_3750 = arith.constant 0 : index
    %get3A_3751 = vector.load %arg8[%get3A_3749, %get3A_3750] : memref<512x1024xf32, #tpu.memory_space<vmem>>, vector<32x1024xf32>
    %add3A_3752 = arith.addf %add3A_3748, %get3A_3751 : vector<32x1024xf32>
    %get3A_3753 = arith.constant 384 : index
    %get3A_3754 = arith.constant 0 : index
    %get3A_3755 = vector.load %arg8[%get3A_3753, %get3A_3754] : memref<512x1024xf32, #tpu.memory_space<vmem>>, vector<32x1024xf32>
    %add3A_3756 = arith.addf %add3A_3752, %get3A_3755 : vector<32x1024xf32>
    %get3A_3757 = arith.constant 416 : index
    %get3A_3758 = arith.constant 0 : index
    %get3A_3759 = vector.load %arg8[%get3A_3757, %get3A_3758] : memref<512x1024xf32, #tpu.memory_space<vmem>>, vector<32x1024xf32>
    %add3A_3760 = arith.addf %add3A_3756, %get3A_3759 : vector<32x1024xf32>
    %get3A_3761 = arith.constant 448 : index
    %get3A_3762 = arith.constant 0 : index
    %get3A_3763 = vector.load %arg8[%get3A_3761, %get3A_3762] : memref<512x1024xf32, #tpu.memory_space<vmem>>, vector<32x1024xf32>
    %add3A_3764 = arith.addf %add3A_3760, %get3A_3763 : vector<32x1024xf32>
    %get3A_3765 = arith.constant 480 : index
    %get3A_3766 = arith.constant 0 : index
    %get3A_3767 = vector.load %arg8[%get3A_3765, %get3A_3766] : memref<512x1024xf32, #tpu.memory_space<vmem>>, vector<32x1024xf32>
    %add3A_3768 = arith.addf %add3A_3764, %get3A_3767 : vector<32x1024xf32>
    %get3A_3769 = arith.constant 3 : index
    %get3A_3770 = arith.constant 0 : index
    %get3A_3771 = arith.constant 0 : index
    %get3A_3772 = vector.load %arg10[%get3A_3769, %get3A_3770, %get3A_3771] : memref<4x32x1024xf32, #tpu.memory_space<vmem>>, vector<1x32x1024xf32>
    %get3A_3773 = vector.shape_cast %get3A_3772 : vector<1x32x1024xf32> to vector<32x1024xf32>
    %add3A_3774 = arith.addf %get3A_3773, %add3A_3768 : vector<32x1024xf32>
    %swap3A_3775 = arith.constant 3 : index
    %swap3A_3776 = arith.constant 0 : index
    %swap3A_3777 = arith.constant 0 : index
    %swap3A_3778 = vector.load %arg10[%swap3A_3775, %swap3A_3776, %swap3A_3777] : memref<4x32x1024xf32, #tpu.memory_space<vmem>>, vector<1x32x1024xf32>
    %swap3A_3779 = vector.shape_cast %swap3A_3778 : vector<1x32x1024xf32> to vector<32x1024xf32>
    %swap3A_3780 = vector.shape_cast %add3A_3774 : vector<32x1024xf32> to vector<1x32x1024xf32>
    tpu.vector_store %arg10[%swap3A_3775, %swap3A_3776, %swap3A_3777], %swap3A_3780 {strides = array<i32>} : memref<4x32x1024xf32, #tpu.memory_space<vmem>>, vector<1x32x1024xf32>,
    %dma_wait3A_3781 = arith.constant 32256 : i32
    %dma_wait3A_3782 = arith.constant 0 : i32
    %dma_wait3A_3783 = tpu.memref_slice %arg0[%dma_wait3A_3781, %dma_wait3A_3782] : memref<32768x1024xf32, #tpu.memory_space<any>> -> memref<512x1024xf32, #tpu.memory_space<any>>
    tpu.wait_dma2 semaphore(%arg18 : memref<!tpu.dma_semaphore, #tpu.memory_space<semaphore_mem>>) src(%dma_wait3A_3783 : memref<512x1024xf32, #tpu.memory_space<any>>) dst(%arg9 : memref<512x1024xf32, #tpu.memory_space<vmem>>)
    %get3A_3784 = arith.constant 0 : index
    %get3A_3785 = arith.constant 0 : index
    %get3A_3786 = vector.load %arg9[%get3A_3784, %get3A_3785] : memref<512x1024xf32, #tpu.memory_space<vmem>>, vector<32x1024xf32>
    %get3A_3787 = arith.constant 32 : index
    %get3A_3788 = arith.constant 0 : index
    %get3A_3789 = vector.load %arg9[%get3A_3787, %get3A_3788] : memref<512x1024xf32, #tpu.memory_space<vmem>>, vector<32x1024xf32>
    %add3A_3790 = arith.addf %get3A_3786, %get3A_3789 : vector<32x1024xf32>
    %get3A_3791 = arith.constant 64 : index
    %get3A_3792 = arith.constant 0 : index
    %get3A_3793 = vector.load %arg9[%get3A_3791, %get3A_3792] : memref<512x1024xf32, #tpu.memory_space<vmem>>, vector<32x1024xf32>
    %add3A_3794 = arith.addf %add3A_3790, %get3A_3793 : vector<32x1024xf32>
    %get3A_3795 = arith.constant 96 : index
    %get3A_3796 = arith.constant 0 : index
    %get3A_3797 = vector.load %arg9[%get3A_3795, %get3A_3796] : memref<512x1024xf32, #tpu.memory_space<vmem>>, vector<32x1024xf32>
    %add3A_3798 = arith.addf %add3A_3794, %get3A_3797 : vector<32x1024xf32>
    %get3A_3799 = arith.constant 128 : index
    %get3A_3800 = arith.constant 0 : index
    %get3A_3801 = vector.load %arg9[%get3A_3799, %get3A_3800] : memref<512x1024xf32, #tpu.memory_space<vmem>>, vector<32x1024xf32>
    %add3A_3802 = arith.addf %add3A_3798, %get3A_3801 : vector<32x1024xf32>
    %get3A_3803 = arith.constant 160 : index
    %get3A_3804 = arith.constant 0 : index
    %get3A_3805 = vector.load %arg9[%get3A_3803, %get3A_3804] : memref<512x1024xf32, #tpu.memory_space<vmem>>, vector<32x1024xf32>
    %add3A_3806 = arith.addf %add3A_3802, %get3A_3805 : vector<32x1024xf32>
    %get3A_3807 = arith.constant 192 : index
    %get3A_3808 = arith.constant 0 : index
    %get3A_3809 = vector.load %arg9[%get3A_3807, %get3A_3808] : memref<512x1024xf32, #tpu.memory_space<vmem>>, vector<32x1024xf32>
    %add3A_3810 = arith.addf %add3A_3806, %get3A_3809 : vector<32x1024xf32>
    %get3A_3811 = arith.constant 224 : index
    %get3A_3812 = arith.constant 0 : index
    %get3A_3813 = vector.load %arg9[%get3A_3811, %get3A_3812] : memref<512x1024xf32, #tpu.memory_space<vmem>>, vector<32x1024xf32>
    %add3A_3814 = arith.addf %add3A_3810, %get3A_3813 : vector<32x1024xf32>
    %get3A_3815 = arith.constant 256 : index
    %get3A_3816 = arith.constant 0 : index
    %get3A_3817 = vector.load %arg9[%get3A_3815, %get3A_3816] : memref<512x1024xf32, #tpu.memory_space<vmem>>, vector<32x1024xf32>
    %add3A_3818 = arith.addf %add3A_3814, %get3A_3817 : vector<32x1024xf32>
    %get3A_3819 = arith.constant 288 : index
    %get3A_3820 = arith.constant 0 : index
    %get3A_3821 = vector.load %arg9[%get3A_3819, %get3A_3820] : memref<512x1024xf32, #tpu.memory_space<vmem>>, vector<32x1024xf32>
    %add3A_3822 = arith.addf %add3A_3818, %get3A_3821 : vector<32x1024xf32>
    %get3A_3823 = arith.constant 320 : index
    %get3A_3824 = arith.constant 0 : index
    %get3A_3825 = vector.load %arg9[%get3A_3823, %get3A_3824] : memref<512x1024xf32, #tpu.memory_space<vmem>>, vector<32x1024xf32>
    %add3A_3826 = arith.addf %add3A_3822, %get3A_3825 : vector<32x1024xf32>
    %get3A_3827 = arith.constant 352 : index
    %get3A_3828 = arith.constant 0 : index
    %get3A_3829 = vector.load %arg9[%get3A_3827, %get3A_3828] : memref<512x1024xf32, #tpu.memory_space<vmem>>, vector<32x1024xf32>
    %add3A_3830 = arith.addf %add3A_3826, %get3A_3829 : vector<32x1024xf32>
    %get3A_3831 = arith.constant 384 : index
    %get3A_3832 = arith.constant 0 : index
    %get3A_3833 = vector.load %arg9[%get3A_3831, %get3A_3832] : memref<512x1024xf32, #tpu.memory_space<vmem>>, vector<32x1024xf32>
    %add3A_3834 = arith.addf %add3A_3830, %get3A_3833 : vector<32x1024xf32>
    %get3A_3835 = arith.constant 416 : index
    %get3A_3836 = arith.constant 0 : index
    %get3A_3837 = vector.load %arg9[%get3A_3835, %get3A_3836] : memref<512x1024xf32, #tpu.memory_space<vmem>>, vector<32x1024xf32>
    %add3A_3838 = arith.addf %add3A_3834, %get3A_3837 : vector<32x1024xf32>
    %get3A_3839 = arith.constant 448 : index
    %get3A_3840 = arith.constant 0 : index
    %get3A_3841 = vector.load %arg9[%get3A_3839, %get3A_3840] : memref<512x1024xf32, #tpu.memory_space<vmem>>, vector<32x1024xf32>
    %add3A_3842 = arith.addf %add3A_3838, %get3A_3841 : vector<32x1024xf32>
    %get3A_3843 = arith.constant 480 : index
    %get3A_3844 = arith.constant 0 : index
    %get3A_3845 = vector.load %arg9[%get3A_3843, %get3A_3844] : memref<512x1024xf32, #tpu.memory_space<vmem>>, vector<32x1024xf32>
    %add3A_3846 = arith.addf %add3A_3842, %get3A_3845 : vector<32x1024xf32>
    %get3A_3847 = arith.constant 3 : index
    %get3A_3848 = arith.constant 0 : index
    %get3A_3849 = arith.constant 0 : index
    %get3A_3850 = vector.load %arg10[%get3A_3847, %get3A_3848, %get3A_3849] : memref<4x32x1024xf32, #tpu.memory_space<vmem>>, vector<1x32x1024xf32>
    %get3A_3851 = vector.shape_cast %get3A_3850 : vector<1x32x1024xf32> to vector<32x1024xf32>
    %add3A_3852 = arith.addf %get3A_3851, %add3A_3846 : vector<32x1024xf32>
    %swap3A_3853 = arith.constant 3 : index
    %swap3A_3854 = arith.constant 0 : index
    %swap3A_3855 = arith.constant 0 : index
    %swap3A_3856 = vector.load %arg10[%swap3A_3853, %swap3A_3854, %swap3A_3855] : memref<4x32x1024xf32, #tpu.memory_space<vmem>>, vector<1x32x1024xf32>
    %swap3A_3857 = vector.shape_cast %swap3A_3856 : vector<1x32x1024xf32> to vector<32x1024xf32>
    %swap3A_3858 = vector.shape_cast %add3A_3852 : vector<32x1024xf32> to vector<1x32x1024xf32>
    tpu.vector_store %arg10[%swap3A_3853, %swap3A_3854, %swap3A_3855], %swap3A_3858 {strides = array<i32>} : memref<4x32x1024xf32, #tpu.memory_space<vmem>>, vector<1x32x1024xf32>,
    %get3A_3859 = arith.constant 0 : index
    %get3A_3860 = arith.constant 0 : index
    %get3A_3861 = arith.constant 0 : index
    %get3A_3862 = vector.load %arg10[%get3A_3859, %get3A_3860, %get3A_3861] : memref<4x32x1024xf32, #tpu.memory_space<vmem>>, vector<4x32x1024xf32>
    %reduce_sum3A = arith.constant dense<0.000000e+00> : vector<4x1024xf32>
    %reduce_sum3A_3863 = vector.multi_reduction <add>, %get3A_3862, %reduce_sum3A [1] : vector<4x32x1024xf32> to vector<4x1024xf32>
    %swap3A_3864 = arith.constant 0 : index
    %swap3A_3865 = arith.constant 0 : index
    %swap3A_3866 = vector.load %arg1[%swap3A_3864, %swap3A_3865] : memref<4x1024xf32, #tpu.memory_space<vmem>>, vector<4x1024xf32>
    tpu.vector_store %arg1[%swap3A_3864, %swap3A_3865], %reduce_sum3A_3863 {strides = array<i32>} : memref<4x1024xf32, #tpu.memory_space<vmem>>, vector<4x1024xf32>,
    return
  }
}

</mosaic_0001>

<sc_bundles>
// kernel: kernel.5.cloned.1.call-start
scs
__scs_entry_jumppad:
0x0: {  	(pc) =	sbr.rel $0x88, $3  }
0x1: {  	(tag) =	ssettag $0x0;
	lr =	simm.s32 $0x1  }
0x2: {  	[smem:$0x3F9E] =	sst lr;
	_ =	strace $0xD0000000  }
0x3: {  	_ = 	snop  }
0x4: {  	_ = 	snop  }
0x5: {  	_ = 	snop  }
0x6: {  	_ = 	snop  }
0x7: {  	_ = 	snop  }
__scs_overlays_trampoline_lowered:
0x8: {  	[smem:$0x3FAD] =	sst s0  }
0x9: {  	[smem:$0x3FAE] =	sst s1  }
0xa: {  	[smem:$0x3FAF] =	sst s2  }
0xb: {  	[smem:$0x3FB0] =	sst s3  }
0xc: {  	[smem:$0x3FB1] =	sst s4  }
0xd: {  	[smem:$0x3FB2] =	sst s5  }
0xe: {  	[smem:$0x3FB3] =	sst s6  }
0xf: {  	[smem:$0x3FB4] =	sst s7  }
0x10: {  	[smem:$0x3FB5] =	sst s8  }
0x11: {  	[smem:$0x3FB6] =	sst s9;
	s0 =	simm.s32 @!p0 $0x0  }
0x12: {  	s1 =	sld [smem:$0x3F9C];
	s0 =	simm.s32 @p0 $0x1  }
0x13: {  	[smem:$0x3FB7] =	sst s0;
	s0 =	simm.s32 @!p1 $0x0  }
0x14: {  	s2 =	sld [smem:$0x3F9B];
	s0 =	simm.s32 @p1 $0x1  }
0x15: {  	[smem:$0x3FB8] =	sst s0;
	s0 =	simm.s32 @!p2 $0x0  }
0x16: {  	s3 =	sld [smem:$0x3FDB];
	s0 =	simm.s32 @p2 $0x1  }
0x17: {  	s4 =	simm.s32 $0x1BF5;
	[smem:$0x3FBA] =	sst s0  }
0x18: {  	s0 =	sld [smem:$0x3F9D];
	_ =	swait.ge [sflag:s4], $0x0  }
0x19: {  	s7 =	sld [smem:$0x3F9E]  }
0x1a: {  	s8 =	sadd.s32 $0xFFFFE003, lr  }
0x1b: {  	s9 =	sadd.s32 $0xFFFFFEF7, lr;
	s5 =	simm.s32 $0xFFFFFFFF;
	p2 =	slt.u32 s8, $0xFFFFF086  }
0x1c: {  	p1 =	slt.u32 s9, $0xF7A;
	s5 =	simm.s32 @!p2 $0x0  }
0x1d: {  	s5 =	simm.s32 @p1 $0x1;
	p0 =	seq.s32 s7, s2  }
0x1e: {  	s7 =	smul.u32 @!p0 $0xF7A, s2;
	p2 =	seq.s32 @!p0 s5, $0x0  }
0x1f: {  	s9 =	smul.u32 $0xF7A, s1;
	s8 =	simm.s32 @!p0 $0x1BF5;
	p2 =	por !p2, p0  }
0x20: {  	[sflag:s8] =	ssyncset.s32 @!p0 $0xFFFFF086;
	s6 =	sadd.s32 @!p0 s3, s7;
	s7 =	simm.s32 @!p0 $0x108  }
0x21: {  	s3 =	sadd.s32 s3, s9;
	s6 =	sadd.s32 @!p0 $0x88, s6;
	s7 =	simm.s32 @p2 $0x1082  }
0x22: {  	[simem:s7], [sflag:s8] =	dma.local @!p0 [hbm:s6], $0xF7A  }
0x23: {  	s9 =	sor.u32 $0xD0000000, s2;
	s6 =	simm.s32 $0x108;
	_ =	swait.ge @!p0 [sflag:s8], $0x0  }
0x24: {  	s3 =	sadd.s32 $0x88, s3;
	s6 =	simm.s32 @!p1 $0x1082;
	[sflag:s4] =	ssyncset.s32 $0xFFFFF086  }
0x25: {  	[simem:s6], [sflag:s4] =	dma.local [hbm:s3], $0xF7A  }
0x26: {  	[smem:$0x3F9E] =	sst s1;
	(tag) =	ssettag s2;
	_ =	strace s9  }
0x27: {  	s1 =	sld [smem:$0x3FAE]  }
0x28: {  	s2 =	sld [smem:$0x3FAF]  }
0x29: {  	s4 =	sld [smem:$0x3FB1]  }
0x2a: {  	p0 =	seq.s32 s5, $0x0;
	s5 =	sld [smem:$0x3FB2]  }
0x2b: {  	s6 =	sld [smem:$0x3FB3]  }
0x2c: {  	s7 =	sld [smem:$0x3FB4]  }
0x2d: {  	s3 =	simm.s32 $0x108;
	s8 =	sld [smem:$0x3FB5]  }
0x2e: {  	s3 =	simm.s32 @!p0 $0x1082;
	s9 =	sld [smem:$0x3FB6]  }
0x2f: {  	lr =	sadd.s32 s0, s3;
	s0 =	sld [smem:$0x3FAD]  }
0x30: {  	s3 =	sld [smem:$0x3FB0]  }
0x31: {  	[smem:$0x3FB9] =	sst s10  }
0x32: {  	s10 =	sld [smem:$0x3FB7];
	_ =	sdelay $0x3  }
0x33: {  	p0 =	seq.s32 s10, $0x1;
	s10 =	sld [smem:$0x3FB9];
	_ =	sdelay $0x3  }
0x34: {  	[smem:$0x3FB9] =	sst s10  }
0x35: {  	s10 =	sld [smem:$0x3FB8];
	_ =	sdelay $0x3  }
0x36: {  	p1 =	seq.s32 s10, $0x1;
	s10 =	sld [smem:$0x3FB9];
	_ =	sdelay $0x3  }
0x37: {  	[smem:$0x3FB9] =	sst s10  }
0x38: {  	s10 =	sld [smem:$0x3FBA]  }
0x39: {  	_ = 	snop;
	(pc) =	sbr.ind lr, $3  }
0x3a: {  	_ = 	snop  }
0x3b: {  	_ = 	snop  }
0x3c: {  	p2 =	seq.s32 s10, $0x1;
	s10 =	sld [smem:$0x3FB9]  }
0x3d: {  	_ =	shalt  }
0x3e: {  	_ =	shalt  }
0x3f: {  	_ =	shalt  }
0x40: {  	_ =	shalt  }
0x41: {  	_ =	shalt  }
0x42: {  	_ =	shalt  }
0x43: {  	_ =	shalt  }
0x44: {  	_ =	shalt  }
0x45: {  	_ =	shalt  }
0x46: {  	_ =	shalt  }
0x47: {  	_ =	shalt  }
0x48: {  	_ =	shalt  }
0x49: {  	_ =	shalt  }
0x4a: {  	_ =	shalt  }
0x4b: {  	_ =	shalt  }
0x4c: {  	_ =	shalt  }
0x4d: {  	_ =	shalt  }
0x4e: {  	_ =	shalt  }
0x4f: {  	_ =	shalt  }
0x50: {  	_ =	shalt  }
0x51: {  	_ =	shalt  }
0x52: {  	_ =	shalt  }
0x53: {  	_ =	shalt  }
0x54: {  	_ =	shalt  }
0x55: {  	_ =	shalt  }
0x56: {  	_ =	shalt  }
0x57: {  	_ =	shalt  }
0x58: {  	_ =	shalt  }
0x59: {  	_ =	shalt  }
0x5a: {  	_ =	shalt  }
0x5b: {  	_ =	shalt  }
0x5c: {  	_ =	shalt  }
0x5d: {  	_ =	shalt  }
0x5e: {  	_ =	shalt  }
0x5f: {  	_ =	shalt  }
0x60: {  	_ =	shalt  }
0x61: {  	_ =	shalt  }
0x62: {  	_ =	shalt  }
0x63: {  	_ =	shalt  }
0x64: {  	_ =	shalt  }
0x65: {  	_ =	shalt  }
0x66: {  	_ =	shalt  }
0x67: {  	_ =	shalt  }
0x68: {  	_ =	shalt  }
0x69: {  	_ =	shalt  }
0x6a: {  	_ =	shalt  }
0x6b: {  	_ =	shalt  }
0x6c: {  	_ =	shalt  }
0x6d: {  	_ =	shalt  }
0x6e: {  	_ =	shalt  }
0x6f: {  	_ =	shalt  }
0x70: {  	_ =	shalt  }
0x71: {  	_ =	shalt  }
0x72: {  	_ =	shalt  }
0x73: {  	_ =	shalt  }
0x74: {  	_ =	shalt  }
0x75: {  	_ =	shalt  }
0x76: {  	_ =	shalt  }
0x77: {  	_ =	shalt  }
0x78: {  	_ =	shalt  }
0x79: {  	_ =	shalt  }
0x7a: {  	_ =	shalt  }
0x7b: {  	_ =	shalt  }
0x7c: {  	_ =	shalt  }
0x7d: {  	_ =	shalt  }
0x7e: {  	_ =	shalt  }
0x7f: {  	_ =	shalt  }
0x80: {  	_ =	shalt  }
0x81: {  	_ =	shalt  }
0x82: {  	_ =	shalt  }
0x83: {  	_ =	shalt  }
0x84: {  	_ =	shalt  }
0x85: {  	_ =	shalt  }
0x86: {  	_ =	shalt  }
0x87: {  	_ =	shalt  }
.Lfunc_end0:
.L_simem_size_0:
called_computation_lowered:
.L_overlay_start_0:
0x88: {  	s2 =	sld [smem:$0x3FD9]  }
0x89: {  	s3 =	sld [smem:$0x3FFE];
	_ =	sdelay $0x1  }
0x8a: {  	s1 =	srdreg.scid  }
0x8b: {  	s0 =	sand.u32 $0x1, s1  }
0x8c: {  	s17 =	sshll.u32 s0, $0xA;
	s2 =	sadd.s32 s3, s2  }
0x8d: {  	s2 =	sadd.s32 s2, s17  }
0x8e: {  	[smem:$0x3FC5] =	sst s2  }
0x8f: {  	_ = 	snop  }
0x90: {  	s2 =	sld [smem:$0x3FC9];
	(tm) =	ssettm $0x1  }
0x91: {  	s18 =	sld [smem:$0x3FFB];
	_ =	sdelay $0x3  }
0x92: {  	_ =	strace s18  }
0x93: {  	s3 =	sld [smem:$0x3FFC];
	_ =	sdelay $0x3  }
0x94: {  	_ =	strace s3  }
0x95: {  	s3 =	sld [smem:$0x3FFD];
	_ =	sdelay $0x3  }
0x96: {  	_ =	strace s3  }
0x97: {  	_ =	strace $0x8FFFFFFF  }
0x98: {  	s19 =	sld [smem:$0x3FDB];
	_ =	sdelay $0x1  }
0x99: {  	s4 =	simm.s32 $_scs_section_size  }
0x9a: {  	s5 =	simm.s32 $_size__tile_overlayer_lowered;
	s6 =	simm.s32 $_tile_overlayer_lowered  }
0x9b: {  	s22 =	simm.s32 $0x1BFF;
	s21 =	sshll.u32 s6, $0x1;
	s3 =	sadd.s32 s4, s19  }
0x9c: {  	s7 =	simm.s32 $0x0;
	s20 =	sshll.u32 s5, $0x1;
	s5 =	sadd.s32 s21, s3  }
0x9d: {  	[timem:s7], [sflag:s22] =	dma.local [hbm:s5], s20  }
0x9e: {  	_ =	swait.ge [sflag:s22], s20  }
0x9f: {  	s4 =	ssub.s32 $0x0, s20;
	[sflag:s22] =	ssyncset.done $0x0  }
0xa0: {  	[sflag:s22] =	ssyncadd.s32 s4;
	_ =	sdelay $0x1  }
0xa1: {  	s23 =	simm.s32 $0x1B8B  }
0xa2: {  	_ =	swait.ge [sflag:s23], $0x1  }
0xa3: {  	[sflag:s23] =	ssyncset.done $0x0  }
0xa4: {  	s25 =	simm.s32 $0x1B8E;
	s24 =	sld [smem:$0x3FFE];
	[sflag:s23] =	ssyncadd.s32 $0xFFFFFFFF  }
0xa5: {  	s26 =	simm.s32 $execute0_lowered;
	[smem:$0x3FD2] =	sst s25  }
0xa6: {  	s5 =	sshll.u32 s26, $0x1;
	_ =	strace $0x80000046;
	[dreg:$0x1] =	wrdreg $0xFFFFFFFF  }
0xa7: {  	s28 =	simm.s32 $_size_execute0_lowered;
	s3 =	sadd.s32 s3, s5;
	[dreg:$0x0] =	wrdreg $0x0  }
0xa8: {  	s5 =	sshll.u32 s28, $0x1;
	[dreg:$0x2] =	wrdreg s3  }
0xa9: {  	[dreg:$0x3] =	wrdreg s5  }
0xaa: {  	[dreg:$0x4] =	wrdreg $0xC0  }
0xab: {  	_ =	task [dreg:s7], $0x5FFFF  }
0xac: {  	[dreg:$0x1] =	wrdreg $0xFFFFFFFF  }
0xad: {  	[dreg:$0x0] =	wrdreg $0x60  }
0xae: {  	[dreg:$0x2] =	wrdreg s2  }
0xaf: {  	[dreg:$0x3] =	wrdreg s24  }
0xb0: {  	[dreg:$0x4] =	wrdreg $0x9  }
0xb1: {  	_ =	task.clear_ibuf [dreg:s7], $0x5FFFF;
	_ =	strace $0x90000046  }
0xb2: {  	s29 =	simm.s32 $0x9;
	_ =	strace $0x80000048  }
0xb3: {  	_ =	swait.ge [sflag:s29], $0x1  }
0xb4: {  	[sflag:s29] =	ssyncadd.s32 $0xFFFFFFFF  }
0xb5: {  	_ =	strace $0x90000048  }
0xb6: {  	_ =	sfence  }
0xb7: {  	s30 =	sld [smem:$0x0];
	_ =	sdelay $0x2  }
0xb8: {  	s31 =	sshll.u32 s1, $0xD;
	s1 =	sshrl.u32 s1, $0x2  }
0xb9: {  	s3 =	sand.u32 $0x4000, s31;
	s1 =	sadd.s32 s1, s30  }
0xba: {  	s0 =	sor.u32 s3, s0;
	s1 =	sshll.u32 s1, $0x11  }
0xbb: {  	s0 =	sor.u32 s1, s0  }
0xbc: {  	s0 =	sadd.s32 $0x8F2B, s0  }
0xbd: {  	[sflag:s0] =	ssyncadd.remote.s32 $0x1  }
0xbe: {  	_ =	sfence.sel $0xFFFF  }
0xbf: {  	[dreg:$0x0] =	wrdreg $0xFFFFFFFF;
	(pc) =	sbr.abs _section_cstart, $3  }
0xc0: {  	[dreg:$0x1] =	wrdreg $0xFFFFFFFF  }
0xc1: {  	_ =	task.clear_ibuf [dreg:s7], $0x2FFFF;
	_ =	strace $0x9FFFFFFF  }
0xc2: {  	(tm) =	ssettm $0x7FFFFFFF  }
0xc3: {  	_ =	shalt  }
tec
execute0_lowered:
.L_overlay_start_1:
0x0: {  	(tag) =	ssettag $0x1  }
0x1: {  	s3 =	rddreg [dreg:$0x0]  }
0x2: {  	s4 =	rddreg [dreg:$0x1]  }
0x3: {  	s0 =	rddreg [dreg:$0x2]  }
0x4: {  	s2 =	simm.s32 $0x0;
	s5 =	srdreg.scid;
	s1 =	stileid.u32  }
0x5: {  	s9 =	simm.s32 $0x8000;
	s10 =	simm.s32 $0x1;
	s11 =	simm.s32 $0x2  }
0x6: {  	s12 =	simm.s32 $0x10000;
	s13 =	simm.s32 $0x3;
	s14 =	simm.s32 $0x0  }
0x7: {  	[smem:$0x7FF] =	sst s2;
	s5 =	sand.u32 $0x1, s5;
	s6 =	sshll.u32 s1, $0x1  }
.Ltmp0:
0x8: {  	_ =	strace $0x80000047;
	s6 =	sor.u32 s5, s6;
	(pc) =	sbr.rel .LBB2_1-.Ltmp0, $4  }
0x9: {  	s5 =	ssub.s32 $0x2, s5;
	s7 =	sshll.u32 s6, $0x9;
	s6 =	sshll.u32 s6, $0xD  }
0xa: {  	s31 =	sshrl.u32 s5, $0x1;
	s7 =	sadd.s32 s7, s4;
	s3 =	sadd.s32 s3, s6  }
0xb: {  	s8 =	ssub.s32 s5, s31;
	s4 =	sadd.s32 $0x1000, s3;
	s5 =	sadd.s32 $0x100000, s3  }
0xc: {  	v0 =	vimm.f32 $0.0e+00;
	s6 =	sadd.s32 $0x101000, s3;
	s7 =	sadd.s32 $0xA00, s7;
	s8 =	smax.u32 s8, $0x1  }
.LBB2_10:
0xd: {  	s14 =	sadd.s32 $0x1, s14  }
0xe: {  	p0 =	sne.s32 s14, s8  }
.Ltmp1:
0xf: {  	_ = 	snop;
	(pc) =	sbr.rel @!p0 .LBB2_11-.Ltmp1, $4  }
0x10: {  	[hbm4b:s7+s2] =	stream.linear.scatter [tilespmem:s12], [sflag:$0x3], $0x1000, $0x38;
	[tilespmem:$0x11000] =	vst v63  }
0x11: {  	_ =	swait.ge [sflag:s13], $0x1000  }
0x12: {  	[sflag:s13] =	ssyncset.done $0x0  }
0x13: {  	[sflag:s13] =	ssyncadd.s32 $0xFFFFF000  }
.LBB2_1:
0x14: {  	s15 =	sand.u32 $0x70, s2;
	s16 =	sand.u32 $0xE00, s2  }
0x15: {  	s17 =	sor.u32 s15, s16  }
0x16: {  	[tilespmem:s17+$0x10180] =	vst v0  }
0x17: {  	[tilespmem:s17+$0x10000] =	vst v0  }
0x18: {  	s15 =	simm.s32 $0x10;
	s16 =	simm.s32 $0x0;
	[tilespmem:s17+$0x10080] =	vst v0  }
.LBB2_2:
0x19: {  	s18 =	sand.u32 $0x70, s15;
	[tilespmem:s17+$0x10100] =	vst v0;
	s16 =	sadd.s32 $0x40, s16;
	p0 =	sne.s32 s15, $0x3F0  }
.Ltmp2:
0x1a: {  	s15 =	sadd.s32 $0x10, s15;
	s17 =	sand.u32 $0xE00, s16;
	(pc) =	sbr.rel @p0 .LBB2_2-.Ltmp2, $4  }
0x1b: {  	s17 =	sor.u32 s18, s17  }
0x1c: {  	[tilespmem:s17+$0x10180] =	vst v0  }
0x1d: {  	[tilespmem:s17+$0x10000] =	vst v0  }
0x1e: {  	[tilespmem:s17+$0x10080] =	vst v0  }
0x1f: {  	[tilespmem:s17+$0x10100] =	vst v0;
	s15 =	simm.s32 $0x0  }
0x20: {  	[tilespmem:s15], [sflag:$0x1] =	stream.linear.gather [hbm4b:s3+s15], $0x8000, $0x38;
	[tilespmem:$0x11000] =	vst v63  }
0x21: {  	s16 =	simm.s32 $0x0  }
0x22: {  	[tilespmem:s9], [sflag:$0x2] =	stream.linear.gather [hbm4b:s4+s15], $0x8000, $0x38;
	[tilespmem:$0x11000] =	vst v63  }
.LBB2_4:
0x23: {  	_ =	swait.ge [sflag:s10], $0x8000;
	s17 =	simm.s32 $0x0  }
0x24: {  	s18 =	sand.u32 $0x70, s15;
	[sflag:s10] =	ssyncset.done $0x0;
	s17 =	sand.u32 $0x3FFFFC00, s17  }
0x25: {  	[sflag:s10] =	ssyncadd.s32 $0xFFFF8000;
	s22 =	sor.u32 s18, s17  }
0x26: {  	v21 =	vld [tilespmem:s22+$0x0]  }
0x27: {  	v22 =	vld [tilespmem:s22+$0x80]  }
0x28: {  	v23 =	vld [tilespmem:s22+$0x100]  }
0x29: {  	v24 =	vld [tilespmem:s22+$0x180]  }
0x2a: {  	v25 =	vld [tilespmem:s22+$0x200]  }
0x2b: {  	v26 =	vld [tilespmem:s22+$0x280]  }
0x2c: {  	v27 =	vld [tilespmem:s22+$0x300]  }
0x2d: {  	v28 =	vld [tilespmem:s22+$0x380]  }
0x2e: {  	v1 =	vld [tilespmem:s22+$0x2000]  }
0x2f: {  	v3 =	vld [tilespmem:s22+$0x2080]  }
0x30: {  	v5 =	vld [tilespmem:s22+$0x2100]  }
0x31: {  	v8 =	vld [tilespmem:s22+$0x2180]  }
0x32: {  	v7 =	vld [tilespmem:s22+$0x2200]  }
0x33: {  	v11 =	vld [tilespmem:s22+$0x2280]  }
0x34: {  	v12 =	vld [tilespmem:s22+$0x2300]  }
0x35: {  	v15 =	vld [tilespmem:s22+$0x2380]  }
0x36: {  	v2 =	vld [tilespmem:s22+$0x4000]  }
0x37: {  	v4 =	vld [tilespmem:s22+$0x4080]  }
0x38: {  	v6 =	vld [tilespmem:s22+$0x4100]  }
0x39: {  	v9 =	vld [tilespmem:s22+$0x4180]  }
0x3a: {  	v10 =	vld [tilespmem:s22+$0x4200]  }
0x3b: {  	v13 =	vld [tilespmem:s22+$0x4280]  }
0x3c: {  	v14 =	vld [tilespmem:s22+$0x4300]  }
0x3d: {  	v16 =	vld [tilespmem:s22+$0x4380]  }
0x3e: {  	v17 =	vld [tilespmem:s22+$0x6000]  }
0x3f: {  	v18 =	vld [tilespmem:s22+$0x6080]  }
0x40: {  	s31 =	sshll.u32 s16, $0x7;
	v19 =	vld [tilespmem:s22+$0x6100]  }
0x41: {  	s20 =	simm.s32 $0x1;
	s17 =	sand.u32 $0x3FFFFF80, s31;
	v20 =	vld [tilespmem:s22+$0x6180];
	v22 =	vadd.f32 v22, v21;
	v23 =	vadd.f32 v24, v23  }
0x42: {  	s19 =	simm.s32 $0x0;
	s21 =	simm.s32 $0x0;
	s17 =	sadd.s32 $0x10000, s17;
	v21 =	vld [tilespmem:s22+$0x6200];
	v24 =	vadd.f32 v26, v25;
	v25 =	vadd.f32 v28, v27  }
.LBB2_5:
0x43: {  	p0 =	sne.s32 s20, $0x3F;
	v26 =	vld [tilespmem:s22+$0x6280];
	v1 =	vadd.f32 v3, v1;
	v3 =	vadd.f32 v8, v5  }
0x44: {  	v7 =	vadd.f32 v11, v7;
	v8 =	vadd.f32 v15, v12;
	v5 =	vld [tilespmem:s22+$0x6300]  }
0x45: {  	v12 =	vadd.f32 v23, v22;
	v15 =	vadd.f32 v25, v24;
	v11 =	vld [tilespmem:s22+$0x6380]  }
0x46: {  	v1 =	vadd.f32 v3, v1;
	v3 =	vadd.f32 v8, v7  }
0x47: {  	v2 =	vadd.f32 v4, v2;
	v4 =	vadd.f32 v9, v6  }
0x48: {  	v6 =	vadd.f32 v13, v10;
	v7 =	vadd.f32 v16, v14  }
0x49: {  	v8 =	vadd.f32 v18, v17;
	v9 =	vadd.f32 v20, v19  }
0x4a: {  	v10 =	vadd.f32 v26, v21;
	v5 =	vadd.f32 v11, v5  }
0x4b: {  	s22 =	sshll.u32 s19, $0x6;
	v2 =	vadd.f32 v4, v2;
	s19 =	smov.u32 s20;
	v4 =	vadd.f32 v7, v6  }
0x4c: {  	s22 =	sand.u32 $0x3FFFFE00, s22;
	v6 =	vadd.f32 v9, v8;
	v5 =	vadd.f32 v5, v10  }
0x4d: {  	s22 =	sadd.s32 s22, s17;
	v7 =	vadd.f32 v15, v12;
	v1 =	vadd.f32 v3, v1  }
0x4e: {  	s23 =	sadd.s32 s18, s22;
	v2 =	vadd.f32 v4, v2;
	v3 =	vadd.f32 v5, v6  }
0x4f: {  	v4 =	vld [tilespmem:s23+$0x0]  }
0x50: {  	v1 =	vadd.f32 v1, v7;
	v2 =	vadd.f32 v3, v2;
	_ =	sdelay $0x1  }
0x51: {  	v1 =	vadd.f32 v2, v1;
	_ =	sdelay $0x1  }
0x52: {  	s21 =	sadd.s32 $0x10, s21;
	s22 =	sshll.u32 s20, $0x7;
	v1 =	vadd.f32 v1, v4  }
0x53: {  	s18 =	sand.u32 $0x70, s21;
	s22 =	sand.u32 $0x3FFFFC00, s22  }
0x54: {  	s22 =	sor.u32 s18, s22;
	[tilespmem:s23+$0x0] =	vst v1  }
0x55: {  	v21 =	vld [tilespmem:s22+$0x0]  }
0x56: {  	v22 =	vld [tilespmem:s22+$0x80]  }
0x57: {  	v23 =	vld [tilespmem:s22+$0x100]  }
0x58: {  	v24 =	vld [tilespmem:s22+$0x180]  }
0x59: {  	v25 =	vld [tilespmem:s22+$0x200]  }
0x5a: {  	v26 =	vld [tilespmem:s22+$0x280]  }
0x5b: {  	v27 =	vld [tilespmem:s22+$0x300]  }
0x5c: {  	v28 =	vld [tilespmem:s22+$0x380]  }
0x5d: {  	v1 =	vld [tilespmem:s22+$0x2000]  }
0x5e: {  	v3 =	vld [tilespmem:s22+$0x2080]  }
0x5f: {  	v5 =	vld [tilespmem:s22+$0x2100]  }
0x60: {  	v8 =	vld [tilespmem:s22+$0x2180]  }
0x61: {  	v7 =	vld [tilespmem:s22+$0x2200]  }
0x62: {  	v11 =	vld [tilespmem:s22+$0x2280]  }
0x63: {  	v12 =	vld [tilespmem:s22+$0x2300]  }
0x64: {  	v15 =	vld [tilespmem:s22+$0x2380]  }
0x65: {  	v2 =	vld [tilespmem:s22+$0x4000]  }
0x66: {  	v4 =	vld [tilespmem:s22+$0x4080]  }
0x67: {  	v6 =	vld [tilespmem:s22+$0x4100]  }
0x68: {  	v9 =	vld [tilespmem:s22+$0x4180]  }
0x69: {  	v10 =	vld [tilespmem:s22+$0x4200]  }
0x6a: {  	v13 =	vld [tilespmem:s22+$0x4280]  }
0x6b: {  	v14 =	vld [tilespmem:s22+$0x4300]  }
0x6c: {  	v16 =	vld [tilespmem:s22+$0x4380]  }
.Ltmp3:
0x6d: {  	v17 =	vld [tilespmem:s22+$0x6000];
	(pc) =	sbr.rel @p0 .LBB2_5-.Ltmp3, $4  }
0x6e: {  	v18 =	vld [tilespmem:s22+$0x6080]  }
0x6f: {  	v19 =	vld [tilespmem:s22+$0x6100]  }
0x70: {  	v22 =	vadd.f32 v22, v21;
	v23 =	vadd.f32 v24, v23;
	v20 =	vld [tilespmem:s22+$0x6180]  }
0x71: {  	s20 =	sadd.s32 $0x1, s20;
	v24 =	vadd.f32 v26, v25;
	v25 =	vadd.f32 v28, v27;
	v21 =	vld [tilespmem:s22+$0x6200]  }
0x72: {  	v26 =	vld [tilespmem:s22+$0x6280];
	v1 =	vadd.f32 v3, v1;
	v3 =	vadd.f32 v8, v5  }
0x73: {  	v5 =	vld [tilespmem:s22+$0x6300];
	v7 =	vadd.f32 v11, v7;
	v8 =	vadd.f32 v15, v12  }
0x74: {  	v11 =	vld [tilespmem:s22+$0x6380];
	v12 =	vadd.f32 v23, v22;
	v2 =	vadd.f32 v4, v2  }
0x75: {  	v4 =	vadd.f32 v9, v6;
	v6 =	vadd.f32 v13, v10  }
0x76: {  	v15 =	vadd.f32 v25, v24;
	v1 =	vadd.f32 v3, v1  }
0x77: {  	v3 =	vadd.f32 v8, v7;
	v7 =	vadd.f32 v16, v14  }
0x78: {  	v8 =	vadd.f32 v18, v17;
	v9 =	vadd.f32 v20, v19  }
0x79: {  	v10 =	vadd.f32 v26, v21;
	v5 =	vadd.f32 v11, v5  }
0x7a: {  	s19 =	sshll.u32 s19, $0x6;
	v2 =	vadd.f32 v4, v2;
	v4 =	vadd.f32 v7, v6  }
0x7b: {  	s19 =	sand.u32 $0x3FFFFE00, s19;
	v6 =	vadd.f32 v9, v8;
	v5 =	vadd.f32 v5, v10  }
0x7c: {  	s19 =	sadd.s32 s19, s17;
	v7 =	vadd.f32 v15, v12;
	v1 =	vadd.f32 v3, v1  }
0x7d: {  	s18 =	sadd.s32 s18, s19;
	v2 =	vadd.f32 v4, v2;
	v3 =	vadd.f32 v5, v6  }
0x7e: {  	v4 =	vld [tilespmem:s18+$0x0]  }
0x7f: {  	v1 =	vadd.f32 v1, v7;
	v2 =	vadd.f32 v3, v2;
	_ =	sdelay $0x1  }
0x80: {  	v1 =	vadd.f32 v2, v1;
	_ =	sdelay $0x1  }
0x81: {  	p0 =	seq.s32 s16, $0x3;
	v1 =	vadd.f32 v1, v4  }
0x82: {  	s19 =	sshll.u32 @!p0 s16, $0x14  }
0x83: {  	[tilespmem:s18+$0x0] =	vst v1;
	s18 =	sadd.s32 @!p0 s19, s5;
	s19 =	simm.s32 @!p0 $0x0  }
0x84: {  	[tilespmem:s19], [sflag:$0x1] =	stream.linear.gather @!p0 [hbm4b:s18+s19], $0x8000, $0x38;
	[tilespmem:$0x11000] =	vst v63  }
0x85: {  	s20 =	simm.s32 $0x0;
	s18 =	simm.s32 $0x0;
	_ =	swait.ge [sflag:s11], $0x8000  }
0x86: {  	s20 =	sand.u32 $0x3FFFFC00, s20;
	s19 =	sand.u32 $0x70, s18;
	[sflag:s11] =	ssyncset.done $0x0  }
0x87: {  	s22 =	sor.u32 s19, s20;
	[sflag:s11] =	ssyncadd.s32 $0xFFFF8000  }
0x88: {  	v21 =	vld [tilespmem:s22+$0x8000]  }
0x89: {  	v22 =	vld [tilespmem:s22+$0x8080]  }
0x8a: {  	v23 =	vld [tilespmem:s22+$0x8100]  }
0x8b: {  	v24 =	vld [tilespmem:s22+$0x8180]  }
0x8c: {  	v25 =	vld [tilespmem:s22+$0x8200]  }
0x8d: {  	v26 =	vld [tilespmem:s22+$0x8280]  }
0x8e: {  	v27 =	vld [tilespmem:s22+$0x8300]  }
0x8f: {  	v28 =	vld [tilespmem:s22+$0x8380]  }
0x90: {  	v1 =	vld [tilespmem:s22+$0xA000]  }
0x91: {  	v3 =	vld [tilespmem:s22+$0xA080]  }
0x92: {  	v5 =	vld [tilespmem:s22+$0xA100]  }
0x93: {  	v8 =	vld [tilespmem:s22+$0xA180]  }
0x94: {  	v7 =	vld [tilespmem:s22+$0xA200]  }
0x95: {  	v11 =	vld [tilespmem:s22+$0xA280]  }
0x96: {  	v12 =	vld [tilespmem:s22+$0xA300]  }
0x97: {  	v15 =	vld [tilespmem:s22+$0xA380]  }
0x98: {  	v2 =	vld [tilespmem:s22+$0xC000]  }
0x99: {  	v4 =	vld [tilespmem:s22+$0xC080]  }
0x9a: {  	v6 =	vld [tilespmem:s22+$0xC100]  }
0x9b: {  	v9 =	vld [tilespmem:s22+$0xC180]  }
0x9c: {  	v10 =	vld [tilespmem:s22+$0xC200]  }
0x9d: {  	v13 =	vld [tilespmem:s22+$0xC280]  }
0x9e: {  	v14 =	vld [tilespmem:s22+$0xC300]  }
0x9f: {  	v16 =	vld [tilespmem:s22+$0xC380]  }
0xa0: {  	v17 =	vld [tilespmem:s22+$0xE000]  }
0xa1: {  	v18 =	vld [tilespmem:s22+$0xE080]  }
0xa2: {  	v19 =	vld [tilespmem:s22+$0xE100]  }
0xa3: {  	v20 =	vld [tilespmem:s22+$0xE180];
	v22 =	vadd.f32 v22, v21;
	v23 =	vadd.f32 v24, v23  }
0xa4: {  	s21 =	simm.s32 $0x0;
	s20 =	simm.s32 $0x1;
	v21 =	vld [tilespmem:s22+$0xE200];
	v24 =	vadd.f32 v26, v25;
	v25 =	vadd.f32 v28, v27  }
.LBB2_7:
0xa5: {  	p1 =	sne.s32 s20, $0x3F;
	v26 =	vld [tilespmem:s22+$0xE280];
	v1 =	vadd.f32 v3, v1;
	v3 =	vadd.f32 v8, v5  }
0xa6: {  	v7 =	vadd.f32 v11, v7;
	v8 =	vadd.f32 v15, v12;
	v5 =	vld [tilespmem:s22+$0xE300]  }
0xa7: {  	v12 =	vadd.f32 v23, v22;
	v15 =	vadd.f32 v25, v24;
	v11 =	vld [tilespmem:s22+$0xE380]  }
0xa8: {  	v1 =	vadd.f32 v3, v1;
	v3 =	vadd.f32 v8, v7  }
0xa9: {  	v2 =	vadd.f32 v4, v2;
	v4 =	vadd.f32 v9, v6  }
0xaa: {  	v6 =	vadd.f32 v13, v10;
	v7 =	vadd.f32 v16, v14  }
0xab: {  	v8 =	vadd.f32 v18, v17;
	v9 =	vadd.f32 v20, v19  }
0xac: {  	v10 =	vadd.f32 v26, v21;
	v5 =	vadd.f32 v11, v5  }
0xad: {  	s22 =	sshll.u32 s18, $0x6;
	v2 =	vadd.f32 v4, v2;
	s18 =	smov.u32 s20;
	v4 =	vadd.f32 v7, v6  }
0xae: {  	s22 =	sand.u32 $0x3FFFFE00, s22;
	v6 =	vadd.f32 v9, v8;
	v5 =	vadd.f32 v5, v10  }
0xaf: {  	s22 =	sadd.s32 s22, s17;
	v7 =	vadd.f32 v15, v12;
	v1 =	vadd.f32 v3, v1  }
0xb0: {  	s23 =	sadd.s32 s19, s22;
	v2 =	vadd.f32 v4, v2;
	v3 =	vadd.f32 v5, v6  }
0xb1: {  	v4 =	vld [tilespmem:s23+$0x0]  }
0xb2: {  	v1 =	vadd.f32 v1, v7;
	v2 =	vadd.f32 v3, v2;
	_ =	sdelay $0x1  }
0xb3: {  	v1 =	vadd.f32 v2, v1;
	_ =	sdelay $0x1  }
0xb4: {  	s21 =	sadd.s32 $0x10, s21;
	s22 =	sshll.u32 s20, $0x7;
	v1 =	vadd.f32 v1, v4  }
0xb5: {  	s19 =	sand.u32 $0x70, s21;
	s22 =	sand.u32 $0x3FFFFC00, s22  }
0xb6: {  	s22 =	sor.u32 s19, s22;
	[tilespmem:s23+$0x0] =	vst v1  }
0xb7: {  	v21 =	vld [tilespmem:s22+$0x8000]  }
0xb8: {  	v22 =	vld [tilespmem:s22+$0x8080]  }
0xb9: {  	v23 =	vld [tilespmem:s22+$0x8100]  }
0xba: {  	v24 =	vld [tilespmem:s22+$0x8180]  }
0xbb: {  	v25 =	vld [tilespmem:s22+$0x8200]  }
0xbc: {  	v26 =	vld [tilespmem:s22+$0x8280]  }
0xbd: {  	v27 =	vld [tilespmem:s22+$0x8300]  }
0xbe: {  	v28 =	vld [tilespmem:s22+$0x8380]  }
0xbf: {  	v1 =	vld [tilespmem:s22+$0xA000]  }
0xc0: {  	v3 =	vld [tilespmem:s22+$0xA080]  }
0xc1: {  	v5 =	vld [tilespmem:s22+$0xA100]  }
0xc2: {  	v8 =	vld [tilespmem:s22+$0xA180]  }
0xc3: {  	v7 =	vld [tilespmem:s22+$0xA200]  }
0xc4: {  	v11 =	vld [tilespmem:s22+$0xA280]  }
0xc5: {  	v12 =	vld [tilespmem:s22+$0xA300]  }
0xc6: {  	v15 =	vld [tilespmem:s22+$0xA380]  }
0xc7: {  	v2 =	vld [tilespmem:s22+$0xC000]  }
0xc8: {  	v4 =	vld [tilespmem:s22+$0xC080]  }
0xc9: {  	v6 =	vld [tilespmem:s22+$0xC100]  }
0xca: {  	v9 =	vld [tilespmem:s22+$0xC180]  }
0xcb: {  	v10 =	vld [tilespmem:s22+$0xC200]  }
0xcc: {  	v13 =	vld [tilespmem:s22+$0xC280]  }
0xcd: {  	v14 =	vld [tilespmem:s22+$0xC300]  }
0xce: {  	v16 =	vld [tilespmem:s22+$0xC380]  }
.Ltmp4:
0xcf: {  	v17 =	vld [tilespmem:s22+$0xE000];
	(pc) =	sbr.rel @p1 .LBB2_7-.Ltmp4, $4  }
0xd0: {  	v18 =	vld [tilespmem:s22+$0xE080]  }
0xd1: {  	v19 =	vld [tilespmem:s22+$0xE100]  }
0xd2: {  	v22 =	vadd.f32 v22, v21;
	v23 =	vadd.f32 v24, v23;
	v20 =	vld [tilespmem:s22+$0xE180]  }
0xd3: {  	s20 =	sadd.s32 $0x1, s20;
	v24 =	vadd.f32 v26, v25;
	v25 =	vadd.f32 v28, v27;
	v21 =	vld [tilespmem:s22+$0xE200]  }
0xd4: {  	v26 =	vld [tilespmem:s22+$0xE280];
	v1 =	vadd.f32 v3, v1;
	v3 =	vadd.f32 v8, v5  }
0xd5: {  	v49 =	vld [tilespmem:s22+$0xE300];
	v7 =	vadd.f32 v11, v7;
	v50 =	vadd.f32 v15, v12  }
0xd6: {  	v51 =	vld [tilespmem:s22+$0xE380];
	v52 =	vadd.f32 v23, v22;
	v2 =	vadd.f32 v4, v2  }
0xd7: {  	v54 =	vadd.f32 v9, v6;
	v55 =	vadd.f32 v13, v10  }
0xd8: {  	v56 =	vadd.f32 v16, v14;
	v53 =	vadd.f32 v25, v24  }
0xd9: {  	v57 =	vadd.f32 v18, v17;
	v1 =	vadd.f32 v3, v1  }
0xda: {  	v3 =	vadd.f32 v50, v7;
	v58 =	vadd.f32 v20, v19  }
0xdb: {  	v59 =	vadd.f32 v26, v21;
	v5 =	vadd.f32 v51, v49  }
0xdc: {  	s18 =	sshll.u32 s18, $0x6;
	v2 =	vadd.f32 v54, v2;
	v60 =	vadd.f32 v56, v55  }
0xdd: {  	s18 =	sand.u32 $0x3FFFFE00, s18;
	v61 =	vadd.f32 v58, v57;
	v5 =	vadd.f32 v5, v59  }
0xde: {  	s17 =	sadd.s32 s18, s17;
	v62 =	vadd.f32 v53, v52;
	v1 =	vadd.f32 v3, v1  }
0xdf: {  	s17 =	sadd.s32 s19, s17;
	v2 =	vadd.f32 v60, v2;
	v3 =	vadd.f32 v5, v61  }
0xe0: {  	v63 =	vld [tilespmem:s17+$0x0]  }
0xe1: {  	v1 =	vadd.f32 v1, v62;
	v2 =	vadd.f32 v3, v2;
	_ =	sdelay $0x1  }
.Ltmp5:
0xe2: {  	v1 =	vadd.f32 v2, v1;
	(pc) =	sbr.rel @p0 .LBB2_10-.Ltmp5, $3  }
0xe3: {  	_ = 	snop  }
0xe4: {  	v1 =	vadd.f32 v1, v63;
	_ =	sdelay $0x1  }
0xe5: {  	[tilespmem:s17+$0x0] =	vst v1  }
.Ltmp6:
0xe6: {  	(pc) =	sbr.rel .LBB2_4-.Ltmp6, $4  }
0xe7: {  	_ = 	snop  }
0xe8: {  	s17 =	sshll.u32 s16, $0x14  }
0xe9: {  	s16 =	sadd.s32 $0x1, s16;
	s17 =	sadd.s32 s17, s6  }
0xea: {  	[tilespmem:s9], [sflag:$0x2] =	stream.linear.gather [hbm4b:s17+s2], $0x8000, $0x38;
	[tilespmem:$0x11000] =	vst v63  }
.LBB2_11:
0xeb: {  	_ =	sfence.sel $0x180000  }
0xec: {  	[bflag:$0x0] =	sbarrier.arrive $0xFFFF  }
0xed: {  	p0 =	sne.s32 s1, $0x0;
	_ =	strace $0x90000047  }
0xee: {  	s0 =	sadd.s32 @!p0 $0x100000, s0;
	[bflag:$0x2] =	sbarrier.arrive $0xFFFF  }
0xef: {  	[sflag:s0] =	ssyncadd.tile.s32 @!p0 $0x1;
	_ =	shalt  }
.Lfunc_end2:
_tile_overlayer_lowered:
.L_overlay_start_2:
0xf0: {  	(tag) =	ssettag $0x2  }
0xf1: {  	s0 =	rddreg [dreg:$0x0];
	s2 =	stileid.u32  }
0xf2: {  	s1 =	rddreg [dreg:$0x1];
	p0 =	sne.s32 s2, $0x0  }
0xf3: {  	s3 =	rddreg [dreg:$0x2];
	[bflag:$0x3] =	sbarrier.arrive $0xFFFF;
	s2 =	simm.s32 @!p0 $0x1C03  }
0xf4: {  	[timem:s3], [sflag:s2] =	dma.local @!p0 [hbm:s0], s1  }
0xf5: {  	s0 =	simm.s32 @!p0 $0x3  }
0xf6: {  	_ =	swait.ge @!p0 [sflag:s0], s1  }
0xf7: {  	s1 =	ssub.s32 @!p0 $0x0, s1;
	[sflag:s0] =	ssyncset.done @!p0 $0x0  }
0xf8: {  	[sflag:s0] =	ssyncadd.s32 @!p0 s1  }
0xf9: {  	[bflag:$0x3] =	sbarrier.arrive $0xFFFF  }
0xfa: {  	_ =	shalt  }

</sc_bundles>
